<compile_context>
chip_gen: v7x
topology: tpu7x:2x2x1
jax: 0.10.2.dev20260603
libtpu: 0.0.44.dev20260713+nightly
codegen_flags: <defaults>
</compile_context>

<pallas_src>
import functools

import jax
import jax.numpy as jnp
from jax import lax
from jax.experimental import pallas as pl
from jax.experimental.pallas import tpu as pltpu
from jax.experimental.pallas import tpu_sc as plsc

N = 10000
E = 320000
F_IN = 128
HID = 16
NCLS = 10

NC = 2
NS = 16
NW = NC * NS
CHUNK = 128
CPT = 80
EPAD = NW * CPT * CHUNK
NACC = 10240
RPT = NACC // NS
NPK = N * HID // 128
APK = NACC * HID // 128


def _tc_a_body(x8_ref, w_ref, t_ref, xr_ref):
    y = jnp.dot(x8_ref[...], w_ref[...], preferred_element_type=jnp.float32)
    t_ref[...] = y[:, :128]
    xr_ref[...] = y[:, 128:]


def _tc_a(x8, w8a):
    return pl.pallas_call(
        _tc_a_body,
        grid=(1,),
        in_specs=[
            pl.BlockSpec((NPK, 8 * F_IN), lambda i: (0, 0)),
            pl.BlockSpec((8 * F_IN, 256), lambda i: (0, 0)),
        ],
        out_specs=[
            pl.BlockSpec((NPK, 128), lambda i: (0, 0)),
            pl.BlockSpec((NPK, 128), lambda i: (0, 0)),
        ],
        out_shape=[
            jax.ShapeDtypeStruct((NPK, 128), jnp.float32),
            jax.ShapeDtypeStruct((NPK, 128), jnp.float32),
        ],
    )(x8, w8a)


def _make_sc_scatter(with_counts):
    width = HID
    if with_counts:
        out_type = [
            jax.ShapeDtypeStruct((NC, NACC, width), jnp.float32),
            jax.ShapeDtypeStruct((NC, NACC, width), jnp.float32),
        ]
    else:
        out_type = jax.ShapeDtypeStruct((NC, NACC, width), jnp.float32)

    scratch = [
        pltpu.VMEM((CPT, CHUNK), jnp.int32),
        pltpu.VMEM((CPT, CHUNK), jnp.int32),
        [pltpu.VMEM((CHUNK, width), jnp.float32) for _ in range(16)],
        pltpu.VMEM((RPT, width), jnp.float32),
        pltpu.VMEM((CHUNK, width), jnp.float32),
        pltpu.VMEM_SHARED((N + 16, width), jnp.float32),
        pltpu.VMEM_SHARED((NACC, width), jnp.float32),
        pltpu.VMEM_SHARED((NACC, width), jnp.float32),
        pltpu.SemaphoreType.DMA,
        pltpu.SemaphoreType.DMA,
        pltpu.SemaphoreType.DMA,
        pltpu.SemaphoreType.DMA,
    ]

    @functools.partial(
        pl.kernel,
        out_type=out_type,
        mesh=plsc.VectorSubcoreMesh(core_axis_name="c", subcore_axis_name="s"),
        compiler_params=pltpu.CompilerParams(use_tc_tiling_on_sc=False,
                                             needs_layout_passes=False),
        scratch_types=scratch,
    )
    def sc_scatter(edges_hbm, table_hbm, *rest):
        if with_counts:
            out_hbm, cnt_hbm = rest[0], rest[1]
            scr = rest[2:]
        else:
            out_hbm = rest[0]
            scr = rest[1:]
        (src_v, dst_v, rbufs, zb_v, ones_v, table_spm, accum, accum_c,
         gsA, gsB, ssA, ssB) = scr
        bufA, bufB = rbufs[:8], rbufs[8:]

        cid = lax.axis_index("c")
        sid = lax.axis_index("s")
        wid = cid * NS + sid

        TS = N // NS
        icp1 = pltpu.async_copy(edges_hbm.at[wid], src_v, gsA)
        icp2 = pltpu.async_copy(edges_hbm.at[NW + wid], dst_v, gsB)
        icp3 = pltpu.async_copy(table_hbm.at[pl.ds(sid * TS, TS)],
                                table_spm.at[pl.ds(sid * TS, TS)], ssA)

        zeros16 = jnp.zeros((16,), jnp.float32)
        ones16 = jnp.ones((16,), jnp.float32)

        def zrow(i, carry):
            for u in range(8):
                zb_v[8 * i + u, pl.ds(0, 16)] = zeros16
            return carry

        lax.fori_loop(0, RPT // 8, zrow, 0)
        if with_counts:
            def orow(i, carry):
                for u in range(8):
                    ones_v[8 * i + u, pl.ds(0, 16)] = ones16
                return carry

            lax.fori_loop(0, CHUNK // 8, orow, 0)
        pltpu.sync_copy(zb_v, accum.at[pl.ds(sid * RPT, RPT)])
        if with_counts:
            pltpu.sync_copy(zb_v, accum_c.at[pl.ds(sid * RPT, RPT)])
        icp1.wait()
        icp2.wait()
        icp3.wait()
        plsc.subcore_barrier()

        def fire_gathers(c0, bufs, sem):
            for k in range(8):
                pltpu.async_copy(table_spm.at[src_v.at[c0 + k]], bufs[k], sem)

        def drain_gathers(bufs, sem):
            for k in range(8):
                pltpu.make_async_copy(
                    table_spm.at[src_v.at[0]], bufs[k], sem).wait()

        def fire_scatters(c0, bufs, sem):
            for k in range(8):
                pltpu.async_copy(bufs[k], accum.at[dst_v.at[c0 + k]], sem,
                                 add=True)
                if with_counts:
                    pltpu.async_copy(ones_v, accum_c.at[dst_v.at[c0 + k]],
                                     sem, add=True)

        def drain_scatters(bufs, sem):
            for k in range(8):
                pltpu.make_async_copy(
                    bufs[k], accum.at[dst_v.at[0]], sem).wait()
                if with_counts:
                    pltpu.make_async_copy(
                        ones_v, accum_c.at[dst_v.at[0]], sem).wait()

        NG = CPT // 16

        fire_gathers(0, bufA, gsA)

        def group_pair(i, carry):
            c0 = 16 * i

            @pl.when(i > 0)
            def _():
                drain_scatters(bufB, ssB)

            fire_gathers(c0 + 8, bufB, gsB)
            drain_gathers(bufA, gsA)
            fire_scatters(c0, bufA, ssA)

            drain_scatters(bufA, ssA)

            @pl.when(i < NG - 1)
            def _():
                fire_gathers(c0 + 16, bufA, gsA)

            drain_gathers(bufB, gsB)
            fire_scatters(c0 + 8, bufB, ssB)
            return carry

        lax.fori_loop(0, NG, group_pair, 0)
        drain_scatters(bufB, ssB)
        plsc.subcore_barrier()

        fcp1 = pltpu.async_copy(accum.at[pl.ds(sid * RPT, RPT)],
                                out_hbm.at[cid, pl.ds(sid * RPT, RPT)], gsA)
        if with_counts:
            pltpu.async_copy(accum_c.at[pl.ds(sid * RPT, RPT)],
                             cnt_hbm.at[cid, pl.ds(sid * RPT, RPT)],
                             gsB).wait()
        fcp1.wait()

    return sc_scatter


_sc_scatter_l1 = _make_sc_scatter(True)
_sc_scatter_l2 = _make_sc_scatter(False)


def _tc_b_body(pv_ref, pc_ref, xr_ref, wt2_ref, wm_ref, b1_ref, b2_ref,
               m10_ref, t2_ref, misc_ref):
    sp = pv_ref[0, :NPK] + pv_ref[1, :NPK]
    cntp = pc_ref[0, :NPK] + pc_ref[1, :NPK]
    invp = 1.0 / jnp.maximum(cntp, 1.0)
    pre = sp * invp + xr_ref[...] + b1_ref[...]
    h = jnp.where(pre > 0, pre,
                  jnp.exp(jnp.where(pre > 0, 0.0, pre)) - 1.0)
    t2_ref[...] = jnp.dot(h, wt2_ref[...], preferred_element_type=jnp.float32)
    hr2 = jnp.dot(h, wm_ref[...], preferred_element_type=jnp.float32)
    misc_ref[...] = hr2 + b2_ref[...] + invp * m10_ref[...]


def _tc_b(p1v, p1c, xr1p, w8t2, w8m, b1t, b2t, m10):
    vec = pl.BlockSpec((1, 128), lambda i: (0, 0))
    mat = pl.BlockSpec((128, 128), lambda i: (0, 0))
    pk = pl.BlockSpec((NPK, 128), lambda i: (0, 0))
    return pl.pallas_call(
        _tc_b_body,
        grid=(1,),
        in_specs=[
            pl.BlockSpec((NC, APK, 128), lambda i: (0, 0, 0)),
            pl.BlockSpec((NC, APK, 128), lambda i: (0, 0, 0)),
            pk, mat, mat, vec, vec, vec,
        ],
        out_specs=[pk, pk],
        out_shape=[
            jax.ShapeDtypeStruct((NPK, 128), jnp.float32),
            jax.ShapeDtypeStruct((NPK, 128), jnp.float32),
        ],
    )(p1v, p1c, xr1p, w8t2, w8m, b1t, b2t, m10)


def _tc_c_body(p_ref, misc_ref, out_ref):
    sp = p_ref[0, :NPK] + p_ref[1, :NPK]
    misc = misc_ref[...]

    lane = lax.broadcasted_iota(jnp.int32, (128, 128), 0)
    col = lax.broadcasted_iota(jnp.int32, (128, 128), 1)
    grp_eq = (lane // 16) == (col // 16)

    bmat = grp_eq & ((lane % 16) == 10) & ((col % 16) < NCLS)
    invb = jnp.dot(misc, bmat.astype(jnp.float32),
                   preferred_element_type=jnp.float32)

    lane1 = lax.broadcasted_iota(jnp.int32, (NPK, 128), 1)
    valid = (lane1 % 16) < NCLS
    o = jnp.where(valid, sp * invb + misc, -1e30)

    m = o
    for k in (1, 2, 4, 8):
        rot = grp_eq & ((col % 16) == ((lane + k) % 16))
        m = jnp.maximum(m, jnp.dot(m, rot.astype(jnp.float32),
                                   preferred_element_type=jnp.float32))
    z = o - m
    e = jnp.exp(z)
    ssum = jnp.dot(e, grp_eq.astype(jnp.float32),
                   preferred_element_type=jnp.float32)
    out_ref[...] = z - jnp.log(ssum)


def _tc_c(p2v, miscp):
    pk = pl.BlockSpec((NPK, 128), lambda i: (0, 0))
    return pl.pallas_call(
        _tc_c_body,
        grid=(1,),
        in_specs=[
            pl.BlockSpec((NC, APK, 128), lambda i: (0, 0, 0)),
            pk,
        ],
        out_specs=pk,
        out_shape=jax.ShapeDtypeStruct((NPK, 128), jnp.float32),
    )(p2v, miscp)


def kernel(x, edge_index, w1, root1, b1, w2, root2, b2):
    eye8 = jnp.eye(8, dtype=jnp.float32)
    x8 = x.reshape(NPK, 8 * F_IN)
    w8a = jnp.concatenate(
        [jnp.kron(eye8, w1[1]), jnp.kron(eye8, root1)], axis=1)
    wt2p = jnp.pad(w2[1], ((0, 0), (0, HID - NCLS)))
    wmp = jnp.pad(root2, ((0, 0), (0, HID - NCLS)))
    w8t2 = jnp.kron(eye8, wt2p)
    w8m = jnp.kron(eye8, wmp)
    b1t = jnp.tile(b1, 8)[None, :]
    b2t = jnp.tile(jnp.pad(b2, (0, HID - NCLS)), 8)[None, :]
    m10 = (jnp.arange(128) % 16 == 10).astype(jnp.float32)[None, :]

    e4 = jnp.pad(edge_index, ((0, 0), (0, EPAD - E)),
                 constant_values=N).reshape(2 * NW, CPT, CHUNK)

    t1p, xr1p = _tc_a(x8, w8a)
    pv1, pc1 = _sc_scatter_l1(e4, t1p.reshape(N, HID))
    t2p, miscp = _tc_b(pv1.reshape(NC, APK, 128), pc1.reshape(NC, APK, 128),
                       xr1p, w8t2, w8m, b1t, b2t, m10)
    pv2 = _sc_scatter_l2(e4, t2p.reshape(N, HID))
    res = _tc_c(pv2.reshape(NC, APK, 128), miscp)
    return res.reshape(N, HID)[:, :NCLS]

# --- scband reference (transcript-rebuilt; emitter-appended) ---
"""Pipeline reference for scband-spline-cnn-82231443849688 (READ-ONLY COPY).

The authoritative reference and input builder live on the scoring server;
editing this copy changes nothing except your own understanding.
"""

import jax, jax.numpy as jnp
import numpy as np

N = 10000
E = 320000
F_IN = 128
HID = 16
NCLS = 10
K = 2      # kernel_size
DEG = 1    # B-spline degree


def setup_inputs(seed: int = 0) -> dict:
    key = jax.random.key(seed)
    ks = jax.random.split(key, 8)
    x = jax.random.normal(ks[0], (N, F_IN), dtype=jnp.float32)
    edge_index = jax.random.randint(ks[1], (2, E), 0, N, dtype=jnp.int32)
    # SplineConv parameters: weight[K, in, out], root[in, out], bias[out]
    w1 = jax.random.normal(ks[2], (K, F_IN, HID), dtype=jnp.float32) * (1.0 / np.sqrt(F_IN * K))
    root1 = jax.random.normal(ks[3], (F_IN, HID), dtype=jnp.float32) * (1.0 / np.sqrt(F_IN))
    b1 = jnp.zeros((HID,), dtype=jnp.float32)
    w2 = jax.random.normal(ks[4], (K, HID, NCLS), dtype=jnp.float32) * (1.0 / np.sqrt(HID * K))
    root2 = jax.random.normal(ks[5], (HID, NCLS), dtype=jnp.float32) * (1.0 / np.sqrt(HID))
    b2 = jnp.zeros((NCLS,), dtype=jnp.float32)
    return {"x": x, "edge_index": edge_index, "w1": w1, "root1": root1, "b1": b1,
            "w2": w2, "root2": root2, "b2": b2}


def spline_conv(x, edge_index, edge_attr, weight, root, bias, kernel_size=K, degree=DEG):
    # open B-spline basis, degree 1, dim 1 (faithful to torch_spline_conv)
    src = edge_index[0]
    dst = edge_index[1]
    pseudo = jnp.clip(edge_attr, 0.0, 1.0)            # [E, 1]
    v = pseudo * (kernel_size - degree)               # [E, 1]
    bot = jnp.floor(v)
    frac = v - bot
    bot_i = bot.astype(jnp.int32)
    i0 = jnp.clip(bot_i, 0, kernel_size - 1)[:, 0]    # [E]
    i1 = jnp.clip(bot_i + 1, 0, kernel_size - 1)[:, 0]
    b0 = (1.0 - frac)[:, 0]                           # [E]
    b1 = frac[:, 0]
    xj = x[src]                                       # gather: [E, in]
    proj = jnp.einsum('ei,kio->eko', xj, weight)      # [E, K, out]
    e = jnp.arange(src.shape[0])
    msg = b0[:, None] * proj[e, i0] + b1[:, None] * proj[e, i1]  # [E, out]
    agg = jax.ops.segment_sum(msg, dst, num_segments=x.shape[0])  # scatter-add
    cnt = jax.ops.segment_sum(jnp.ones((msg.shape[0],), dtype=msg.dtype), dst, num_segments=x.shape[0])
    agg = agg / jnp.maximum(cnt, 1.0)[:, None]        # mean aggregation (PyG default)
    return agg + x @ root + bias


def reference(x, edge_index, w1, root1, b1, w2, root2, b2):
    # edge_attr built inside forward: ones clamped to [0,1]
    edge_attr = jnp.ones((edge_index.shape[1], 1), dtype=x.dtype)
    edge_attr = jnp.clip(edge_attr, 0.0, 1.0)
    # F.dropout with training=False -> identity (eval mode)
    h = jax.nn.elu(spline_conv(x, edge_index, edge_attr, w1, root1, b1))
    out = spline_conv(h, edge_index, edge_attr, w2, root2, b2)
    return jax.nn.log_softmax(out, axis=1)

if __name__ == "__main__":
    import jax
    _d = setup_inputs()
    print(jax.jit(kernel)(*tuple(_d.values())))

</pallas_src>

<mosaic_0001>
#map = affine_map<(d0, d1) -> (0, 0, 0)>
#map1 = affine_map<(d0, d1) -> (0, 0)>
module attributes {stable_mosaic.version = 14 : i64} {
  func.func @sc_scatter(%arg0: i32, %arg1: i32, %arg2: memref<64x80x128xi32, #tpu.memory_space<hbm>>, %arg3: memref<10000x16xf32, #tpu.memory_space<hbm>>, %arg4: memref<2x10240x16xf32, #tpu.memory_space<hbm>>, %arg5: memref<80x128xi32, #tpu.memory_space<vmem>>, %arg6: memref<80x128xi32, #tpu.memory_space<vmem>>, %arg7: memref<128x16xf32, #tpu.memory_space<vmem>>, %arg8: memref<128x16xf32, #tpu.memory_space<vmem>>, %arg9: memref<128x16xf32, #tpu.memory_space<vmem>>, %arg10: memref<128x16xf32, #tpu.memory_space<vmem>>, %arg11: memref<128x16xf32, #tpu.memory_space<vmem>>, %arg12: memref<128x16xf32, #tpu.memory_space<vmem>>, %arg13: memref<128x16xf32, #tpu.memory_space<vmem>>, %arg14: memref<128x16xf32, #tpu.memory_space<vmem>>, %arg15: memref<128x16xf32, #tpu.memory_space<vmem>>, %arg16: memref<128x16xf32, #tpu.memory_space<vmem>>, %arg17: memref<128x16xf32, #tpu.memory_space<vmem>>, %arg18: memref<128x16xf32, #tpu.memory_space<vmem>>, %arg19: memref<128x16xf32, #tpu.memory_space<vmem>>, %arg20: memref<128x16xf32, #tpu.memory_space<vmem>>, %arg21: memref<128x16xf32, #tpu.memory_space<vmem>>, %arg22: memref<128x16xf32, #tpu.memory_space<vmem>>, %arg23: memref<640x16xf32, #tpu.memory_space<vmem>>, %arg24: memref<128x16xf32, #tpu.memory_space<vmem>>, %arg25: memref<10016x16xf32, #tpu.memory_space<vmem_shared>>, %arg26: memref<10240x16xf32, #tpu.memory_space<vmem_shared>>, %arg27: memref<10240x16xf32, #tpu.memory_space<vmem_shared>>, %arg28: memref<!tpu.dma_semaphore, #tpu.memory_space<semaphore_mem>>, %arg29: memref<!tpu.dma_semaphore, #tpu.memory_space<semaphore_mem>>, %arg30: memref<!tpu.dma_semaphore, #tpu.memory_space<semaphore_mem>>, %arg31: memref<!tpu.dma_semaphore, #tpu.memory_space<semaphore_mem>>) attributes {dimension_semantics = [#tpu.dimension_semantics<core_parallel>, #tpu.dimension_semantics<subcore_parallel>], iteration_bounds = array<i64: 2, 16>, scalar_prefetch = 0 : i64, scratch_operands = 27 : i64, tpu.core_type = #tpu.core_type<sc_vector_subcore>, window_params = [{transform_indices = #map}, {transform_indices = #map1}, {transform_indices = #map}]} {
    %mul3A = arith.constant 16 : i32
    %mul3A_0 = arith.muli %arg0, %mul3A : i32
    %add3A = arith.addi %mul3A_0, %arg1 : i32
    %dma_start3A = arith.constant 0 : i32
    %dma_start3A_1 = arith.constant 0 : i32
    %dma_start3A_2 = tpu.memref_slice %arg2[%add3A, %dma_start3A, %dma_start3A_1] : memref<64x80x128xi32, #tpu.memory_space<hbm>> -> memref<1x80x128xi32, #tpu.memory_space<hbm>>
    %dma_start3A_3 = tpu.memref_squeeze %dma_start3A_2 : memref<1x80x128xi32, #tpu.memory_space<hbm>> -> memref<80x128xi32, #tpu.memory_space<hbm>>
    %dma_start3A_4 = arith.constant 0 : i32
    %dma_start3A_5 = arith.constant 0 : i32
    %dma_start3A_6 = tpu.memref_slice %arg2[%add3A, %dma_start3A_4, %dma_start3A_5] : memref<64x80x128xi32, #tpu.memory_space<hbm>> -> memref<1x80x128xi32, #tpu.memory_space<hbm>>
    %dma_start3A_7 = tpu.memref_squeeze %dma_start3A_6 : memref<1x80x128xi32, #tpu.memory_space<hbm>> -> memref<80x128xi32, #tpu.memory_space<hbm>>
    tpu.enqueue_dma source(%dma_start3A_7 : memref<80x128xi32, #tpu.memory_space<hbm>>) target(%arg5 : memref<80x128xi32, #tpu.memory_space<vmem>>) target_semaphore(%arg28 : memref<!tpu.dma_semaphore, #tpu.memory_space<semaphore_mem>>)
    %add3A_8 = arith.constant 32 : i32
    %add3A_9 = arith.addi %add3A_8, %add3A : i32
    %dma_start3A_10 = arith.constant 0 : i32
    %dma_start3A_11 = arith.constant 0 : i32
    %dma_start3A_12 = tpu.memref_slice %arg2[%add3A_9, %dma_start3A_10, %dma_start3A_11] : memref<64x80x128xi32, #tpu.memory_space<hbm>> -> memref<1x80x128xi32, #tpu.memory_space<hbm>>
    %dma_start3A_13 = tpu.memref_squeeze %dma_start3A_12 : memref<1x80x128xi32, #tpu.memory_space<hbm>> -> memref<80x128xi32, #tpu.memory_space<hbm>>
    %dma_start3A_14 = arith.constant 0 : i32
    %dma_start3A_15 = arith.constant 0 : i32
    %dma_start3A_16 = tpu.memref_slice %arg2[%add3A_9, %dma_start3A_14, %dma_start3A_15] : memref<64x80x128xi32, #tpu.memory_space<hbm>> -> memref<1x80x128xi32, #tpu.memory_space<hbm>>
    %dma_start3A_17 = tpu.memref_squeeze %dma_start3A_16 : memref<1x80x128xi32, #tpu.memory_space<hbm>> -> memref<80x128xi32, #tpu.memory_space<hbm>>
    tpu.enqueue_dma source(%dma_start3A_17 : memref<80x128xi32, #tpu.memory_space<hbm>>) target(%arg6 : memref<80x128xi32, #tpu.memory_space<vmem>>) target_semaphore(%arg29 : memref<!tpu.dma_semaphore, #tpu.memory_space<semaphore_mem>>)
    %mul3A_18 = arith.constant 625 : i32
    %mul3A_19 = arith.muli %arg1, %mul3A_18 : i32
    %mul3A_20 = arith.constant 625 : i32
    %mul3A_21 = arith.muli %arg1, %mul3A_20 : i32
    %dma_start3A_22 = arith.constant 0 : i32
    %dma_start3A_23 = tpu.memref_slice %arg25[%mul3A_21, %dma_start3A_22] : memref<10016x16xf32, #tpu.memory_space<vmem_shared>> -> memref<625x16xf32, #tpu.memory_space<vmem_shared>>
    %dma_start3A_24 = arith.constant 0 : i32
    %dma_start3A_25 = tpu.memref_slice %arg3[%mul3A_19, %dma_start3A_24] : memref<10000x16xf32, #tpu.memory_space<hbm>> -> memref<625x16xf32, #tpu.memory_space<hbm>>
    tpu.enqueue_dma source(%dma_start3A_25 : memref<625x16xf32, #tpu.memory_space<hbm>>) target(%dma_start3A_23 : memref<625x16xf32, #tpu.memory_space<vmem_shared>>) target_semaphore(%arg30 : memref<!tpu.dma_semaphore, #tpu.memory_space<semaphore_mem>>)
    %broadcast_in_dim3A = arith.constant 0.000000e+00 : f32
    %broadcast_in_dim3A_26 = vector.broadcast %broadcast_in_dim3A : f32 to vector<16xf32>
    %broadcast_in_dim3A_27 = arith.constant 1.000000e+00 : f32
    %broadcast_in_dim3A_28 = vector.broadcast %broadcast_in_dim3A_27 : f32 to vector<16xf32>
    %scan3A = arith.constant 0 : i32
    %scan3A_29 = arith.constant 0 : i32
    %scan3A_30 = arith.constant 80 : i32
    %scan3A_31 = arith.addi %scan3A_29, %scan3A_30 : i32
    %scan3A_32 = arith.constant 1 : i32
    scf.for %scan3A_188 = %scan3A_29 to %scan3A_31 step %scan3A_32  : i32 {
      %mul3A_189 = arith.constant 8 : i32
      %mul3A_190 = arith.muli %mul3A_189, %scan3A_188 : i32
      %add3A_191 = arith.constant 0 : i32
      %add3A_192 = arith.addi %mul3A_190, %add3A_191 : i32
      %swap3A = arith.index_cast %add3A_192 : i32 to index
      %swap3A_193 = arith.constant 0 : index
      %swap3A_194 = tpu.vector_load %arg23[%swap3A, %swap3A_193] {strides = array<i32>} : memref<640x16xf32, #tpu.memory_space<vmem>>, vector<16xf32>,
      tpu.vector_store %arg23[%swap3A, %swap3A_193], %broadcast_in_dim3A_26 {strides = array<i32>} : memref<640x16xf32, #tpu.memory_space<vmem>>, vector<16xf32>,
      %mul3A_195 = arith.constant 8 : i32
      %mul3A_196 = arith.muli %mul3A_195, %scan3A_188 : i32
      %add3A_197 = arith.constant 1 : i32
      %add3A_198 = arith.addi %mul3A_196, %add3A_197 : i32
      %swap3A_199 = arith.index_cast %add3A_198 : i32 to index
      %swap3A_200 = arith.constant 0 : index
      %swap3A_201 = tpu.vector_load %arg23[%swap3A_199, %swap3A_200] {strides = array<i32>} : memref<640x16xf32, #tpu.memory_space<vmem>>, vector<16xf32>,
      tpu.vector_store %arg23[%swap3A_199, %swap3A_200], %broadcast_in_dim3A_26 {strides = array<i32>} : memref<640x16xf32, #tpu.memory_space<vmem>>, vector<16xf32>,
      %mul3A_202 = arith.constant 8 : i32
      %mul3A_203 = arith.muli %mul3A_202, %scan3A_188 : i32
      %add3A_204 = arith.constant 2 : i32
      %add3A_205 = arith.addi %mul3A_203, %add3A_204 : i32
      %swap3A_206 = arith.index_cast %add3A_205 : i32 to index
      %swap3A_207 = arith.constant 0 : index
      %swap3A_208 = tpu.vector_load %arg23[%swap3A_206, %swap3A_207] {strides = array<i32>} : memref<640x16xf32, #tpu.memory_space<vmem>>, vector<16xf32>,
      tpu.vector_store %arg23[%swap3A_206, %swap3A_207], %broadcast_in_dim3A_26 {strides = array<i32>} : memref<640x16xf32, #tpu.memory_space<vmem>>, vector<16xf32>,
      %mul3A_209 = arith.constant 8 : i32
      %mul3A_210 = arith.muli %mul3A_209, %scan3A_188 : i32
      %add3A_211 = arith.constant 3 : i32
      %add3A_212 = arith.addi %mul3A_210, %add3A_211 : i32
      %swap3A_213 = arith.index_cast %add3A_212 : i32 to index
      %swap3A_214 = arith.constant 0 : index
      %swap3A_215 = tpu.vector_load %arg23[%swap3A_213, %swap3A_214] {strides = array<i32>} : memref<640x16xf32, #tpu.memory_space<vmem>>, vector<16xf32>,
      tpu.vector_store %arg23[%swap3A_213, %swap3A_214], %broadcast_in_dim3A_26 {strides = array<i32>} : memref<640x16xf32, #tpu.memory_space<vmem>>, vector<16xf32>,
      %mul3A_216 = arith.constant 8 : i32
      %mul3A_217 = arith.muli %mul3A_216, %scan3A_188 : i32
      %add3A_218 = arith.constant 4 : i32
      %add3A_219 = arith.addi %mul3A_217, %add3A_218 : i32
      %swap3A_220 = arith.index_cast %add3A_219 : i32 to index
      %swap3A_221 = arith.constant 0 : index
      %swap3A_222 = tpu.vector_load %arg23[%swap3A_220, %swap3A_221] {strides = array<i32>} : memref<640x16xf32, #tpu.memory_space<vmem>>, vector<16xf32>,
      tpu.vector_store %arg23[%swap3A_220, %swap3A_221], %broadcast_in_dim3A_26 {strides = array<i32>} : memref<640x16xf32, #tpu.memory_space<vmem>>, vector<16xf32>,
      %mul3A_223 = arith.constant 8 : i32
      %mul3A_224 = arith.muli %mul3A_223, %scan3A_188 : i32
      %add3A_225 = arith.constant 5 : i32
      %add3A_226 = arith.addi %mul3A_224, %add3A_225 : i32
      %swap3A_227 = arith.index_cast %add3A_226 : i32 to index
      %swap3A_228 = arith.constant 0 : index
      %swap3A_229 = tpu.vector_load %arg23[%swap3A_227, %swap3A_228] {strides = array<i32>} : memref<640x16xf32, #tpu.memory_space<vmem>>, vector<16xf32>,
      tpu.vector_store %arg23[%swap3A_227, %swap3A_228], %broadcast_in_dim3A_26 {strides = array<i32>} : memref<640x16xf32, #tpu.memory_space<vmem>>, vector<16xf32>,
      %mul3A_230 = arith.constant 8 : i32
      %mul3A_231 = arith.muli %mul3A_230, %scan3A_188 : i32
      %add3A_232 = arith.constant 6 : i32
      %add3A_233 = arith.addi %mul3A_231, %add3A_232 : i32
      %swap3A_234 = arith.index_cast %add3A_233 : i32 to index
      %swap3A_235 = arith.constant 0 : index
      %swap3A_236 = tpu.vector_load %arg23[%swap3A_234, %swap3A_235] {strides = array<i32>} : memref<640x16xf32, #tpu.memory_space<vmem>>, vector<16xf32>,
      tpu.vector_store %arg23[%swap3A_234, %swap3A_235], %broadcast_in_dim3A_26 {strides = array<i32>} : memref<640x16xf32, #tpu.memory_space<vmem>>, vector<16xf32>,
      %mul3A_237 = arith.constant 8 : i32
      %mul3A_238 = arith.muli %mul3A_237, %scan3A_188 : i32
      %add3A_239 = arith.constant 7 : i32
      %add3A_240 = arith.addi %mul3A_238, %add3A_239 : i32
      %swap3A_241 = arith.index_cast %add3A_240 : i32 to index
      %swap3A_242 = arith.constant 0 : index
      %swap3A_243 = tpu.vector_load %arg23[%swap3A_241, %swap3A_242] {strides = array<i32>} : memref<640x16xf32, #tpu.memory_space<vmem>>, vector<16xf32>,
      tpu.vector_store %arg23[%swap3A_241, %swap3A_242], %broadcast_in_dim3A_26 {strides = array<i32>} : memref<640x16xf32, #tpu.memory_space<vmem>>, vector<16xf32>,
    }
    %scan3A_33 = arith.constant 80 : i32
    %mul3A_34 = arith.constant 640 : i32
    %mul3A_35 = arith.muli %arg1, %mul3A_34 : i32
    "tpu.region"() ({
      %run_scoped3A = tpu.sem_alloc : memref<!tpu.dma_semaphore, #tpu.memory_space<semaphore_mem>>
      %dma_start3A_188 = arith.constant 0 : i32
      %dma_start3A_189 = tpu.memref_slice %arg26[%mul3A_35, %dma_start3A_188] : memref<10240x16xf32, #tpu.memory_space<vmem_shared>> -> memref<640x16xf32, #tpu.memory_space<vmem_shared>>
      %dma_start3A_190 = arith.constant 0 : i32
      %dma_start3A_191 = tpu.memref_slice %arg26[%mul3A_35, %dma_start3A_190] : memref<10240x16xf32, #tpu.memory_space<vmem_shared>> -> memref<640x16xf32, #tpu.memory_space<vmem_shared>>
      tpu.enqueue_dma source(%arg23 : memref<640x16xf32, #tpu.memory_space<vmem>>) target(%dma_start3A_191 : memref<640x16xf32, #tpu.memory_space<vmem_shared>>) target_semaphore(%run_scoped3A : memref<!tpu.dma_semaphore, #tpu.memory_space<semaphore_mem>>)
      %dma_wait3A_192 = arith.constant 0 : i32
      %dma_wait3A_193 = tpu.memref_slice %arg26[%mul3A_35, %dma_wait3A_192] : memref<10240x16xf32, #tpu.memory_space<vmem_shared>> -> memref<640x16xf32, #tpu.memory_space<vmem_shared>>
      %dma_wait3A_194 = arith.constant 0 : i32
      %dma_wait3A_195 = tpu.memref_slice %arg26[%mul3A_35, %dma_wait3A_194] : memref<10240x16xf32, #tpu.memory_space<vmem_shared>> -> memref<640x16xf32, #tpu.memory_space<vmem_shared>>
      tpu.wait_dma2 semaphore(%run_scoped3A : memref<!tpu.dma_semaphore, #tpu.memory_space<semaphore_mem>>) src(%arg23 : memref<640x16xf32, #tpu.memory_space<vmem>>) dst(%dma_wait3A_195 : memref<640x16xf32, #tpu.memory_space<vmem_shared>>)
      tpu.yield
    }) : () -> ()
    %dma_wait3A = arith.constant 0 : i32
    %dma_wait3A_36 = arith.constant 0 : i32
    %dma_wait3A_37 = tpu.memref_slice %arg2[%add3A, %dma_wait3A, %dma_wait3A_36] : memref<64x80x128xi32, #tpu.memory_space<hbm>> -> memref<1x80x128xi32, #tpu.memory_space<hbm>>
    %dma_wait3A_38 = tpu.memref_squeeze %dma_wait3A_37 : memref<1x80x128xi32, #tpu.memory_space<hbm>> -> memref<80x128xi32, #tpu.memory_space<hbm>>
    %dma_wait3A_39 = arith.constant 0 : i32
    %dma_wait3A_40 = arith.constant 0 : i32
    %dma_wait3A_41 = tpu.memref_slice %arg2[%add3A, %dma_wait3A_39, %dma_wait3A_40] : memref<64x80x128xi32, #tpu.memory_space<hbm>> -> memref<1x80x128xi32, #tpu.memory_space<hbm>>
    %dma_wait3A_42 = tpu.memref_squeeze %dma_wait3A_41 : memref<1x80x128xi32, #tpu.memory_space<hbm>> -> memref<80x128xi32, #tpu.memory_space<hbm>>
    tpu.wait_dma2 semaphore(%arg28 : memref<!tpu.dma_semaphore, #tpu.memory_space<semaphore_mem>>) src(%dma_wait3A_42 : memref<80x128xi32, #tpu.memory_space<hbm>>) dst(%arg5 : memref<80x128xi32, #tpu.memory_space<vmem>>)
    %dma_wait3A_43 = arith.constant 0 : i32
    %dma_wait3A_44 = arith.constant 0 : i32
    %dma_wait3A_45 = tpu.memref_slice %arg2[%add3A_9, %dma_wait3A_43, %dma_wait3A_44] : memref<64x80x128xi32, #tpu.memory_space<hbm>> -> memref<1x80x128xi32, #tpu.memory_space<hbm>>
    %dma_wait3A_46 = tpu.memref_squeeze %dma_wait3A_45 : memref<1x80x128xi32, #tpu.memory_space<hbm>> -> memref<80x128xi32, #tpu.memory_space<hbm>>
    %dma_wait3A_47 = arith.constant 0 : i32
    %dma_wait3A_48 = arith.constant 0 : i32
    %dma_wait3A_49 = tpu.memref_slice %arg2[%add3A_9, %dma_wait3A_47, %dma_wait3A_48] : memref<64x80x128xi32, #tpu.memory_space<hbm>> -> memref<1x80x128xi32, #tpu.memory_space<hbm>>
    %dma_wait3A_50 = tpu.memref_squeeze %dma_wait3A_49 : memref<1x80x128xi32, #tpu.memory_space<hbm>> -> memref<80x128xi32, #tpu.memory_space<hbm>>
    tpu.wait_dma2 semaphore(%arg29 : memref<!tpu.dma_semaphore, #tpu.memory_space<semaphore_mem>>) src(%dma_wait3A_50 : memref<80x128xi32, #tpu.memory_space<hbm>>) dst(%arg6 : memref<80x128xi32, #tpu.memory_space<vmem>>)
    %dma_wait3A_51 = arith.constant 0 : i32
    %dma_wait3A_52 = tpu.memref_slice %arg25[%mul3A_21, %dma_wait3A_51] : memref<10016x16xf32, #tpu.memory_space<vmem_shared>> -> memref<625x16xf32, #tpu.memory_space<vmem_shared>>
    %dma_wait3A_53 = arith.constant 0 : i32
    %dma_wait3A_54 = tpu.memref_slice %arg3[%mul3A_19, %dma_wait3A_53] : memref<10000x16xf32, #tpu.memory_space<hbm>> -> memref<625x16xf32, #tpu.memory_space<hbm>>
    tpu.wait_dma2 semaphore(%arg30 : memref<!tpu.dma_semaphore, #tpu.memory_space<semaphore_mem>>) src(%dma_wait3A_54 : memref<625x16xf32, #tpu.memory_space<hbm>>) dst(%dma_wait3A_52 : memref<625x16xf32, #tpu.memory_space<vmem_shared>>)
    %barrier3A = arith.constant 0 : index
    tpu.barrier barrier_id(%barrier3A)
    %dma_start3A_55 = arith.constant 0 : i32
    %dma_start3A_56 = arith.constant 0 : i32
    %dma_start3A_57 = tpu.memref_slice %arg5[%dma_start3A_55, %dma_start3A_56] : memref<80x128xi32, #tpu.memory_space<vmem>> -> memref<1x128xi32, #tpu.memory_space<vmem>>
    %dma_start3A_58 = tpu.memref_squeeze %dma_start3A_57 : memref<1x128xi32, #tpu.memory_space<vmem>> -> memref<128xi32, #tpu.memory_space<vmem>>
    %dma_start3A_59 = arith.constant 0 : i32
    %dma_start3A_60 = arith.constant 0 : i32
    %dma_start3A_61 = tpu.memref_slice %arg25[%dma_start3A_59, %dma_start3A_60] : memref<10016x16xf32, #tpu.memory_space<vmem_shared>> -> memref<10016x16xf32, #tpu.memory_space<vmem_shared>>
    tpu.enqueue_indirect_dma source(%dma_start3A_61 : memref<10016x16xf32, #tpu.memory_space<vmem_shared>>) target(%arg7 : memref<128x16xf32, #tpu.memory_space<vmem>>) offsets(%dma_start3A_58 : memref<128xi32, #tpu.memory_space<vmem>>) semaphore(%arg28 : memref<!tpu.dma_semaphore, #tpu.memory_space<semaphore_mem>>)
    %dma_start3A_62 = arith.constant 1 : i32
    %dma_start3A_63 = arith.constant 0 : i32
    %dma_start3A_64 = tpu.memref_slice %arg5[%dma_start3A_62, %dma_start3A_63] : memref<80x128xi32, #tpu.memory_space<vmem>> -> memref<1x128xi32, #tpu.memory_space<vmem>>
    %dma_start3A_65 = tpu.memref_squeeze %dma_start3A_64 : memref<1x128xi32, #tpu.memory_space<vmem>> -> memref<128xi32, #tpu.memory_space<vmem>>
    %dma_start3A_66 = arith.constant 0 : i32
    %dma_start3A_67 = arith.constant 0 : i32
    %dma_start3A_68 = tpu.memref_slice %arg25[%dma_start3A_66, %dma_start3A_67] : memref<10016x16xf32, #tpu.memory_space<vmem_shared>> -> memref<10016x16xf32, #tpu.memory_space<vmem_shared>>
    tpu.enqueue_indirect_dma source(%dma_start3A_68 : memref<10016x16xf32, #tpu.memory_space<vmem_shared>>) target(%arg8 : memref<128x16xf32, #tpu.memory_space<vmem>>) offsets(%dma_start3A_65 : memref<128xi32, #tpu.memory_space<vmem>>) semaphore(%arg28 : memref<!tpu.dma_semaphore, #tpu.memory_space<semaphore_mem>>)
    %dma_start3A_69 = arith.constant 2 : i32
    %dma_start3A_70 = arith.constant 0 : i32
    %dma_start3A_71 = tpu.memref_slice %arg5[%dma_start3A_69, %dma_start3A_70] : memref<80x128xi32, #tpu.memory_space<vmem>> -> memref<1x128xi32, #tpu.memory_space<vmem>>
    %dma_start3A_72 = tpu.memref_squeeze %dma_start3A_71 : memref<1x128xi32, #tpu.memory_space<vmem>> -> memref<128xi32, #tpu.memory_space<vmem>>
    %dma_start3A_73 = arith.constant 0 : i32
    %dma_start3A_74 = arith.constant 0 : i32
    %dma_start3A_75 = tpu.memref_slice %arg25[%dma_start3A_73, %dma_start3A_74] : memref<10016x16xf32, #tpu.memory_space<vmem_shared>> -> memref<10016x16xf32, #tpu.memory_space<vmem_shared>>
    tpu.enqueue_indirect_dma source(%dma_start3A_75 : memref<10016x16xf32, #tpu.memory_space<vmem_shared>>) target(%arg9 : memref<128x16xf32, #tpu.memory_space<vmem>>) offsets(%dma_start3A_72 : memref<128xi32, #tpu.memory_space<vmem>>) semaphore(%arg28 : memref<!tpu.dma_semaphore, #tpu.memory_space<semaphore_mem>>)
    %dma_start3A_76 = arith.constant 3 : i32
    %dma_start3A_77 = arith.constant 0 : i32
    %dma_start3A_78 = tpu.memref_slice %arg5[%dma_start3A_76, %dma_start3A_77] : memref<80x128xi32, #tpu.memory_space<vmem>> -> memref<1x128xi32, #tpu.memory_space<vmem>>
    %dma_start3A_79 = tpu.memref_squeeze %dma_start3A_78 : memref<1x128xi32, #tpu.memory_space<vmem>> -> memref<128xi32, #tpu.memory_space<vmem>>
    %dma_start3A_80 = arith.constant 0 : i32
    %dma_start3A_81 = arith.constant 0 : i32
    %dma_start3A_82 = tpu.memref_slice %arg25[%dma_start3A_80, %dma_start3A_81] : memref<10016x16xf32, #tpu.memory_space<vmem_shared>> -> memref<10016x16xf32, #tpu.memory_space<vmem_shared>>
    tpu.enqueue_indirect_dma source(%dma_start3A_82 : memref<10016x16xf32, #tpu.memory_space<vmem_shared>>) target(%arg10 : memref<128x16xf32, #tpu.memory_space<vmem>>) offsets(%dma_start3A_79 : memref<128xi32, #tpu.memory_space<vmem>>) semaphore(%arg28 : memref<!tpu.dma_semaphore, #tpu.memory_space<semaphore_mem>>)
    %dma_start3A_83 = arith.constant 4 : i32
    %dma_start3A_84 = arith.constant 0 : i32
    %dma_start3A_85 = tpu.memref_slice %arg5[%dma_start3A_83, %dma_start3A_84] : memref<80x128xi32, #tpu.memory_space<vmem>> -> memref<1x128xi32, #tpu.memory_space<vmem>>
    %dma_start3A_86 = tpu.memref_squeeze %dma_start3A_85 : memref<1x128xi32, #tpu.memory_space<vmem>> -> memref<128xi32, #tpu.memory_space<vmem>>
    %dma_start3A_87 = arith.constant 0 : i32
    %dma_start3A_88 = arith.constant 0 : i32
    %dma_start3A_89 = tpu.memref_slice %arg25[%dma_start3A_87, %dma_start3A_88] : memref<10016x16xf32, #tpu.memory_space<vmem_shared>> -> memref<10016x16xf32, #tpu.memory_space<vmem_shared>>
    tpu.enqueue_indirect_dma source(%dma_start3A_89 : memref<10016x16xf32, #tpu.memory_space<vmem_shared>>) target(%arg11 : memref<128x16xf32, #tpu.memory_space<vmem>>) offsets(%dma_start3A_86 : memref<128xi32, #tpu.memory_space<vmem>>) semaphore(%arg28 : memref<!tpu.dma_semaphore, #tpu.memory_space<semaphore_mem>>)
    %dma_start3A_90 = arith.constant 5 : i32
    %dma_start3A_91 = arith.constant 0 : i32
    %dma_start3A_92 = tpu.memref_slice %arg5[%dma_start3A_90, %dma_start3A_91] : memref<80x128xi32, #tpu.memory_space<vmem>> -> memref<1x128xi32, #tpu.memory_space<vmem>>
    %dma_start3A_93 = tpu.memref_squeeze %dma_start3A_92 : memref<1x128xi32, #tpu.memory_space<vmem>> -> memref<128xi32, #tpu.memory_space<vmem>>
    %dma_start3A_94 = arith.constant 0 : i32
    %dma_start3A_95 = arith.constant 0 : i32
    %dma_start3A_96 = tpu.memref_slice %arg25[%dma_start3A_94, %dma_start3A_95] : memref<10016x16xf32, #tpu.memory_space<vmem_shared>> -> memref<10016x16xf32, #tpu.memory_space<vmem_shared>>
    tpu.enqueue_indirect_dma source(%dma_start3A_96 : memref<10016x16xf32, #tpu.memory_space<vmem_shared>>) target(%arg12 : memref<128x16xf32, #tpu.memory_space<vmem>>) offsets(%dma_start3A_93 : memref<128xi32, #tpu.memory_space<vmem>>) semaphore(%arg28 : memref<!tpu.dma_semaphore, #tpu.memory_space<semaphore_mem>>)
    %dma_start3A_97 = arith.constant 6 : i32
    %dma_start3A_98 = arith.constant 0 : i32
    %dma_start3A_99 = tpu.memref_slice %arg5[%dma_start3A_97, %dma_start3A_98] : memref<80x128xi32, #tpu.memory_space<vmem>> -> memref<1x128xi32, #tpu.memory_space<vmem>>
    %dma_start3A_100 = tpu.memref_squeeze %dma_start3A_99 : memref<1x128xi32, #tpu.memory_space<vmem>> -> memref<128xi32, #tpu.memory_space<vmem>>
    %dma_start3A_101 = arith.constant 0 : i32
    %dma_start3A_102 = arith.constant 0 : i32
    %dma_start3A_103 = tpu.memref_slice %arg25[%dma_start3A_101, %dma_start3A_102] : memref<10016x16xf32, #tpu.memory_space<vmem_shared>> -> memref<10016x16xf32, #tpu.memory_space<vmem_shared>>
    tpu.enqueue_indirect_dma source(%dma_start3A_103 : memref<10016x16xf32, #tpu.memory_space<vmem_shared>>) target(%arg13 : memref<128x16xf32, #tpu.memory_space<vmem>>) offsets(%dma_start3A_100 : memref<128xi32, #tpu.memory_space<vmem>>) semaphore(%arg28 : memref<!tpu.dma_semaphore, #tpu.memory_space<semaphore_mem>>)
    %dma_start3A_104 = arith.constant 7 : i32
    %dma_start3A_105 = arith.constant 0 : i32
    %dma_start3A_106 = tpu.memref_slice %arg5[%dma_start3A_104, %dma_start3A_105] : memref<80x128xi32, #tpu.memory_space<vmem>> -> memref<1x128xi32, #tpu.memory_space<vmem>>
    %dma_start3A_107 = tpu.memref_squeeze %dma_start3A_106 : memref<1x128xi32, #tpu.memory_space<vmem>> -> memref<128xi32, #tpu.memory_space<vmem>>
    %dma_start3A_108 = arith.constant 0 : i32
    %dma_start3A_109 = arith.constant 0 : i32
    %dma_start3A_110 = tpu.memref_slice %arg25[%dma_start3A_108, %dma_start3A_109] : memref<10016x16xf32, #tpu.memory_space<vmem_shared>> -> memref<10016x16xf32, #tpu.memory_space<vmem_shared>>
    tpu.enqueue_indirect_dma source(%dma_start3A_110 : memref<10016x16xf32, #tpu.memory_space<vmem_shared>>) target(%arg14 : memref<128x16xf32, #tpu.memory_space<vmem>>) offsets(%dma_start3A_107 : memref<128xi32, #tpu.memory_space<vmem>>) semaphore(%arg28 : memref<!tpu.dma_semaphore, #tpu.memory_space<semaphore_mem>>)
    %scan3A_111 = arith.constant 0 : i32
    %scan3A_112 = arith.constant 0 : i32
    %scan3A_113 = arith.constant 5 : i32
    %scan3A_114 = arith.addi %scan3A_112, %scan3A_113 : i32
    %scan3A_115 = arith.constant 1 : i32
    scf.for %scan3A_188 = %scan3A_112 to %scan3A_114 step %scan3A_115  : i32 {
      %mul3A_189 = arith.constant 16 : i32
      %mul3A_190 = arith.muli %mul3A_189, %scan3A_188 : i32
      %gt3A = arith.constant 0 : i32
      %gt3A_191 = arith.cmpi sgt, %scan3A_188, %gt3A : i32
      %convert_element_type3A = arith.extui %gt3A_191 : i1 to i32
      %cond3A = arith.constant 0 : i32
      %cond3A_192 = arith.cmpi ne, %convert_element_type3A, %cond3A : i32
      scf.if %cond3A_192 {
        %dma_wait3A_561 = arith.constant 0 : i32
        %dma_wait3A_562 = arith.constant 0 : i32
        %dma_wait3A_563 = tpu.memref_slice %arg6[%dma_wait3A_561, %dma_wait3A_562] : memref<80x128xi32, #tpu.memory_space<vmem>> -> memref<1x128xi32, #tpu.memory_space<vmem>>
        %dma_wait3A_564 = tpu.memref_squeeze %dma_wait3A_563 : memref<1x128xi32, #tpu.memory_space<vmem>> -> memref<128xi32, #tpu.memory_space<vmem>>
        %dma_wait3A_565 = arith.constant 0 : i32
        %dma_wait3A_566 = arith.constant 0 : i32
        %dma_wait3A_567 = tpu.memref_slice %arg26[%dma_wait3A_565, %dma_wait3A_566] : memref<10240x16xf32, #tpu.memory_space<vmem_shared>> -> memref<10240x16xf32, #tpu.memory_space<vmem_shared>>
        tpu.wait_indirect_dma semaphore(%arg31 : memref<!tpu.dma_semaphore, #tpu.memory_space<semaphore_mem>>) src(%arg15 : memref<128x16xf32, #tpu.memory_space<vmem>>) dst(%dma_wait3A_567 : memref<10240x16xf32, #tpu.memory_space<vmem_shared>>)
        %dma_wait3A_568 = arith.constant 0 : i32
        %dma_wait3A_569 = arith.constant 0 : i32
        %dma_wait3A_570 = tpu.memref_slice %arg6[%dma_wait3A_568, %dma_wait3A_569] : memref<80x128xi32, #tpu.memory_space<vmem>> -> memref<1x128xi32, #tpu.memory_space<vmem>>
        %dma_wait3A_571 = tpu.memref_squeeze %dma_wait3A_570 : memref<1x128xi32, #tpu.memory_space<vmem>> -> memref<128xi32, #tpu.memory_space<vmem>>
        %dma_wait3A_572 = arith.constant 0 : i32
        %dma_wait3A_573 = arith.constant 0 : i32
        %dma_wait3A_574 = tpu.memref_slice %arg26[%dma_wait3A_572, %dma_wait3A_573] : memref<10240x16xf32, #tpu.memory_space<vmem_shared>> -> memref<10240x16xf32, #tpu.memory_space<vmem_shared>>
        tpu.wait_indirect_dma semaphore(%arg31 : memref<!tpu.dma_semaphore, #tpu.memory_space<semaphore_mem>>) src(%arg16 : memref<128x16xf32, #tpu.memory_space<vmem>>) dst(%dma_wait3A_574 : memref<10240x16xf32, #tpu.memory_space<vmem_shared>>)
        %dma_wait3A_575 = arith.constant 0 : i32
        %dma_wait3A_576 = arith.constant 0 : i32
        %dma_wait3A_577 = tpu.memref_slice %arg6[%dma_wait3A_575, %dma_wait3A_576] : memref<80x128xi32, #tpu.memory_space<vmem>> -> memref<1x128xi32, #tpu.memory_space<vmem>>
        %dma_wait3A_578 = tpu.memref_squeeze %dma_wait3A_577 : memref<1x128xi32, #tpu.memory_space<vmem>> -> memref<128xi32, #tpu.memory_space<vmem>>
        %dma_wait3A_579 = arith.constant 0 : i32
        %dma_wait3A_580 = arith.constant 0 : i32
        %dma_wait3A_581 = tpu.memref_slice %arg26[%dma_wait3A_579, %dma_wait3A_580] : memref<10240x16xf32, #tpu.memory_space<vmem_shared>> -> memref<10240x16xf32, #tpu.memory_space<vmem_shared>>
        tpu.wait_indirect_dma semaphore(%arg31 : memref<!tpu.dma_semaphore, #tpu.memory_space<semaphore_mem>>) src(%arg17 : memref<128x16xf32, #tpu.memory_space<vmem>>) dst(%dma_wait3A_581 : memref<10240x16xf32, #tpu.memory_space<vmem_shared>>)
        %dma_wait3A_582 = arith.constant 0 : i32
        %dma_wait3A_583 = arith.constant 0 : i32
        %dma_wait3A_584 = tpu.memref_slice %arg6[%dma_wait3A_582, %dma_wait3A_583] : memref<80x128xi32, #tpu.memory_space<vmem>> -> memref<1x128xi32, #tpu.memory_space<vmem>>
        %dma_wait3A_585 = tpu.memref_squeeze %dma_wait3A_584 : memref<1x128xi32, #tpu.memory_space<vmem>> -> memref<128xi32, #tpu.memory_space<vmem>>
        %dma_wait3A_586 = arith.constant 0 : i32
        %dma_wait3A_587 = arith.constant 0 : i32
        %dma_wait3A_588 = tpu.memref_slice %arg26[%dma_wait3A_586, %dma_wait3A_587] : memref<10240x16xf32, #tpu.memory_space<vmem_shared>> -> memref<10240x16xf32, #tpu.memory_space<vmem_shared>>
        tpu.wait_indirect_dma semaphore(%arg31 : memref<!tpu.dma_semaphore, #tpu.memory_space<semaphore_mem>>) src(%arg18 : memref<128x16xf32, #tpu.memory_space<vmem>>) dst(%dma_wait3A_588 : memref<10240x16xf32, #tpu.memory_space<vmem_shared>>)
        %dma_wait3A_589 = arith.constant 0 : i32
        %dma_wait3A_590 = arith.constant 0 : i32
        %dma_wait3A_591 = tpu.memref_slice %arg6[%dma_wait3A_589, %dma_wait3A_590] : memref<80x128xi32, #tpu.memory_space<vmem>> -> memref<1x128xi32, #tpu.memory_space<vmem>>
        %dma_wait3A_592 = tpu.memref_squeeze %dma_wait3A_591 : memref<1x128xi32, #tpu.memory_space<vmem>> -> memref<128xi32, #tpu.memory_space<vmem>>
        %dma_wait3A_593 = arith.constant 0 : i32
        %dma_wait3A_594 = arith.constant 0 : i32
        %dma_wait3A_595 = tpu.memref_slice %arg26[%dma_wait3A_593, %dma_wait3A_594] : memref<10240x16xf32, #tpu.memory_space<vmem_shared>> -> memref<10240x16xf32, #tpu.memory_space<vmem_shared>>
        tpu.wait_indirect_dma semaphore(%arg31 : memref<!tpu.dma_semaphore, #tpu.memory_space<semaphore_mem>>) src(%arg19 : memref<128x16xf32, #tpu.memory_space<vmem>>) dst(%dma_wait3A_595 : memref<10240x16xf32, #tpu.memory_space<vmem_shared>>)
        %dma_wait3A_596 = arith.constant 0 : i32
        %dma_wait3A_597 = arith.constant 0 : i32
        %dma_wait3A_598 = tpu.memref_slice %arg6[%dma_wait3A_596, %dma_wait3A_597] : memref<80x128xi32, #tpu.memory_space<vmem>> -> memref<1x128xi32, #tpu.memory_space<vmem>>
        %dma_wait3A_599 = tpu.memref_squeeze %dma_wait3A_598 : memref<1x128xi32, #tpu.memory_space<vmem>> -> memref<128xi32, #tpu.memory_space<vmem>>
        %dma_wait3A_600 = arith.constant 0 : i32
        %dma_wait3A_601 = arith.constant 0 : i32
        %dma_wait3A_602 = tpu.memref_slice %arg26[%dma_wait3A_600, %dma_wait3A_601] : memref<10240x16xf32, #tpu.memory_space<vmem_shared>> -> memref<10240x16xf32, #tpu.memory_space<vmem_shared>>
        tpu.wait_indirect_dma semaphore(%arg31 : memref<!tpu.dma_semaphore, #tpu.memory_space<semaphore_mem>>) src(%arg20 : memref<128x16xf32, #tpu.memory_space<vmem>>) dst(%dma_wait3A_602 : memref<10240x16xf32, #tpu.memory_space<vmem_shared>>)
        %dma_wait3A_603 = arith.constant 0 : i32
        %dma_wait3A_604 = arith.constant 0 : i32
        %dma_wait3A_605 = tpu.memref_slice %arg6[%dma_wait3A_603, %dma_wait3A_604] : memref<80x128xi32, #tpu.memory_space<vmem>> -> memref<1x128xi32, #tpu.memory_space<vmem>>
        %dma_wait3A_606 = tpu.memref_squeeze %dma_wait3A_605 : memref<1x128xi32, #tpu.memory_space<vmem>> -> memref<128xi32, #tpu.memory_space<vmem>>
        %dma_wait3A_607 = arith.constant 0 : i32
        %dma_wait3A_608 = arith.constant 0 : i32
        %dma_wait3A_609 = tpu.memref_slice %arg26[%dma_wait3A_607, %dma_wait3A_608] : memref<10240x16xf32, #tpu.memory_space<vmem_shared>> -> memref<10240x16xf32, #tpu.memory_space<vmem_shared>>
        tpu.wait_indirect_dma semaphore(%arg31 : memref<!tpu.dma_semaphore, #tpu.memory_space<semaphore_mem>>) src(%arg21 : memref<128x16xf32, #tpu.memory_space<vmem>>) dst(%dma_wait3A_609 : memref<10240x16xf32, #tpu.memory_space<vmem_shared>>)
        %dma_wait3A_610 = arith.constant 0 : i32
        %dma_wait3A_611 = arith.constant 0 : i32
        %dma_wait3A_612 = tpu.memref_slice %arg6[%dma_wait3A_610, %dma_wait3A_611] : memref<80x128xi32, #tpu.memory_space<vmem>> -> memref<1x128xi32, #tpu.memory_space<vmem>>
        %dma_wait3A_613 = tpu.memref_squeeze %dma_wait3A_612 : memref<1x128xi32, #tpu.memory_space<vmem>> -> memref<128xi32, #tpu.memory_space<vmem>>
        %dma_wait3A_614 = arith.constant 0 : i32
        %dma_wait3A_615 = arith.constant 0 : i32
        %dma_wait3A_616 = tpu.memref_slice %arg26[%dma_wait3A_614, %dma_wait3A_615] : memref<10240x16xf32, #tpu.memory_space<vmem_shared>> -> memref<10240x16xf32, #tpu.memory_space<vmem_shared>>
        tpu.wait_indirect_dma semaphore(%arg31 : memref<!tpu.dma_semaphore, #tpu.memory_space<semaphore_mem>>) src(%arg22 : memref<128x16xf32, #tpu.memory_space<vmem>>) dst(%dma_wait3A_616 : memref<10240x16xf32, #tpu.memory_space<vmem_shared>>)
      } else {
      }
      %add3A_193 = arith.constant 8 : i32
      %add3A_194 = arith.addi %mul3A_190, %add3A_193 : i32
      %add3A_195 = arith.constant 0 : i32
      %add3A_196 = arith.addi %add3A_194, %add3A_195 : i32
      %dma_start3A_197 = arith.constant 0 : i32
      %dma_start3A_198 = tpu.memref_slice %arg5[%add3A_196, %dma_start3A_197] : memref<80x128xi32, #tpu.memory_space<vmem>> -> memref<1x128xi32, #tpu.memory_space<vmem>>
      %dma_start3A_199 = tpu.memref_squeeze %dma_start3A_198 : memref<1x128xi32, #tpu.memory_space<vmem>> -> memref<128xi32, #tpu.memory_space<vmem>>
      %dma_start3A_200 = arith.constant 0 : i32
      %dma_start3A_201 = arith.constant 0 : i32
      %dma_start3A_202 = tpu.memref_slice %arg25[%dma_start3A_200, %dma_start3A_201] : memref<10016x16xf32, #tpu.memory_space<vmem_shared>> -> memref<10016x16xf32, #tpu.memory_space<vmem_shared>>
      tpu.enqueue_indirect_dma source(%dma_start3A_202 : memref<10016x16xf32, #tpu.memory_space<vmem_shared>>) target(%arg15 : memref<128x16xf32, #tpu.memory_space<vmem>>) offsets(%dma_start3A_199 : memref<128xi32, #tpu.memory_space<vmem>>) semaphore(%arg29 : memref<!tpu.dma_semaphore, #tpu.memory_space<semaphore_mem>>)
      %add3A_203 = arith.constant 1 : i32
      %add3A_204 = arith.addi %add3A_194, %add3A_203 : i32
      %dma_start3A_205 = arith.constant 0 : i32
      %dma_start3A_206 = tpu.memref_slice %arg5[%add3A_204, %dma_start3A_205] : memref<80x128xi32, #tpu.memory_space<vmem>> -> memref<1x128xi32, #tpu.memory_space<vmem>>
      %dma_start3A_207 = tpu.memref_squeeze %dma_start3A_206 : memref<1x128xi32, #tpu.memory_space<vmem>> -> memref<128xi32, #tpu.memory_space<vmem>>
      %dma_start3A_208 = arith.constant 0 : i32
      %dma_start3A_209 = arith.constant 0 : i32
      %dma_start3A_210 = tpu.memref_slice %arg25[%dma_start3A_208, %dma_start3A_209] : memref<10016x16xf32, #tpu.memory_space<vmem_shared>> -> memref<10016x16xf32, #tpu.memory_space<vmem_shared>>
      tpu.enqueue_indirect_dma source(%dma_start3A_210 : memref<10016x16xf32, #tpu.memory_space<vmem_shared>>) target(%arg16 : memref<128x16xf32, #tpu.memory_space<vmem>>) offsets(%dma_start3A_207 : memref<128xi32, #tpu.memory_space<vmem>>) semaphore(%arg29 : memref<!tpu.dma_semaphore, #tpu.memory_space<semaphore_mem>>)
      %add3A_211 = arith.constant 2 : i32
      %add3A_212 = arith.addi %add3A_194, %add3A_211 : i32
      %dma_start3A_213 = arith.constant 0 : i32
      %dma_start3A_214 = tpu.memref_slice %arg5[%add3A_212, %dma_start3A_213] : memref<80x128xi32, #tpu.memory_space<vmem>> -> memref<1x128xi32, #tpu.memory_space<vmem>>
      %dma_start3A_215 = tpu.memref_squeeze %dma_start3A_214 : memref<1x128xi32, #tpu.memory_space<vmem>> -> memref<128xi32, #tpu.memory_space<vmem>>
      %dma_start3A_216 = arith.constant 0 : i32
      %dma_start3A_217 = arith.constant 0 : i32
      %dma_start3A_218 = tpu.memref_slice %arg25[%dma_start3A_216, %dma_start3A_217] : memref<10016x16xf32, #tpu.memory_space<vmem_shared>> -> memref<10016x16xf32, #tpu.memory_space<vmem_shared>>
      tpu.enqueue_indirect_dma source(%dma_start3A_218 : memref<10016x16xf32, #tpu.memory_space<vmem_shared>>) target(%arg17 : memref<128x16xf32, #tpu.memory_space<vmem>>) offsets(%dma_start3A_215 : memref<128xi32, #tpu.memory_space<vmem>>) semaphore(%arg29 : memref<!tpu.dma_semaphore, #tpu.memory_space<semaphore_mem>>)
      %add3A_219 = arith.constant 3 : i32
      %add3A_220 = arith.addi %add3A_194, %add3A_219 : i32
      %dma_start3A_221 = arith.constant 0 : i32
      %dma_start3A_222 = tpu.memref_slice %arg5[%add3A_220, %dma_start3A_221] : memref<80x128xi32, #tpu.memory_space<vmem>> -> memref<1x128xi32, #tpu.memory_space<vmem>>
      %dma_start3A_223 = tpu.memref_squeeze %dma_start3A_222 : memref<1x128xi32, #tpu.memory_space<vmem>> -> memref<128xi32, #tpu.memory_space<vmem>>
      %dma_start3A_224 = arith.constant 0 : i32
      %dma_start3A_225 = arith.constant 0 : i32
      %dma_start3A_226 = tpu.memref_slice %arg25[%dma_start3A_224, %dma_start3A_225] : memref<10016x16xf32, #tpu.memory_space<vmem_shared>> -> memref<10016x16xf32, #tpu.memory_space<vmem_shared>>
      tpu.enqueue_indirect_dma source(%dma_start3A_226 : memref<10016x16xf32, #tpu.memory_space<vmem_shared>>) target(%arg18 : memref<128x16xf32, #tpu.memory_space<vmem>>) offsets(%dma_start3A_223 : memref<128xi32, #tpu.memory_space<vmem>>) semaphore(%arg29 : memref<!tpu.dma_semaphore, #tpu.memory_space<semaphore_mem>>)
      %add3A_227 = arith.constant 4 : i32
      %add3A_228 = arith.addi %add3A_194, %add3A_227 : i32
      %dma_start3A_229 = arith.constant 0 : i32
      %dma_start3A_230 = tpu.memref_slice %arg5[%add3A_228, %dma_start3A_229] : memref<80x128xi32, #tpu.memory_space<vmem>> -> memref<1x128xi32, #tpu.memory_space<vmem>>
      %dma_start3A_231 = tpu.memref_squeeze %dma_start3A_230 : memref<1x128xi32, #tpu.memory_space<vmem>> -> memref<128xi32, #tpu.memory_space<vmem>>
      %dma_start3A_232 = arith.constant 0 : i32
      %dma_start3A_233 = arith.constant 0 : i32
      %dma_start3A_234 = tpu.memref_slice %arg25[%dma_start3A_232, %dma_start3A_233] : memref<10016x16xf32, #tpu.memory_space<vmem_shared>> -> memref<10016x16xf32, #tpu.memory_space<vmem_shared>>
      tpu.enqueue_indirect_dma source(%dma_start3A_234 : memref<10016x16xf32, #tpu.memory_space<vmem_shared>>) target(%arg19 : memref<128x16xf32, #tpu.memory_space<vmem>>) offsets(%dma_start3A_231 : memref<128xi32, #tpu.memory_space<vmem>>) semaphore(%arg29 : memref<!tpu.dma_semaphore, #tpu.memory_space<semaphore_mem>>)
      %add3A_235 = arith.constant 5 : i32
      %add3A_236 = arith.addi %add3A_194, %add3A_235 : i32
      %dma_start3A_237 = arith.constant 0 : i32
      %dma_start3A_238 = tpu.memref_slice %arg5[%add3A_236, %dma_start3A_237] : memref<80x128xi32, #tpu.memory_space<vmem>> -> memref<1x128xi32, #tpu.memory_space<vmem>>
      %dma_start3A_239 = tpu.memref_squeeze %dma_start3A_238 : memref<1x128xi32, #tpu.memory_space<vmem>> -> memref<128xi32, #tpu.memory_space<vmem>>
      %dma_start3A_240 = arith.constant 0 : i32
      %dma_start3A_241 = arith.constant 0 : i32
      %dma_start3A_242 = tpu.memref_slice %arg25[%dma_start3A_240, %dma_start3A_241] : memref<10016x16xf32, #tpu.memory_space<vmem_shared>> -> memref<10016x16xf32, #tpu.memory_space<vmem_shared>>
      tpu.enqueue_indirect_dma source(%dma_start3A_242 : memref<10016x16xf32, #tpu.memory_space<vmem_shared>>) target(%arg20 : memref<128x16xf32, #tpu.memory_space<vmem>>) offsets(%dma_start3A_239 : memref<128xi32, #tpu.memory_space<vmem>>) semaphore(%arg29 : memref<!tpu.dma_semaphore, #tpu.memory_space<semaphore_mem>>)
      %add3A_243 = arith.constant 6 : i32
      %add3A_244 = arith.addi %add3A_194, %add3A_243 : i32
      %dma_start3A_245 = arith.constant 0 : i32
      %dma_start3A_246 = tpu.memref_slice %arg5[%add3A_244, %dma_start3A_245] : memref<80x128xi32, #tpu.memory_space<vmem>> -> memref<1x128xi32, #tpu.memory_space<vmem>>
      %dma_start3A_247 = tpu.memref_squeeze %dma_start3A_246 : memref<1x128xi32, #tpu.memory_space<vmem>> -> memref<128xi32, #tpu.memory_space<vmem>>
      %dma_start3A_248 = arith.constant 0 : i32
      %dma_start3A_249 = arith.constant 0 : i32
      %dma_start3A_250 = tpu.memref_slice %arg25[%dma_start3A_248, %dma_start3A_249] : memref<10016x16xf32, #tpu.memory_space<vmem_shared>> -> memref<10016x16xf32, #tpu.memory_space<vmem_shared>>
      tpu.enqueue_indirect_dma source(%dma_start3A_250 : memref<10016x16xf32, #tpu.memory_space<vmem_shared>>) target(%arg21 : memref<128x16xf32, #tpu.memory_space<vmem>>) offsets(%dma_start3A_247 : memref<128xi32, #tpu.memory_space<vmem>>) semaphore(%arg29 : memref<!tpu.dma_semaphore, #tpu.memory_space<semaphore_mem>>)
      %add3A_251 = arith.constant 7 : i32
      %add3A_252 = arith.addi %add3A_194, %add3A_251 : i32
      %dma_start3A_253 = arith.constant 0 : i32
      %dma_start3A_254 = tpu.memref_slice %arg5[%add3A_252, %dma_start3A_253] : memref<80x128xi32, #tpu.memory_space<vmem>> -> memref<1x128xi32, #tpu.memory_space<vmem>>
      %dma_start3A_255 = tpu.memref_squeeze %dma_start3A_254 : memref<1x128xi32, #tpu.memory_space<vmem>> -> memref<128xi32, #tpu.memory_space<vmem>>
      %dma_start3A_256 = arith.constant 0 : i32
      %dma_start3A_257 = arith.constant 0 : i32
      %dma_start3A_258 = tpu.memref_slice %arg25[%dma_start3A_256, %dma_start3A_257] : memref<10016x16xf32, #tpu.memory_space<vmem_shared>> -> memref<10016x16xf32, #tpu.memory_space<vmem_shared>>
      tpu.enqueue_indirect_dma source(%dma_start3A_258 : memref<10016x16xf32, #tpu.memory_space<vmem_shared>>) target(%arg22 : memref<128x16xf32, #tpu.memory_space<vmem>>) offsets(%dma_start3A_255 : memref<128xi32, #tpu.memory_space<vmem>>) semaphore(%arg29 : memref<!tpu.dma_semaphore, #tpu.memory_space<semaphore_mem>>)
      %dma_wait3A_259 = arith.constant 0 : i32
      %dma_wait3A_260 = arith.constant 0 : i32
      %dma_wait3A_261 = tpu.memref_slice %arg5[%dma_wait3A_259, %dma_wait3A_260] : memref<80x128xi32, #tpu.memory_space<vmem>> -> memref<1x128xi32, #tpu.memory_space<vmem>>
      %dma_wait3A_262 = tpu.memref_squeeze %dma_wait3A_261 : memref<1x128xi32, #tpu.memory_space<vmem>> -> memref<128xi32, #tpu.memory_space<vmem>>
      %dma_wait3A_263 = arith.constant 0 : i32
      %dma_wait3A_264 = arith.constant 0 : i32
      %dma_wait3A_265 = tpu.memref_slice %arg25[%dma_wait3A_263, %dma_wait3A_264] : memref<10016x16xf32, #tpu.memory_space<vmem_shared>> -> memref<10016x16xf32, #tpu.memory_space<vmem_shared>>
      tpu.wait_indirect_dma semaphore(%arg28 : memref<!tpu.dma_semaphore, #tpu.memory_space<semaphore_mem>>) src(%dma_wait3A_265 : memref<10016x16xf32, #tpu.memory_space<vmem_shared>>) dst(%arg7 : memref<128x16xf32, #tpu.memory_space<vmem>>)
      %dma_wait3A_266 = arith.constant 0 : i32
      %dma_wait3A_267 = arith.constant 0 : i32
      %dma_wait3A_268 = tpu.memref_slice %arg5[%dma_wait3A_266, %dma_wait3A_267] : memref<80x128xi32, #tpu.memory_space<vmem>> -> memref<1x128xi32, #tpu.memory_space<vmem>>
      %dma_wait3A_269 = tpu.memref_squeeze %dma_wait3A_268 : memref<1x128xi32, #tpu.memory_space<vmem>> -> memref<128xi32, #tpu.memory_space<vmem>>
      %dma_wait3A_270 = arith.constant 0 : i32
      %dma_wait3A_271 = arith.constant 0 : i32
      %dma_wait3A_272 = tpu.memref_slice %arg25[%dma_wait3A_270, %dma_wait3A_271] : memref<10016x16xf32, #tpu.memory_space<vmem_shared>> -> memref<10016x16xf32, #tpu.memory_space<vmem_shared>>
      tpu.wait_indirect_dma semaphore(%arg28 : memref<!tpu.dma_semaphore, #tpu.memory_space<semaphore_mem>>) src(%dma_wait3A_272 : memref<10016x16xf32, #tpu.memory_space<vmem_shared>>) dst(%arg8 : memref<128x16xf32, #tpu.memory_space<vmem>>)
      %dma_wait3A_273 = arith.constant 0 : i32
      %dma_wait3A_274 = arith.constant 0 : i32
      %dma_wait3A_275 = tpu.memref_slice %arg5[%dma_wait3A_273, %dma_wait3A_274] : memref<80x128xi32, #tpu.memory_space<vmem>> -> memref<1x128xi32, #tpu.memory_space<vmem>>
      %dma_wait3A_276 = tpu.memref_squeeze %dma_wait3A_275 : memref<1x128xi32, #tpu.memory_space<vmem>> -> memref<128xi32, #tpu.memory_space<vmem>>
      %dma_wait3A_277 = arith.constant 0 : i32
      %dma_wait3A_278 = arith.constant 0 : i32
      %dma_wait3A_279 = tpu.memref_slice %arg25[%dma_wait3A_277, %dma_wait3A_278] : memref<10016x16xf32, #tpu.memory_space<vmem_shared>> -> memref<10016x16xf32, #tpu.memory_space<vmem_shared>>
      tpu.wait_indirect_dma semaphore(%arg28 : memref<!tpu.dma_semaphore, #tpu.memory_space<semaphore_mem>>) src(%dma_wait3A_279 : memref<10016x16xf32, #tpu.memory_space<vmem_shared>>) dst(%arg9 : memref<128x16xf32, #tpu.memory_space<vmem>>)
      %dma_wait3A_280 = arith.constant 0 : i32
      %dma_wait3A_281 = arith.constant 0 : i32
      %dma_wait3A_282 = tpu.memref_slice %arg5[%dma_wait3A_280, %dma_wait3A_281] : memref<80x128xi32, #tpu.memory_space<vmem>> -> memref<1x128xi32, #tpu.memory_space<vmem>>
      %dma_wait3A_283 = tpu.memref_squeeze %dma_wait3A_282 : memref<1x128xi32, #tpu.memory_space<vmem>> -> memref<128xi32, #tpu.memory_space<vmem>>
      %dma_wait3A_284 = arith.constant 0 : i32
      %dma_wait3A_285 = arith.constant 0 : i32
      %dma_wait3A_286 = tpu.memref_slice %arg25[%dma_wait3A_284, %dma_wait3A_285] : memref<10016x16xf32, #tpu.memory_space<vmem_shared>> -> memref<10016x16xf32, #tpu.memory_space<vmem_shared>>
      tpu.wait_indirect_dma semaphore(%arg28 : memref<!tpu.dma_semaphore, #tpu.memory_space<semaphore_mem>>) src(%dma_wait3A_286 : memref<10016x16xf32, #tpu.memory_space<vmem_shared>>) dst(%arg10 : memref<128x16xf32, #tpu.memory_space<vmem>>)
      %dma_wait3A_287 = arith.constant 0 : i32
      %dma_wait3A_288 = arith.constant 0 : i32
      %dma_wait3A_289 = tpu.memref_slice %arg5[%dma_wait3A_287, %dma_wait3A_288] : memref<80x128xi32, #tpu.memory_space<vmem>> -> memref<1x128xi32, #tpu.memory_space<vmem>>
      %dma_wait3A_290 = tpu.memref_squeeze %dma_wait3A_289 : memref<1x128xi32, #tpu.memory_space<vmem>> -> memref<128xi32, #tpu.memory_space<vmem>>
      %dma_wait3A_291 = arith.constant 0 : i32
      %dma_wait3A_292 = arith.constant 0 : i32
      %dma_wait3A_293 = tpu.memref_slice %arg25[%dma_wait3A_291, %dma_wait3A_292] : memref<10016x16xf32, #tpu.memory_space<vmem_shared>> -> memref<10016x16xf32, #tpu.memory_space<vmem_shared>>
      tpu.wait_indirect_dma semaphore(%arg28 : memref<!tpu.dma_semaphore, #tpu.memory_space<semaphore_mem>>) src(%dma_wait3A_293 : memref<10016x16xf32, #tpu.memory_space<vmem_shared>>) dst(%arg11 : memref<128x16xf32, #tpu.memory_space<vmem>>)
      %dma_wait3A_294 = arith.constant 0 : i32
      %dma_wait3A_295 = arith.constant 0 : i32
      %dma_wait3A_296 = tpu.memref_slice %arg5[%dma_wait3A_294, %dma_wait3A_295] : memref<80x128xi32, #tpu.memory_space<vmem>> -> memref<1x128xi32, #tpu.memory_space<vmem>>
      %dma_wait3A_297 = tpu.memref_squeeze %dma_wait3A_296 : memref<1x128xi32, #tpu.memory_space<vmem>> -> memref<128xi32, #tpu.memory_space<vmem>>
      %dma_wait3A_298 = arith.constant 0 : i32
      %dma_wait3A_299 = arith.constant 0 : i32
      %dma_wait3A_300 = tpu.memref_slice %arg25[%dma_wait3A_298, %dma_wait3A_299] : memref<10016x16xf32, #tpu.memory_space<vmem_shared>> -> memref<10016x16xf32, #tpu.memory_space<vmem_shared>>
      tpu.wait_indirect_dma semaphore(%arg28 : memref<!tpu.dma_semaphore, #tpu.memory_space<semaphore_mem>>) src(%dma_wait3A_300 : memref<10016x16xf32, #tpu.memory_space<vmem_shared>>) dst(%arg12 : memref<128x16xf32, #tpu.memory_space<vmem>>)
      %dma_wait3A_301 = arith.constant 0 : i32
      %dma_wait3A_302 = arith.constant 0 : i32
      %dma_wait3A_303 = tpu.memref_slice %arg5[%dma_wait3A_301, %dma_wait3A_302] : memref<80x128xi32, #tpu.memory_space<vmem>> -> memref<1x128xi32, #tpu.memory_space<vmem>>
      %dma_wait3A_304 = tpu.memref_squeeze %dma_wait3A_303 : memref<1x128xi32, #tpu.memory_space<vmem>> -> memref<128xi32, #tpu.memory_space<vmem>>
      %dma_wait3A_305 = arith.constant 0 : i32
      %dma_wait3A_306 = arith.constant 0 : i32
      %dma_wait3A_307 = tpu.memref_slice %arg25[%dma_wait3A_305, %dma_wait3A_306] : memref<10016x16xf32, #tpu.memory_space<vmem_shared>> -> memref<10016x16xf32, #tpu.memory_space<vmem_shared>>
      tpu.wait_indirect_dma semaphore(%arg28 : memref<!tpu.dma_semaphore, #tpu.memory_space<semaphore_mem>>) src(%dma_wait3A_307 : memref<10016x16xf32, #tpu.memory_space<vmem_shared>>) dst(%arg13 : memref<128x16xf32, #tpu.memory_space<vmem>>)
      %dma_wait3A_308 = arith.constant 0 : i32
      %dma_wait3A_309 = arith.constant 0 : i32
      %dma_wait3A_310 = tpu.memref_slice %arg5[%dma_wait3A_308, %dma_wait3A_309] : memref<80x128xi32, #tpu.memory_space<vmem>> -> memref<1x128xi32, #tpu.memory_space<vmem>>
      %dma_wait3A_311 = tpu.memref_squeeze %dma_wait3A_310 : memref<1x128xi32, #tpu.memory_space<vmem>> -> memref<128xi32, #tpu.memory_space<vmem>>
      %dma_wait3A_312 = arith.constant 0 : i32
      %dma_wait3A_313 = arith.constant 0 : i32
      %dma_wait3A_314 = tpu.memref_slice %arg25[%dma_wait3A_312, %dma_wait3A_313] : memref<10016x16xf32, #tpu.memory_space<vmem_shared>> -> memref<10016x16xf32, #tpu.memory_space<vmem_shared>>
      tpu.wait_indirect_dma semaphore(%arg28 : memref<!tpu.dma_semaphore, #tpu.memory_space<semaphore_mem>>) src(%dma_wait3A_314 : memref<10016x16xf32, #tpu.memory_space<vmem_shared>>) dst(%arg14 : memref<128x16xf32, #tpu.memory_space<vmem>>)
      %add3A_315 = arith.constant 0 : i32
      %add3A_316 = arith.addi %mul3A_190, %add3A_315 : i32
      %dma_start3A_317 = arith.constant 0 : i32
      %dma_start3A_318 = tpu.memref_slice %arg6[%add3A_316, %dma_start3A_317] : memref<80x128xi32, #tpu.memory_space<vmem>> -> memref<1x128xi32, #tpu.memory_space<vmem>>
      %dma_start3A_319 = tpu.memref_squeeze %dma_start3A_318 : memref<1x128xi32, #tpu.memory_space<vmem>> -> memref<128xi32, #tpu.memory_space<vmem>>
      %dma_start3A_320 = arith.constant 0 : i32
      %dma_start3A_321 = arith.constant 0 : i32
      %dma_start3A_322 = tpu.memref_slice %arg26[%dma_start3A_320, %dma_start3A_321] : memref<10240x16xf32, #tpu.memory_space<vmem_shared>> -> memref<10240x16xf32, #tpu.memory_space<vmem_shared>>
      tpu.enqueue_indirect_dma source(%arg7 : memref<128x16xf32, #tpu.memory_space<vmem>>) target(%dma_start3A_322 : memref<10240x16xf32, #tpu.memory_space<vmem_shared>>) offsets(%dma_start3A_319 : memref<128xi32, #tpu.memory_space<vmem>>) semaphore(%arg30 : memref<!tpu.dma_semaphore, #tpu.memory_space<semaphore_mem>>) {add = true}
      %add3A_323 = arith.constant 1 : i32
      %add3A_324 = arith.addi %mul3A_190, %add3A_323 : i32
      %dma_start3A_325 = arith.constant 0 : i32
      %dma_start3A_326 = tpu.memref_slice %arg6[%add3A_324, %dma_start3A_325] : memref<80x128xi32, #tpu.memory_space<vmem>> -> memref<1x128xi32, #tpu.memory_space<vmem>>
      %dma_start3A_327 = tpu.memref_squeeze %dma_start3A_326 : memref<1x128xi32, #tpu.memory_space<vmem>> -> memref<128xi32, #tpu.memory_space<vmem>>
      %dma_start3A_328 = arith.constant 0 : i32
      %dma_start3A_329 = arith.constant 0 : i32
      %dma_start3A_330 = tpu.memref_slice %arg26[%dma_start3A_328, %dma_start3A_329] : memref<10240x16xf32, #tpu.memory_space<vmem_shared>> -> memref<10240x16xf32, #tpu.memory_space<vmem_shared>>
      tpu.enqueue_indirect_dma source(%arg8 : memref<128x16xf32, #tpu.memory_space<vmem>>) target(%dma_start3A_330 : memref<10240x16xf32, #tpu.memory_space<vmem_shared>>) offsets(%dma_start3A_327 : memref<128xi32, #tpu.memory_space<vmem>>) semaphore(%arg30 : memref<!tpu.dma_semaphore, #tpu.memory_space<semaphore_mem>>) {add = true}
      %add3A_331 = arith.constant 2 : i32
      %add3A_332 = arith.addi %mul3A_190, %add3A_331 : i32
      %dma_start3A_333 = arith.constant 0 : i32
      %dma_start3A_334 = tpu.memref_slice %arg6[%add3A_332, %dma_start3A_333] : memref<80x128xi32, #tpu.memory_space<vmem>> -> memref<1x128xi32, #tpu.memory_space<vmem>>
      %dma_start3A_335 = tpu.memref_squeeze %dma_start3A_334 : memref<1x128xi32, #tpu.memory_space<vmem>> -> memref<128xi32, #tpu.memory_space<vmem>>
      %dma_start3A_336 = arith.constant 0 : i32
      %dma_start3A_337 = arith.constant 0 : i32
      %dma_start3A_338 = tpu.memref_slice %arg26[%dma_start3A_336, %dma_start3A_337] : memref<10240x16xf32, #tpu.memory_space<vmem_shared>> -> memref<10240x16xf32, #tpu.memory_space<vmem_shared>>
      tpu.enqueue_indirect_dma source(%arg9 : memref<128x16xf32, #tpu.memory_space<vmem>>) target(%dma_start3A_338 : memref<10240x16xf32, #tpu.memory_space<vmem_shared>>) offsets(%dma_start3A_335 : memref<128xi32, #tpu.memory_space<vmem>>) semaphore(%arg30 : memref<!tpu.dma_semaphore, #tpu.memory_space<semaphore_mem>>) {add = true}
      %add3A_339 = arith.constant 3 : i32
      %add3A_340 = arith.addi %mul3A_190, %add3A_339 : i32
      %dma_start3A_341 = arith.constant 0 : i32
      %dma_start3A_342 = tpu.memref_slice %arg6[%add3A_340, %dma_start3A_341] : memref<80x128xi32, #tpu.memory_space<vmem>> -> memref<1x128xi32, #tpu.memory_space<vmem>>
      %dma_start3A_343 = tpu.memref_squeeze %dma_start3A_342 : memref<1x128xi32, #tpu.memory_space<vmem>> -> memref<128xi32, #tpu.memory_space<vmem>>
      %dma_start3A_344 = arith.constant 0 : i32
      %dma_start3A_345 = arith.constant 0 : i32
      %dma_start3A_346 = tpu.memref_slice %arg26[%dma_start3A_344, %dma_start3A_345] : memref<10240x16xf32, #tpu.memory_space<vmem_shared>> -> memref<10240x16xf32, #tpu.memory_space<vmem_shared>>
      tpu.enqueue_indirect_dma source(%arg10 : memref<128x16xf32, #tpu.memory_space<vmem>>) target(%dma_start3A_346 : memref<10240x16xf32, #tpu.memory_space<vmem_shared>>) offsets(%dma_start3A_343 : memref<128xi32, #tpu.memory_space<vmem>>) semaphore(%arg30 : memref<!tpu.dma_semaphore, #tpu.memory_space<semaphore_mem>>) {add = true}
      %add3A_347 = arith.constant 4 : i32
      %add3A_348 = arith.addi %mul3A_190, %add3A_347 : i32
      %dma_start3A_349 = arith.constant 0 : i32
      %dma_start3A_350 = tpu.memref_slice %arg6[%add3A_348, %dma_start3A_349] : memref<80x128xi32, #tpu.memory_space<vmem>> -> memref<1x128xi32, #tpu.memory_space<vmem>>
      %dma_start3A_351 = tpu.memref_squeeze %dma_start3A_350 : memref<1x128xi32, #tpu.memory_space<vmem>> -> memref<128xi32, #tpu.memory_space<vmem>>
      %dma_start3A_352 = arith.constant 0 : i32
      %dma_start3A_353 = arith.constant 0 : i32
      %dma_start3A_354 = tpu.memref_slice %arg26[%dma_start3A_352, %dma_start3A_353] : memref<10240x16xf32, #tpu.memory_space<vmem_shared>> -> memref<10240x16xf32, #tpu.memory_space<vmem_shared>>
      tpu.enqueue_indirect_dma source(%arg11 : memref<128x16xf32, #tpu.memory_space<vmem>>) target(%dma_start3A_354 : memref<10240x16xf32, #tpu.memory_space<vmem_shared>>) offsets(%dma_start3A_351 : memref<128xi32, #tpu.memory_space<vmem>>) semaphore(%arg30 : memref<!tpu.dma_semaphore, #tpu.memory_space<semaphore_mem>>) {add = true}
      %add3A_355 = arith.constant 5 : i32
      %add3A_356 = arith.addi %mul3A_190, %add3A_355 : i32
      %dma_start3A_357 = arith.constant 0 : i32
      %dma_start3A_358 = tpu.memref_slice %arg6[%add3A_356, %dma_start3A_357] : memref<80x128xi32, #tpu.memory_space<vmem>> -> memref<1x128xi32, #tpu.memory_space<vmem>>
      %dma_start3A_359 = tpu.memref_squeeze %dma_start3A_358 : memref<1x128xi32, #tpu.memory_space<vmem>> -> memref<128xi32, #tpu.memory_space<vmem>>
      %dma_start3A_360 = arith.constant 0 : i32
      %dma_start3A_361 = arith.constant 0 : i32
      %dma_start3A_362 = tpu.memref_slice %arg26[%dma_start3A_360, %dma_start3A_361] : memref<10240x16xf32, #tpu.memory_space<vmem_shared>> -> memref<10240x16xf32, #tpu.memory_space<vmem_shared>>
      tpu.enqueue_indirect_dma source(%arg12 : memref<128x16xf32, #tpu.memory_space<vmem>>) target(%dma_start3A_362 : memref<10240x16xf32, #tpu.memory_space<vmem_shared>>) offsets(%dma_start3A_359 : memref<128xi32, #tpu.memory_space<vmem>>) semaphore(%arg30 : memref<!tpu.dma_semaphore, #tpu.memory_space<semaphore_mem>>) {add = true}
      %add3A_363 = arith.constant 6 : i32
      %add3A_364 = arith.addi %mul3A_190, %add3A_363 : i32
      %dma_start3A_365 = arith.constant 0 : i32
      %dma_start3A_366 = tpu.memref_slice %arg6[%add3A_364, %dma_start3A_365] : memref<80x128xi32, #tpu.memory_space<vmem>> -> memref<1x128xi32, #tpu.memory_space<vmem>>
      %dma_start3A_367 = tpu.memref_squeeze %dma_start3A_366 : memref<1x128xi32, #tpu.memory_space<vmem>> -> memref<128xi32, #tpu.memory_space<vmem>>
      %dma_start3A_368 = arith.constant 0 : i32
      %dma_start3A_369 = arith.constant 0 : i32
      %dma_start3A_370 = tpu.memref_slice %arg26[%dma_start3A_368, %dma_start3A_369] : memref<10240x16xf32, #tpu.memory_space<vmem_shared>> -> memref<10240x16xf32, #tpu.memory_space<vmem_shared>>
      tpu.enqueue_indirect_dma source(%arg13 : memref<128x16xf32, #tpu.memory_space<vmem>>) target(%dma_start3A_370 : memref<10240x16xf32, #tpu.memory_space<vmem_shared>>) offsets(%dma_start3A_367 : memref<128xi32, #tpu.memory_space<vmem>>) semaphore(%arg30 : memref<!tpu.dma_semaphore, #tpu.memory_space<semaphore_mem>>) {add = true}
      %add3A_371 = arith.constant 7 : i32
      %add3A_372 = arith.addi %mul3A_190, %add3A_371 : i32
      %dma_start3A_373 = arith.constant 0 : i32
      %dma_start3A_374 = tpu.memref_slice %arg6[%add3A_372, %dma_start3A_373] : memref<80x128xi32, #tpu.memory_space<vmem>> -> memref<1x128xi32, #tpu.memory_space<vmem>>
      %dma_start3A_375 = tpu.memref_squeeze %dma_start3A_374 : memref<1x128xi32, #tpu.memory_space<vmem>> -> memref<128xi32, #tpu.memory_space<vmem>>
      %dma_start3A_376 = arith.constant 0 : i32
      %dma_start3A_377 = arith.constant 0 : i32
      %dma_start3A_378 = tpu.memref_slice %arg26[%dma_start3A_376, %dma_start3A_377] : memref<10240x16xf32, #tpu.memory_space<vmem_shared>> -> memref<10240x16xf32, #tpu.memory_space<vmem_shared>>
      tpu.enqueue_indirect_dma source(%arg14 : memref<128x16xf32, #tpu.memory_space<vmem>>) target(%dma_start3A_378 : memref<10240x16xf32, #tpu.memory_space<vmem_shared>>) offsets(%dma_start3A_375 : memref<128xi32, #tpu.memory_space<vmem>>) semaphore(%arg30 : memref<!tpu.dma_semaphore, #tpu.memory_space<semaphore_mem>>) {add = true}
      %dma_wait3A_379 = arith.constant 0 : i32
      %dma_wait3A_380 = arith.constant 0 : i32
      %dma_wait3A_381 = tpu.memref_slice %arg6[%dma_wait3A_379, %dma_wait3A_380] : memref<80x128xi32, #tpu.memory_space<vmem>> -> memref<1x128xi32, #tpu.memory_space<vmem>>
      %dma_wait3A_382 = tpu.memref_squeeze %dma_wait3A_381 : memref<1x128xi32, #tpu.memory_space<vmem>> -> memref<128xi32, #tpu.memory_space<vmem>>
      %dma_wait3A_383 = arith.constant 0 : i32
      %dma_wait3A_384 = arith.constant 0 : i32
      %dma_wait3A_385 = tpu.memref_slice %arg26[%dma_wait3A_383, %dma_wait3A_384] : memref<10240x16xf32, #tpu.memory_space<vmem_shared>> -> memref<10240x16xf32, #tpu.memory_space<vmem_shared>>
      tpu.wait_indirect_dma semaphore(%arg30 : memref<!tpu.dma_semaphore, #tpu.memory_space<semaphore_mem>>) src(%arg7 : memref<128x16xf32, #tpu.memory_space<vmem>>) dst(%dma_wait3A_385 : memref<10240x16xf32, #tpu.memory_space<vmem_shared>>)
      %dma_wait3A_386 = arith.constant 0 : i32
      %dma_wait3A_387 = arith.constant 0 : i32
      %dma_wait3A_388 = tpu.memref_slice %arg6[%dma_wait3A_386, %dma_wait3A_387] : memref<80x128xi32, #tpu.memory_space<vmem>> -> memref<1x128xi32, #tpu.memory_space<vmem>>
      %dma_wait3A_389 = tpu.memref_squeeze %dma_wait3A_388 : memref<1x128xi32, #tpu.memory_space<vmem>> -> memref<128xi32, #tpu.memory_space<vmem>>
      %dma_wait3A_390 = arith.constant 0 : i32
      %dma_wait3A_391 = arith.constant 0 : i32
      %dma_wait3A_392 = tpu.memref_slice %arg26[%dma_wait3A_390, %dma_wait3A_391] : memref<10240x16xf32, #tpu.memory_space<vmem_shared>> -> memref<10240x16xf32, #tpu.memory_space<vmem_shared>>
      tpu.wait_indirect_dma semaphore(%arg30 : memref<!tpu.dma_semaphore, #tpu.memory_space<semaphore_mem>>) src(%arg8 : memref<128x16xf32, #tpu.memory_space<vmem>>) dst(%dma_wait3A_392 : memref<10240x16xf32, #tpu.memory_space<vmem_shared>>)
      %dma_wait3A_393 = arith.constant 0 : i32
      %dma_wait3A_394 = arith.constant 0 : i32
      %dma_wait3A_395 = tpu.memref_slice %arg6[%dma_wait3A_393, %dma_wait3A_394] : memref<80x128xi32, #tpu.memory_space<vmem>> -> memref<1x128xi32, #tpu.memory_space<vmem>>
      %dma_wait3A_396 = tpu.memref_squeeze %dma_wait3A_395 : memref<1x128xi32, #tpu.memory_space<vmem>> -> memref<128xi32, #tpu.memory_space<vmem>>
      %dma_wait3A_397 = arith.constant 0 : i32
      %dma_wait3A_398 = arith.constant 0 : i32
      %dma_wait3A_399 = tpu.memref_slice %arg26[%dma_wait3A_397, %dma_wait3A_398] : memref<10240x16xf32, #tpu.memory_space<vmem_shared>> -> memref<10240x16xf32, #tpu.memory_space<vmem_shared>>
      tpu.wait_indirect_dma semaphore(%arg30 : memref<!tpu.dma_semaphore, #tpu.memory_space<semaphore_mem>>) src(%arg9 : memref<128x16xf32, #tpu.memory_space<vmem>>) dst(%dma_wait3A_399 : memref<10240x16xf32, #tpu.memory_space<vmem_shared>>)
      %dma_wait3A_400 = arith.constant 0 : i32
      %dma_wait3A_401 = arith.constant 0 : i32
      %dma_wait3A_402 = tpu.memref_slice %arg6[%dma_wait3A_400, %dma_wait3A_401] : memref<80x128xi32, #tpu.memory_space<vmem>> -> memref<1x128xi32, #tpu.memory_space<vmem>>
      %dma_wait3A_403 = tpu.memref_squeeze %dma_wait3A_402 : memref<1x128xi32, #tpu.memory_space<vmem>> -> memref<128xi32, #tpu.memory_space<vmem>>
      %dma_wait3A_404 = arith.constant 0 : i32
      %dma_wait3A_405 = arith.constant 0 : i32
      %dma_wait3A_406 = tpu.memref_slice %arg26[%dma_wait3A_404, %dma_wait3A_405] : memref<10240x16xf32, #tpu.memory_space<vmem_shared>> -> memref<10240x16xf32, #tpu.memory_space<vmem_shared>>
      tpu.wait_indirect_dma semaphore(%arg30 : memref<!tpu.dma_semaphore, #tpu.memory_space<semaphore_mem>>) src(%arg10 : memref<128x16xf32, #tpu.memory_space<vmem>>) dst(%dma_wait3A_406 : memref<10240x16xf32, #tpu.memory_space<vmem_shared>>)
      %dma_wait3A_407 = arith.constant 0 : i32
      %dma_wait3A_408 = arith.constant 0 : i32
      %dma_wait3A_409 = tpu.memref_slice %arg6[%dma_wait3A_407, %dma_wait3A_408] : memref<80x128xi32, #tpu.memory_space<vmem>> -> memref<1x128xi32, #tpu.memory_space<vmem>>
      %dma_wait3A_410 = tpu.memref_squeeze %dma_wait3A_409 : memref<1x128xi32, #tpu.memory_space<vmem>> -> memref<128xi32, #tpu.memory_space<vmem>>
      %dma_wait3A_411 = arith.constant 0 : i32
      %dma_wait3A_412 = arith.constant 0 : i32
      %dma_wait3A_413 = tpu.memref_slice %arg26[%dma_wait3A_411, %dma_wait3A_412] : memref<10240x16xf32, #tpu.memory_space<vmem_shared>> -> memref<10240x16xf32, #tpu.memory_space<vmem_shared>>
      tpu.wait_indirect_dma semaphore(%arg30 : memref<!tpu.dma_semaphore, #tpu.memory_space<semaphore_mem>>) src(%arg11 : memref<128x16xf32, #tpu.memory_space<vmem>>) dst(%dma_wait3A_413 : memref<10240x16xf32, #tpu.memory_space<vmem_shared>>)
      %dma_wait3A_414 = arith.constant 0 : i32
      %dma_wait3A_415 = arith.constant 0 : i32
      %dma_wait3A_416 = tpu.memref_slice %arg6[%dma_wait3A_414, %dma_wait3A_415] : memref<80x128xi32, #tpu.memory_space<vmem>> -> memref<1x128xi32, #tpu.memory_space<vmem>>
      %dma_wait3A_417 = tpu.memref_squeeze %dma_wait3A_416 : memref<1x128xi32, #tpu.memory_space<vmem>> -> memref<128xi32, #tpu.memory_space<vmem>>
      %dma_wait3A_418 = arith.constant 0 : i32
      %dma_wait3A_419 = arith.constant 0 : i32
      %dma_wait3A_420 = tpu.memref_slice %arg26[%dma_wait3A_418, %dma_wait3A_419] : memref<10240x16xf32, #tpu.memory_space<vmem_shared>> -> memref<10240x16xf32, #tpu.memory_space<vmem_shared>>
      tpu.wait_indirect_dma semaphore(%arg30 : memref<!tpu.dma_semaphore, #tpu.memory_space<semaphore_mem>>) src(%arg12 : memref<128x16xf32, #tpu.memory_space<vmem>>) dst(%dma_wait3A_420 : memref<10240x16xf32, #tpu.memory_space<vmem_shared>>)
      %dma_wait3A_421 = arith.constant 0 : i32
      %dma_wait3A_422 = arith.constant 0 : i32
      %dma_wait3A_423 = tpu.memref_slice %arg6[%dma_wait3A_421, %dma_wait3A_422] : memref<80x128xi32, #tpu.memory_space<vmem>> -> memref<1x128xi32, #tpu.memory_space<vmem>>
      %dma_wait3A_424 = tpu.memref_squeeze %dma_wait3A_423 : memref<1x128xi32, #tpu.memory_space<vmem>> -> memref<128xi32, #tpu.memory_space<vmem>>
      %dma_wait3A_425 = arith.constant 0 : i32
      %dma_wait3A_426 = arith.constant 0 : i32
      %dma_wait3A_427 = tpu.memref_slice %arg26[%dma_wait3A_425, %dma_wait3A_426] : memref<10240x16xf32, #tpu.memory_space<vmem_shared>> -> memref<10240x16xf32, #tpu.memory_space<vmem_shared>>
      tpu.wait_indirect_dma semaphore(%arg30 : memref<!tpu.dma_semaphore, #tpu.memory_space<semaphore_mem>>) src(%arg13 : memref<128x16xf32, #tpu.memory_space<vmem>>) dst(%dma_wait3A_427 : memref<10240x16xf32, #tpu.memory_space<vmem_shared>>)
      %dma_wait3A_428 = arith.constant 0 : i32
      %dma_wait3A_429 = arith.constant 0 : i32
      %dma_wait3A_430 = tpu.memref_slice %arg6[%dma_wait3A_428, %dma_wait3A_429] : memref<80x128xi32, #tpu.memory_space<vmem>> -> memref<1x128xi32, #tpu.memory_space<vmem>>
      %dma_wait3A_431 = tpu.memref_squeeze %dma_wait3A_430 : memref<1x128xi32, #tpu.memory_space<vmem>> -> memref<128xi32, #tpu.memory_space<vmem>>
      %dma_wait3A_432 = arith.constant 0 : i32
      %dma_wait3A_433 = arith.constant 0 : i32
      %dma_wait3A_434 = tpu.memref_slice %arg26[%dma_wait3A_432, %dma_wait3A_433] : memref<10240x16xf32, #tpu.memory_space<vmem_shared>> -> memref<10240x16xf32, #tpu.memory_space<vmem_shared>>
      tpu.wait_indirect_dma semaphore(%arg30 : memref<!tpu.dma_semaphore, #tpu.memory_space<semaphore_mem>>) src(%arg14 : memref<128x16xf32, #tpu.memory_space<vmem>>) dst(%dma_wait3A_434 : memref<10240x16xf32, #tpu.memory_space<vmem_shared>>)
      %lt3A = arith.constant 4 : i32
      %lt3A_435 = arith.cmpi slt, %scan3A_188, %lt3A : i32
      %convert_element_type3A_436 = arith.extui %lt3A_435 : i1 to i32
      %cond3A_437 = arith.constant 0 : i32
      %cond3A_438 = arith.cmpi ne, %convert_element_type3A_436, %cond3A_437 : i32
      scf.if %cond3A_438 {
        %add3A_561 = arith.constant 16 : i32
        %add3A_562 = arith.addi %mul3A_190, %add3A_561 : i32
        %add3A_563 = arith.constant 0 : i32
        %add3A_564 = arith.addi %add3A_562, %add3A_563 : i32
        %dma_start3A_565 = arith.constant 0 : i32
        %dma_start3A_566 = tpu.memref_slice %arg5[%add3A_564, %dma_start3A_565] : memref<80x128xi32, #tpu.memory_space<vmem>> -> memref<1x128xi32, #tpu.memory_space<vmem>>
        %dma_start3A_567 = tpu.memref_squeeze %dma_start3A_566 : memref<1x128xi32, #tpu.memory_space<vmem>> -> memref<128xi32, #tpu.memory_space<vmem>>
        %dma_start3A_568 = arith.constant 0 : i32
        %dma_start3A_569 = arith.constant 0 : i32
        %dma_start3A_570 = tpu.memref_slice %arg25[%dma_start3A_568, %dma_start3A_569] : memref<10016x16xf32, #tpu.memory_space<vmem_shared>> -> memref<10016x16xf32, #tpu.memory_space<vmem_shared>>
        tpu.enqueue_indirect_dma source(%dma_start3A_570 : memref<10016x16xf32, #tpu.memory_space<vmem_shared>>) target(%arg7 : memref<128x16xf32, #tpu.memory_space<vmem>>) offsets(%dma_start3A_567 : memref<128xi32, #tpu.memory_space<vmem>>) semaphore(%arg28 : memref<!tpu.dma_semaphore, #tpu.memory_space<semaphore_mem>>)
        %add3A_571 = arith.constant 1 : i32
        %add3A_572 = arith.addi %add3A_562, %add3A_571 : i32
        %dma_start3A_573 = arith.constant 0 : i32
        %dma_start3A_574 = tpu.memref_slice %arg5[%add3A_572, %dma_start3A_573] : memref<80x128xi32, #tpu.memory_space<vmem>> -> memref<1x128xi32, #tpu.memory_space<vmem>>
        %dma_start3A_575 = tpu.memref_squeeze %dma_start3A_574 : memref<1x128xi32, #tpu.memory_space<vmem>> -> memref<128xi32, #tpu.memory_space<vmem>>
        %dma_start3A_576 = arith.constant 0 : i32
        %dma_start3A_577 = arith.constant 0 : i32
        %dma_start3A_578 = tpu.memref_slice %arg25[%dma_start3A_576, %dma_start3A_577] : memref<10016x16xf32, #tpu.memory_space<vmem_shared>> -> memref<10016x16xf32, #tpu.memory_space<vmem_shared>>
        tpu.enqueue_indirect_dma source(%dma_start3A_578 : memref<10016x16xf32, #tpu.memory_space<vmem_shared>>) target(%arg8 : memref<128x16xf32, #tpu.memory_space<vmem>>) offsets(%dma_start3A_575 : memref<128xi32, #tpu.memory_space<vmem>>) semaphore(%arg28 : memref<!tpu.dma_semaphore, #tpu.memory_space<semaphore_mem>>)
        %add3A_579 = arith.constant 2 : i32
        %add3A_580 = arith.addi %add3A_562, %add3A_579 : i32
        %dma_start3A_581 = arith.constant 0 : i32
        %dma_start3A_582 = tpu.memref_slice %arg5[%add3A_580, %dma_start3A_581] : memref<80x128xi32, #tpu.memory_space<vmem>> -> memref<1x128xi32, #tpu.memory_space<vmem>>
        %dma_start3A_583 = tpu.memref_squeeze %dma_start3A_582 : memref<1x128xi32, #tpu.memory_space<vmem>> -> memref<128xi32, #tpu.memory_space<vmem>>
        %dma_start3A_584 = arith.constant 0 : i32
        %dma_start3A_585 = arith.constant 0 : i32
        %dma_start3A_586 = tpu.memref_slice %arg25[%dma_start3A_584, %dma_start3A_585] : memref<10016x16xf32, #tpu.memory_space<vmem_shared>> -> memref<10016x16xf32, #tpu.memory_space<vmem_shared>>
        tpu.enqueue_indirect_dma source(%dma_start3A_586 : memref<10016x16xf32, #tpu.memory_space<vmem_shared>>) target(%arg9 : memref<128x16xf32, #tpu.memory_space<vmem>>) offsets(%dma_start3A_583 : memref<128xi32, #tpu.memory_space<vmem>>) semaphore(%arg28 : memref<!tpu.dma_semaphore, #tpu.memory_space<semaphore_mem>>)
        %add3A_587 = arith.constant 3 : i32
        %add3A_588 = arith.addi %add3A_562, %add3A_587 : i32
        %dma_start3A_589 = arith.constant 0 : i32
        %dma_start3A_590 = tpu.memref_slice %arg5[%add3A_588, %dma_start3A_589] : memref<80x128xi32, #tpu.memory_space<vmem>> -> memref<1x128xi32, #tpu.memory_space<vmem>>
        %dma_start3A_591 = tpu.memref_squeeze %dma_start3A_590 : memref<1x128xi32, #tpu.memory_space<vmem>> -> memref<128xi32, #tpu.memory_space<vmem>>
        %dma_start3A_592 = arith.constant 0 : i32
        %dma_start3A_593 = arith.constant 0 : i32
        %dma_start3A_594 = tpu.memref_slice %arg25[%dma_start3A_592, %dma_start3A_593] : memref<10016x16xf32, #tpu.memory_space<vmem_shared>> -> memref<10016x16xf32, #tpu.memory_space<vmem_shared>>
        tpu.enqueue_indirect_dma source(%dma_start3A_594 : memref<10016x16xf32, #tpu.memory_space<vmem_shared>>) target(%arg10 : memref<128x16xf32, #tpu.memory_space<vmem>>) offsets(%dma_start3A_591 : memref<128xi32, #tpu.memory_space<vmem>>) semaphore(%arg28 : memref<!tpu.dma_semaphore, #tpu.memory_space<semaphore_mem>>)
        %add3A_595 = arith.constant 4 : i32
        %add3A_596 = arith.addi %add3A_562, %add3A_595 : i32
        %dma_start3A_597 = arith.constant 0 : i32
        %dma_start3A_598 = tpu.memref_slice %arg5[%add3A_596, %dma_start3A_597] : memref<80x128xi32, #tpu.memory_space<vmem>> -> memref<1x128xi32, #tpu.memory_space<vmem>>
        %dma_start3A_599 = tpu.memref_squeeze %dma_start3A_598 : memref<1x128xi32, #tpu.memory_space<vmem>> -> memref<128xi32, #tpu.memory_space<vmem>>
        %dma_start3A_600 = arith.constant 0 : i32
        %dma_start3A_601 = arith.constant 0 : i32
        %dma_start3A_602 = tpu.memref_slice %arg25[%dma_start3A_600, %dma_start3A_601] : memref<10016x16xf32, #tpu.memory_space<vmem_shared>> -> memref<10016x16xf32, #tpu.memory_space<vmem_shared>>
        tpu.enqueue_indirect_dma source(%dma_start3A_602 : memref<10016x16xf32, #tpu.memory_space<vmem_shared>>) target(%arg11 : memref<128x16xf32, #tpu.memory_space<vmem>>) offsets(%dma_start3A_599 : memref<128xi32, #tpu.memory_space<vmem>>) semaphore(%arg28 : memref<!tpu.dma_semaphore, #tpu.memory_space<semaphore_mem>>)
        %add3A_603 = arith.constant 5 : i32
        %add3A_604 = arith.addi %add3A_562, %add3A_603 : i32
        %dma_start3A_605 = arith.constant 0 : i32
        %dma_start3A_606 = tpu.memref_slice %arg5[%add3A_604, %dma_start3A_605] : memref<80x128xi32, #tpu.memory_space<vmem>> -> memref<1x128xi32, #tpu.memory_space<vmem>>
        %dma_start3A_607 = tpu.memref_squeeze %dma_start3A_606 : memref<1x128xi32, #tpu.memory_space<vmem>> -> memref<128xi32, #tpu.memory_space<vmem>>
        %dma_start3A_608 = arith.constant 0 : i32
        %dma_start3A_609 = arith.constant 0 : i32
        %dma_start3A_610 = tpu.memref_slice %arg25[%dma_start3A_608, %dma_start3A_609] : memref<10016x16xf32, #tpu.memory_space<vmem_shared>> -> memref<10016x16xf32, #tpu.memory_space<vmem_shared>>
        tpu.enqueue_indirect_dma source(%dma_start3A_610 : memref<10016x16xf32, #tpu.memory_space<vmem_shared>>) target(%arg12 : memref<128x16xf32, #tpu.memory_space<vmem>>) offsets(%dma_start3A_607 : memref<128xi32, #tpu.memory_space<vmem>>) semaphore(%arg28 : memref<!tpu.dma_semaphore, #tpu.memory_space<semaphore_mem>>)
        %add3A_611 = arith.constant 6 : i32
        %add3A_612 = arith.addi %add3A_562, %add3A_611 : i32
        %dma_start3A_613 = arith.constant 0 : i32
        %dma_start3A_614 = tpu.memref_slice %arg5[%add3A_612, %dma_start3A_613] : memref<80x128xi32, #tpu.memory_space<vmem>> -> memref<1x128xi32, #tpu.memory_space<vmem>>
        %dma_start3A_615 = tpu.memref_squeeze %dma_start3A_614 : memref<1x128xi32, #tpu.memory_space<vmem>> -> memref<128xi32, #tpu.memory_space<vmem>>
        %dma_start3A_616 = arith.constant 0 : i32
        %dma_start3A_617 = arith.constant 0 : i32
        %dma_start3A_618 = tpu.memref_slice %arg25[%dma_start3A_616, %dma_start3A_617] : memref<10016x16xf32, #tpu.memory_space<vmem_shared>> -> memref<10016x16xf32, #tpu.memory_space<vmem_shared>>
        tpu.enqueue_indirect_dma source(%dma_start3A_618 : memref<10016x16xf32, #tpu.memory_space<vmem_shared>>) target(%arg13 : memref<128x16xf32, #tpu.memory_space<vmem>>) offsets(%dma_start3A_615 : memref<128xi32, #tpu.memory_space<vmem>>) semaphore(%arg28 : memref<!tpu.dma_semaphore, #tpu.memory_space<semaphore_mem>>)
        %add3A_619 = arith.constant 7 : i32
        %add3A_620 = arith.addi %add3A_562, %add3A_619 : i32
        %dma_start3A_621 = arith.constant 0 : i32
        %dma_start3A_622 = tpu.memref_slice %arg5[%add3A_620, %dma_start3A_621] : memref<80x128xi32, #tpu.memory_space<vmem>> -> memref<1x128xi32, #tpu.memory_space<vmem>>
        %dma_start3A_623 = tpu.memref_squeeze %dma_start3A_622 : memref<1x128xi32, #tpu.memory_space<vmem>> -> memref<128xi32, #tpu.memory_space<vmem>>
        %dma_start3A_624 = arith.constant 0 : i32
        %dma_start3A_625 = arith.constant 0 : i32
        %dma_start3A_626 = tpu.memref_slice %arg25[%dma_start3A_624, %dma_start3A_625] : memref<10016x16xf32, #tpu.memory_space<vmem_shared>> -> memref<10016x16xf32, #tpu.memory_space<vmem_shared>>
        tpu.enqueue_indirect_dma source(%dma_start3A_626 : memref<10016x16xf32, #tpu.memory_space<vmem_shared>>) target(%arg14 : memref<128x16xf32, #tpu.memory_space<vmem>>) offsets(%dma_start3A_623 : memref<128xi32, #tpu.memory_space<vmem>>) semaphore(%arg28 : memref<!tpu.dma_semaphore, #tpu.memory_space<semaphore_mem>>)
      } else {
      }
      %dma_wait3A_439 = arith.constant 0 : i32
      %dma_wait3A_440 = arith.constant 0 : i32
      %dma_wait3A_441 = tpu.memref_slice %arg5[%dma_wait3A_439, %dma_wait3A_440] : memref<80x128xi32, #tpu.memory_space<vmem>> -> memref<1x128xi32, #tpu.memory_space<vmem>>
      %dma_wait3A_442 = tpu.memref_squeeze %dma_wait3A_441 : memref<1x128xi32, #tpu.memory_space<vmem>> -> memref<128xi32, #tpu.memory_space<vmem>>
      %dma_wait3A_443 = arith.constant 0 : i32
      %dma_wait3A_444 = arith.constant 0 : i32
      %dma_wait3A_445 = tpu.memref_slice %arg25[%dma_wait3A_443, %dma_wait3A_444] : memref<10016x16xf32, #tpu.memory_space<vmem_shared>> -> memref<10016x16xf32, #tpu.memory_space<vmem_shared>>
      tpu.wait_indirect_dma semaphore(%arg29 : memref<!tpu.dma_semaphore, #tpu.memory_space<semaphore_mem>>) src(%dma_wait3A_445 : memref<10016x16xf32, #tpu.memory_space<vmem_shared>>) dst(%arg15 : memref<128x16xf32, #tpu.memory_space<vmem>>)
      %dma_wait3A_446 = arith.constant 0 : i32
      %dma_wait3A_447 = arith.constant 0 : i32
      %dma_wait3A_448 = tpu.memref_slice %arg5[%dma_wait3A_446, %dma_wait3A_447] : memref<80x128xi32, #tpu.memory_space<vmem>> -> memref<1x128xi32, #tpu.memory_space<vmem>>
      %dma_wait3A_449 = tpu.memref_squeeze %dma_wait3A_448 : memref<1x128xi32, #tpu.memory_space<vmem>> -> memref<128xi32, #tpu.memory_space<vmem>>
      %dma_wait3A_450 = arith.constant 0 : i32
      %dma_wait3A_451 = arith.constant 0 : i32
      %dma_wait3A_452 = tpu.memref_slice %arg25[%dma_wait3A_450, %dma_wait3A_451] : memref<10016x16xf32, #tpu.memory_space<vmem_shared>> -> memref<10016x16xf32, #tpu.memory_space<vmem_shared>>
      tpu.wait_indirect_dma semaphore(%arg29 : memref<!tpu.dma_semaphore, #tpu.memory_space<semaphore_mem>>) src(%dma_wait3A_452 : memref<10016x16xf32, #tpu.memory_space<vmem_shared>>) dst(%arg16 : memref<128x16xf32, #tpu.memory_space<vmem>>)
      %dma_wait3A_453 = arith.constant 0 : i32
      %dma_wait3A_454 = arith.constant 0 : i32
      %dma_wait3A_455 = tpu.memref_slice %arg5[%dma_wait3A_453, %dma_wait3A_454] : memref<80x128xi32, #tpu.memory_space<vmem>> -> memref<1x128xi32, #tpu.memory_space<vmem>>
      %dma_wait3A_456 = tpu.memref_squeeze %dma_wait3A_455 : memref<1x128xi32, #tpu.memory_space<vmem>> -> memref<128xi32, #tpu.memory_space<vmem>>
      %dma_wait3A_457 = arith.constant 0 : i32
      %dma_wait3A_458 = arith.constant 0 : i32
      %dma_wait3A_459 = tpu.memref_slice %arg25[%dma_wait3A_457, %dma_wait3A_458] : memref<10016x16xf32, #tpu.memory_space<vmem_shared>> -> memref<10016x16xf32, #tpu.memory_space<vmem_shared>>
      tpu.wait_indirect_dma semaphore(%arg29 : memref<!tpu.dma_semaphore, #tpu.memory_space<semaphore_mem>>) src(%dma_wait3A_459 : memref<10016x16xf32, #tpu.memory_space<vmem_shared>>) dst(%arg17 : memref<128x16xf32, #tpu.memory_space<vmem>>)
      %dma_wait3A_460 = arith.constant 0 : i32
      %dma_wait3A_461 = arith.constant 0 : i32
      %dma_wait3A_462 = tpu.memref_slice %arg5[%dma_wait3A_460, %dma_wait3A_461] : memref<80x128xi32, #tpu.memory_space<vmem>> -> memref<1x128xi32, #tpu.memory_space<vmem>>
      %dma_wait3A_463 = tpu.memref_squeeze %dma_wait3A_462 : memref<1x128xi32, #tpu.memory_space<vmem>> -> memref<128xi32, #tpu.memory_space<vmem>>
      %dma_wait3A_464 = arith.constant 0 : i32
      %dma_wait3A_465 = arith.constant 0 : i32
      %dma_wait3A_466 = tpu.memref_slice %arg25[%dma_wait3A_464, %dma_wait3A_465] : memref<10016x16xf32, #tpu.memory_space<vmem_shared>> -> memref<10016x16xf32, #tpu.memory_space<vmem_shared>>
      tpu.wait_indirect_dma semaphore(%arg29 : memref<!tpu.dma_semaphore, #tpu.memory_space<semaphore_mem>>) src(%dma_wait3A_466 : memref<10016x16xf32, #tpu.memory_space<vmem_shared>>) dst(%arg18 : memref<128x16xf32, #tpu.memory_space<vmem>>)
      %dma_wait3A_467 = arith.constant 0 : i32
      %dma_wait3A_468 = arith.constant 0 : i32
      %dma_wait3A_469 = tpu.memref_slice %arg5[%dma_wait3A_467, %dma_wait3A_468] : memref<80x128xi32, #tpu.memory_space<vmem>> -> memref<1x128xi32, #tpu.memory_space<vmem>>
      %dma_wait3A_470 = tpu.memref_squeeze %dma_wait3A_469 : memref<1x128xi32, #tpu.memory_space<vmem>> -> memref<128xi32, #tpu.memory_space<vmem>>
      %dma_wait3A_471 = arith.constant 0 : i32
      %dma_wait3A_472 = arith.constant 0 : i32
      %dma_wait3A_473 = tpu.memref_slice %arg25[%dma_wait3A_471, %dma_wait3A_472] : memref<10016x16xf32, #tpu.memory_space<vmem_shared>> -> memref<10016x16xf32, #tpu.memory_space<vmem_shared>>
      tpu.wait_indirect_dma semaphore(%arg29 : memref<!tpu.dma_semaphore, #tpu.memory_space<semaphore_mem>>) src(%dma_wait3A_473 : memref<10016x16xf32, #tpu.memory_space<vmem_shared>>) dst(%arg19 : memref<128x16xf32, #tpu.memory_space<vmem>>)
      %dma_wait3A_474 = arith.constant 0 : i32
      %dma_wait3A_475 = arith.constant 0 : i32
      %dma_wait3A_476 = tpu.memref_slice %arg5[%dma_wait3A_474, %dma_wait3A_475] : memref<80x128xi32, #tpu.memory_space<vmem>> -> memref<1x128xi32, #tpu.memory_space<vmem>>
      %dma_wait3A_477 = tpu.memref_squeeze %dma_wait3A_476 : memref<1x128xi32, #tpu.memory_space<vmem>> -> memref<128xi32, #tpu.memory_space<vmem>>
      %dma_wait3A_478 = arith.constant 0 : i32
      %dma_wait3A_479 = arith.constant 0 : i32
      %dma_wait3A_480 = tpu.memref_slice %arg25[%dma_wait3A_478, %dma_wait3A_479] : memref<10016x16xf32, #tpu.memory_space<vmem_shared>> -> memref<10016x16xf32, #tpu.memory_space<vmem_shared>>
      tpu.wait_indirect_dma semaphore(%arg29 : memref<!tpu.dma_semaphore, #tpu.memory_space<semaphore_mem>>) src(%dma_wait3A_480 : memref<10016x16xf32, #tpu.memory_space<vmem_shared>>) dst(%arg20 : memref<128x16xf32, #tpu.memory_space<vmem>>)
      %dma_wait3A_481 = arith.constant 0 : i32
      %dma_wait3A_482 = arith.constant 0 : i32
      %dma_wait3A_483 = tpu.memref_slice %arg5[%dma_wait3A_481, %dma_wait3A_482] : memref<80x128xi32, #tpu.memory_space<vmem>> -> memref<1x128xi32, #tpu.memory_space<vmem>>
      %dma_wait3A_484 = tpu.memref_squeeze %dma_wait3A_483 : memref<1x128xi32, #tpu.memory_space<vmem>> -> memref<128xi32, #tpu.memory_space<vmem>>
      %dma_wait3A_485 = arith.constant 0 : i32
      %dma_wait3A_486 = arith.constant 0 : i32
      %dma_wait3A_487 = tpu.memref_slice %arg25[%dma_wait3A_485, %dma_wait3A_486] : memref<10016x16xf32, #tpu.memory_space<vmem_shared>> -> memref<10016x16xf32, #tpu.memory_space<vmem_shared>>
      tpu.wait_indirect_dma semaphore(%arg29 : memref<!tpu.dma_semaphore, #tpu.memory_space<semaphore_mem>>) src(%dma_wait3A_487 : memref<10016x16xf32, #tpu.memory_space<vmem_shared>>) dst(%arg21 : memref<128x16xf32, #tpu.memory_space<vmem>>)
      %dma_wait3A_488 = arith.constant 0 : i32
      %dma_wait3A_489 = arith.constant 0 : i32
      %dma_wait3A_490 = tpu.memref_slice %arg5[%dma_wait3A_488, %dma_wait3A_489] : memref<80x128xi32, #tpu.memory_space<vmem>> -> memref<1x128xi32, #tpu.memory_space<vmem>>
      %dma_wait3A_491 = tpu.memref_squeeze %dma_wait3A_490 : memref<1x128xi32, #tpu.memory_space<vmem>> -> memref<128xi32, #tpu.memory_space<vmem>>
      %dma_wait3A_492 = arith.constant 0 : i32
      %dma_wait3A_493 = arith.constant 0 : i32
      %dma_wait3A_494 = tpu.memref_slice %arg25[%dma_wait3A_492, %dma_wait3A_493] : memref<10016x16xf32, #tpu.memory_space<vmem_shared>> -> memref<10016x16xf32, #tpu.memory_space<vmem_shared>>
      tpu.wait_indirect_dma semaphore(%arg29 : memref<!tpu.dma_semaphore, #tpu.memory_space<semaphore_mem>>) src(%dma_wait3A_494 : memref<10016x16xf32, #tpu.memory_space<vmem_shared>>) dst(%arg22 : memref<128x16xf32, #tpu.memory_space<vmem>>)
      %add3A_495 = arith.constant 8 : i32
      %add3A_496 = arith.addi %mul3A_190, %add3A_495 : i32
      %add3A_497 = arith.constant 0 : i32
      %add3A_498 = arith.addi %add3A_496, %add3A_497 : i32
      %dma_start3A_499 = arith.constant 0 : i32
      %dma_start3A_500 = tpu.memref_slice %arg6[%add3A_498, %dma_start3A_499] : memref<80x128xi32, #tpu.memory_space<vmem>> -> memref<1x128xi32, #tpu.memory_space<vmem>>
      %dma_start3A_501 = tpu.memref_squeeze %dma_start3A_500 : memref<1x128xi32, #tpu.memory_space<vmem>> -> memref<128xi32, #tpu.memory_space<vmem>>
      %dma_start3A_502 = arith.constant 0 : i32
      %dma_start3A_503 = arith.constant 0 : i32
      %dma_start3A_504 = tpu.memref_slice %arg26[%dma_start3A_502, %dma_start3A_503] : memref<10240x16xf32, #tpu.memory_space<vmem_shared>> -> memref<10240x16xf32, #tpu.memory_space<vmem_shared>>
      tpu.enqueue_indirect_dma source(%arg15 : memref<128x16xf32, #tpu.memory_space<vmem>>) target(%dma_start3A_504 : memref<10240x16xf32, #tpu.memory_space<vmem_shared>>) offsets(%dma_start3A_501 : memref<128xi32, #tpu.memory_space<vmem>>) semaphore(%arg31 : memref<!tpu.dma_semaphore, #tpu.memory_space<semaphore_mem>>) {add = true}
      %add3A_505 = arith.constant 1 : i32
      %add3A_506 = arith.addi %add3A_496, %add3A_505 : i32
      %dma_start3A_507 = arith.constant 0 : i32
      %dma_start3A_508 = tpu.memref_slice %arg6[%add3A_506, %dma_start3A_507] : memref<80x128xi32, #tpu.memory_space<vmem>> -> memref<1x128xi32, #tpu.memory_space<vmem>>
      %dma_start3A_509 = tpu.memref_squeeze %dma_start3A_508 : memref<1x128xi32, #tpu.memory_space<vmem>> -> memref<128xi32, #tpu.memory_space<vmem>>
      %dma_start3A_510 = arith.constant 0 : i32
      %dma_start3A_511 = arith.constant 0 : i32
      %dma_start3A_512 = tpu.memref_slice %arg26[%dma_start3A_510, %dma_start3A_511] : memref<10240x16xf32, #tpu.memory_space<vmem_shared>> -> memref<10240x16xf32, #tpu.memory_space<vmem_shared>>
      tpu.enqueue_indirect_dma source(%arg16 : memref<128x16xf32, #tpu.memory_space<vmem>>) target(%dma_start3A_512 : memref<10240x16xf32, #tpu.memory_space<vmem_shared>>) offsets(%dma_start3A_509 : memref<128xi32, #tpu.memory_space<vmem>>) semaphore(%arg31 : memref<!tpu.dma_semaphore, #tpu.memory_space<semaphore_mem>>) {add = true}
      %add3A_513 = arith.constant 2 : i32
      %add3A_514 = arith.addi %add3A_496, %add3A_513 : i32
      %dma_start3A_515 = arith.constant 0 : i32
      %dma_start3A_516 = tpu.memref_slice %arg6[%add3A_514, %dma_start3A_515] : memref<80x128xi32, #tpu.memory_space<vmem>> -> memref<1x128xi32, #tpu.memory_space<vmem>>
      %dma_start3A_517 = tpu.memref_squeeze %dma_start3A_516 : memref<1x128xi32, #tpu.memory_space<vmem>> -> memref<128xi32, #tpu.memory_space<vmem>>
      %dma_start3A_518 = arith.constant 0 : i32
      %dma_start3A_519 = arith.constant 0 : i32
      %dma_start3A_520 = tpu.memref_slice %arg26[%dma_start3A_518, %dma_start3A_519] : memref<10240x16xf32, #tpu.memory_space<vmem_shared>> -> memref<10240x16xf32, #tpu.memory_space<vmem_shared>>
      tpu.enqueue_indirect_dma source(%arg17 : memref<128x16xf32, #tpu.memory_space<vmem>>) target(%dma_start3A_520 : memref<10240x16xf32, #tpu.memory_space<vmem_shared>>) offsets(%dma_start3A_517 : memref<128xi32, #tpu.memory_space<vmem>>) semaphore(%arg31 : memref<!tpu.dma_semaphore, #tpu.memory_space<semaphore_mem>>) {add = true}
      %add3A_521 = arith.constant 3 : i32
      %add3A_522 = arith.addi %add3A_496, %add3A_521 : i32
      %dma_start3A_523 = arith.constant 0 : i32
      %dma_start3A_524 = tpu.memref_slice %arg6[%add3A_522, %dma_start3A_523] : memref<80x128xi32, #tpu.memory_space<vmem>> -> memref<1x128xi32, #tpu.memory_space<vmem>>
      %dma_start3A_525 = tpu.memref_squeeze %dma_start3A_524 : memref<1x128xi32, #tpu.memory_space<vmem>> -> memref<128xi32, #tpu.memory_space<vmem>>
      %dma_start3A_526 = arith.constant 0 : i32
      %dma_start3A_527 = arith.constant 0 : i32
      %dma_start3A_528 = tpu.memref_slice %arg26[%dma_start3A_526, %dma_start3A_527] : memref<10240x16xf32, #tpu.memory_space<vmem_shared>> -> memref<10240x16xf32, #tpu.memory_space<vmem_shared>>
      tpu.enqueue_indirect_dma source(%arg18 : memref<128x16xf32, #tpu.memory_space<vmem>>) target(%dma_start3A_528 : memref<10240x16xf32, #tpu.memory_space<vmem_shared>>) offsets(%dma_start3A_525 : memref<128xi32, #tpu.memory_space<vmem>>) semaphore(%arg31 : memref<!tpu.dma_semaphore, #tpu.memory_space<semaphore_mem>>) {add = true}
      %add3A_529 = arith.constant 4 : i32
      %add3A_530 = arith.addi %add3A_496, %add3A_529 : i32
      %dma_start3A_531 = arith.constant 0 : i32
      %dma_start3A_532 = tpu.memref_slice %arg6[%add3A_530, %dma_start3A_531] : memref<80x128xi32, #tpu.memory_space<vmem>> -> memref<1x128xi32, #tpu.memory_space<vmem>>
      %dma_start3A_533 = tpu.memref_squeeze %dma_start3A_532 : memref<1x128xi32, #tpu.memory_space<vmem>> -> memref<128xi32, #tpu.memory_space<vmem>>
      %dma_start3A_534 = arith.constant 0 : i32
      %dma_start3A_535 = arith.constant 0 : i32
      %dma_start3A_536 = tpu.memref_slice %arg26[%dma_start3A_534, %dma_start3A_535] : memref<10240x16xf32, #tpu.memory_space<vmem_shared>> -> memref<10240x16xf32, #tpu.memory_space<vmem_shared>>
      tpu.enqueue_indirect_dma source(%arg19 : memref<128x16xf32, #tpu.memory_space<vmem>>) target(%dma_start3A_536 : memref<10240x16xf32, #tpu.memory_space<vmem_shared>>) offsets(%dma_start3A_533 : memref<128xi32, #tpu.memory_space<vmem>>) semaphore(%arg31 : memref<!tpu.dma_semaphore, #tpu.memory_space<semaphore_mem>>) {add = true}
      %add3A_537 = arith.constant 5 : i32
      %add3A_538 = arith.addi %add3A_496, %add3A_537 : i32
      %dma_start3A_539 = arith.constant 0 : i32
      %dma_start3A_540 = tpu.memref_slice %arg6[%add3A_538, %dma_start3A_539] : memref<80x128xi32, #tpu.memory_space<vmem>> -> memref<1x128xi32, #tpu.memory_space<vmem>>
      %dma_start3A_541 = tpu.memref_squeeze %dma_start3A_540 : memref<1x128xi32, #tpu.memory_space<vmem>> -> memref<128xi32, #tpu.memory_space<vmem>>
      %dma_start3A_542 = arith.constant 0 : i32
      %dma_start3A_543 = arith.constant 0 : i32
      %dma_start3A_544 = tpu.memref_slice %arg26[%dma_start3A_542, %dma_start3A_543] : memref<10240x16xf32, #tpu.memory_space<vmem_shared>> -> memref<10240x16xf32, #tpu.memory_space<vmem_shared>>
      tpu.enqueue_indirect_dma source(%arg20 : memref<128x16xf32, #tpu.memory_space<vmem>>) target(%dma_start3A_544 : memref<10240x16xf32, #tpu.memory_space<vmem_shared>>) offsets(%dma_start3A_541 : memref<128xi32, #tpu.memory_space<vmem>>) semaphore(%arg31 : memref<!tpu.dma_semaphore, #tpu.memory_space<semaphore_mem>>) {add = true}
      %add3A_545 = arith.constant 6 : i32
      %add3A_546 = arith.addi %add3A_496, %add3A_545 : i32
      %dma_start3A_547 = arith.constant 0 : i32
      %dma_start3A_548 = tpu.memref_slice %arg6[%add3A_546, %dma_start3A_547] : memref<80x128xi32, #tpu.memory_space<vmem>> -> memref<1x128xi32, #tpu.memory_space<vmem>>
      %dma_start3A_549 = tpu.memref_squeeze %dma_start3A_548 : memref<1x128xi32, #tpu.memory_space<vmem>> -> memref<128xi32, #tpu.memory_space<vmem>>
      %dma_start3A_550 = arith.constant 0 : i32
      %dma_start3A_551 = arith.constant 0 : i32
      %dma_start3A_552 = tpu.memref_slice %arg26[%dma_start3A_550, %dma_start3A_551] : memref<10240x16xf32, #tpu.memory_space<vmem_shared>> -> memref<10240x16xf32, #tpu.memory_space<vmem_shared>>
      tpu.enqueue_indirect_dma source(%arg21 : memref<128x16xf32, #tpu.memory_space<vmem>>) target(%dma_start3A_552 : memref<10240x16xf32, #tpu.memory_space<vmem_shared>>) offsets(%dma_start3A_549 : memref<128xi32, #tpu.memory_space<vmem>>) semaphore(%arg31 : memref<!tpu.dma_semaphore, #tpu.memory_space<semaphore_mem>>) {add = true}
      %add3A_553 = arith.constant 7 : i32
      %add3A_554 = arith.addi %add3A_496, %add3A_553 : i32
      %dma_start3A_555 = arith.constant 0 : i32
      %dma_start3A_556 = tpu.memref_slice %arg6[%add3A_554, %dma_start3A_555] : memref<80x128xi32, #tpu.memory_space<vmem>> -> memref<1x128xi32, #tpu.memory_space<vmem>>
      %dma_start3A_557 = tpu.memref_squeeze %dma_start3A_556 : memref<1x128xi32, #tpu.memory_space<vmem>> -> memref<128xi32, #tpu.memory_space<vmem>>
      %dma_start3A_558 = arith.constant 0 : i32
      %dma_start3A_559 = arith.constant 0 : i32
      %dma_start3A_560 = tpu.memref_slice %arg26[%dma_start3A_558, %dma_start3A_559] : memref<10240x16xf32, #tpu.memory_space<vmem_shared>> -> memref<10240x16xf32, #tpu.memory_space<vmem_shared>>
      tpu.enqueue_indirect_dma source(%arg22 : memref<128x16xf32, #tpu.memory_space<vmem>>) target(%dma_start3A_560 : memref<10240x16xf32, #tpu.memory_space<vmem_shared>>) offsets(%dma_start3A_557 : memref<128xi32, #tpu.memory_space<vmem>>) semaphore(%arg31 : memref<!tpu.dma_semaphore, #tpu.memory_space<semaphore_mem>>) {add = true}
    }
    %scan3A_116 = arith.constant 5 : i32
    %dma_wait3A_117 = arith.constant 0 : i32
    %dma_wait3A_118 = arith.constant 0 : i32
    %dma_wait3A_119 = tpu.memref_slice %arg6[%dma_wait3A_117, %dma_wait3A_118] : memref<80x128xi32, #tpu.memory_space<vmem>> -> memref<1x128xi32, #tpu.memory_space<vmem>>
    %dma_wait3A_120 = tpu.memref_squeeze %dma_wait3A_119 : memref<1x128xi32, #tpu.memory_space<vmem>> -> memref<128xi32, #tpu.memory_space<vmem>>
    %dma_wait3A_121 = arith.constant 0 : i32
    %dma_wait3A_122 = arith.constant 0 : i32
    %dma_wait3A_123 = tpu.memref_slice %arg26[%dma_wait3A_121, %dma_wait3A_122] : memref<10240x16xf32, #tpu.memory_space<vmem_shared>> -> memref<10240x16xf32, #tpu.memory_space<vmem_shared>>
    tpu.wait_indirect_dma semaphore(%arg31 : memref<!tpu.dma_semaphore, #tpu.memory_space<semaphore_mem>>) src(%arg15 : memref<128x16xf32, #tpu.memory_space<vmem>>) dst(%dma_wait3A_123 : memref<10240x16xf32, #tpu.memory_space<vmem_shared>>)
    %dma_wait3A_124 = arith.constant 0 : i32
    %dma_wait3A_125 = arith.constant 0 : i32
    %dma_wait3A_126 = tpu.memref_slice %arg6[%dma_wait3A_124, %dma_wait3A_125] : memref<80x128xi32, #tpu.memory_space<vmem>> -> memref<1x128xi32, #tpu.memory_space<vmem>>
    %dma_wait3A_127 = tpu.memref_squeeze %dma_wait3A_126 : memref<1x128xi32, #tpu.memory_space<vmem>> -> memref<128xi32, #tpu.memory_space<vmem>>
    %dma_wait3A_128 = arith.constant 0 : i32
    %dma_wait3A_129 = arith.constant 0 : i32
    %dma_wait3A_130 = tpu.memref_slice %arg26[%dma_wait3A_128, %dma_wait3A_129] : memref<10240x16xf32, #tpu.memory_space<vmem_shared>> -> memref<10240x16xf32, #tpu.memory_space<vmem_shared>>
    tpu.wait_indirect_dma semaphore(%arg31 : memref<!tpu.dma_semaphore, #tpu.memory_space<semaphore_mem>>) src(%arg16 : memref<128x16xf32, #tpu.memory_space<vmem>>) dst(%dma_wait3A_130 : memref<10240x16xf32, #tpu.memory_space<vmem_shared>>)
    %dma_wait3A_131 = arith.constant 0 : i32
    %dma_wait3A_132 = arith.constant 0 : i32
    %dma_wait3A_133 = tpu.memref_slice %arg6[%dma_wait3A_131, %dma_wait3A_132] : memref<80x128xi32, #tpu.memory_space<vmem>> -> memref<1x128xi32, #tpu.memory_space<vmem>>
    %dma_wait3A_134 = tpu.memref_squeeze %dma_wait3A_133 : memref<1x128xi32, #tpu.memory_space<vmem>> -> memref<128xi32, #tpu.memory_space<vmem>>
    %dma_wait3A_135 = arith.constant 0 : i32
    %dma_wait3A_136 = arith.constant 0 : i32
    %dma_wait3A_137 = tpu.memref_slice %arg26[%dma_wait3A_135, %dma_wait3A_136] : memref<10240x16xf32, #tpu.memory_space<vmem_shared>> -> memref<10240x16xf32, #tpu.memory_space<vmem_shared>>
    tpu.wait_indirect_dma semaphore(%arg31 : memref<!tpu.dma_semaphore, #tpu.memory_space<semaphore_mem>>) src(%arg17 : memref<128x16xf32, #tpu.memory_space<vmem>>) dst(%dma_wait3A_137 : memref<10240x16xf32, #tpu.memory_space<vmem_shared>>)
    %dma_wait3A_138 = arith.constant 0 : i32
    %dma_wait3A_139 = arith.constant 0 : i32
    %dma_wait3A_140 = tpu.memref_slice %arg6[%dma_wait3A_138, %dma_wait3A_139] : memref<80x128xi32, #tpu.memory_space<vmem>> -> memref<1x128xi32, #tpu.memory_space<vmem>>
    %dma_wait3A_141 = tpu.memref_squeeze %dma_wait3A_140 : memref<1x128xi32, #tpu.memory_space<vmem>> -> memref<128xi32, #tpu.memory_space<vmem>>
    %dma_wait3A_142 = arith.constant 0 : i32
    %dma_wait3A_143 = arith.constant 0 : i32
    %dma_wait3A_144 = tpu.memref_slice %arg26[%dma_wait3A_142, %dma_wait3A_143] : memref<10240x16xf32, #tpu.memory_space<vmem_shared>> -> memref<10240x16xf32, #tpu.memory_space<vmem_shared>>
    tpu.wait_indirect_dma semaphore(%arg31 : memref<!tpu.dma_semaphore, #tpu.memory_space<semaphore_mem>>) src(%arg18 : memref<128x16xf32, #tpu.memory_space<vmem>>) dst(%dma_wait3A_144 : memref<10240x16xf32, #tpu.memory_space<vmem_shared>>)
    %dma_wait3A_145 = arith.constant 0 : i32
    %dma_wait3A_146 = arith.constant 0 : i32
    %dma_wait3A_147 = tpu.memref_slice %arg6[%dma_wait3A_145, %dma_wait3A_146] : memref<80x128xi32, #tpu.memory_space<vmem>> -> memref<1x128xi32, #tpu.memory_space<vmem>>
    %dma_wait3A_148 = tpu.memref_squeeze %dma_wait3A_147 : memref<1x128xi32, #tpu.memory_space<vmem>> -> memref<128xi32, #tpu.memory_space<vmem>>
    %dma_wait3A_149 = arith.constant 0 : i32
    %dma_wait3A_150 = arith.constant 0 : i32
    %dma_wait3A_151 = tpu.memref_slice %arg26[%dma_wait3A_149, %dma_wait3A_150] : memref<10240x16xf32, #tpu.memory_space<vmem_shared>> -> memref<10240x16xf32, #tpu.memory_space<vmem_shared>>
    tpu.wait_indirect_dma semaphore(%arg31 : memref<!tpu.dma_semaphore, #tpu.memory_space<semaphore_mem>>) src(%arg19 : memref<128x16xf32, #tpu.memory_space<vmem>>) dst(%dma_wait3A_151 : memref<10240x16xf32, #tpu.memory_space<vmem_shared>>)
    %dma_wait3A_152 = arith.constant 0 : i32
    %dma_wait3A_153 = arith.constant 0 : i32
    %dma_wait3A_154 = tpu.memref_slice %arg6[%dma_wait3A_152, %dma_wait3A_153] : memref<80x128xi32, #tpu.memory_space<vmem>> -> memref<1x128xi32, #tpu.memory_space<vmem>>
    %dma_wait3A_155 = tpu.memref_squeeze %dma_wait3A_154 : memref<1x128xi32, #tpu.memory_space<vmem>> -> memref<128xi32, #tpu.memory_space<vmem>>
    %dma_wait3A_156 = arith.constant 0 : i32
    %dma_wait3A_157 = arith.constant 0 : i32
    %dma_wait3A_158 = tpu.memref_slice %arg26[%dma_wait3A_156, %dma_wait3A_157] : memref<10240x16xf32, #tpu.memory_space<vmem_shared>> -> memref<10240x16xf32, #tpu.memory_space<vmem_shared>>
    tpu.wait_indirect_dma semaphore(%arg31 : memref<!tpu.dma_semaphore, #tpu.memory_space<semaphore_mem>>) src(%arg20 : memref<128x16xf32, #tpu.memory_space<vmem>>) dst(%dma_wait3A_158 : memref<10240x16xf32, #tpu.memory_space<vmem_shared>>)
    %dma_wait3A_159 = arith.constant 0 : i32
    %dma_wait3A_160 = arith.constant 0 : i32
    %dma_wait3A_161 = tpu.memref_slice %arg6[%dma_wait3A_159, %dma_wait3A_160] : memref<80x128xi32, #tpu.memory_space<vmem>> -> memref<1x128xi32, #tpu.memory_space<vmem>>
    %dma_wait3A_162 = tpu.memref_squeeze %dma_wait3A_161 : memref<1x128xi32, #tpu.memory_space<vmem>> -> memref<128xi32, #tpu.memory_space<vmem>>
    %dma_wait3A_163 = arith.constant 0 : i32
    %dma_wait3A_164 = arith.constant 0 : i32
    %dma_wait3A_165 = tpu.memref_slice %arg26[%dma_wait3A_163, %dma_wait3A_164] : memref<10240x16xf32, #tpu.memory_space<vmem_shared>> -> memref<10240x16xf32, #tpu.memory_space<vmem_shared>>
    tpu.wait_indirect_dma semaphore(%arg31 : memref<!tpu.dma_semaphore, #tpu.memory_space<semaphore_mem>>) src(%arg21 : memref<128x16xf32, #tpu.memory_space<vmem>>) dst(%dma_wait3A_165 : memref<10240x16xf32, #tpu.memory_space<vmem_shared>>)
    %dma_wait3A_166 = arith.constant 0 : i32
    %dma_wait3A_167 = arith.constant 0 : i32
    %dma_wait3A_168 = tpu.memref_slice %arg6[%dma_wait3A_166, %dma_wait3A_167] : memref<80x128xi32, #tpu.memory_space<vmem>> -> memref<1x128xi32, #tpu.memory_space<vmem>>
    %dma_wait3A_169 = tpu.memref_squeeze %dma_wait3A_168 : memref<1x128xi32, #tpu.memory_space<vmem>> -> memref<128xi32, #tpu.memory_space<vmem>>
    %dma_wait3A_170 = arith.constant 0 : i32
    %dma_wait3A_171 = arith.constant 0 : i32
    %dma_wait3A_172 = tpu.memref_slice %arg26[%dma_wait3A_170, %dma_wait3A_171] : memref<10240x16xf32, #tpu.memory_space<vmem_shared>> -> memref<10240x16xf32, #tpu.memory_space<vmem_shared>>
    tpu.wait_indirect_dma semaphore(%arg31 : memref<!tpu.dma_semaphore, #tpu.memory_space<semaphore_mem>>) src(%arg22 : memref<128x16xf32, #tpu.memory_space<vmem>>) dst(%dma_wait3A_172 : memref<10240x16xf32, #tpu.memory_space<vmem_shared>>)
    %barrier3A_173 = arith.constant 0 : index
    tpu.barrier barrier_id(%barrier3A_173)
    %mul3A_174 = arith.constant 640 : i32
    %mul3A_175 = arith.muli %arg1, %mul3A_174 : i32
    %mul3A_176 = arith.constant 640 : i32
    %mul3A_177 = arith.muli %arg1, %mul3A_176 : i32
    %dma_start3A_178 = arith.constant 0 : i32
    %dma_start3A_179 = tpu.memref_slice %arg4[%arg0, %mul3A_177, %dma_start3A_178] : memref<2x10240x16xf32, #tpu.memory_space<hbm>> -> memref<1x640x16xf32, #tpu.memory_space<hbm>>
    %dma_start3A_180 = tpu.memref_squeeze %dma_start3A_179 : memref<1x640x16xf32, #tpu.memory_space<hbm>> -> memref<640x16xf32, #tpu.memory_space<hbm>>
    %dma_start3A_181 = arith.constant 0 : i32
    %dma_start3A_182 = tpu.memref_slice %arg26[%mul3A_175, %dma_start3A_181] : memref<10240x16xf32, #tpu.memory_space<vmem_shared>> -> memref<640x16xf32, #tpu.memory_space<vmem_shared>>
    tpu.enqueue_dma source(%dma_start3A_182 : memref<640x16xf32, #tpu.memory_space<vmem_shared>>) target(%dma_start3A_180 : memref<640x16xf32, #tpu.memory_space<hbm>>) target_semaphore(%arg28 : memref<!tpu.dma_semaphore, #tpu.memory_space<semaphore_mem>>)
    %dma_wait3A_183 = arith.constant 0 : i32
    %dma_wait3A_184 = tpu.memref_slice %arg4[%arg0, %mul3A_177, %dma_wait3A_183] : memref<2x10240x16xf32, #tpu.memory_space<hbm>> -> memref<1x640x16xf32, #tpu.memory_space<hbm>>
    %dma_wait3A_185 = tpu.memref_squeeze %dma_wait3A_184 : memref<1x640x16xf32, #tpu.memory_space<hbm>> -> memref<640x16xf32, #tpu.memory_space<hbm>>
    %dma_wait3A_186 = arith.constant 0 : i32
    %dma_wait3A_187 = tpu.memref_slice %arg26[%mul3A_175, %dma_wait3A_186] : memref<10240x16xf32, #tpu.memory_space<vmem_shared>> -> memref<640x16xf32, #tpu.memory_space<vmem_shared>>
    tpu.wait_dma2 semaphore(%arg28 : memref<!tpu.dma_semaphore, #tpu.memory_space<semaphore_mem>>) src(%dma_wait3A_187 : memref<640x16xf32, #tpu.memory_space<vmem_shared>>) dst(%dma_wait3A_185 : memref<640x16xf32, #tpu.memory_space<hbm>>)
    return
  }
}

#map = affine_map<(d0, d1) -> (0, 0, 0)>
#map1 = affine_map<(d0, d1) -> (0, 0)>
module attributes {stable_mosaic.version = 14 : i64} {
  func.func @sc_scatter(%arg0: i32, %arg1: i32, %arg2: memref<64x80x128xi32, #tpu.memory_space<hbm>>, %arg3: memref<10000x16xf32, #tpu.memory_space<hbm>>, %arg4: memref<2x10240x16xf32, #tpu.memory_space<hbm>>, %arg5: memref<2x10240x16xf32, #tpu.memory_space<hbm>>, %arg6: memref<80x128xi32, #tpu.memory_space<vmem>>, %arg7: memref<80x128xi32, #tpu.memory_space<vmem>>, %arg8: memref<128x16xf32, #tpu.memory_space<vmem>>, %arg9: memref<128x16xf32, #tpu.memory_space<vmem>>, %arg10: memref<128x16xf32, #tpu.memory_space<vmem>>, %arg11: memref<128x16xf32, #tpu.memory_space<vmem>>, %arg12: memref<128x16xf32, #tpu.memory_space<vmem>>, %arg13: memref<128x16xf32, #tpu.memory_space<vmem>>, %arg14: memref<128x16xf32, #tpu.memory_space<vmem>>, %arg15: memref<128x16xf32, #tpu.memory_space<vmem>>, %arg16: memref<128x16xf32, #tpu.memory_space<vmem>>, %arg17: memref<128x16xf32, #tpu.memory_space<vmem>>, %arg18: memref<128x16xf32, #tpu.memory_space<vmem>>, %arg19: memref<128x16xf32, #tpu.memory_space<vmem>>, %arg20: memref<128x16xf32, #tpu.memory_space<vmem>>, %arg21: memref<128x16xf32, #tpu.memory_space<vmem>>, %arg22: memref<128x16xf32, #tpu.memory_space<vmem>>, %arg23: memref<128x16xf32, #tpu.memory_space<vmem>>, %arg24: memref<640x16xf32, #tpu.memory_space<vmem>>, %arg25: memref<128x16xf32, #tpu.memory_space<vmem>>, %arg26: memref<10016x16xf32, #tpu.memory_space<vmem_shared>>, %arg27: memref<10240x16xf32, #tpu.memory_space<vmem_shared>>, %arg28: memref<10240x16xf32, #tpu.memory_space<vmem_shared>>, %arg29: memref<!tpu.dma_semaphore, #tpu.memory_space<semaphore_mem>>, %arg30: memref<!tpu.dma_semaphore, #tpu.memory_space<semaphore_mem>>, %arg31: memref<!tpu.dma_semaphore, #tpu.memory_space<semaphore_mem>>, %arg32: memref<!tpu.dma_semaphore, #tpu.memory_space<semaphore_mem>>) attributes {dimension_semantics = [#tpu.dimension_semantics<core_parallel>, #tpu.dimension_semantics<subcore_parallel>], iteration_bounds = array<i64: 2, 16>, scalar_prefetch = 0 : i64, scratch_operands = 27 : i64, tpu.core_type = #tpu.core_type<sc_vector_subcore>, window_params = [{transform_indices = #map}, {transform_indices = #map1}, {transform_indices = #map}, {transform_indices = #map}]} {
    %mul3A = arith.constant 16 : i32
    %mul3A_0 = arith.muli %arg0, %mul3A : i32
    %add3A = arith.addi %mul3A_0, %arg1 : i32
    %dma_start3A = arith.constant 0 : i32
    %dma_start3A_1 = arith.constant 0 : i32
    %dma_start3A_2 = tpu.memref_slice %arg2[%add3A, %dma_start3A, %dma_start3A_1] : memref<64x80x128xi32, #tpu.memory_space<hbm>> -> memref<1x80x128xi32, #tpu.memory_space<hbm>>
    %dma_start3A_3 = tpu.memref_squeeze %dma_start3A_2 : memref<1x80x128xi32, #tpu.memory_space<hbm>> -> memref<80x128xi32, #tpu.memory_space<hbm>>
    %dma_start3A_4 = arith.constant 0 : i32
    %dma_start3A_5 = arith.constant 0 : i32
    %dma_start3A_6 = tpu.memref_slice %arg2[%add3A, %dma_start3A_4, %dma_start3A_5] : memref<64x80x128xi32, #tpu.memory_space<hbm>> -> memref<1x80x128xi32, #tpu.memory_space<hbm>>
    %dma_start3A_7 = tpu.memref_squeeze %dma_start3A_6 : memref<1x80x128xi32, #tpu.memory_space<hbm>> -> memref<80x128xi32, #tpu.memory_space<hbm>>
    tpu.enqueue_dma source(%dma_start3A_7 : memref<80x128xi32, #tpu.memory_space<hbm>>) target(%arg6 : memref<80x128xi32, #tpu.memory_space<vmem>>) target_semaphore(%arg29 : memref<!tpu.dma_semaphore, #tpu.memory_space<semaphore_mem>>)
    %add3A_8 = arith.constant 32 : i32
    %add3A_9 = arith.addi %add3A_8, %add3A : i32
    %dma_start3A_10 = arith.constant 0 : i32
    %dma_start3A_11 = arith.constant 0 : i32
    %dma_start3A_12 = tpu.memref_slice %arg2[%add3A_9, %dma_start3A_10, %dma_start3A_11] : memref<64x80x128xi32, #tpu.memory_space<hbm>> -> memref<1x80x128xi32, #tpu.memory_space<hbm>>
    %dma_start3A_13 = tpu.memref_squeeze %dma_start3A_12 : memref<1x80x128xi32, #tpu.memory_space<hbm>> -> memref<80x128xi32, #tpu.memory_space<hbm>>
    %dma_start3A_14 = arith.constant 0 : i32
    %dma_start3A_15 = arith.constant 0 : i32
    %dma_start3A_16 = tpu.memref_slice %arg2[%add3A_9, %dma_start3A_14, %dma_start3A_15] : memref<64x80x128xi32, #tpu.memory_space<hbm>> -> memref<1x80x128xi32, #tpu.memory_space<hbm>>
    %dma_start3A_17 = tpu.memref_squeeze %dma_start3A_16 : memref<1x80x128xi32, #tpu.memory_space<hbm>> -> memref<80x128xi32, #tpu.memory_space<hbm>>
    tpu.enqueue_dma source(%dma_start3A_17 : memref<80x128xi32, #tpu.memory_space<hbm>>) target(%arg7 : memref<80x128xi32, #tpu.memory_space<vmem>>) target_semaphore(%arg30 : memref<!tpu.dma_semaphore, #tpu.memory_space<semaphore_mem>>)
    %mul3A_18 = arith.constant 625 : i32
    %mul3A_19 = arith.muli %arg1, %mul3A_18 : i32
    %mul3A_20 = arith.constant 625 : i32
    %mul3A_21 = arith.muli %arg1, %mul3A_20 : i32
    %dma_start3A_22 = arith.constant 0 : i32
    %dma_start3A_23 = tpu.memref_slice %arg26[%mul3A_21, %dma_start3A_22] : memref<10016x16xf32, #tpu.memory_space<vmem_shared>> -> memref<625x16xf32, #tpu.memory_space<vmem_shared>>
    %dma_start3A_24 = arith.constant 0 : i32
    %dma_start3A_25 = tpu.memref_slice %arg3[%mul3A_19, %dma_start3A_24] : memref<10000x16xf32, #tpu.memory_space<hbm>> -> memref<625x16xf32, #tpu.memory_space<hbm>>
    tpu.enqueue_dma source(%dma_start3A_25 : memref<625x16xf32, #tpu.memory_space<hbm>>) target(%dma_start3A_23 : memref<625x16xf32, #tpu.memory_space<vmem_shared>>) target_semaphore(%arg31 : memref<!tpu.dma_semaphore, #tpu.memory_space<semaphore_mem>>)
    %broadcast_in_dim3A = arith.constant 0.000000e+00 : f32
    %broadcast_in_dim3A_26 = vector.broadcast %broadcast_in_dim3A : f32 to vector<16xf32>
    %broadcast_in_dim3A_27 = arith.constant 1.000000e+00 : f32
    %broadcast_in_dim3A_28 = vector.broadcast %broadcast_in_dim3A_27 : f32 to vector<16xf32>
    %scan3A = arith.constant 0 : i32
    %scan3A_29 = arith.constant 0 : i32
    %scan3A_30 = arith.constant 80 : i32
    %scan3A_31 = arith.addi %scan3A_29, %scan3A_30 : i32
    %scan3A_32 = arith.constant 1 : i32
    scf.for %scan3A_266 = %scan3A_29 to %scan3A_31 step %scan3A_32  : i32 {
      %mul3A_267 = arith.constant 8 : i32
      %mul3A_268 = arith.muli %mul3A_267, %scan3A_266 : i32
      %add3A_269 = arith.constant 0 : i32
      %add3A_270 = arith.addi %mul3A_268, %add3A_269 : i32
      %swap3A = arith.index_cast %add3A_270 : i32 to index
      %swap3A_271 = arith.constant 0 : index
      %swap3A_272 = tpu.vector_load %arg24[%swap3A, %swap3A_271] {strides = array<i32>} : memref<640x16xf32, #tpu.memory_space<vmem>>, vector<16xf32>,
      tpu.vector_store %arg24[%swap3A, %swap3A_271], %broadcast_in_dim3A_26 {strides = array<i32>} : memref<640x16xf32, #tpu.memory_space<vmem>>, vector<16xf32>,
      %mul3A_273 = arith.constant 8 : i32
      %mul3A_274 = arith.muli %mul3A_273, %scan3A_266 : i32
      %add3A_275 = arith.constant 1 : i32
      %add3A_276 = arith.addi %mul3A_274, %add3A_275 : i32
      %swap3A_277 = arith.index_cast %add3A_276 : i32 to index
      %swap3A_278 = arith.constant 0 : index
      %swap3A_279 = tpu.vector_load %arg24[%swap3A_277, %swap3A_278] {strides = array<i32>} : memref<640x16xf32, #tpu.memory_space<vmem>>, vector<16xf32>,
      tpu.vector_store %arg24[%swap3A_277, %swap3A_278], %broadcast_in_dim3A_26 {strides = array<i32>} : memref<640x16xf32, #tpu.memory_space<vmem>>, vector<16xf32>,
      %mul3A_280 = arith.constant 8 : i32
      %mul3A_281 = arith.muli %mul3A_280, %scan3A_266 : i32
      %add3A_282 = arith.constant 2 : i32
      %add3A_283 = arith.addi %mul3A_281, %add3A_282 : i32
      %swap3A_284 = arith.index_cast %add3A_283 : i32 to index
      %swap3A_285 = arith.constant 0 : index
      %swap3A_286 = tpu.vector_load %arg24[%swap3A_284, %swap3A_285] {strides = array<i32>} : memref<640x16xf32, #tpu.memory_space<vmem>>, vector<16xf32>,
      tpu.vector_store %arg24[%swap3A_284, %swap3A_285], %broadcast_in_dim3A_26 {strides = array<i32>} : memref<640x16xf32, #tpu.memory_space<vmem>>, vector<16xf32>,
      %mul3A_287 = arith.constant 8 : i32
      %mul3A_288 = arith.muli %mul3A_287, %scan3A_266 : i32
      %add3A_289 = arith.constant 3 : i32
      %add3A_290 = arith.addi %mul3A_288, %add3A_289 : i32
      %swap3A_291 = arith.index_cast %add3A_290 : i32 to index
      %swap3A_292 = arith.constant 0 : index
      %swap3A_293 = tpu.vector_load %arg24[%swap3A_291, %swap3A_292] {strides = array<i32>} : memref<640x16xf32, #tpu.memory_space<vmem>>, vector<16xf32>,
      tpu.vector_store %arg24[%swap3A_291, %swap3A_292], %broadcast_in_dim3A_26 {strides = array<i32>} : memref<640x16xf32, #tpu.memory_space<vmem>>, vector<16xf32>,
      %mul3A_294 = arith.constant 8 : i32
      %mul3A_295 = arith.muli %mul3A_294, %scan3A_266 : i32
      %add3A_296 = arith.constant 4 : i32
      %add3A_297 = arith.addi %mul3A_295, %add3A_296 : i32
      %swap3A_298 = arith.index_cast %add3A_297 : i32 to index
      %swap3A_299 = arith.constant 0 : index
      %swap3A_300 = tpu.vector_load %arg24[%swap3A_298, %swap3A_299] {strides = array<i32>} : memref<640x16xf32, #tpu.memory_space<vmem>>, vector<16xf32>,
      tpu.vector_store %arg24[%swap3A_298, %swap3A_299], %broadcast_in_dim3A_26 {strides = array<i32>} : memref<640x16xf32, #tpu.memory_space<vmem>>, vector<16xf32>,
      %mul3A_301 = arith.constant 8 : i32
      %mul3A_302 = arith.muli %mul3A_301, %scan3A_266 : i32
      %add3A_303 = arith.constant 5 : i32
      %add3A_304 = arith.addi %mul3A_302, %add3A_303 : i32
      %swap3A_305 = arith.index_cast %add3A_304 : i32 to index
      %swap3A_306 = arith.constant 0 : index
      %swap3A_307 = tpu.vector_load %arg24[%swap3A_305, %swap3A_306] {strides = array<i32>} : memref<640x16xf32, #tpu.memory_space<vmem>>, vector<16xf32>,
      tpu.vector_store %arg24[%swap3A_305, %swap3A_306], %broadcast_in_dim3A_26 {strides = array<i32>} : memref<640x16xf32, #tpu.memory_space<vmem>>, vector<16xf32>,
      %mul3A_308 = arith.constant 8 : i32
      %mul3A_309 = arith.muli %mul3A_308, %scan3A_266 : i32
      %add3A_310 = arith.constant 6 : i32
      %add3A_311 = arith.addi %mul3A_309, %add3A_310 : i32
      %swap3A_312 = arith.index_cast %add3A_311 : i32 to index
      %swap3A_313 = arith.constant 0 : index
      %swap3A_314 = tpu.vector_load %arg24[%swap3A_312, %swap3A_313] {strides = array<i32>} : memref<640x16xf32, #tpu.memory_space<vmem>>, vector<16xf32>,
      tpu.vector_store %arg24[%swap3A_312, %swap3A_313], %broadcast_in_dim3A_26 {strides = array<i32>} : memref<640x16xf32, #tpu.memory_space<vmem>>, vector<16xf32>,
      %mul3A_315 = arith.constant 8 : i32
      %mul3A_316 = arith.muli %mul3A_315, %scan3A_266 : i32
      %add3A_317 = arith.constant 7 : i32
      %add3A_318 = arith.addi %mul3A_316, %add3A_317 : i32
      %swap3A_319 = arith.index_cast %add3A_318 : i32 to index
      %swap3A_320 = arith.constant 0 : index
      %swap3A_321 = tpu.vector_load %arg24[%swap3A_319, %swap3A_320] {strides = array<i32>} : memref<640x16xf32, #tpu.memory_space<vmem>>, vector<16xf32>,
      tpu.vector_store %arg24[%swap3A_319, %swap3A_320], %broadcast_in_dim3A_26 {strides = array<i32>} : memref<640x16xf32, #tpu.memory_space<vmem>>, vector<16xf32>,
    }
    %scan3A_33 = arith.constant 80 : i32
    %scan3A_34 = arith.constant 0 : i32
    %scan3A_35 = arith.constant 0 : i32
    %scan3A_36 = arith.constant 16 : i32
    %scan3A_37 = arith.addi %scan3A_35, %scan3A_36 : i32
    %scan3A_38 = arith.constant 1 : i32
    scf.for %scan3A_266 = %scan3A_35 to %scan3A_37 step %scan3A_38  : i32 {
      %mul3A_267 = arith.constant 8 : i32
      %mul3A_268 = arith.muli %mul3A_267, %scan3A_266 : i32
      %add3A_269 = arith.constant 0 : i32
      %add3A_270 = arith.addi %mul3A_268, %add3A_269 : i32
      %swap3A = arith.index_cast %add3A_270 : i32 to index
      %swap3A_271 = arith.constant 0 : index
      %swap3A_272 = tpu.vector_load %arg25[%swap3A, %swap3A_271] {strides = array<i32>} : memref<128x16xf32, #tpu.memory_space<vmem>>, vector<16xf32>,
      tpu.vector_store %arg25[%swap3A, %swap3A_271], %broadcast_in_dim3A_28 {strides = array<i32>} : memref<128x16xf32, #tpu.memory_space<vmem>>, vector<16xf32>,
      %mul3A_273 = arith.constant 8 : i32
      %mul3A_274 = arith.muli %mul3A_273, %scan3A_266 : i32
      %add3A_275 = arith.constant 1 : i32
      %add3A_276 = arith.addi %mul3A_274, %add3A_275 : i32
      %swap3A_277 = arith.index_cast %add3A_276 : i32 to index
      %swap3A_278 = arith.constant 0 : index
      %swap3A_279 = tpu.vector_load %arg25[%swap3A_277, %swap3A_278] {strides = array<i32>} : memref<128x16xf32, #tpu.memory_space<vmem>>, vector<16xf32>,
      tpu.vector_store %arg25[%swap3A_277, %swap3A_278], %broadcast_in_dim3A_28 {strides = array<i32>} : memref<128x16xf32, #tpu.memory_space<vmem>>, vector<16xf32>,
      %mul3A_280 = arith.constant 8 : i32
      %mul3A_281 = arith.muli %mul3A_280, %scan3A_266 : i32
      %add3A_282 = arith.constant 2 : i32
      %add3A_283 = arith.addi %mul3A_281, %add3A_282 : i32
      %swap3A_284 = arith.index_cast %add3A_283 : i32 to index
      %swap3A_285 = arith.constant 0 : index
      %swap3A_286 = tpu.vector_load %arg25[%swap3A_284, %swap3A_285] {strides = array<i32>} : memref<128x16xf32, #tpu.memory_space<vmem>>, vector<16xf32>,
      tpu.vector_store %arg25[%swap3A_284, %swap3A_285], %broadcast_in_dim3A_28 {strides = array<i32>} : memref<128x16xf32, #tpu.memory_space<vmem>>, vector<16xf32>,
      %mul3A_287 = arith.constant 8 : i32
      %mul3A_288 = arith.muli %mul3A_287, %scan3A_266 : i32
      %add3A_289 = arith.constant 3 : i32
      %add3A_290 = arith.addi %mul3A_288, %add3A_289 : i32
      %swap3A_291 = arith.index_cast %add3A_290 : i32 to index
      %swap3A_292 = arith.constant 0 : index
      %swap3A_293 = tpu.vector_load %arg25[%swap3A_291, %swap3A_292] {strides = array<i32>} : memref<128x16xf32, #tpu.memory_space<vmem>>, vector<16xf32>,
      tpu.vector_store %arg25[%swap3A_291, %swap3A_292], %broadcast_in_dim3A_28 {strides = array<i32>} : memref<128x16xf32, #tpu.memory_space<vmem>>, vector<16xf32>,
      %mul3A_294 = arith.constant 8 : i32
      %mul3A_295 = arith.muli %mul3A_294, %scan3A_266 : i32
      %add3A_296 = arith.constant 4 : i32
      %add3A_297 = arith.addi %mul3A_295, %add3A_296 : i32
      %swap3A_298 = arith.index_cast %add3A_297 : i32 to index
      %swap3A_299 = arith.constant 0 : index
      %swap3A_300 = tpu.vector_load %arg25[%swap3A_298, %swap3A_299] {strides = array<i32>} : memref<128x16xf32, #tpu.memory_space<vmem>>, vector<16xf32>,
      tpu.vector_store %arg25[%swap3A_298, %swap3A_299], %broadcast_in_dim3A_28 {strides = array<i32>} : memref<128x16xf32, #tpu.memory_space<vmem>>, vector<16xf32>,
      %mul3A_301 = arith.constant 8 : i32
      %mul3A_302 = arith.muli %mul3A_301, %scan3A_266 : i32
      %add3A_303 = arith.constant 5 : i32
      %add3A_304 = arith.addi %mul3A_302, %add3A_303 : i32
      %swap3A_305 = arith.index_cast %add3A_304 : i32 to index
      %swap3A_306 = arith.constant 0 : index
      %swap3A_307 = tpu.vector_load %arg25[%swap3A_305, %swap3A_306] {strides = array<i32>} : memref<128x16xf32, #tpu.memory_space<vmem>>, vector<16xf32>,
      tpu.vector_store %arg25[%swap3A_305, %swap3A_306], %broadcast_in_dim3A_28 {strides = array<i32>} : memref<128x16xf32, #tpu.memory_space<vmem>>, vector<16xf32>,
      %mul3A_308 = arith.constant 8 : i32
      %mul3A_309 = arith.muli %mul3A_308, %scan3A_266 : i32
      %add3A_310 = arith.constant 6 : i32
      %add3A_311 = arith.addi %mul3A_309, %add3A_310 : i32
      %swap3A_312 = arith.index_cast %add3A_311 : i32 to index
      %swap3A_313 = arith.constant 0 : index
      %swap3A_314 = tpu.vector_load %arg25[%swap3A_312, %swap3A_313] {strides = array<i32>} : memref<128x16xf32, #tpu.memory_space<vmem>>, vector<16xf32>,
      tpu.vector_store %arg25[%swap3A_312, %swap3A_313], %broadcast_in_dim3A_28 {strides = array<i32>} : memref<128x16xf32, #tpu.memory_space<vmem>>, vector<16xf32>,
      %mul3A_315 = arith.constant 8 : i32
      %mul3A_316 = arith.muli %mul3A_315, %scan3A_266 : i32
      %add3A_317 = arith.constant 7 : i32
      %add3A_318 = arith.addi %mul3A_316, %add3A_317 : i32
      %swap3A_319 = arith.index_cast %add3A_318 : i32 to index
      %swap3A_320 = arith.constant 0 : index
      %swap3A_321 = tpu.vector_load %arg25[%swap3A_319, %swap3A_320] {strides = array<i32>} : memref<128x16xf32, #tpu.memory_space<vmem>>, vector<16xf32>,
      tpu.vector_store %arg25[%swap3A_319, %swap3A_320], %broadcast_in_dim3A_28 {strides = array<i32>} : memref<128x16xf32, #tpu.memory_space<vmem>>, vector<16xf32>,
    }
    %scan3A_39 = arith.constant 16 : i32
    %mul3A_40 = arith.constant 640 : i32
    %mul3A_41 = arith.muli %arg1, %mul3A_40 : i32
    "tpu.region"() ({
      %run_scoped3A = tpu.sem_alloc : memref<!tpu.dma_semaphore, #tpu.memory_space<semaphore_mem>>
      %dma_start3A_266 = arith.constant 0 : i32
      %dma_start3A_267 = tpu.memref_slice %arg27[%mul3A_41, %dma_start3A_266] : memref<10240x16xf32, #tpu.memory_space<vmem_shared>> -> memref<640x16xf32, #tpu.memory_space<vmem_shared>>
      %dma_start3A_268 = arith.constant 0 : i32
      %dma_start3A_269 = tpu.memref_slice %arg27[%mul3A_41, %dma_start3A_268] : memref<10240x16xf32, #tpu.memory_space<vmem_shared>> -> memref<640x16xf32, #tpu.memory_space<vmem_shared>>
      tpu.enqueue_dma source(%arg24 : memref<640x16xf32, #tpu.memory_space<vmem>>) target(%dma_start3A_269 : memref<640x16xf32, #tpu.memory_space<vmem_shared>>) target_semaphore(%run_scoped3A : memref<!tpu.dma_semaphore, #tpu.memory_space<semaphore_mem>>)
      %dma_wait3A_270 = arith.constant 0 : i32
      %dma_wait3A_271 = tpu.memref_slice %arg27[%mul3A_41, %dma_wait3A_270] : memref<10240x16xf32, #tpu.memory_space<vmem_shared>> -> memref<640x16xf32, #tpu.memory_space<vmem_shared>>
      %dma_wait3A_272 = arith.constant 0 : i32
      %dma_wait3A_273 = tpu.memref_slice %arg27[%mul3A_41, %dma_wait3A_272] : memref<10240x16xf32, #tpu.memory_space<vmem_shared>> -> memref<640x16xf32, #tpu.memory_space<vmem_shared>>
      tpu.wait_dma2 semaphore(%run_scoped3A : memref<!tpu.dma_semaphore, #tpu.memory_space<semaphore_mem>>) src(%arg24 : memref<640x16xf32, #tpu.memory_space<vmem>>) dst(%dma_wait3A_273 : memref<640x16xf32, #tpu.memory_space<vmem_shared>>)
      tpu.yield
    }) : () -> ()
    %mul3A_42 = arith.constant 640 : i32
    %mul3A_43 = arith.muli %arg1, %mul3A_42 : i32
    "tpu.region"() ({
      %run_scoped3A = tpu.sem_alloc : memref<!tpu.dma_semaphore, #tpu.memory_space<semaphore_mem>>
      %dma_start3A_266 = arith.constant 0 : i32
      %dma_start3A_267 = tpu.memref_slice %arg28[%mul3A_43, %dma_start3A_266] : memref<10240x16xf32, #tpu.memory_space<vmem_shared>> -> memref<640x16xf32, #tpu.memory_space<vmem_shared>>
      %dma_start3A_268 = arith.constant 0 : i32
      %dma_start3A_269 = tpu.memref_slice %arg28[%mul3A_43, %dma_start3A_268] : memref<10240x16xf32, #tpu.memory_space<vmem_shared>> -> memref<640x16xf32, #tpu.memory_space<vmem_shared>>
      tpu.enqueue_dma source(%arg24 : memref<640x16xf32, #tpu.memory_space<vmem>>) target(%dma_start3A_269 : memref<640x16xf32, #tpu.memory_space<vmem_shared>>) target_semaphore(%run_scoped3A : memref<!tpu.dma_semaphore, #tpu.memory_space<semaphore_mem>>)
      %dma_wait3A_270 = arith.constant 0 : i32
      %dma_wait3A_271 = tpu.memref_slice %arg28[%mul3A_43, %dma_wait3A_270] : memref<10240x16xf32, #tpu.memory_space<vmem_shared>> -> memref<640x16xf32, #tpu.memory_space<vmem_shared>>
      %dma_wait3A_272 = arith.constant 0 : i32
      %dma_wait3A_273 = tpu.memref_slice %arg28[%mul3A_43, %dma_wait3A_272] : memref<10240x16xf32, #tpu.memory_space<vmem_shared>> -> memref<640x16xf32, #tpu.memory_space<vmem_shared>>
      tpu.wait_dma2 semaphore(%run_scoped3A : memref<!tpu.dma_semaphore, #tpu.memory_space<semaphore_mem>>) src(%arg24 : memref<640x16xf32, #tpu.memory_space<vmem>>) dst(%dma_wait3A_273 : memref<640x16xf32, #tpu.memory_space<vmem_shared>>)
      tpu.yield
    }) : () -> ()
    %dma_wait3A = arith.constant 0 : i32
    %dma_wait3A_44 = arith.constant 0 : i32
    %dma_wait3A_45 = tpu.memref_slice %arg2[%add3A, %dma_wait3A, %dma_wait3A_44] : memref<64x80x128xi32, #tpu.memory_space<hbm>> -> memref<1x80x128xi32, #tpu.memory_space<hbm>>
    %dma_wait3A_46 = tpu.memref_squeeze %dma_wait3A_45 : memref<1x80x128xi32, #tpu.memory_space<hbm>> -> memref<80x128xi32, #tpu.memory_space<hbm>>
    %dma_wait3A_47 = arith.constant 0 : i32
    %dma_wait3A_48 = arith.constant 0 : i32
    %dma_wait3A_49 = tpu.memref_slice %arg2[%add3A, %dma_wait3A_47, %dma_wait3A_48] : memref<64x80x128xi32, #tpu.memory_space<hbm>> -> memref<1x80x128xi32, #tpu.memory_space<hbm>>
    %dma_wait3A_50 = tpu.memref_squeeze %dma_wait3A_49 : memref<1x80x128xi32, #tpu.memory_space<hbm>> -> memref<80x128xi32, #tpu.memory_space<hbm>>
    tpu.wait_dma2 semaphore(%arg29 : memref<!tpu.dma_semaphore, #tpu.memory_space<semaphore_mem>>) src(%dma_wait3A_50 : memref<80x128xi32, #tpu.memory_space<hbm>>) dst(%arg6 : memref<80x128xi32, #tpu.memory_space<vmem>>)
    %dma_wait3A_51 = arith.constant 0 : i32
    %dma_wait3A_52 = arith.constant 0 : i32
    %dma_wait3A_53 = tpu.memref_slice %arg2[%add3A_9, %dma_wait3A_51, %dma_wait3A_52] : memref<64x80x128xi32, #tpu.memory_space<hbm>> -> memref<1x80x128xi32, #tpu.memory_space<hbm>>
    %dma_wait3A_54 = tpu.memref_squeeze %dma_wait3A_53 : memref<1x80x128xi32, #tpu.memory_space<hbm>> -> memref<80x128xi32, #tpu.memory_space<hbm>>
    %dma_wait3A_55 = arith.constant 0 : i32
    %dma_wait3A_56 = arith.constant 0 : i32
    %dma_wait3A_57 = tpu.memref_slice %arg2[%add3A_9, %dma_wait3A_55, %dma_wait3A_56] : memref<64x80x128xi32, #tpu.memory_space<hbm>> -> memref<1x80x128xi32, #tpu.memory_space<hbm>>
    %dma_wait3A_58 = tpu.memref_squeeze %dma_wait3A_57 : memref<1x80x128xi32, #tpu.memory_space<hbm>> -> memref<80x128xi32, #tpu.memory_space<hbm>>
    tpu.wait_dma2 semaphore(%arg30 : memref<!tpu.dma_semaphore, #tpu.memory_space<semaphore_mem>>) src(%dma_wait3A_58 : memref<80x128xi32, #tpu.memory_space<hbm>>) dst(%arg7 : memref<80x128xi32, #tpu.memory_space<vmem>>)
    %dma_wait3A_59 = arith.constant 0 : i32
    %dma_wait3A_60 = tpu.memref_slice %arg26[%mul3A_21, %dma_wait3A_59] : memref<10016x16xf32, #tpu.memory_space<vmem_shared>> -> memref<625x16xf32, #tpu.memory_space<vmem_shared>>
    %dma_wait3A_61 = arith.constant 0 : i32
    %dma_wait3A_62 = tpu.memref_slice %arg3[%mul3A_19, %dma_wait3A_61] : memref<10000x16xf32, #tpu.memory_space<hbm>> -> memref<625x16xf32, #tpu.memory_space<hbm>>
    tpu.wait_dma2 semaphore(%arg31 : memref<!tpu.dma_semaphore, #tpu.memory_space<semaphore_mem>>) src(%dma_wait3A_62 : memref<625x16xf32, #tpu.memory_space<hbm>>) dst(%dma_wait3A_60 : memref<625x16xf32, #tpu.memory_space<vmem_shared>>)
    %barrier3A = arith.constant 0 : index
    tpu.barrier barrier_id(%barrier3A)
    %dma_start3A_63 = arith.constant 0 : i32
    %dma_start3A_64 = arith.constant 0 : i32
    %dma_start3A_65 = tpu.memref_slice %arg6[%dma_start3A_63, %dma_start3A_64] : memref<80x128xi32, #tpu.memory_space<vmem>> -> memref<1x128xi32, #tpu.memory_space<vmem>>
    %dma_start3A_66 = tpu.memref_squeeze %dma_start3A_65 : memref<1x128xi32, #tpu.memory_space<vmem>> -> memref<128xi32, #tpu.memory_space<vmem>>
    %dma_start3A_67 = arith.constant 0 : i32
    %dma_start3A_68 = arith.constant 0 : i32
    %dma_start3A_69 = tpu.memref_slice %arg26[%dma_start3A_67, %dma_start3A_68] : memref<10016x16xf32, #tpu.memory_space<vmem_shared>> -> memref<10016x16xf32, #tpu.memory_space<vmem_shared>>
    tpu.enqueue_indirect_dma source(%dma_start3A_69 : memref<10016x16xf32, #tpu.memory_space<vmem_shared>>) target(%arg8 : memref<128x16xf32, #tpu.memory_space<vmem>>) offsets(%dma_start3A_66 : memref<128xi32, #tpu.memory_space<vmem>>) semaphore(%arg29 : memref<!tpu.dma_semaphore, #tpu.memory_space<semaphore_mem>>)
    %dma_start3A_70 = arith.constant 1 : i32
    %dma_start3A_71 = arith.constant 0 : i32
    %dma_start3A_72 = tpu.memref_slice %arg6[%dma_start3A_70, %dma_start3A_71] : memref<80x128xi32, #tpu.memory_space<vmem>> -> memref<1x128xi32, #tpu.memory_space<vmem>>
    %dma_start3A_73 = tpu.memref_squeeze %dma_start3A_72 : memref<1x128xi32, #tpu.memory_space<vmem>> -> memref<128xi32, #tpu.memory_space<vmem>>
    %dma_start3A_74 = arith.constant 0 : i32
    %dma_start3A_75 = arith.constant 0 : i32
    %dma_start3A_76 = tpu.memref_slice %arg26[%dma_start3A_74, %dma_start3A_75] : memref<10016x16xf32, #tpu.memory_space<vmem_shared>> -> memref<10016x16xf32, #tpu.memory_space<vmem_shared>>
    tpu.enqueue_indirect_dma source(%dma_start3A_76 : memref<10016x16xf32, #tpu.memory_space<vmem_shared>>) target(%arg9 : memref<128x16xf32, #tpu.memory_space<vmem>>) offsets(%dma_start3A_73 : memref<128xi32, #tpu.memory_space<vmem>>) semaphore(%arg29 : memref<!tpu.dma_semaphore, #tpu.memory_space<semaphore_mem>>)
    %dma_start3A_77 = arith.constant 2 : i32
    %dma_start3A_78 = arith.constant 0 : i32
    %dma_start3A_79 = tpu.memref_slice %arg6[%dma_start3A_77, %dma_start3A_78] : memref<80x128xi32, #tpu.memory_space<vmem>> -> memref<1x128xi32, #tpu.memory_space<vmem>>
    %dma_start3A_80 = tpu.memref_squeeze %dma_start3A_79 : memref<1x128xi32, #tpu.memory_space<vmem>> -> memref<128xi32, #tpu.memory_space<vmem>>
    %dma_start3A_81 = arith.constant 0 : i32
    %dma_start3A_82 = arith.constant 0 : i32
    %dma_start3A_83 = tpu.memref_slice %arg26[%dma_start3A_81, %dma_start3A_82] : memref<10016x16xf32, #tpu.memory_space<vmem_shared>> -> memref<10016x16xf32, #tpu.memory_space<vmem_shared>>
    tpu.enqueue_indirect_dma source(%dma_start3A_83 : memref<10016x16xf32, #tpu.memory_space<vmem_shared>>) target(%arg10 : memref<128x16xf32, #tpu.memory_space<vmem>>) offsets(%dma_start3A_80 : memref<128xi32, #tpu.memory_space<vmem>>) semaphore(%arg29 : memref<!tpu.dma_semaphore, #tpu.memory_space<semaphore_mem>>)
    %dma_start3A_84 = arith.constant 3 : i32
    %dma_start3A_85 = arith.constant 0 : i32
    %dma_start3A_86 = tpu.memref_slice %arg6[%dma_start3A_84, %dma_start3A_85] : memref<80x128xi32, #tpu.memory_space<vmem>> -> memref<1x128xi32, #tpu.memory_space<vmem>>
    %dma_start3A_87 = tpu.memref_squeeze %dma_start3A_86 : memref<1x128xi32, #tpu.memory_space<vmem>> -> memref<128xi32, #tpu.memory_space<vmem>>
    %dma_start3A_88 = arith.constant 0 : i32
    %dma_start3A_89 = arith.constant 0 : i32
    %dma_start3A_90 = tpu.memref_slice %arg26[%dma_start3A_88, %dma_start3A_89] : memref<10016x16xf32, #tpu.memory_space<vmem_shared>> -> memref<10016x16xf32, #tpu.memory_space<vmem_shared>>
    tpu.enqueue_indirect_dma source(%dma_start3A_90 : memref<10016x16xf32, #tpu.memory_space<vmem_shared>>) target(%arg11 : memref<128x16xf32, #tpu.memory_space<vmem>>) offsets(%dma_start3A_87 : memref<128xi32, #tpu.memory_space<vmem>>) semaphore(%arg29 : memref<!tpu.dma_semaphore, #tpu.memory_space<semaphore_mem>>)
    %dma_start3A_91 = arith.constant 4 : i32
    %dma_start3A_92 = arith.constant 0 : i32
    %dma_start3A_93 = tpu.memref_slice %arg6[%dma_start3A_91, %dma_start3A_92] : memref<80x128xi32, #tpu.memory_space<vmem>> -> memref<1x128xi32, #tpu.memory_space<vmem>>
    %dma_start3A_94 = tpu.memref_squeeze %dma_start3A_93 : memref<1x128xi32, #tpu.memory_space<vmem>> -> memref<128xi32, #tpu.memory_space<vmem>>
    %dma_start3A_95 = arith.constant 0 : i32
    %dma_start3A_96 = arith.constant 0 : i32
    %dma_start3A_97 = tpu.memref_slice %arg26[%dma_start3A_95, %dma_start3A_96] : memref<10016x16xf32, #tpu.memory_space<vmem_shared>> -> memref<10016x16xf32, #tpu.memory_space<vmem_shared>>
    tpu.enqueue_indirect_dma source(%dma_start3A_97 : memref<10016x16xf32, #tpu.memory_space<vmem_shared>>) target(%arg12 : memref<128x16xf32, #tpu.memory_space<vmem>>) offsets(%dma_start3A_94 : memref<128xi32, #tpu.memory_space<vmem>>) semaphore(%arg29 : memref<!tpu.dma_semaphore, #tpu.memory_space<semaphore_mem>>)
    %dma_start3A_98 = arith.constant 5 : i32
    %dma_start3A_99 = arith.constant 0 : i32
    %dma_start3A_100 = tpu.memref_slice %arg6[%dma_start3A_98, %dma_start3A_99] : memref<80x128xi32, #tpu.memory_space<vmem>> -> memref<1x128xi32, #tpu.memory_space<vmem>>
    %dma_start3A_101 = tpu.memref_squeeze %dma_start3A_100 : memref<1x128xi32, #tpu.memory_space<vmem>> -> memref<128xi32, #tpu.memory_space<vmem>>
    %dma_start3A_102 = arith.constant 0 : i32
    %dma_start3A_103 = arith.constant 0 : i32
    %dma_start3A_104 = tpu.memref_slice %arg26[%dma_start3A_102, %dma_start3A_103] : memref<10016x16xf32, #tpu.memory_space<vmem_shared>> -> memref<10016x16xf32, #tpu.memory_space<vmem_shared>>
    tpu.enqueue_indirect_dma source(%dma_start3A_104 : memref<10016x16xf32, #tpu.memory_space<vmem_shared>>) target(%arg13 : memref<128x16xf32, #tpu.memory_space<vmem>>) offsets(%dma_start3A_101 : memref<128xi32, #tpu.memory_space<vmem>>) semaphore(%arg29 : memref<!tpu.dma_semaphore, #tpu.memory_space<semaphore_mem>>)
    %dma_start3A_105 = arith.constant 6 : i32
    %dma_start3A_106 = arith.constant 0 : i32
    %dma_start3A_107 = tpu.memref_slice %arg6[%dma_start3A_105, %dma_start3A_106] : memref<80x128xi32, #tpu.memory_space<vmem>> -> memref<1x128xi32, #tpu.memory_space<vmem>>
    %dma_start3A_108 = tpu.memref_squeeze %dma_start3A_107 : memref<1x128xi32, #tpu.memory_space<vmem>> -> memref<128xi32, #tpu.memory_space<vmem>>
    %dma_start3A_109 = arith.constant 0 : i32
    %dma_start3A_110 = arith.constant 0 : i32
    %dma_start3A_111 = tpu.memref_slice %arg26[%dma_start3A_109, %dma_start3A_110] : memref<10016x16xf32, #tpu.memory_space<vmem_shared>> -> memref<10016x16xf32, #tpu.memory_space<vmem_shared>>
    tpu.enqueue_indirect_dma source(%dma_start3A_111 : memref<10016x16xf32, #tpu.memory_space<vmem_shared>>) target(%arg14 : memref<128x16xf32, #tpu.memory_space<vmem>>) offsets(%dma_start3A_108 : memref<128xi32, #tpu.memory_space<vmem>>) semaphore(%arg29 : memref<!tpu.dma_semaphore, #tpu.memory_space<semaphore_mem>>)
    %dma_start3A_112 = arith.constant 7 : i32
    %dma_start3A_113 = arith.constant 0 : i32
    %dma_start3A_114 = tpu.memref_slice %arg6[%dma_start3A_112, %dma_start3A_113] : memref<80x128xi32, #tpu.memory_space<vmem>> -> memref<1x128xi32, #tpu.memory_space<vmem>>
    %dma_start3A_115 = tpu.memref_squeeze %dma_start3A_114 : memref<1x128xi32, #tpu.memory_space<vmem>> -> memref<128xi32, #tpu.memory_space<vmem>>
    %dma_start3A_116 = arith.constant 0 : i32
    %dma_start3A_117 = arith.constant 0 : i32
    %dma_start3A_118 = tpu.memref_slice %arg26[%dma_start3A_116, %dma_start3A_117] : memref<10016x16xf32, #tpu.memory_space<vmem_shared>> -> memref<10016x16xf32, #tpu.memory_space<vmem_shared>>
    tpu.enqueue_indirect_dma source(%dma_start3A_118 : memref<10016x16xf32, #tpu.memory_space<vmem_shared>>) target(%arg15 : memref<128x16xf32, #tpu.memory_space<vmem>>) offsets(%dma_start3A_115 : memref<128xi32, #tpu.memory_space<vmem>>) semaphore(%arg29 : memref<!tpu.dma_semaphore, #tpu.memory_space<semaphore_mem>>)
    %scan3A_119 = arith.constant 0 : i32
    %scan3A_120 = arith.constant 0 : i32
    %scan3A_121 = arith.constant 5 : i32
    %scan3A_122 = arith.addi %scan3A_120, %scan3A_121 : i32
    %scan3A_123 = arith.constant 1 : i32
    scf.for %scan3A_266 = %scan3A_120 to %scan3A_122 step %scan3A_123  : i32 {
      %mul3A_267 = arith.constant 16 : i32
      %mul3A_268 = arith.muli %mul3A_267, %scan3A_266 : i32
      %gt3A = arith.constant 0 : i32
      %gt3A_269 = arith.cmpi sgt, %scan3A_266, %gt3A : i32
      %convert_element_type3A = arith.extui %gt3A_269 : i1 to i32
      %cond3A = arith.constant 0 : i32
      %cond3A_270 = arith.cmpi ne, %convert_element_type3A, %cond3A : i32
      scf.if %cond3A_270 {
        %dma_wait3A_823 = arith.constant 0 : i32
        %dma_wait3A_824 = arith.constant 0 : i32
        %dma_wait3A_825 = tpu.memref_slice %arg7[%dma_wait3A_823, %dma_wait3A_824] : memref<80x128xi32, #tpu.memory_space<vmem>> -> memref<1x128xi32, #tpu.memory_space<vmem>>
        %dma_wait3A_826 = tpu.memref_squeeze %dma_wait3A_825 : memref<1x128xi32, #tpu.memory_space<vmem>> -> memref<128xi32, #tpu.memory_space<vmem>>
        %dma_wait3A_827 = arith.constant 0 : i32
        %dma_wait3A_828 = arith.constant 0 : i32
        %dma_wait3A_829 = tpu.memref_slice %arg27[%dma_wait3A_827, %dma_wait3A_828] : memref<10240x16xf32, #tpu.memory_space<vmem_shared>> -> memref<10240x16xf32, #tpu.memory_space<vmem_shared>>
        tpu.wait_indirect_dma semaphore(%arg32 : memref<!tpu.dma_semaphore, #tpu.memory_space<semaphore_mem>>) src(%arg16 : memref<128x16xf32, #tpu.memory_space<vmem>>) dst(%dma_wait3A_829 : memref<10240x16xf32, #tpu.memory_space<vmem_shared>>)
        %dma_wait3A_830 = arith.constant 0 : i32
        %dma_wait3A_831 = arith.constant 0 : i32
        %dma_wait3A_832 = tpu.memref_slice %arg7[%dma_wait3A_830, %dma_wait3A_831] : memref<80x128xi32, #tpu.memory_space<vmem>> -> memref<1x128xi32, #tpu.memory_space<vmem>>
        %dma_wait3A_833 = tpu.memref_squeeze %dma_wait3A_832 : memref<1x128xi32, #tpu.memory_space<vmem>> -> memref<128xi32, #tpu.memory_space<vmem>>
        %dma_wait3A_834 = arith.constant 0 : i32
        %dma_wait3A_835 = arith.constant 0 : i32
        %dma_wait3A_836 = tpu.memref_slice %arg28[%dma_wait3A_834, %dma_wait3A_835] : memref<10240x16xf32, #tpu.memory_space<vmem_shared>> -> memref<10240x16xf32, #tpu.memory_space<vmem_shared>>
        tpu.wait_indirect_dma semaphore(%arg32 : memref<!tpu.dma_semaphore, #tpu.memory_space<semaphore_mem>>) src(%arg25 : memref<128x16xf32, #tpu.memory_space<vmem>>) dst(%dma_wait3A_836 : memref<10240x16xf32, #tpu.memory_space<vmem_shared>>)
        %dma_wait3A_837 = arith.constant 0 : i32
        %dma_wait3A_838 = arith.constant 0 : i32
        %dma_wait3A_839 = tpu.memref_slice %arg7[%dma_wait3A_837, %dma_wait3A_838] : memref<80x128xi32, #tpu.memory_space<vmem>> -> memref<1x128xi32, #tpu.memory_space<vmem>>
        %dma_wait3A_840 = tpu.memref_squeeze %dma_wait3A_839 : memref<1x128xi32, #tpu.memory_space<vmem>> -> memref<128xi32, #tpu.memory_space<vmem>>
        %dma_wait3A_841 = arith.constant 0 : i32
        %dma_wait3A_842 = arith.constant 0 : i32
        %dma_wait3A_843 = tpu.memref_slice %arg27[%dma_wait3A_841, %dma_wait3A_842] : memref<10240x16xf32, #tpu.memory_space<vmem_shared>> -> memref<10240x16xf32, #tpu.memory_space<vmem_shared>>
        tpu.wait_indirect_dma semaphore(%arg32 : memref<!tpu.dma_semaphore, #tpu.memory_space<semaphore_mem>>) src(%arg17 : memref<128x16xf32, #tpu.memory_space<vmem>>) dst(%dma_wait3A_843 : memref<10240x16xf32, #tpu.memory_space<vmem_shared>>)
        %dma_wait3A_844 = arith.constant 0 : i32
        %dma_wait3A_845 = arith.constant 0 : i32
        %dma_wait3A_846 = tpu.memref_slice %arg7[%dma_wait3A_844, %dma_wait3A_845] : memref<80x128xi32, #tpu.memory_space<vmem>> -> memref<1x128xi32, #tpu.memory_space<vmem>>
        %dma_wait3A_847 = tpu.memref_squeeze %dma_wait3A_846 : memref<1x128xi32, #tpu.memory_space<vmem>> -> memref<128xi32, #tpu.memory_space<vmem>>
        %dma_wait3A_848 = arith.constant 0 : i32
        %dma_wait3A_849 = arith.constant 0 : i32
        %dma_wait3A_850 = tpu.memref_slice %arg28[%dma_wait3A_848, %dma_wait3A_849] : memref<10240x16xf32, #tpu.memory_space<vmem_shared>> -> memref<10240x16xf32, #tpu.memory_space<vmem_shared>>
        tpu.wait_indirect_dma semaphore(%arg32 : memref<!tpu.dma_semaphore, #tpu.memory_space<semaphore_mem>>) src(%arg25 : memref<128x16xf32, #tpu.memory_space<vmem>>) dst(%dma_wait3A_850 : memref<10240x16xf32, #tpu.memory_space<vmem_shared>>)
        %dma_wait3A_851 = arith.constant 0 : i32
        %dma_wait3A_852 = arith.constant 0 : i32
        %dma_wait3A_853 = tpu.memref_slice %arg7[%dma_wait3A_851, %dma_wait3A_852] : memref<80x128xi32, #tpu.memory_space<vmem>> -> memref<1x128xi32, #tpu.memory_space<vmem>>
        %dma_wait3A_854 = tpu.memref_squeeze %dma_wait3A_853 : memref<1x128xi32, #tpu.memory_space<vmem>> -> memref<128xi32, #tpu.memory_space<vmem>>
        %dma_wait3A_855 = arith.constant 0 : i32
        %dma_wait3A_856 = arith.constant 0 : i32
        %dma_wait3A_857 = tpu.memref_slice %arg27[%dma_wait3A_855, %dma_wait3A_856] : memref<10240x16xf32, #tpu.memory_space<vmem_shared>> -> memref<10240x16xf32, #tpu.memory_space<vmem_shared>>
        tpu.wait_indirect_dma semaphore(%arg32 : memref<!tpu.dma_semaphore, #tpu.memory_space<semaphore_mem>>) src(%arg18 : memref<128x16xf32, #tpu.memory_space<vmem>>) dst(%dma_wait3A_857 : memref<10240x16xf32, #tpu.memory_space<vmem_shared>>)
        %dma_wait3A_858 = arith.constant 0 : i32
        %dma_wait3A_859 = arith.constant 0 : i32
        %dma_wait3A_860 = tpu.memref_slice %arg7[%dma_wait3A_858, %dma_wait3A_859] : memref<80x128xi32, #tpu.memory_space<vmem>> -> memref<1x128xi32, #tpu.memory_space<vmem>>
        %dma_wait3A_861 = tpu.memref_squeeze %dma_wait3A_860 : memref<1x128xi32, #tpu.memory_space<vmem>> -> memref<128xi32, #tpu.memory_space<vmem>>
        %dma_wait3A_862 = arith.constant 0 : i32
        %dma_wait3A_863 = arith.constant 0 : i32
        %dma_wait3A_864 = tpu.memref_slice %arg28[%dma_wait3A_862, %dma_wait3A_863] : memref<10240x16xf32, #tpu.memory_space<vmem_shared>> -> memref<10240x16xf32, #tpu.memory_space<vmem_shared>>
        tpu.wait_indirect_dma semaphore(%arg32 : memref<!tpu.dma_semaphore, #tpu.memory_space<semaphore_mem>>) src(%arg25 : memref<128x16xf32, #tpu.memory_space<vmem>>) dst(%dma_wait3A_864 : memref<10240x16xf32, #tpu.memory_space<vmem_shared>>)
        %dma_wait3A_865 = arith.constant 0 : i32
        %dma_wait3A_866 = arith.constant 0 : i32
        %dma_wait3A_867 = tpu.memref_slice %arg7[%dma_wait3A_865, %dma_wait3A_866] : memref<80x128xi32, #tpu.memory_space<vmem>> -> memref<1x128xi32, #tpu.memory_space<vmem>>
        %dma_wait3A_868 = tpu.memref_squeeze %dma_wait3A_867 : memref<1x128xi32, #tpu.memory_space<vmem>> -> memref<128xi32, #tpu.memory_space<vmem>>
        %dma_wait3A_869 = arith.constant 0 : i32
        %dma_wait3A_870 = arith.constant 0 : i32
        %dma_wait3A_871 = tpu.memref_slice %arg27[%dma_wait3A_869, %dma_wait3A_870] : memref<10240x16xf32, #tpu.memory_space<vmem_shared>> -> memref<10240x16xf32, #tpu.memory_space<vmem_shared>>
        tpu.wait_indirect_dma semaphore(%arg32 : memref<!tpu.dma_semaphore, #tpu.memory_space<semaphore_mem>>) src(%arg19 : memref<128x16xf32, #tpu.memory_space<vmem>>) dst(%dma_wait3A_871 : memref<10240x16xf32, #tpu.memory_space<vmem_shared>>)
        %dma_wait3A_872 = arith.constant 0 : i32
        %dma_wait3A_873 = arith.constant 0 : i32
        %dma_wait3A_874 = tpu.memref_slice %arg7[%dma_wait3A_872, %dma_wait3A_873] : memref<80x128xi32, #tpu.memory_space<vmem>> -> memref<1x128xi32, #tpu.memory_space<vmem>>
        %dma_wait3A_875 = tpu.memref_squeeze %dma_wait3A_874 : memref<1x128xi32, #tpu.memory_space<vmem>> -> memref<128xi32, #tpu.memory_space<vmem>>
        %dma_wait3A_876 = arith.constant 0 : i32
        %dma_wait3A_877 = arith.constant 0 : i32
        %dma_wait3A_878 = tpu.memref_slice %arg28[%dma_wait3A_876, %dma_wait3A_877] : memref<10240x16xf32, #tpu.memory_space<vmem_shared>> -> memref<10240x16xf32, #tpu.memory_space<vmem_shared>>
        tpu.wait_indirect_dma semaphore(%arg32 : memref<!tpu.dma_semaphore, #tpu.memory_space<semaphore_mem>>) src(%arg25 : memref<128x16xf32, #tpu.memory_space<vmem>>) dst(%dma_wait3A_878 : memref<10240x16xf32, #tpu.memory_space<vmem_shared>>)
        %dma_wait3A_879 = arith.constant 0 : i32
        %dma_wait3A_880 = arith.constant 0 : i32
        %dma_wait3A_881 = tpu.memref_slice %arg7[%dma_wait3A_879, %dma_wait3A_880] : memref<80x128xi32, #tpu.memory_space<vmem>> -> memref<1x128xi32, #tpu.memory_space<vmem>>
        %dma_wait3A_882 = tpu.memref_squeeze %dma_wait3A_881 : memref<1x128xi32, #tpu.memory_space<vmem>> -> memref<128xi32, #tpu.memory_space<vmem>>
        %dma_wait3A_883 = arith.constant 0 : i32
        %dma_wait3A_884 = arith.constant 0 : i32
        %dma_wait3A_885 = tpu.memref_slice %arg27[%dma_wait3A_883, %dma_wait3A_884] : memref<10240x16xf32, #tpu.memory_space<vmem_shared>> -> memref<10240x16xf32, #tpu.memory_space<vmem_shared>>
        tpu.wait_indirect_dma semaphore(%arg32 : memref<!tpu.dma_semaphore, #tpu.memory_space<semaphore_mem>>) src(%arg20 : memref<128x16xf32, #tpu.memory_space<vmem>>) dst(%dma_wait3A_885 : memref<10240x16xf32, #tpu.memory_space<vmem_shared>>)
        %dma_wait3A_886 = arith.constant 0 : i32
        %dma_wait3A_887 = arith.constant 0 : i32
        %dma_wait3A_888 = tpu.memref_slice %arg7[%dma_wait3A_886, %dma_wait3A_887] : memref<80x128xi32, #tpu.memory_space<vmem>> -> memref<1x128xi32, #tpu.memory_space<vmem>>
        %dma_wait3A_889 = tpu.memref_squeeze %dma_wait3A_888 : memref<1x128xi32, #tpu.memory_space<vmem>> -> memref<128xi32, #tpu.memory_space<vmem>>
        %dma_wait3A_890 = arith.constant 0 : i32
        %dma_wait3A_891 = arith.constant 0 : i32
        %dma_wait3A_892 = tpu.memref_slice %arg28[%dma_wait3A_890, %dma_wait3A_891] : memref<10240x16xf32, #tpu.memory_space<vmem_shared>> -> memref<10240x16xf32, #tpu.memory_space<vmem_shared>>
        tpu.wait_indirect_dma semaphore(%arg32 : memref<!tpu.dma_semaphore, #tpu.memory_space<semaphore_mem>>) src(%arg25 : memref<128x16xf32, #tpu.memory_space<vmem>>) dst(%dma_wait3A_892 : memref<10240x16xf32, #tpu.memory_space<vmem_shared>>)
        %dma_wait3A_893 = arith.constant 0 : i32
        %dma_wait3A_894 = arith.constant 0 : i32
        %dma_wait3A_895 = tpu.memref_slice %arg7[%dma_wait3A_893, %dma_wait3A_894] : memref<80x128xi32, #tpu.memory_space<vmem>> -> memref<1x128xi32, #tpu.memory_space<vmem>>
        %dma_wait3A_896 = tpu.memref_squeeze %dma_wait3A_895 : memref<1x128xi32, #tpu.memory_space<vmem>> -> memref<128xi32, #tpu.memory_space<vmem>>
        %dma_wait3A_897 = arith.constant 0 : i32
        %dma_wait3A_898 = arith.constant 0 : i32
        %dma_wait3A_899 = tpu.memref_slice %arg27[%dma_wait3A_897, %dma_wait3A_898] : memref<10240x16xf32, #tpu.memory_space<vmem_shared>> -> memref<10240x16xf32, #tpu.memory_space<vmem_shared>>
        tpu.wait_indirect_dma semaphore(%arg32 : memref<!tpu.dma_semaphore, #tpu.memory_space<semaphore_mem>>) src(%arg21 : memref<128x16xf32, #tpu.memory_space<vmem>>) dst(%dma_wait3A_899 : memref<10240x16xf32, #tpu.memory_space<vmem_shared>>)
        %dma_wait3A_900 = arith.constant 0 : i32
        %dma_wait3A_901 = arith.constant 0 : i32
        %dma_wait3A_902 = tpu.memref_slice %arg7[%dma_wait3A_900, %dma_wait3A_901] : memref<80x128xi32, #tpu.memory_space<vmem>> -> memref<1x128xi32, #tpu.memory_space<vmem>>
        %dma_wait3A_903 = tpu.memref_squeeze %dma_wait3A_902 : memref<1x128xi32, #tpu.memory_space<vmem>> -> memref<128xi32, #tpu.memory_space<vmem>>
        %dma_wait3A_904 = arith.constant 0 : i32
        %dma_wait3A_905 = arith.constant 0 : i32
        %dma_wait3A_906 = tpu.memref_slice %arg28[%dma_wait3A_904, %dma_wait3A_905] : memref<10240x16xf32, #tpu.memory_space<vmem_shared>> -> memref<10240x16xf32, #tpu.memory_space<vmem_shared>>
        tpu.wait_indirect_dma semaphore(%arg32 : memref<!tpu.dma_semaphore, #tpu.memory_space<semaphore_mem>>) src(%arg25 : memref<128x16xf32, #tpu.memory_space<vmem>>) dst(%dma_wait3A_906 : memref<10240x16xf32, #tpu.memory_space<vmem_shared>>)
        %dma_wait3A_907 = arith.constant 0 : i32
        %dma_wait3A_908 = arith.constant 0 : i32
        %dma_wait3A_909 = tpu.memref_slice %arg7[%dma_wait3A_907, %dma_wait3A_908] : memref<80x128xi32, #tpu.memory_space<vmem>> -> memref<1x128xi32, #tpu.memory_space<vmem>>
        %dma_wait3A_910 = tpu.memref_squeeze %dma_wait3A_909 : memref<1x128xi32, #tpu.memory_space<vmem>> -> memref<128xi32, #tpu.memory_space<vmem>>
        %dma_wait3A_911 = arith.constant 0 : i32
        %dma_wait3A_912 = arith.constant 0 : i32
        %dma_wait3A_913 = tpu.memref_slice %arg27[%dma_wait3A_911, %dma_wait3A_912] : memref<10240x16xf32, #tpu.memory_space<vmem_shared>> -> memref<10240x16xf32, #tpu.memory_space<vmem_shared>>
        tpu.wait_indirect_dma semaphore(%arg32 : memref<!tpu.dma_semaphore, #tpu.memory_space<semaphore_mem>>) src(%arg22 : memref<128x16xf32, #tpu.memory_space<vmem>>) dst(%dma_wait3A_913 : memref<10240x16xf32, #tpu.memory_space<vmem_shared>>)
        %dma_wait3A_914 = arith.constant 0 : i32
        %dma_wait3A_915 = arith.constant 0 : i32
        %dma_wait3A_916 = tpu.memref_slice %arg7[%dma_wait3A_914, %dma_wait3A_915] : memref<80x128xi32, #tpu.memory_space<vmem>> -> memref<1x128xi32, #tpu.memory_space<vmem>>
        %dma_wait3A_917 = tpu.memref_squeeze %dma_wait3A_916 : memref<1x128xi32, #tpu.memory_space<vmem>> -> memref<128xi32, #tpu.memory_space<vmem>>
        %dma_wait3A_918 = arith.constant 0 : i32
        %dma_wait3A_919 = arith.constant 0 : i32
        %dma_wait3A_920 = tpu.memref_slice %arg28[%dma_wait3A_918, %dma_wait3A_919] : memref<10240x16xf32, #tpu.memory_space<vmem_shared>> -> memref<10240x16xf32, #tpu.memory_space<vmem_shared>>
        tpu.wait_indirect_dma semaphore(%arg32 : memref<!tpu.dma_semaphore, #tpu.memory_space<semaphore_mem>>) src(%arg25 : memref<128x16xf32, #tpu.memory_space<vmem>>) dst(%dma_wait3A_920 : memref<10240x16xf32, #tpu.memory_space<vmem_shared>>)
        %dma_wait3A_921 = arith.constant 0 : i32
        %dma_wait3A_922 = arith.constant 0 : i32
        %dma_wait3A_923 = tpu.memref_slice %arg7[%dma_wait3A_921, %dma_wait3A_922] : memref<80x128xi32, #tpu.memory_space<vmem>> -> memref<1x128xi32, #tpu.memory_space<vmem>>
        %dma_wait3A_924 = tpu.memref_squeeze %dma_wait3A_923 : memref<1x128xi32, #tpu.memory_space<vmem>> -> memref<128xi32, #tpu.memory_space<vmem>>
        %dma_wait3A_925 = arith.constant 0 : i32
        %dma_wait3A_926 = arith.constant 0 : i32
        %dma_wait3A_927 = tpu.memref_slice %arg27[%dma_wait3A_925, %dma_wait3A_926] : memref<10240x16xf32, #tpu.memory_space<vmem_shared>> -> memref<10240x16xf32, #tpu.memory_space<vmem_shared>>
        tpu.wait_indirect_dma semaphore(%arg32 : memref<!tpu.dma_semaphore, #tpu.memory_space<semaphore_mem>>) src(%arg23 : memref<128x16xf32, #tpu.memory_space<vmem>>) dst(%dma_wait3A_927 : memref<10240x16xf32, #tpu.memory_space<vmem_shared>>)
        %dma_wait3A_928 = arith.constant 0 : i32
        %dma_wait3A_929 = arith.constant 0 : i32
        %dma_wait3A_930 = tpu.memref_slice %arg7[%dma_wait3A_928, %dma_wait3A_929] : memref<80x128xi32, #tpu.memory_space<vmem>> -> memref<1x128xi32, #tpu.memory_space<vmem>>
        %dma_wait3A_931 = tpu.memref_squeeze %dma_wait3A_930 : memref<1x128xi32, #tpu.memory_space<vmem>> -> memref<128xi32, #tpu.memory_space<vmem>>
        %dma_wait3A_932 = arith.constant 0 : i32
        %dma_wait3A_933 = arith.constant 0 : i32
        %dma_wait3A_934 = tpu.memref_slice %arg28[%dma_wait3A_932, %dma_wait3A_933] : memref<10240x16xf32, #tpu.memory_space<vmem_shared>> -> memref<10240x16xf32, #tpu.memory_space<vmem_shared>>
        tpu.wait_indirect_dma semaphore(%arg32 : memref<!tpu.dma_semaphore, #tpu.memory_space<semaphore_mem>>) src(%arg25 : memref<128x16xf32, #tpu.memory_space<vmem>>) dst(%dma_wait3A_934 : memref<10240x16xf32, #tpu.memory_space<vmem_shared>>)
      } else {
      }
      %add3A_271 = arith.constant 8 : i32
      %add3A_272 = arith.addi %mul3A_268, %add3A_271 : i32
      %add3A_273 = arith.constant 0 : i32
      %add3A_274 = arith.addi %add3A_272, %add3A_273 : i32
      %dma_start3A_275 = arith.constant 0 : i32
      %dma_start3A_276 = tpu.memref_slice %arg6[%add3A_274, %dma_start3A_275] : memref<80x128xi32, #tpu.memory_space<vmem>> -> memref<1x128xi32, #tpu.memory_space<vmem>>
      %dma_start3A_277 = tpu.memref_squeeze %dma_start3A_276 : memref<1x128xi32, #tpu.memory_space<vmem>> -> memref<128xi32, #tpu.memory_space<vmem>>
      %dma_start3A_278 = arith.constant 0 : i32
      %dma_start3A_279 = arith.constant 0 : i32
      %dma_start3A_280 = tpu.memref_slice %arg26[%dma_start3A_278, %dma_start3A_279] : memref<10016x16xf32, #tpu.memory_space<vmem_shared>> -> memref<10016x16xf32, #tpu.memory_space<vmem_shared>>
      tpu.enqueue_indirect_dma source(%dma_start3A_280 : memref<10016x16xf32, #tpu.memory_space<vmem_shared>>) target(%arg16 : memref<128x16xf32, #tpu.memory_space<vmem>>) offsets(%dma_start3A_277 : memref<128xi32, #tpu.memory_space<vmem>>) semaphore(%arg30 : memref<!tpu.dma_semaphore, #tpu.memory_space<semaphore_mem>>)
      %add3A_281 = arith.constant 1 : i32
      %add3A_282 = arith.addi %add3A_272, %add3A_281 : i32
      %dma_start3A_283 = arith.constant 0 : i32
      %dma_start3A_284 = tpu.memref_slice %arg6[%add3A_282, %dma_start3A_283] : memref<80x128xi32, #tpu.memory_space<vmem>> -> memref<1x128xi32, #tpu.memory_space<vmem>>
      %dma_start3A_285 = tpu.memref_squeeze %dma_start3A_284 : memref<1x128xi32, #tpu.memory_space<vmem>> -> memref<128xi32, #tpu.memory_space<vmem>>
      %dma_start3A_286 = arith.constant 0 : i32
      %dma_start3A_287 = arith.constant 0 : i32
      %dma_start3A_288 = tpu.memref_slice %arg26[%dma_start3A_286, %dma_start3A_287] : memref<10016x16xf32, #tpu.memory_space<vmem_shared>> -> memref<10016x16xf32, #tpu.memory_space<vmem_shared>>
      tpu.enqueue_indirect_dma source(%dma_start3A_288 : memref<10016x16xf32, #tpu.memory_space<vmem_shared>>) target(%arg17 : memref<128x16xf32, #tpu.memory_space<vmem>>) offsets(%dma_start3A_285 : memref<128xi32, #tpu.memory_space<vmem>>) semaphore(%arg30 : memref<!tpu.dma_semaphore, #tpu.memory_space<semaphore_mem>>)
      %add3A_289 = arith.constant 2 : i32
      %add3A_290 = arith.addi %add3A_272, %add3A_289 : i32
      %dma_start3A_291 = arith.constant 0 : i32
      %dma_start3A_292 = tpu.memref_slice %arg6[%add3A_290, %dma_start3A_291] : memref<80x128xi32, #tpu.memory_space<vmem>> -> memref<1x128xi32, #tpu.memory_space<vmem>>
      %dma_start3A_293 = tpu.memref_squeeze %dma_start3A_292 : memref<1x128xi32, #tpu.memory_space<vmem>> -> memref<128xi32, #tpu.memory_space<vmem>>
      %dma_start3A_294 = arith.constant 0 : i32
      %dma_start3A_295 = arith.constant 0 : i32
      %dma_start3A_296 = tpu.memref_slice %arg26[%dma_start3A_294, %dma_start3A_295] : memref<10016x16xf32, #tpu.memory_space<vmem_shared>> -> memref<10016x16xf32, #tpu.memory_space<vmem_shared>>
      tpu.enqueue_indirect_dma source(%dma_start3A_296 : memref<10016x16xf32, #tpu.memory_space<vmem_shared>>) target(%arg18 : memref<128x16xf32, #tpu.memory_space<vmem>>) offsets(%dma_start3A_293 : memref<128xi32, #tpu.memory_space<vmem>>) semaphore(%arg30 : memref<!tpu.dma_semaphore, #tpu.memory_space<semaphore_mem>>)
      %add3A_297 = arith.constant 3 : i32
      %add3A_298 = arith.addi %add3A_272, %add3A_297 : i32
      %dma_start3A_299 = arith.constant 0 : i32
      %dma_start3A_300 = tpu.memref_slice %arg6[%add3A_298, %dma_start3A_299] : memref<80x128xi32, #tpu.memory_space<vmem>> -> memref<1x128xi32, #tpu.memory_space<vmem>>
      %dma_start3A_301 = tpu.memref_squeeze %dma_start3A_300 : memref<1x128xi32, #tpu.memory_space<vmem>> -> memref<128xi32, #tpu.memory_space<vmem>>
      %dma_start3A_302 = arith.constant 0 : i32
      %dma_start3A_303 = arith.constant 0 : i32
      %dma_start3A_304 = tpu.memref_slice %arg26[%dma_start3A_302, %dma_start3A_303] : memref<10016x16xf32, #tpu.memory_space<vmem_shared>> -> memref<10016x16xf32, #tpu.memory_space<vmem_shared>>
      tpu.enqueue_indirect_dma source(%dma_start3A_304 : memref<10016x16xf32, #tpu.memory_space<vmem_shared>>) target(%arg19 : memref<128x16xf32, #tpu.memory_space<vmem>>) offsets(%dma_start3A_301 : memref<128xi32, #tpu.memory_space<vmem>>) semaphore(%arg30 : memref<!tpu.dma_semaphore, #tpu.memory_space<semaphore_mem>>)
      %add3A_305 = arith.constant 4 : i32
      %add3A_306 = arith.addi %add3A_272, %add3A_305 : i32
      %dma_start3A_307 = arith.constant 0 : i32
      %dma_start3A_308 = tpu.memref_slice %arg6[%add3A_306, %dma_start3A_307] : memref<80x128xi32, #tpu.memory_space<vmem>> -> memref<1x128xi32, #tpu.memory_space<vmem>>
      %dma_start3A_309 = tpu.memref_squeeze %dma_start3A_308 : memref<1x128xi32, #tpu.memory_space<vmem>> -> memref<128xi32, #tpu.memory_space<vmem>>
      %dma_start3A_310 = arith.constant 0 : i32
      %dma_start3A_311 = arith.constant 0 : i32
      %dma_start3A_312 = tpu.memref_slice %arg26[%dma_start3A_310, %dma_start3A_311] : memref<10016x16xf32, #tpu.memory_space<vmem_shared>> -> memref<10016x16xf32, #tpu.memory_space<vmem_shared>>
      tpu.enqueue_indirect_dma source(%dma_start3A_312 : memref<10016x16xf32, #tpu.memory_space<vmem_shared>>) target(%arg20 : memref<128x16xf32, #tpu.memory_space<vmem>>) offsets(%dma_start3A_309 : memref<128xi32, #tpu.memory_space<vmem>>) semaphore(%arg30 : memref<!tpu.dma_semaphore, #tpu.memory_space<semaphore_mem>>)
      %add3A_313 = arith.constant 5 : i32
      %add3A_314 = arith.addi %add3A_272, %add3A_313 : i32
      %dma_start3A_315 = arith.constant 0 : i32
      %dma_start3A_316 = tpu.memref_slice %arg6[%add3A_314, %dma_start3A_315] : memref<80x128xi32, #tpu.memory_space<vmem>> -> memref<1x128xi32, #tpu.memory_space<vmem>>
      %dma_start3A_317 = tpu.memref_squeeze %dma_start3A_316 : memref<1x128xi32, #tpu.memory_space<vmem>> -> memref<128xi32, #tpu.memory_space<vmem>>
      %dma_start3A_318 = arith.constant 0 : i32
      %dma_start3A_319 = arith.constant 0 : i32
      %dma_start3A_320 = tpu.memref_slice %arg26[%dma_start3A_318, %dma_start3A_319] : memref<10016x16xf32, #tpu.memory_space<vmem_shared>> -> memref<10016x16xf32, #tpu.memory_space<vmem_shared>>
      tpu.enqueue_indirect_dma source(%dma_start3A_320 : memref<10016x16xf32, #tpu.memory_space<vmem_shared>>) target(%arg21 : memref<128x16xf32, #tpu.memory_space<vmem>>) offsets(%dma_start3A_317 : memref<128xi32, #tpu.memory_space<vmem>>) semaphore(%arg30 : memref<!tpu.dma_semaphore, #tpu.memory_space<semaphore_mem>>)
      %add3A_321 = arith.constant 6 : i32
      %add3A_322 = arith.addi %add3A_272, %add3A_321 : i32
      %dma_start3A_323 = arith.constant 0 : i32
      %dma_start3A_324 = tpu.memref_slice %arg6[%add3A_322, %dma_start3A_323] : memref<80x128xi32, #tpu.memory_space<vmem>> -> memref<1x128xi32, #tpu.memory_space<vmem>>
      %dma_start3A_325 = tpu.memref_squeeze %dma_start3A_324 : memref<1x128xi32, #tpu.memory_space<vmem>> -> memref<128xi32, #tpu.memory_space<vmem>>
      %dma_start3A_326 = arith.constant 0 : i32
      %dma_start3A_327 = arith.constant 0 : i32
      %dma_start3A_328 = tpu.memref_slice %arg26[%dma_start3A_326, %dma_start3A_327] : memref<10016x16xf32, #tpu.memory_space<vmem_shared>> -> memref<10016x16xf32, #tpu.memory_space<vmem_shared>>
      tpu.enqueue_indirect_dma source(%dma_start3A_328 : memref<10016x16xf32, #tpu.memory_space<vmem_shared>>) target(%arg22 : memref<128x16xf32, #tpu.memory_space<vmem>>) offsets(%dma_start3A_325 : memref<128xi32, #tpu.memory_space<vmem>>) semaphore(%arg30 : memref<!tpu.dma_semaphore, #tpu.memory_space<semaphore_mem>>)
      %add3A_329 = arith.constant 7 : i32
      %add3A_330 = arith.addi %add3A_272, %add3A_329 : i32
      %dma_start3A_331 = arith.constant 0 : i32
      %dma_start3A_332 = tpu.memref_slice %arg6[%add3A_330, %dma_start3A_331] : memref<80x128xi32, #tpu.memory_space<vmem>> -> memref<1x128xi32, #tpu.memory_space<vmem>>
      %dma_start3A_333 = tpu.memref_squeeze %dma_start3A_332 : memref<1x128xi32, #tpu.memory_space<vmem>> -> memref<128xi32, #tpu.memory_space<vmem>>
      %dma_start3A_334 = arith.constant 0 : i32
      %dma_start3A_335 = arith.constant 0 : i32
      %dma_start3A_336 = tpu.memref_slice %arg26[%dma_start3A_334, %dma_start3A_335] : memref<10016x16xf32, #tpu.memory_space<vmem_shared>> -> memref<10016x16xf32, #tpu.memory_space<vmem_shared>>
      tpu.enqueue_indirect_dma source(%dma_start3A_336 : memref<10016x16xf32, #tpu.memory_space<vmem_shared>>) target(%arg23 : memref<128x16xf32, #tpu.memory_space<vmem>>) offsets(%dma_start3A_333 : memref<128xi32, #tpu.memory_space<vmem>>) semaphore(%arg30 : memref<!tpu.dma_semaphore, #tpu.memory_space<semaphore_mem>>)
      %dma_wait3A_337 = arith.constant 0 : i32
      %dma_wait3A_338 = arith.constant 0 : i32
      %dma_wait3A_339 = tpu.memref_slice %arg6[%dma_wait3A_337, %dma_wait3A_338] : memref<80x128xi32, #tpu.memory_space<vmem>> -> memref<1x128xi32, #tpu.memory_space<vmem>>
      %dma_wait3A_340 = tpu.memref_squeeze %dma_wait3A_339 : memref<1x128xi32, #tpu.memory_space<vmem>> -> memref<128xi32, #tpu.memory_space<vmem>>
      %dma_wait3A_341 = arith.constant 0 : i32
      %dma_wait3A_342 = arith.constant 0 : i32
      %dma_wait3A_343 = tpu.memref_slice %arg26[%dma_wait3A_341, %dma_wait3A_342] : memref<10016x16xf32, #tpu.memory_space<vmem_shared>> -> memref<10016x16xf32, #tpu.memory_space<vmem_shared>>
      tpu.wait_indirect_dma semaphore(%arg29 : memref<!tpu.dma_semaphore, #tpu.memory_space<semaphore_mem>>) src(%dma_wait3A_343 : memref<10016x16xf32, #tpu.memory_space<vmem_shared>>) dst(%arg8 : memref<128x16xf32, #tpu.memory_space<vmem>>)
      %dma_wait3A_344 = arith.constant 0 : i32
      %dma_wait3A_345 = arith.constant 0 : i32
      %dma_wait3A_346 = tpu.memref_slice %arg6[%dma_wait3A_344, %dma_wait3A_345] : memref<80x128xi32, #tpu.memory_space<vmem>> -> memref<1x128xi32, #tpu.memory_space<vmem>>
      %dma_wait3A_347 = tpu.memref_squeeze %dma_wait3A_346 : memref<1x128xi32, #tpu.memory_space<vmem>> -> memref<128xi32, #tpu.memory_space<vmem>>
      %dma_wait3A_348 = arith.constant 0 : i32
      %dma_wait3A_349 = arith.constant 0 : i32
      %dma_wait3A_350 = tpu.memref_slice %arg26[%dma_wait3A_348, %dma_wait3A_349] : memref<10016x16xf32, #tpu.memory_space<vmem_shared>> -> memref<10016x16xf32, #tpu.memory_space<vmem_shared>>
      tpu.wait_indirect_dma semaphore(%arg29 : memref<!tpu.dma_semaphore, #tpu.memory_space<semaphore_mem>>) src(%dma_wait3A_350 : memref<10016x16xf32, #tpu.memory_space<vmem_shared>>) dst(%arg9 : memref<128x16xf32, #tpu.memory_space<vmem>>)
      %dma_wait3A_351 = arith.constant 0 : i32
      %dma_wait3A_352 = arith.constant 0 : i32
      %dma_wait3A_353 = tpu.memref_slice %arg6[%dma_wait3A_351, %dma_wait3A_352] : memref<80x128xi32, #tpu.memory_space<vmem>> -> memref<1x128xi32, #tpu.memory_space<vmem>>
      %dma_wait3A_354 = tpu.memref_squeeze %dma_wait3A_353 : memref<1x128xi32, #tpu.memory_space<vmem>> -> memref<128xi32, #tpu.memory_space<vmem>>
      %dma_wait3A_355 = arith.constant 0 : i32
      %dma_wait3A_356 = arith.constant 0 : i32
      %dma_wait3A_357 = tpu.memref_slice %arg26[%dma_wait3A_355, %dma_wait3A_356] : memref<10016x16xf32, #tpu.memory_space<vmem_shared>> -> memref<10016x16xf32, #tpu.memory_space<vmem_shared>>
      tpu.wait_indirect_dma semaphore(%arg29 : memref<!tpu.dma_semaphore, #tpu.memory_space<semaphore_mem>>) src(%dma_wait3A_357 : memref<10016x16xf32, #tpu.memory_space<vmem_shared>>) dst(%arg10 : memref<128x16xf32, #tpu.memory_space<vmem>>)
      %dma_wait3A_358 = arith.constant 0 : i32
      %dma_wait3A_359 = arith.constant 0 : i32
      %dma_wait3A_360 = tpu.memref_slice %arg6[%dma_wait3A_358, %dma_wait3A_359] : memref<80x128xi32, #tpu.memory_space<vmem>> -> memref<1x128xi32, #tpu.memory_space<vmem>>
      %dma_wait3A_361 = tpu.memref_squeeze %dma_wait3A_360 : memref<1x128xi32, #tpu.memory_space<vmem>> -> memref<128xi32, #tpu.memory_space<vmem>>
      %dma_wait3A_362 = arith.constant 0 : i32
      %dma_wait3A_363 = arith.constant 0 : i32
      %dma_wait3A_364 = tpu.memref_slice %arg26[%dma_wait3A_362, %dma_wait3A_363] : memref<10016x16xf32, #tpu.memory_space<vmem_shared>> -> memref<10016x16xf32, #tpu.memory_space<vmem_shared>>
      tpu.wait_indirect_dma semaphore(%arg29 : memref<!tpu.dma_semaphore, #tpu.memory_space<semaphore_mem>>) src(%dma_wait3A_364 : memref<10016x16xf32, #tpu.memory_space<vmem_shared>>) dst(%arg11 : memref<128x16xf32, #tpu.memory_space<vmem>>)
      %dma_wait3A_365 = arith.constant 0 : i32
      %dma_wait3A_366 = arith.constant 0 : i32
      %dma_wait3A_367 = tpu.memref_slice %arg6[%dma_wait3A_365, %dma_wait3A_366] : memref<80x128xi32, #tpu.memory_space<vmem>> -> memref<1x128xi32, #tpu.memory_space<vmem>>
      %dma_wait3A_368 = tpu.memref_squeeze %dma_wait3A_367 : memref<1x128xi32, #tpu.memory_space<vmem>> -> memref<128xi32, #tpu.memory_space<vmem>>
      %dma_wait3A_369 = arith.constant 0 : i32
      %dma_wait3A_370 = arith.constant 0 : i32
      %dma_wait3A_371 = tpu.memref_slice %arg26[%dma_wait3A_369, %dma_wait3A_370] : memref<10016x16xf32, #tpu.memory_space<vmem_shared>> -> memref<10016x16xf32, #tpu.memory_space<vmem_shared>>
      tpu.wait_indirect_dma semaphore(%arg29 : memref<!tpu.dma_semaphore, #tpu.memory_space<semaphore_mem>>) src(%dma_wait3A_371 : memref<10016x16xf32, #tpu.memory_space<vmem_shared>>) dst(%arg12 : memref<128x16xf32, #tpu.memory_space<vmem>>)
      %dma_wait3A_372 = arith.constant 0 : i32
      %dma_wait3A_373 = arith.constant 0 : i32
      %dma_wait3A_374 = tpu.memref_slice %arg6[%dma_wait3A_372, %dma_wait3A_373] : memref<80x128xi32, #tpu.memory_space<vmem>> -> memref<1x128xi32, #tpu.memory_space<vmem>>
      %dma_wait3A_375 = tpu.memref_squeeze %dma_wait3A_374 : memref<1x128xi32, #tpu.memory_space<vmem>> -> memref<128xi32, #tpu.memory_space<vmem>>
      %dma_wait3A_376 = arith.constant 0 : i32
      %dma_wait3A_377 = arith.constant 0 : i32
      %dma_wait3A_378 = tpu.memref_slice %arg26[%dma_wait3A_376, %dma_wait3A_377] : memref<10016x16xf32, #tpu.memory_space<vmem_shared>> -> memref<10016x16xf32, #tpu.memory_space<vmem_shared>>
      tpu.wait_indirect_dma semaphore(%arg29 : memref<!tpu.dma_semaphore, #tpu.memory_space<semaphore_mem>>) src(%dma_wait3A_378 : memref<10016x16xf32, #tpu.memory_space<vmem_shared>>) dst(%arg13 : memref<128x16xf32, #tpu.memory_space<vmem>>)
      %dma_wait3A_379 = arith.constant 0 : i32
      %dma_wait3A_380 = arith.constant 0 : i32
      %dma_wait3A_381 = tpu.memref_slice %arg6[%dma_wait3A_379, %dma_wait3A_380] : memref<80x128xi32, #tpu.memory_space<vmem>> -> memref<1x128xi32, #tpu.memory_space<vmem>>
      %dma_wait3A_382 = tpu.memref_squeeze %dma_wait3A_381 : memref<1x128xi32, #tpu.memory_space<vmem>> -> memref<128xi32, #tpu.memory_space<vmem>>
      %dma_wait3A_383 = arith.constant 0 : i32
      %dma_wait3A_384 = arith.constant 0 : i32
      %dma_wait3A_385 = tpu.memref_slice %arg26[%dma_wait3A_383, %dma_wait3A_384] : memref<10016x16xf32, #tpu.memory_space<vmem_shared>> -> memref<10016x16xf32, #tpu.memory_space<vmem_shared>>
      tpu.wait_indirect_dma semaphore(%arg29 : memref<!tpu.dma_semaphore, #tpu.memory_space<semaphore_mem>>) src(%dma_wait3A_385 : memref<10016x16xf32, #tpu.memory_space<vmem_shared>>) dst(%arg14 : memref<128x16xf32, #tpu.memory_space<vmem>>)
      %dma_wait3A_386 = arith.constant 0 : i32
      %dma_wait3A_387 = arith.constant 0 : i32
      %dma_wait3A_388 = tpu.memref_slice %arg6[%dma_wait3A_386, %dma_wait3A_387] : memref<80x128xi32, #tpu.memory_space<vmem>> -> memref<1x128xi32, #tpu.memory_space<vmem>>
      %dma_wait3A_389 = tpu.memref_squeeze %dma_wait3A_388 : memref<1x128xi32, #tpu.memory_space<vmem>> -> memref<128xi32, #tpu.memory_space<vmem>>
      %dma_wait3A_390 = arith.constant 0 : i32
      %dma_wait3A_391 = arith.constant 0 : i32
      %dma_wait3A_392 = tpu.memref_slice %arg26[%dma_wait3A_390, %dma_wait3A_391] : memref<10016x16xf32, #tpu.memory_space<vmem_shared>> -> memref<10016x16xf32, #tpu.memory_space<vmem_shared>>
      tpu.wait_indirect_dma semaphore(%arg29 : memref<!tpu.dma_semaphore, #tpu.memory_space<semaphore_mem>>) src(%dma_wait3A_392 : memref<10016x16xf32, #tpu.memory_space<vmem_shared>>) dst(%arg15 : memref<128x16xf32, #tpu.memory_space<vmem>>)
      %add3A_393 = arith.constant 0 : i32
      %add3A_394 = arith.addi %mul3A_268, %add3A_393 : i32
      %dma_start3A_395 = arith.constant 0 : i32
      %dma_start3A_396 = tpu.memref_slice %arg7[%add3A_394, %dma_start3A_395] : memref<80x128xi32, #tpu.memory_space<vmem>> -> memref<1x128xi32, #tpu.memory_space<vmem>>
      %dma_start3A_397 = tpu.memref_squeeze %dma_start3A_396 : memref<1x128xi32, #tpu.memory_space<vmem>> -> memref<128xi32, #tpu.memory_space<vmem>>
      %dma_start3A_398 = arith.constant 0 : i32
      %dma_start3A_399 = arith.constant 0 : i32
      %dma_start3A_400 = tpu.memref_slice %arg27[%dma_start3A_398, %dma_start3A_399] : memref<10240x16xf32, #tpu.memory_space<vmem_shared>> -> memref<10240x16xf32, #tpu.memory_space<vmem_shared>>
      tpu.enqueue_indirect_dma source(%arg8 : memref<128x16xf32, #tpu.memory_space<vmem>>) target(%dma_start3A_400 : memref<10240x16xf32, #tpu.memory_space<vmem_shared>>) offsets(%dma_start3A_397 : memref<128xi32, #tpu.memory_space<vmem>>) semaphore(%arg31 : memref<!tpu.dma_semaphore, #tpu.memory_space<semaphore_mem>>) {add = true}
      %add3A_401 = arith.constant 0 : i32
      %add3A_402 = arith.addi %mul3A_268, %add3A_401 : i32
      %dma_start3A_403 = arith.constant 0 : i32
      %dma_start3A_404 = tpu.memref_slice %arg7[%add3A_402, %dma_start3A_403] : memref<80x128xi32, #tpu.memory_space<vmem>> -> memref<1x128xi32, #tpu.memory_space<vmem>>
      %dma_start3A_405 = tpu.memref_squeeze %dma_start3A_404 : memref<1x128xi32, #tpu.memory_space<vmem>> -> memref<128xi32, #tpu.memory_space<vmem>>
      %dma_start3A_406 = arith.constant 0 : i32
      %dma_start3A_407 = arith.constant 0 : i32
      %dma_start3A_408 = tpu.memref_slice %arg28[%dma_start3A_406, %dma_start3A_407] : memref<10240x16xf32, #tpu.memory_space<vmem_shared>> -> memref<10240x16xf32, #tpu.memory_space<vmem_shared>>
      tpu.enqueue_indirect_dma source(%arg25 : memref<128x16xf32, #tpu.memory_space<vmem>>) target(%dma_start3A_408 : memref<10240x16xf32, #tpu.memory_space<vmem_shared>>) offsets(%dma_start3A_405 : memref<128xi32, #tpu.memory_space<vmem>>) semaphore(%arg31 : memref<!tpu.dma_semaphore, #tpu.memory_space<semaphore_mem>>) {add = true}
      %add3A_409 = arith.constant 1 : i32
      %add3A_410 = arith.addi %mul3A_268, %add3A_409 : i32
      %dma_start3A_411 = arith.constant 0 : i32
      %dma_start3A_412 = tpu.memref_slice %arg7[%add3A_410, %dma_start3A_411] : memref<80x128xi32, #tpu.memory_space<vmem>> -> memref<1x128xi32, #tpu.memory_space<vmem>>
      %dma_start3A_413 = tpu.memref_squeeze %dma_start3A_412 : memref<1x128xi32, #tpu.memory_space<vmem>> -> memref<128xi32, #tpu.memory_space<vmem>>
      %dma_start3A_414 = arith.constant 0 : i32
      %dma_start3A_415 = arith.constant 0 : i32
      %dma_start3A_416 = tpu.memref_slice %arg27[%dma_start3A_414, %dma_start3A_415] : memref<10240x16xf32, #tpu.memory_space<vmem_shared>> -> memref<10240x16xf32, #tpu.memory_space<vmem_shared>>
      tpu.enqueue_indirect_dma source(%arg9 : memref<128x16xf32, #tpu.memory_space<vmem>>) target(%dma_start3A_416 : memref<10240x16xf32, #tpu.memory_space<vmem_shared>>) offsets(%dma_start3A_413 : memref<128xi32, #tpu.memory_space<vmem>>) semaphore(%arg31 : memref<!tpu.dma_semaphore, #tpu.memory_space<semaphore_mem>>) {add = true}
      %add3A_417 = arith.constant 1 : i32
      %add3A_418 = arith.addi %mul3A_268, %add3A_417 : i32
      %dma_start3A_419 = arith.constant 0 : i32
      %dma_start3A_420 = tpu.memref_slice %arg7[%add3A_418, %dma_start3A_419] : memref<80x128xi32, #tpu.memory_space<vmem>> -> memref<1x128xi32, #tpu.memory_space<vmem>>
      %dma_start3A_421 = tpu.memref_squeeze %dma_start3A_420 : memref<1x128xi32, #tpu.memory_space<vmem>> -> memref<128xi32, #tpu.memory_space<vmem>>
      %dma_start3A_422 = arith.constant 0 : i32
      %dma_start3A_423 = arith.constant 0 : i32
      %dma_start3A_424 = tpu.memref_slice %arg28[%dma_start3A_422, %dma_start3A_423] : memref<10240x16xf32, #tpu.memory_space<vmem_shared>> -> memref<10240x16xf32, #tpu.memory_space<vmem_shared>>
      tpu.enqueue_indirect_dma source(%arg25 : memref<128x16xf32, #tpu.memory_space<vmem>>) target(%dma_start3A_424 : memref<10240x16xf32, #tpu.memory_space<vmem_shared>>) offsets(%dma_start3A_421 : memref<128xi32, #tpu.memory_space<vmem>>) semaphore(%arg31 : memref<!tpu.dma_semaphore, #tpu.memory_space<semaphore_mem>>) {add = true}
      %add3A_425 = arith.constant 2 : i32
      %add3A_426 = arith.addi %mul3A_268, %add3A_425 : i32
      %dma_start3A_427 = arith.constant 0 : i32
      %dma_start3A_428 = tpu.memref_slice %arg7[%add3A_426, %dma_start3A_427] : memref<80x128xi32, #tpu.memory_space<vmem>> -> memref<1x128xi32, #tpu.memory_space<vmem>>
      %dma_start3A_429 = tpu.memref_squeeze %dma_start3A_428 : memref<1x128xi32, #tpu.memory_space<vmem>> -> memref<128xi32, #tpu.memory_space<vmem>>
      %dma_start3A_430 = arith.constant 0 : i32
      %dma_start3A_431 = arith.constant 0 : i32
      %dma_start3A_432 = tpu.memref_slice %arg27[%dma_start3A_430, %dma_start3A_431] : memref<10240x16xf32, #tpu.memory_space<vmem_shared>> -> memref<10240x16xf32, #tpu.memory_space<vmem_shared>>
      tpu.enqueue_indirect_dma source(%arg10 : memref<128x16xf32, #tpu.memory_space<vmem>>) target(%dma_start3A_432 : memref<10240x16xf32, #tpu.memory_space<vmem_shared>>) offsets(%dma_start3A_429 : memref<128xi32, #tpu.memory_space<vmem>>) semaphore(%arg31 : memref<!tpu.dma_semaphore, #tpu.memory_space<semaphore_mem>>) {add = true}
      %add3A_433 = arith.constant 2 : i32
      %add3A_434 = arith.addi %mul3A_268, %add3A_433 : i32
      %dma_start3A_435 = arith.constant 0 : i32
      %dma_start3A_436 = tpu.memref_slice %arg7[%add3A_434, %dma_start3A_435] : memref<80x128xi32, #tpu.memory_space<vmem>> -> memref<1x128xi32, #tpu.memory_space<vmem>>
      %dma_start3A_437 = tpu.memref_squeeze %dma_start3A_436 : memref<1x128xi32, #tpu.memory_space<vmem>> -> memref<128xi32, #tpu.memory_space<vmem>>
      %dma_start3A_438 = arith.constant 0 : i32
      %dma_start3A_439 = arith.constant 0 : i32
      %dma_start3A_440 = tpu.memref_slice %arg28[%dma_start3A_438, %dma_start3A_439] : memref<10240x16xf32, #tpu.memory_space<vmem_shared>> -> memref<10240x16xf32, #tpu.memory_space<vmem_shared>>
      tpu.enqueue_indirect_dma source(%arg25 : memref<128x16xf32, #tpu.memory_space<vmem>>) target(%dma_start3A_440 : memref<10240x16xf32, #tpu.memory_space<vmem_shared>>) offsets(%dma_start3A_437 : memref<128xi32, #tpu.memory_space<vmem>>) semaphore(%arg31 : memref<!tpu.dma_semaphore, #tpu.memory_space<semaphore_mem>>) {add = true}
      %add3A_441 = arith.constant 3 : i32
      %add3A_442 = arith.addi %mul3A_268, %add3A_441 : i32
      %dma_start3A_443 = arith.constant 0 : i32
      %dma_start3A_444 = tpu.memref_slice %arg7[%add3A_442, %dma_start3A_443] : memref<80x128xi32, #tpu.memory_space<vmem>> -> memref<1x128xi32, #tpu.memory_space<vmem>>
      %dma_start3A_445 = tpu.memref_squeeze %dma_start3A_444 : memref<1x128xi32, #tpu.memory_space<vmem>> -> memref<128xi32, #tpu.memory_space<vmem>>
      %dma_start3A_446 = arith.constant 0 : i32
      %dma_start3A_447 = arith.constant 0 : i32
      %dma_start3A_448 = tpu.memref_slice %arg27[%dma_start3A_446, %dma_start3A_447] : memref<10240x16xf32, #tpu.memory_space<vmem_shared>> -> memref<10240x16xf32, #tpu.memory_space<vmem_shared>>
      tpu.enqueue_indirect_dma source(%arg11 : memref<128x16xf32, #tpu.memory_space<vmem>>) target(%dma_start3A_448 : memref<10240x16xf32, #tpu.memory_space<vmem_shared>>) offsets(%dma_start3A_445 : memref<128xi32, #tpu.memory_space<vmem>>) semaphore(%arg31 : memref<!tpu.dma_semaphore, #tpu.memory_space<semaphore_mem>>) {add = true}
      %add3A_449 = arith.constant 3 : i32
      %add3A_450 = arith.addi %mul3A_268, %add3A_449 : i32
      %dma_start3A_451 = arith.constant 0 : i32
      %dma_start3A_452 = tpu.memref_slice %arg7[%add3A_450, %dma_start3A_451] : memref<80x128xi32, #tpu.memory_space<vmem>> -> memref<1x128xi32, #tpu.memory_space<vmem>>
      %dma_start3A_453 = tpu.memref_squeeze %dma_start3A_452 : memref<1x128xi32, #tpu.memory_space<vmem>> -> memref<128xi32, #tpu.memory_space<vmem>>
      %dma_start3A_454 = arith.constant 0 : i32
      %dma_start3A_455 = arith.constant 0 : i32
      %dma_start3A_456 = tpu.memref_slice %arg28[%dma_start3A_454, %dma_start3A_455] : memref<10240x16xf32, #tpu.memory_space<vmem_shared>> -> memref<10240x16xf32, #tpu.memory_space<vmem_shared>>
      tpu.enqueue_indirect_dma source(%arg25 : memref<128x16xf32, #tpu.memory_space<vmem>>) target(%dma_start3A_456 : memref<10240x16xf32, #tpu.memory_space<vmem_shared>>) offsets(%dma_start3A_453 : memref<128xi32, #tpu.memory_space<vmem>>) semaphore(%arg31 : memref<!tpu.dma_semaphore, #tpu.memory_space<semaphore_mem>>) {add = true}
      %add3A_457 = arith.constant 4 : i32
      %add3A_458 = arith.addi %mul3A_268, %add3A_457 : i32
      %dma_start3A_459 = arith.constant 0 : i32
      %dma_start3A_460 = tpu.memref_slice %arg7[%add3A_458, %dma_start3A_459] : memref<80x128xi32, #tpu.memory_space<vmem>> -> memref<1x128xi32, #tpu.memory_space<vmem>>
      %dma_start3A_461 = tpu.memref_squeeze %dma_start3A_460 : memref<1x128xi32, #tpu.memory_space<vmem>> -> memref<128xi32, #tpu.memory_space<vmem>>
      %dma_start3A_462 = arith.constant 0 : i32
      %dma_start3A_463 = arith.constant 0 : i32
      %dma_start3A_464 = tpu.memref_slice %arg27[%dma_start3A_462, %dma_start3A_463] : memref<10240x16xf32, #tpu.memory_space<vmem_shared>> -> memref<10240x16xf32, #tpu.memory_space<vmem_shared>>
      tpu.enqueue_indirect_dma source(%arg12 : memref<128x16xf32, #tpu.memory_space<vmem>>) target(%dma_start3A_464 : memref<10240x16xf32, #tpu.memory_space<vmem_shared>>) offsets(%dma_start3A_461 : memref<128xi32, #tpu.memory_space<vmem>>) semaphore(%arg31 : memref<!tpu.dma_semaphore, #tpu.memory_space<semaphore_mem>>) {add = true}
      %add3A_465 = arith.constant 4 : i32
      %add3A_466 = arith.addi %mul3A_268, %add3A_465 : i32
      %dma_start3A_467 = arith.constant 0 : i32
      %dma_start3A_468 = tpu.memref_slice %arg7[%add3A_466, %dma_start3A_467] : memref<80x128xi32, #tpu.memory_space<vmem>> -> memref<1x128xi32, #tpu.memory_space<vmem>>
      %dma_start3A_469 = tpu.memref_squeeze %dma_start3A_468 : memref<1x128xi32, #tpu.memory_space<vmem>> -> memref<128xi32, #tpu.memory_space<vmem>>
      %dma_start3A_470 = arith.constant 0 : i32
      %dma_start3A_471 = arith.constant 0 : i32
      %dma_start3A_472 = tpu.memref_slice %arg28[%dma_start3A_470, %dma_start3A_471] : memref<10240x16xf32, #tpu.memory_space<vmem_shared>> -> memref<10240x16xf32, #tpu.memory_space<vmem_shared>>
      tpu.enqueue_indirect_dma source(%arg25 : memref<128x16xf32, #tpu.memory_space<vmem>>) target(%dma_start3A_472 : memref<10240x16xf32, #tpu.memory_space<vmem_shared>>) offsets(%dma_start3A_469 : memref<128xi32, #tpu.memory_space<vmem>>) semaphore(%arg31 : memref<!tpu.dma_semaphore, #tpu.memory_space<semaphore_mem>>) {add = true}
      %add3A_473 = arith.constant 5 : i32
      %add3A_474 = arith.addi %mul3A_268, %add3A_473 : i32
      %dma_start3A_475 = arith.constant 0 : i32
      %dma_start3A_476 = tpu.memref_slice %arg7[%add3A_474, %dma_start3A_475] : memref<80x128xi32, #tpu.memory_space<vmem>> -> memref<1x128xi32, #tpu.memory_space<vmem>>
      %dma_start3A_477 = tpu.memref_squeeze %dma_start3A_476 : memref<1x128xi32, #tpu.memory_space<vmem>> -> memref<128xi32, #tpu.memory_space<vmem>>
      %dma_start3A_478 = arith.constant 0 : i32
      %dma_start3A_479 = arith.constant 0 : i32
      %dma_start3A_480 = tpu.memref_slice %arg27[%dma_start3A_478, %dma_start3A_479] : memref<10240x16xf32, #tpu.memory_space<vmem_shared>> -> memref<10240x16xf32, #tpu.memory_space<vmem_shared>>
      tpu.enqueue_indirect_dma source(%arg13 : memref<128x16xf32, #tpu.memory_space<vmem>>) target(%dma_start3A_480 : memref<10240x16xf32, #tpu.memory_space<vmem_shared>>) offsets(%dma_start3A_477 : memref<128xi32, #tpu.memory_space<vmem>>) semaphore(%arg31 : memref<!tpu.dma_semaphore, #tpu.memory_space<semaphore_mem>>) {add = true}
      %add3A_481 = arith.constant 5 : i32
      %add3A_482 = arith.addi %mul3A_268, %add3A_481 : i32
      %dma_start3A_483 = arith.constant 0 : i32
      %dma_start3A_484 = tpu.memref_slice %arg7[%add3A_482, %dma_start3A_483] : memref<80x128xi32, #tpu.memory_space<vmem>> -> memref<1x128xi32, #tpu.memory_space<vmem>>
      %dma_start3A_485 = tpu.memref_squeeze %dma_start3A_484 : memref<1x128xi32, #tpu.memory_space<vmem>> -> memref<128xi32, #tpu.memory_space<vmem>>
      %dma_start3A_486 = arith.constant 0 : i32
      %dma_start3A_487 = arith.constant 0 : i32
      %dma_start3A_488 = tpu.memref_slice %arg28[%dma_start3A_486, %dma_start3A_487] : memref<10240x16xf32, #tpu.memory_space<vmem_shared>> -> memref<10240x16xf32, #tpu.memory_space<vmem_shared>>
      tpu.enqueue_indirect_dma source(%arg25 : memref<128x16xf32, #tpu.memory_space<vmem>>) target(%dma_start3A_488 : memref<10240x16xf32, #tpu.memory_space<vmem_shared>>) offsets(%dma_start3A_485 : memref<128xi32, #tpu.memory_space<vmem>>) semaphore(%arg31 : memref<!tpu.dma_semaphore, #tpu.memory_space<semaphore_mem>>) {add = true}
      %add3A_489 = arith.constant 6 : i32
      %add3A_490 = arith.addi %mul3A_268, %add3A_489 : i32
      %dma_start3A_491 = arith.constant 0 : i32
      %dma_start3A_492 = tpu.memref_slice %arg7[%add3A_490, %dma_start3A_491] : memref<80x128xi32, #tpu.memory_space<vmem>> -> memref<1x128xi32, #tpu.memory_space<vmem>>
      %dma_start3A_493 = tpu.memref_squeeze %dma_start3A_492 : memref<1x128xi32, #tpu.memory_space<vmem>> -> memref<128xi32, #tpu.memory_space<vmem>>
      %dma_start3A_494 = arith.constant 0 : i32
      %dma_start3A_495 = arith.constant 0 : i32
      %dma_start3A_496 = tpu.memref_slice %arg27[%dma_start3A_494, %dma_start3A_495] : memref<10240x16xf32, #tpu.memory_space<vmem_shared>> -> memref<10240x16xf32, #tpu.memory_space<vmem_shared>>
      tpu.enqueue_indirect_dma source(%arg14 : memref<128x16xf32, #tpu.memory_space<vmem>>) target(%dma_start3A_496 : memref<10240x16xf32, #tpu.memory_space<vmem_shared>>) offsets(%dma_start3A_493 : memref<128xi32, #tpu.memory_space<vmem>>) semaphore(%arg31 : memref<!tpu.dma_semaphore, #tpu.memory_space<semaphore_mem>>) {add = true}
      %add3A_497 = arith.constant 6 : i32
      %add3A_498 = arith.addi %mul3A_268, %add3A_497 : i32
      %dma_start3A_499 = arith.constant 0 : i32
      %dma_start3A_500 = tpu.memref_slice %arg7[%add3A_498, %dma_start3A_499] : memref<80x128xi32, #tpu.memory_space<vmem>> -> memref<1x128xi32, #tpu.memory_space<vmem>>
      %dma_start3A_501 = tpu.memref_squeeze %dma_start3A_500 : memref<1x128xi32, #tpu.memory_space<vmem>> -> memref<128xi32, #tpu.memory_space<vmem>>
      %dma_start3A_502 = arith.constant 0 : i32
      %dma_start3A_503 = arith.constant 0 : i32
      %dma_start3A_504 = tpu.memref_slice %arg28[%dma_start3A_502, %dma_start3A_503] : memref<10240x16xf32, #tpu.memory_space<vmem_shared>> -> memref<10240x16xf32, #tpu.memory_space<vmem_shared>>
      tpu.enqueue_indirect_dma source(%arg25 : memref<128x16xf32, #tpu.memory_space<vmem>>) target(%dma_start3A_504 : memref<10240x16xf32, #tpu.memory_space<vmem_shared>>) offsets(%dma_start3A_501 : memref<128xi32, #tpu.memory_space<vmem>>) semaphore(%arg31 : memref<!tpu.dma_semaphore, #tpu.memory_space<semaphore_mem>>) {add = true}
      %add3A_505 = arith.constant 7 : i32
      %add3A_506 = arith.addi %mul3A_268, %add3A_505 : i32
      %dma_start3A_507 = arith.constant 0 : i32
      %dma_start3A_508 = tpu.memref_slice %arg7[%add3A_506, %dma_start3A_507] : memref<80x128xi32, #tpu.memory_space<vmem>> -> memref<1x128xi32, #tpu.memory_space<vmem>>
      %dma_start3A_509 = tpu.memref_squeeze %dma_start3A_508 : memref<1x128xi32, #tpu.memory_space<vmem>> -> memref<128xi32, #tpu.memory_space<vmem>>
      %dma_start3A_510 = arith.constant 0 : i32
      %dma_start3A_511 = arith.constant 0 : i32
      %dma_start3A_512 = tpu.memref_slice %arg27[%dma_start3A_510, %dma_start3A_511] : memref<10240x16xf32, #tpu.memory_space<vmem_shared>> -> memref<10240x16xf32, #tpu.memory_space<vmem_shared>>
      tpu.enqueue_indirect_dma source(%arg15 : memref<128x16xf32, #tpu.memory_space<vmem>>) target(%dma_start3A_512 : memref<10240x16xf32, #tpu.memory_space<vmem_shared>>) offsets(%dma_start3A_509 : memref<128xi32, #tpu.memory_space<vmem>>) semaphore(%arg31 : memref<!tpu.dma_semaphore, #tpu.memory_space<semaphore_mem>>) {add = true}
      %add3A_513 = arith.constant 7 : i32
      %add3A_514 = arith.addi %mul3A_268, %add3A_513 : i32
      %dma_start3A_515 = arith.constant 0 : i32
      %dma_start3A_516 = tpu.memref_slice %arg7[%add3A_514, %dma_start3A_515] : memref<80x128xi32, #tpu.memory_space<vmem>> -> memref<1x128xi32, #tpu.memory_space<vmem>>
      %dma_start3A_517 = tpu.memref_squeeze %dma_start3A_516 : memref<1x128xi32, #tpu.memory_space<vmem>> -> memref<128xi32, #tpu.memory_space<vmem>>
      %dma_start3A_518 = arith.constant 0 : i32
      %dma_start3A_519 = arith.constant 0 : i32
      %dma_start3A_520 = tpu.memref_slice %arg28[%dma_start3A_518, %dma_start3A_519] : memref<10240x16xf32, #tpu.memory_space<vmem_shared>> -> memref<10240x16xf32, #tpu.memory_space<vmem_shared>>
      tpu.enqueue_indirect_dma source(%arg25 : memref<128x16xf32, #tpu.memory_space<vmem>>) target(%dma_start3A_520 : memref<10240x16xf32, #tpu.memory_space<vmem_shared>>) offsets(%dma_start3A_517 : memref<128xi32, #tpu.memory_space<vmem>>) semaphore(%arg31 : memref<!tpu.dma_semaphore, #tpu.memory_space<semaphore_mem>>) {add = true}
      %dma_wait3A_521 = arith.constant 0 : i32
      %dma_wait3A_522 = arith.constant 0 : i32
      %dma_wait3A_523 = tpu.memref_slice %arg7[%dma_wait3A_521, %dma_wait3A_522] : memref<80x128xi32, #tpu.memory_space<vmem>> -> memref<1x128xi32, #tpu.memory_space<vmem>>
      %dma_wait3A_524 = tpu.memref_squeeze %dma_wait3A_523 : memref<1x128xi32, #tpu.memory_space<vmem>> -> memref<128xi32, #tpu.memory_space<vmem>>
      %dma_wait3A_525 = arith.constant 0 : i32
      %dma_wait3A_526 = arith.constant 0 : i32
      %dma_wait3A_527 = tpu.memref_slice %arg27[%dma_wait3A_525, %dma_wait3A_526] : memref<10240x16xf32, #tpu.memory_space<vmem_shared>> -> memref<10240x16xf32, #tpu.memory_space<vmem_shared>>
      tpu.wait_indirect_dma semaphore(%arg31 : memref<!tpu.dma_semaphore, #tpu.memory_space<semaphore_mem>>) src(%arg8 : memref<128x16xf32, #tpu.memory_space<vmem>>) dst(%dma_wait3A_527 : memref<10240x16xf32, #tpu.memory_space<vmem_shared>>)
      %dma_wait3A_528 = arith.constant 0 : i32
      %dma_wait3A_529 = arith.constant 0 : i32
      %dma_wait3A_530 = tpu.memref_slice %arg7[%dma_wait3A_528, %dma_wait3A_529] : memref<80x128xi32, #tpu.memory_space<vmem>> -> memref<1x128xi32, #tpu.memory_space<vmem>>
      %dma_wait3A_531 = tpu.memref_squeeze %dma_wait3A_530 : memref<1x128xi32, #tpu.memory_space<vmem>> -> memref<128xi32, #tpu.memory_space<vmem>>
      %dma_wait3A_532 = arith.constant 0 : i32
      %dma_wait3A_533 = arith.constant 0 : i32
      %dma_wait3A_534 = tpu.memref_slice %arg28[%dma_wait3A_532, %dma_wait3A_533] : memref<10240x16xf32, #tpu.memory_space<vmem_shared>> -> memref<10240x16xf32, #tpu.memory_space<vmem_shared>>
      tpu.wait_indirect_dma semaphore(%arg31 : memref<!tpu.dma_semaphore, #tpu.memory_space<semaphore_mem>>) src(%arg25 : memref<128x16xf32, #tpu.memory_space<vmem>>) dst(%dma_wait3A_534 : memref<10240x16xf32, #tpu.memory_space<vmem_shared>>)
      %dma_wait3A_535 = arith.constant 0 : i32
      %dma_wait3A_536 = arith.constant 0 : i32
      %dma_wait3A_537 = tpu.memref_slice %arg7[%dma_wait3A_535, %dma_wait3A_536] : memref<80x128xi32, #tpu.memory_space<vmem>> -> memref<1x128xi32, #tpu.memory_space<vmem>>
      %dma_wait3A_538 = tpu.memref_squeeze %dma_wait3A_537 : memref<1x128xi32, #tpu.memory_space<vmem>> -> memref<128xi32, #tpu.memory_space<vmem>>
      %dma_wait3A_539 = arith.constant 0 : i32
      %dma_wait3A_540 = arith.constant 0 : i32
      %dma_wait3A_541 = tpu.memref_slice %arg27[%dma_wait3A_539, %dma_wait3A_540] : memref<10240x16xf32, #tpu.memory_space<vmem_shared>> -> memref<10240x16xf32, #tpu.memory_space<vmem_shared>>
      tpu.wait_indirect_dma semaphore(%arg31 : memref<!tpu.dma_semaphore, #tpu.memory_space<semaphore_mem>>) src(%arg9 : memref<128x16xf32, #tpu.memory_space<vmem>>) dst(%dma_wait3A_541 : memref<10240x16xf32, #tpu.memory_space<vmem_shared>>)
      %dma_wait3A_542 = arith.constant 0 : i32
      %dma_wait3A_543 = arith.constant 0 : i32
      %dma_wait3A_544 = tpu.memref_slice %arg7[%dma_wait3A_542, %dma_wait3A_543] : memref<80x128xi32, #tpu.memory_space<vmem>> -> memref<1x128xi32, #tpu.memory_space<vmem>>
      %dma_wait3A_545 = tpu.memref_squeeze %dma_wait3A_544 : memref<1x128xi32, #tpu.memory_space<vmem>> -> memref<128xi32, #tpu.memory_space<vmem>>
      %dma_wait3A_546 = arith.constant 0 : i32
      %dma_wait3A_547 = arith.constant 0 : i32
      %dma_wait3A_548 = tpu.memref_slice %arg28[%dma_wait3A_546, %dma_wait3A_547] : memref<10240x16xf32, #tpu.memory_space<vmem_shared>> -> memref<10240x16xf32, #tpu.memory_space<vmem_shared>>
      tpu.wait_indirect_dma semaphore(%arg31 : memref<!tpu.dma_semaphore, #tpu.memory_space<semaphore_mem>>) src(%arg25 : memref<128x16xf32, #tpu.memory_space<vmem>>) dst(%dma_wait3A_548 : memref<10240x16xf32, #tpu.memory_space<vmem_shared>>)
      %dma_wait3A_549 = arith.constant 0 : i32
      %dma_wait3A_550 = arith.constant 0 : i32
      %dma_wait3A_551 = tpu.memref_slice %arg7[%dma_wait3A_549, %dma_wait3A_550] : memref<80x128xi32, #tpu.memory_space<vmem>> -> memref<1x128xi32, #tpu.memory_space<vmem>>
      %dma_wait3A_552 = tpu.memref_squeeze %dma_wait3A_551 : memref<1x128xi32, #tpu.memory_space<vmem>> -> memref<128xi32, #tpu.memory_space<vmem>>
      %dma_wait3A_553 = arith.constant 0 : i32
      %dma_wait3A_554 = arith.constant 0 : i32
      %dma_wait3A_555 = tpu.memref_slice %arg27[%dma_wait3A_553, %dma_wait3A_554] : memref<10240x16xf32, #tpu.memory_space<vmem_shared>> -> memref<10240x16xf32, #tpu.memory_space<vmem_shared>>
      tpu.wait_indirect_dma semaphore(%arg31 : memref<!tpu.dma_semaphore, #tpu.memory_space<semaphore_mem>>) src(%arg10 : memref<128x16xf32, #tpu.memory_space<vmem>>) dst(%dma_wait3A_555 : memref<10240x16xf32, #tpu.memory_space<vmem_shared>>)
      %dma_wait3A_556 = arith.constant 0 : i32
      %dma_wait3A_557 = arith.constant 0 : i32
      %dma_wait3A_558 = tpu.memref_slice %arg7[%dma_wait3A_556, %dma_wait3A_557] : memref<80x128xi32, #tpu.memory_space<vmem>> -> memref<1x128xi32, #tpu.memory_space<vmem>>
      %dma_wait3A_559 = tpu.memref_squeeze %dma_wait3A_558 : memref<1x128xi32, #tpu.memory_space<vmem>> -> memref<128xi32, #tpu.memory_space<vmem>>
      %dma_wait3A_560 = arith.constant 0 : i32
      %dma_wait3A_561 = arith.constant 0 : i32
      %dma_wait3A_562 = tpu.memref_slice %arg28[%dma_wait3A_560, %dma_wait3A_561] : memref<10240x16xf32, #tpu.memory_space<vmem_shared>> -> memref<10240x16xf32, #tpu.memory_space<vmem_shared>>
      tpu.wait_indirect_dma semaphore(%arg31 : memref<!tpu.dma_semaphore, #tpu.memory_space<semaphore_mem>>) src(%arg25 : memref<128x16xf32, #tpu.memory_space<vmem>>) dst(%dma_wait3A_562 : memref<10240x16xf32, #tpu.memory_space<vmem_shared>>)
      %dma_wait3A_563 = arith.constant 0 : i32
      %dma_wait3A_564 = arith.constant 0 : i32
      %dma_wait3A_565 = tpu.memref_slice %arg7[%dma_wait3A_563, %dma_wait3A_564] : memref<80x128xi32, #tpu.memory_space<vmem>> -> memref<1x128xi32, #tpu.memory_space<vmem>>
      %dma_wait3A_566 = tpu.memref_squeeze %dma_wait3A_565 : memref<1x128xi32, #tpu.memory_space<vmem>> -> memref<128xi32, #tpu.memory_space<vmem>>
      %dma_wait3A_567 = arith.constant 0 : i32
      %dma_wait3A_568 = arith.constant 0 : i32
      %dma_wait3A_569 = tpu.memref_slice %arg27[%dma_wait3A_567, %dma_wait3A_568] : memref<10240x16xf32, #tpu.memory_space<vmem_shared>> -> memref<10240x16xf32, #tpu.memory_space<vmem_shared>>
      tpu.wait_indirect_dma semaphore(%arg31 : memref<!tpu.dma_semaphore, #tpu.memory_space<semaphore_mem>>) src(%arg11 : memref<128x16xf32, #tpu.memory_space<vmem>>) dst(%dma_wait3A_569 : memref<10240x16xf32, #tpu.memory_space<vmem_shared>>)
      %dma_wait3A_570 = arith.constant 0 : i32
      %dma_wait3A_571 = arith.constant 0 : i32
      %dma_wait3A_572 = tpu.memref_slice %arg7[%dma_wait3A_570, %dma_wait3A_571] : memref<80x128xi32, #tpu.memory_space<vmem>> -> memref<1x128xi32, #tpu.memory_space<vmem>>
      %dma_wait3A_573 = tpu.memref_squeeze %dma_wait3A_572 : memref<1x128xi32, #tpu.memory_space<vmem>> -> memref<128xi32, #tpu.memory_space<vmem>>
      %dma_wait3A_574 = arith.constant 0 : i32
      %dma_wait3A_575 = arith.constant 0 : i32
      %dma_wait3A_576 = tpu.memref_slice %arg28[%dma_wait3A_574, %dma_wait3A_575] : memref<10240x16xf32, #tpu.memory_space<vmem_shared>> -> memref<10240x16xf32, #tpu.memory_space<vmem_shared>>
      tpu.wait_indirect_dma semaphore(%arg31 : memref<!tpu.dma_semaphore, #tpu.memory_space<semaphore_mem>>) src(%arg25 : memref<128x16xf32, #tpu.memory_space<vmem>>) dst(%dma_wait3A_576 : memref<10240x16xf32, #tpu.memory_space<vmem_shared>>)
      %dma_wait3A_577 = arith.constant 0 : i32
      %dma_wait3A_578 = arith.constant 0 : i32
      %dma_wait3A_579 = tpu.memref_slice %arg7[%dma_wait3A_577, %dma_wait3A_578] : memref<80x128xi32, #tpu.memory_space<vmem>> -> memref<1x128xi32, #tpu.memory_space<vmem>>
      %dma_wait3A_580 = tpu.memref_squeeze %dma_wait3A_579 : memref<1x128xi32, #tpu.memory_space<vmem>> -> memref<128xi32, #tpu.memory_space<vmem>>
      %dma_wait3A_581 = arith.constant 0 : i32
      %dma_wait3A_582 = arith.constant 0 : i32
      %dma_wait3A_583 = tpu.memref_slice %arg27[%dma_wait3A_581, %dma_wait3A_582] : memref<10240x16xf32, #tpu.memory_space<vmem_shared>> -> memref<10240x16xf32, #tpu.memory_space<vmem_shared>>
      tpu.wait_indirect_dma semaphore(%arg31 : memref<!tpu.dma_semaphore, #tpu.memory_space<semaphore_mem>>) src(%arg12 : memref<128x16xf32, #tpu.memory_space<vmem>>) dst(%dma_wait3A_583 : memref<10240x16xf32, #tpu.memory_space<vmem_shared>>)
      %dma_wait3A_584 = arith.constant 0 : i32
      %dma_wait3A_585 = arith.constant 0 : i32
      %dma_wait3A_586 = tpu.memref_slice %arg7[%dma_wait3A_584, %dma_wait3A_585] : memref<80x128xi32, #tpu.memory_space<vmem>> -> memref<1x128xi32, #tpu.memory_space<vmem>>
      %dma_wait3A_587 = tpu.memref_squeeze %dma_wait3A_586 : memref<1x128xi32, #tpu.memory_space<vmem>> -> memref<128xi32, #tpu.memory_space<vmem>>
      %dma_wait3A_588 = arith.constant 0 : i32
      %dma_wait3A_589 = arith.constant 0 : i32
      %dma_wait3A_590 = tpu.memref_slice %arg28[%dma_wait3A_588, %dma_wait3A_589] : memref<10240x16xf32, #tpu.memory_space<vmem_shared>> -> memref<10240x16xf32, #tpu.memory_space<vmem_shared>>
      tpu.wait_indirect_dma semaphore(%arg31 : memref<!tpu.dma_semaphore, #tpu.memory_space<semaphore_mem>>) src(%arg25 : memref<128x16xf32, #tpu.memory_space<vmem>>) dst(%dma_wait3A_590 : memref<10240x16xf32, #tpu.memory_space<vmem_shared>>)
      %dma_wait3A_591 = arith.constant 0 : i32
      %dma_wait3A_592 = arith.constant 0 : i32
      %dma_wait3A_593 = tpu.memref_slice %arg7[%dma_wait3A_591, %dma_wait3A_592] : memref<80x128xi32, #tpu.memory_space<vmem>> -> memref<1x128xi32, #tpu.memory_space<vmem>>
      %dma_wait3A_594 = tpu.memref_squeeze %dma_wait3A_593 : memref<1x128xi32, #tpu.memory_space<vmem>> -> memref<128xi32, #tpu.memory_space<vmem>>
      %dma_wait3A_595 = arith.constant 0 : i32
      %dma_wait3A_596 = arith.constant 0 : i32
      %dma_wait3A_597 = tpu.memref_slice %arg27[%dma_wait3A_595, %dma_wait3A_596] : memref<10240x16xf32, #tpu.memory_space<vmem_shared>> -> memref<10240x16xf32, #tpu.memory_space<vmem_shared>>
      tpu.wait_indirect_dma semaphore(%arg31 : memref<!tpu.dma_semaphore, #tpu.memory_space<semaphore_mem>>) src(%arg13 : memref<128x16xf32, #tpu.memory_space<vmem>>) dst(%dma_wait3A_597 : memref<10240x16xf32, #tpu.memory_space<vmem_shared>>)
      %dma_wait3A_598 = arith.constant 0 : i32
      %dma_wait3A_599 = arith.constant 0 : i32
      %dma_wait3A_600 = tpu.memref_slice %arg7[%dma_wait3A_598, %dma_wait3A_599] : memref<80x128xi32, #tpu.memory_space<vmem>> -> memref<1x128xi32, #tpu.memory_space<vmem>>
      %dma_wait3A_601 = tpu.memref_squeeze %dma_wait3A_600 : memref<1x128xi32, #tpu.memory_space<vmem>> -> memref<128xi32, #tpu.memory_space<vmem>>
      %dma_wait3A_602 = arith.constant 0 : i32
      %dma_wait3A_603 = arith.constant 0 : i32
      %dma_wait3A_604 = tpu.memref_slice %arg28[%dma_wait3A_602, %dma_wait3A_603] : memref<10240x16xf32, #tpu.memory_space<vmem_shared>> -> memref<10240x16xf32, #tpu.memory_space<vmem_shared>>
      tpu.wait_indirect_dma semaphore(%arg31 : memref<!tpu.dma_semaphore, #tpu.memory_space<semaphore_mem>>) src(%arg25 : memref<128x16xf32, #tpu.memory_space<vmem>>) dst(%dma_wait3A_604 : memref<10240x16xf32, #tpu.memory_space<vmem_shared>>)
      %dma_wait3A_605 = arith.constant 0 : i32
      %dma_wait3A_606 = arith.constant 0 : i32
      %dma_wait3A_607 = tpu.memref_slice %arg7[%dma_wait3A_605, %dma_wait3A_606] : memref<80x128xi32, #tpu.memory_space<vmem>> -> memref<1x128xi32, #tpu.memory_space<vmem>>
      %dma_wait3A_608 = tpu.memref_squeeze %dma_wait3A_607 : memref<1x128xi32, #tpu.memory_space<vmem>> -> memref<128xi32, #tpu.memory_space<vmem>>
      %dma_wait3A_609 = arith.constant 0 : i32
      %dma_wait3A_610 = arith.constant 0 : i32
      %dma_wait3A_611 = tpu.memref_slice %arg27[%dma_wait3A_609, %dma_wait3A_610] : memref<10240x16xf32, #tpu.memory_space<vmem_shared>> -> memref<10240x16xf32, #tpu.memory_space<vmem_shared>>
      tpu.wait_indirect_dma semaphore(%arg31 : memref<!tpu.dma_semaphore, #tpu.memory_space<semaphore_mem>>) src(%arg14 : memref<128x16xf32, #tpu.memory_space<vmem>>) dst(%dma_wait3A_611 : memref<10240x16xf32, #tpu.memory_space<vmem_shared>>)
      %dma_wait3A_612 = arith.constant 0 : i32
      %dma_wait3A_613 = arith.constant 0 : i32
      %dma_wait3A_614 = tpu.memref_slice %arg7[%dma_wait3A_612, %dma_wait3A_613] : memref<80x128xi32, #tpu.memory_space<vmem>> -> memref<1x128xi32, #tpu.memory_space<vmem>>
      %dma_wait3A_615 = tpu.memref_squeeze %dma_wait3A_614 : memref<1x128xi32, #tpu.memory_space<vmem>> -> memref<128xi32, #tpu.memory_space<vmem>>
      %dma_wait3A_616 = arith.constant 0 : i32
      %dma_wait3A_617 = arith.constant 0 : i32
      %dma_wait3A_618 = tpu.memref_slice %arg28[%dma_wait3A_616, %dma_wait3A_617] : memref<10240x16xf32, #tpu.memory_space<vmem_shared>> -> memref<10240x16xf32, #tpu.memory_space<vmem_shared>>
      tpu.wait_indirect_dma semaphore(%arg31 : memref<!tpu.dma_semaphore, #tpu.memory_space<semaphore_mem>>) src(%arg25 : memref<128x16xf32, #tpu.memory_space<vmem>>) dst(%dma_wait3A_618 : memref<10240x16xf32, #tpu.memory_space<vmem_shared>>)
      %dma_wait3A_619 = arith.constant 0 : i32
      %dma_wait3A_620 = arith.constant 0 : i32
      %dma_wait3A_621 = tpu.memref_slice %arg7[%dma_wait3A_619, %dma_wait3A_620] : memref<80x128xi32, #tpu.memory_space<vmem>> -> memref<1x128xi32, #tpu.memory_space<vmem>>
      %dma_wait3A_622 = tpu.memref_squeeze %dma_wait3A_621 : memref<1x128xi32, #tpu.memory_space<vmem>> -> memref<128xi32, #tpu.memory_space<vmem>>
      %dma_wait3A_623 = arith.constant 0 : i32
      %dma_wait3A_624 = arith.constant 0 : i32
      %dma_wait3A_625 = tpu.memref_slice %arg27[%dma_wait3A_623, %dma_wait3A_624] : memref<10240x16xf32, #tpu.memory_space<vmem_shared>> -> memref<10240x16xf32, #tpu.memory_space<vmem_shared>>
      tpu.wait_indirect_dma semaphore(%arg31 : memref<!tpu.dma_semaphore, #tpu.memory_space<semaphore_mem>>) src(%arg15 : memref<128x16xf32, #tpu.memory_space<vmem>>) dst(%dma_wait3A_625 : memref<10240x16xf32, #tpu.memory_space<vmem_shared>>)
      %dma_wait3A_626 = arith.constant 0 : i32
      %dma_wait3A_627 = arith.constant 0 : i32
      %dma_wait3A_628 = tpu.memref_slice %arg7[%dma_wait3A_626, %dma_wait3A_627] : memref<80x128xi32, #tpu.memory_space<vmem>> -> memref<1x128xi32, #tpu.memory_space<vmem>>
      %dma_wait3A_629 = tpu.memref_squeeze %dma_wait3A_628 : memref<1x128xi32, #tpu.memory_space<vmem>> -> memref<128xi32, #tpu.memory_space<vmem>>
      %dma_wait3A_630 = arith.constant 0 : i32
      %dma_wait3A_631 = arith.constant 0 : i32
      %dma_wait3A_632 = tpu.memref_slice %arg28[%dma_wait3A_630, %dma_wait3A_631] : memref<10240x16xf32, #tpu.memory_space<vmem_shared>> -> memref<10240x16xf32, #tpu.memory_space<vmem_shared>>
      tpu.wait_indirect_dma semaphore(%arg31 : memref<!tpu.dma_semaphore, #tpu.memory_space<semaphore_mem>>) src(%arg25 : memref<128x16xf32, #tpu.memory_space<vmem>>) dst(%dma_wait3A_632 : memref<10240x16xf32, #tpu.memory_space<vmem_shared>>)
      %lt3A = arith.constant 4 : i32
      %lt3A_633 = arith.cmpi slt, %scan3A_266, %lt3A : i32
      %convert_element_type3A_634 = arith.extui %lt3A_633 : i1 to i32
      %cond3A_635 = arith.constant 0 : i32
      %cond3A_636 = arith.cmpi ne, %convert_element_type3A_634, %cond3A_635 : i32
      scf.if %cond3A_636 {
        %add3A_823 = arith.constant 16 : i32
        %add3A_824 = arith.addi %mul3A_268, %add3A_823 : i32
        %add3A_825 = arith.constant 0 : i32
        %add3A_826 = arith.addi %add3A_824, %add3A_825 : i32
        %dma_start3A_827 = arith.constant 0 : i32
        %dma_start3A_828 = tpu.memref_slice %arg6[%add3A_826, %dma_start3A_827] : memref<80x128xi32, #tpu.memory_space<vmem>> -> memref<1x128xi32, #tpu.memory_space<vmem>>
        %dma_start3A_829 = tpu.memref_squeeze %dma_start3A_828 : memref<1x128xi32, #tpu.memory_space<vmem>> -> memref<128xi32, #tpu.memory_space<vmem>>
        %dma_start3A_830 = arith.constant 0 : i32
        %dma_start3A_831 = arith.constant 0 : i32
        %dma_start3A_832 = tpu.memref_slice %arg26[%dma_start3A_830, %dma_start3A_831] : memref<10016x16xf32, #tpu.memory_space<vmem_shared>> -> memref<10016x16xf32, #tpu.memory_space<vmem_shared>>
        tpu.enqueue_indirect_dma source(%dma_start3A_832 : memref<10016x16xf32, #tpu.memory_space<vmem_shared>>) target(%arg8 : memref<128x16xf32, #tpu.memory_space<vmem>>) offsets(%dma_start3A_829 : memref<128xi32, #tpu.memory_space<vmem>>) semaphore(%arg29 : memref<!tpu.dma_semaphore, #tpu.memory_space<semaphore_mem>>)
        %add3A_833 = arith.constant 1 : i32
        %add3A_834 = arith.addi %add3A_824, %add3A_833 : i32
        %dma_start3A_835 = arith.constant 0 : i32
        %dma_start3A_836 = tpu.memref_slice %arg6[%add3A_834, %dma_start3A_835] : memref<80x128xi32, #tpu.memory_space<vmem>> -> memref<1x128xi32, #tpu.memory_space<vmem>>
        %dma_start3A_837 = tpu.memref_squeeze %dma_start3A_836 : memref<1x128xi32, #tpu.memory_space<vmem>> -> memref<128xi32, #tpu.memory_space<vmem>>
        %dma_start3A_838 = arith.constant 0 : i32
        %dma_start3A_839 = arith.constant 0 : i32
        %dma_start3A_840 = tpu.memref_slice %arg26[%dma_start3A_838, %dma_start3A_839] : memref<10016x16xf32, #tpu.memory_space<vmem_shared>> -> memref<10016x16xf32, #tpu.memory_space<vmem_shared>>
        tpu.enqueue_indirect_dma source(%dma_start3A_840 : memref<10016x16xf32, #tpu.memory_space<vmem_shared>>) target(%arg9 : memref<128x16xf32, #tpu.memory_space<vmem>>) offsets(%dma_start3A_837 : memref<128xi32, #tpu.memory_space<vmem>>) semaphore(%arg29 : memref<!tpu.dma_semaphore, #tpu.memory_space<semaphore_mem>>)
        %add3A_841 = arith.constant 2 : i32
        %add3A_842 = arith.addi %add3A_824, %add3A_841 : i32
        %dma_start3A_843 = arith.constant 0 : i32
        %dma_start3A_844 = tpu.memref_slice %arg6[%add3A_842, %dma_start3A_843] : memref<80x128xi32, #tpu.memory_space<vmem>> -> memref<1x128xi32, #tpu.memory_space<vmem>>
        %dma_start3A_845 = tpu.memref_squeeze %dma_start3A_844 : memref<1x128xi32, #tpu.memory_space<vmem>> -> memref<128xi32, #tpu.memory_space<vmem>>
        %dma_start3A_846 = arith.constant 0 : i32
        %dma_start3A_847 = arith.constant 0 : i32
        %dma_start3A_848 = tpu.memref_slice %arg26[%dma_start3A_846, %dma_start3A_847] : memref<10016x16xf32, #tpu.memory_space<vmem_shared>> -> memref<10016x16xf32, #tpu.memory_space<vmem_shared>>
        tpu.enqueue_indirect_dma source(%dma_start3A_848 : memref<10016x16xf32, #tpu.memory_space<vmem_shared>>) target(%arg10 : memref<128x16xf32, #tpu.memory_space<vmem>>) offsets(%dma_start3A_845 : memref<128xi32, #tpu.memory_space<vmem>>) semaphore(%arg29 : memref<!tpu.dma_semaphore, #tpu.memory_space<semaphore_mem>>)
        %add3A_849 = arith.constant 3 : i32
        %add3A_850 = arith.addi %add3A_824, %add3A_849 : i32
        %dma_start3A_851 = arith.constant 0 : i32
        %dma_start3A_852 = tpu.memref_slice %arg6[%add3A_850, %dma_start3A_851] : memref<80x128xi32, #tpu.memory_space<vmem>> -> memref<1x128xi32, #tpu.memory_space<vmem>>
        %dma_start3A_853 = tpu.memref_squeeze %dma_start3A_852 : memref<1x128xi32, #tpu.memory_space<vmem>> -> memref<128xi32, #tpu.memory_space<vmem>>
        %dma_start3A_854 = arith.constant 0 : i32
        %dma_start3A_855 = arith.constant 0 : i32
        %dma_start3A_856 = tpu.memref_slice %arg26[%dma_start3A_854, %dma_start3A_855] : memref<10016x16xf32, #tpu.memory_space<vmem_shared>> -> memref<10016x16xf32, #tpu.memory_space<vmem_shared>>
        tpu.enqueue_indirect_dma source(%dma_start3A_856 : memref<10016x16xf32, #tpu.memory_space<vmem_shared>>) target(%arg11 : memref<128x16xf32, #tpu.memory_space<vmem>>) offsets(%dma_start3A_853 : memref<128xi32, #tpu.memory_space<vmem>>) semaphore(%arg29 : memref<!tpu.dma_semaphore, #tpu.memory_space<semaphore_mem>>)
        %add3A_857 = arith.constant 4 : i32
        %add3A_858 = arith.addi %add3A_824, %add3A_857 : i32
        %dma_start3A_859 = arith.constant 0 : i32
        %dma_start3A_860 = tpu.memref_slice %arg6[%add3A_858, %dma_start3A_859] : memref<80x128xi32, #tpu.memory_space<vmem>> -> memref<1x128xi32, #tpu.memory_space<vmem>>
        %dma_start3A_861 = tpu.memref_squeeze %dma_start3A_860 : memref<1x128xi32, #tpu.memory_space<vmem>> -> memref<128xi32, #tpu.memory_space<vmem>>
        %dma_start3A_862 = arith.constant 0 : i32
        %dma_start3A_863 = arith.constant 0 : i32
        %dma_start3A_864 = tpu.memref_slice %arg26[%dma_start3A_862, %dma_start3A_863] : memref<10016x16xf32, #tpu.memory_space<vmem_shared>> -> memref<10016x16xf32, #tpu.memory_space<vmem_shared>>
        tpu.enqueue_indirect_dma source(%dma_start3A_864 : memref<10016x16xf32, #tpu.memory_space<vmem_shared>>) target(%arg12 : memref<128x16xf32, #tpu.memory_space<vmem>>) offsets(%dma_start3A_861 : memref<128xi32, #tpu.memory_space<vmem>>) semaphore(%arg29 : memref<!tpu.dma_semaphore, #tpu.memory_space<semaphore_mem>>)
        %add3A_865 = arith.constant 5 : i32
        %add3A_866 = arith.addi %add3A_824, %add3A_865 : i32
        %dma_start3A_867 = arith.constant 0 : i32
        %dma_start3A_868 = tpu.memref_slice %arg6[%add3A_866, %dma_start3A_867] : memref<80x128xi32, #tpu.memory_space<vmem>> -> memref<1x128xi32, #tpu.memory_space<vmem>>
        %dma_start3A_869 = tpu.memref_squeeze %dma_start3A_868 : memref<1x128xi32, #tpu.memory_space<vmem>> -> memref<128xi32, #tpu.memory_space<vmem>>
        %dma_start3A_870 = arith.constant 0 : i32
        %dma_start3A_871 = arith.constant 0 : i32
        %dma_start3A_872 = tpu.memref_slice %arg26[%dma_start3A_870, %dma_start3A_871] : memref<10016x16xf32, #tpu.memory_space<vmem_shared>> -> memref<10016x16xf32, #tpu.memory_space<vmem_shared>>
        tpu.enqueue_indirect_dma source(%dma_start3A_872 : memref<10016x16xf32, #tpu.memory_space<vmem_shared>>) target(%arg13 : memref<128x16xf32, #tpu.memory_space<vmem>>) offsets(%dma_start3A_869 : memref<128xi32, #tpu.memory_space<vmem>>) semaphore(%arg29 : memref<!tpu.dma_semaphore, #tpu.memory_space<semaphore_mem>>)
        %add3A_873 = arith.constant 6 : i32
        %add3A_874 = arith.addi %add3A_824, %add3A_873 : i32
        %dma_start3A_875 = arith.constant 0 : i32
        %dma_start3A_876 = tpu.memref_slice %arg6[%add3A_874, %dma_start3A_875] : memref<80x128xi32, #tpu.memory_space<vmem>> -> memref<1x128xi32, #tpu.memory_space<vmem>>
        %dma_start3A_877 = tpu.memref_squeeze %dma_start3A_876 : memref<1x128xi32, #tpu.memory_space<vmem>> -> memref<128xi32, #tpu.memory_space<vmem>>
        %dma_start3A_878 = arith.constant 0 : i32
        %dma_start3A_879 = arith.constant 0 : i32
        %dma_start3A_880 = tpu.memref_slice %arg26[%dma_start3A_878, %dma_start3A_879] : memref<10016x16xf32, #tpu.memory_space<vmem_shared>> -> memref<10016x16xf32, #tpu.memory_space<vmem_shared>>
        tpu.enqueue_indirect_dma source(%dma_start3A_880 : memref<10016x16xf32, #tpu.memory_space<vmem_shared>>) target(%arg14 : memref<128x16xf32, #tpu.memory_space<vmem>>) offsets(%dma_start3A_877 : memref<128xi32, #tpu.memory_space<vmem>>) semaphore(%arg29 : memref<!tpu.dma_semaphore, #tpu.memory_space<semaphore_mem>>)
        %add3A_881 = arith.constant 7 : i32
        %add3A_882 = arith.addi %add3A_824, %add3A_881 : i32
        %dma_start3A_883 = arith.constant 0 : i32
        %dma_start3A_884 = tpu.memref_slice %arg6[%add3A_882, %dma_start3A_883] : memref<80x128xi32, #tpu.memory_space<vmem>> -> memref<1x128xi32, #tpu.memory_space<vmem>>
        %dma_start3A_885 = tpu.memref_squeeze %dma_start3A_884 : memref<1x128xi32, #tpu.memory_space<vmem>> -> memref<128xi32, #tpu.memory_space<vmem>>
        %dma_start3A_886 = arith.constant 0 : i32
        %dma_start3A_887 = arith.constant 0 : i32
        %dma_start3A_888 = tpu.memref_slice %arg26[%dma_start3A_886, %dma_start3A_887] : memref<10016x16xf32, #tpu.memory_space<vmem_shared>> -> memref<10016x16xf32, #tpu.memory_space<vmem_shared>>
        tpu.enqueue_indirect_dma source(%dma_start3A_888 : memref<10016x16xf32, #tpu.memory_space<vmem_shared>>) target(%arg15 : memref<128x16xf32, #tpu.memory_space<vmem>>) offsets(%dma_start3A_885 : memref<128xi32, #tpu.memory_space<vmem>>) semaphore(%arg29 : memref<!tpu.dma_semaphore, #tpu.memory_space<semaphore_mem>>)
      } else {
      }
      %dma_wait3A_637 = arith.constant 0 : i32
      %dma_wait3A_638 = arith.constant 0 : i32
      %dma_wait3A_639 = tpu.memref_slice %arg6[%dma_wait3A_637, %dma_wait3A_638] : memref<80x128xi32, #tpu.memory_space<vmem>> -> memref<1x128xi32, #tpu.memory_space<vmem>>
      %dma_wait3A_640 = tpu.memref_squeeze %dma_wait3A_639 : memref<1x128xi32, #tpu.memory_space<vmem>> -> memref<128xi32, #tpu.memory_space<vmem>>
      %dma_wait3A_641 = arith.constant 0 : i32
      %dma_wait3A_642 = arith.constant 0 : i32
      %dma_wait3A_643 = tpu.memref_slice %arg26[%dma_wait3A_641, %dma_wait3A_642] : memref<10016x16xf32, #tpu.memory_space<vmem_shared>> -> memref<10016x16xf32, #tpu.memory_space<vmem_shared>>
      tpu.wait_indirect_dma semaphore(%arg30 : memref<!tpu.dma_semaphore, #tpu.memory_space<semaphore_mem>>) src(%dma_wait3A_643 : memref<10016x16xf32, #tpu.memory_space<vmem_shared>>) dst(%arg16 : memref<128x16xf32, #tpu.memory_space<vmem>>)
      %dma_wait3A_644 = arith.constant 0 : i32
      %dma_wait3A_645 = arith.constant 0 : i32
      %dma_wait3A_646 = tpu.memref_slice %arg6[%dma_wait3A_644, %dma_wait3A_645] : memref<80x128xi32, #tpu.memory_space<vmem>> -> memref<1x128xi32, #tpu.memory_space<vmem>>
      %dma_wait3A_647 = tpu.memref_squeeze %dma_wait3A_646 : memref<1x128xi32, #tpu.memory_space<vmem>> -> memref<128xi32, #tpu.memory_space<vmem>>
      %dma_wait3A_648 = arith.constant 0 : i32
      %dma_wait3A_649 = arith.constant 0 : i32
      %dma_wait3A_650 = tpu.memref_slice %arg26[%dma_wait3A_648, %dma_wait3A_649] : memref<10016x16xf32, #tpu.memory_space<vmem_shared>> -> memref<10016x16xf32, #tpu.memory_space<vmem_shared>>
      tpu.wait_indirect_dma semaphore(%arg30 : memref<!tpu.dma_semaphore, #tpu.memory_space<semaphore_mem>>) src(%dma_wait3A_650 : memref<10016x16xf32, #tpu.memory_space<vmem_shared>>) dst(%arg17 : memref<128x16xf32, #tpu.memory_space<vmem>>)
      %dma_wait3A_651 = arith.constant 0 : i32
      %dma_wait3A_652 = arith.constant 0 : i32
      %dma_wait3A_653 = tpu.memref_slice %arg6[%dma_wait3A_651, %dma_wait3A_652] : memref<80x128xi32, #tpu.memory_space<vmem>> -> memref<1x128xi32, #tpu.memory_space<vmem>>
      %dma_wait3A_654 = tpu.memref_squeeze %dma_wait3A_653 : memref<1x128xi32, #tpu.memory_space<vmem>> -> memref<128xi32, #tpu.memory_space<vmem>>
      %dma_wait3A_655 = arith.constant 0 : i32
      %dma_wait3A_656 = arith.constant 0 : i32
      %dma_wait3A_657 = tpu.memref_slice %arg26[%dma_wait3A_655, %dma_wait3A_656] : memref<10016x16xf32, #tpu.memory_space<vmem_shared>> -> memref<10016x16xf32, #tpu.memory_space<vmem_shared>>
      tpu.wait_indirect_dma semaphore(%arg30 : memref<!tpu.dma_semaphore, #tpu.memory_space<semaphore_mem>>) src(%dma_wait3A_657 : memref<10016x16xf32, #tpu.memory_space<vmem_shared>>) dst(%arg18 : memref<128x16xf32, #tpu.memory_space<vmem>>)
      %dma_wait3A_658 = arith.constant 0 : i32
      %dma_wait3A_659 = arith.constant 0 : i32
      %dma_wait3A_660 = tpu.memref_slice %arg6[%dma_wait3A_658, %dma_wait3A_659] : memref<80x128xi32, #tpu.memory_space<vmem>> -> memref<1x128xi32, #tpu.memory_space<vmem>>
      %dma_wait3A_661 = tpu.memref_squeeze %dma_wait3A_660 : memref<1x128xi32, #tpu.memory_space<vmem>> -> memref<128xi32, #tpu.memory_space<vmem>>
      %dma_wait3A_662 = arith.constant 0 : i32
      %dma_wait3A_663 = arith.constant 0 : i32
      %dma_wait3A_664 = tpu.memref_slice %arg26[%dma_wait3A_662, %dma_wait3A_663] : memref<10016x16xf32, #tpu.memory_space<vmem_shared>> -> memref<10016x16xf32, #tpu.memory_space<vmem_shared>>
      tpu.wait_indirect_dma semaphore(%arg30 : memref<!tpu.dma_semaphore, #tpu.memory_space<semaphore_mem>>) src(%dma_wait3A_664 : memref<10016x16xf32, #tpu.memory_space<vmem_shared>>) dst(%arg19 : memref<128x16xf32, #tpu.memory_space<vmem>>)
      %dma_wait3A_665 = arith.constant 0 : i32
      %dma_wait3A_666 = arith.constant 0 : i32
      %dma_wait3A_667 = tpu.memref_slice %arg6[%dma_wait3A_665, %dma_wait3A_666] : memref<80x128xi32, #tpu.memory_space<vmem>> -> memref<1x128xi32, #tpu.memory_space<vmem>>
      %dma_wait3A_668 = tpu.memref_squeeze %dma_wait3A_667 : memref<1x128xi32, #tpu.memory_space<vmem>> -> memref<128xi32, #tpu.memory_space<vmem>>
      %dma_wait3A_669 = arith.constant 0 : i32
      %dma_wait3A_670 = arith.constant 0 : i32
      %dma_wait3A_671 = tpu.memref_slice %arg26[%dma_wait3A_669, %dma_wait3A_670] : memref<10016x16xf32, #tpu.memory_space<vmem_shared>> -> memref<10016x16xf32, #tpu.memory_space<vmem_shared>>
      tpu.wait_indirect_dma semaphore(%arg30 : memref<!tpu.dma_semaphore, #tpu.memory_space<semaphore_mem>>) src(%dma_wait3A_671 : memref<10016x16xf32, #tpu.memory_space<vmem_shared>>) dst(%arg20 : memref<128x16xf32, #tpu.memory_space<vmem>>)
      %dma_wait3A_672 = arith.constant 0 : i32
      %dma_wait3A_673 = arith.constant 0 : i32
      %dma_wait3A_674 = tpu.memref_slice %arg6[%dma_wait3A_672, %dma_wait3A_673] : memref<80x128xi32, #tpu.memory_space<vmem>> -> memref<1x128xi32, #tpu.memory_space<vmem>>
      %dma_wait3A_675 = tpu.memref_squeeze %dma_wait3A_674 : memref<1x128xi32, #tpu.memory_space<vmem>> -> memref<128xi32, #tpu.memory_space<vmem>>
      %dma_wait3A_676 = arith.constant 0 : i32
      %dma_wait3A_677 = arith.constant 0 : i32
      %dma_wait3A_678 = tpu.memref_slice %arg26[%dma_wait3A_676, %dma_wait3A_677] : memref<10016x16xf32, #tpu.memory_space<vmem_shared>> -> memref<10016x16xf32, #tpu.memory_space<vmem_shared>>
      tpu.wait_indirect_dma semaphore(%arg30 : memref<!tpu.dma_semaphore, #tpu.memory_space<semaphore_mem>>) src(%dma_wait3A_678 : memref<10016x16xf32, #tpu.memory_space<vmem_shared>>) dst(%arg21 : memref<128x16xf32, #tpu.memory_space<vmem>>)
      %dma_wait3A_679 = arith.constant 0 : i32
      %dma_wait3A_680 = arith.constant 0 : i32
      %dma_wait3A_681 = tpu.memref_slice %arg6[%dma_wait3A_679, %dma_wait3A_680] : memref<80x128xi32, #tpu.memory_space<vmem>> -> memref<1x128xi32, #tpu.memory_space<vmem>>
      %dma_wait3A_682 = tpu.memref_squeeze %dma_wait3A_681 : memref<1x128xi32, #tpu.memory_space<vmem>> -> memref<128xi32, #tpu.memory_space<vmem>>
      %dma_wait3A_683 = arith.constant 0 : i32
      %dma_wait3A_684 = arith.constant 0 : i32
      %dma_wait3A_685 = tpu.memref_slice %arg26[%dma_wait3A_683, %dma_wait3A_684] : memref<10016x16xf32, #tpu.memory_space<vmem_shared>> -> memref<10016x16xf32, #tpu.memory_space<vmem_shared>>
      tpu.wait_indirect_dma semaphore(%arg30 : memref<!tpu.dma_semaphore, #tpu.memory_space<semaphore_mem>>) src(%dma_wait3A_685 : memref<10016x16xf32, #tpu.memory_space<vmem_shared>>) dst(%arg22 : memref<128x16xf32, #tpu.memory_space<vmem>>)
      %dma_wait3A_686 = arith.constant 0 : i32
      %dma_wait3A_687 = arith.constant 0 : i32
      %dma_wait3A_688 = tpu.memref_slice %arg6[%dma_wait3A_686, %dma_wait3A_687] : memref<80x128xi32, #tpu.memory_space<vmem>> -> memref<1x128xi32, #tpu.memory_space<vmem>>
      %dma_wait3A_689 = tpu.memref_squeeze %dma_wait3A_688 : memref<1x128xi32, #tpu.memory_space<vmem>> -> memref<128xi32, #tpu.memory_space<vmem>>
      %dma_wait3A_690 = arith.constant 0 : i32
      %dma_wait3A_691 = arith.constant 0 : i32
      %dma_wait3A_692 = tpu.memref_slice %arg26[%dma_wait3A_690, %dma_wait3A_691] : memref<10016x16xf32, #tpu.memory_space<vmem_shared>> -> memref<10016x16xf32, #tpu.memory_space<vmem_shared>>
      tpu.wait_indirect_dma semaphore(%arg30 : memref<!tpu.dma_semaphore, #tpu.memory_space<semaphore_mem>>) src(%dma_wait3A_692 : memref<10016x16xf32, #tpu.memory_space<vmem_shared>>) dst(%arg23 : memref<128x16xf32, #tpu.memory_space<vmem>>)
      %add3A_693 = arith.constant 8 : i32
      %add3A_694 = arith.addi %mul3A_268, %add3A_693 : i32
      %add3A_695 = arith.constant 0 : i32
      %add3A_696 = arith.addi %add3A_694, %add3A_695 : i32
      %dma_start3A_697 = arith.constant 0 : i32
      %dma_start3A_698 = tpu.memref_slice %arg7[%add3A_696, %dma_start3A_697] : memref<80x128xi32, #tpu.memory_space<vmem>> -> memref<1x128xi32, #tpu.memory_space<vmem>>
      %dma_start3A_699 = tpu.memref_squeeze %dma_start3A_698 : memref<1x128xi32, #tpu.memory_space<vmem>> -> memref<128xi32, #tpu.memory_space<vmem>>
      %dma_start3A_700 = arith.constant 0 : i32
      %dma_start3A_701 = arith.constant 0 : i32
      %dma_start3A_702 = tpu.memref_slice %arg27[%dma_start3A_700, %dma_start3A_701] : memref<10240x16xf32, #tpu.memory_space<vmem_shared>> -> memref<10240x16xf32, #tpu.memory_space<vmem_shared>>
      tpu.enqueue_indirect_dma source(%arg16 : memref<128x16xf32, #tpu.memory_space<vmem>>) target(%dma_start3A_702 : memref<10240x16xf32, #tpu.memory_space<vmem_shared>>) offsets(%dma_start3A_699 : memref<128xi32, #tpu.memory_space<vmem>>) semaphore(%arg32 : memref<!tpu.dma_semaphore, #tpu.memory_space<semaphore_mem>>) {add = true}
      %add3A_703 = arith.constant 0 : i32
      %add3A_704 = arith.addi %add3A_694, %add3A_703 : i32
      %dma_start3A_705 = arith.constant 0 : i32
      %dma_start3A_706 = tpu.memref_slice %arg7[%add3A_704, %dma_start3A_705] : memref<80x128xi32, #tpu.memory_space<vmem>> -> memref<1x128xi32, #tpu.memory_space<vmem>>
      %dma_start3A_707 = tpu.memref_squeeze %dma_start3A_706 : memref<1x128xi32, #tpu.memory_space<vmem>> -> memref<128xi32, #tpu.memory_space<vmem>>
      %dma_start3A_708 = arith.constant 0 : i32
      %dma_start3A_709 = arith.constant 0 : i32
      %dma_start3A_710 = tpu.memref_slice %arg28[%dma_start3A_708, %dma_start3A_709] : memref<10240x16xf32, #tpu.memory_space<vmem_shared>> -> memref<10240x16xf32, #tpu.memory_space<vmem_shared>>
      tpu.enqueue_indirect_dma source(%arg25 : memref<128x16xf32, #tpu.memory_space<vmem>>) target(%dma_start3A_710 : memref<10240x16xf32, #tpu.memory_space<vmem_shared>>) offsets(%dma_start3A_707 : memref<128xi32, #tpu.memory_space<vmem>>) semaphore(%arg32 : memref<!tpu.dma_semaphore, #tpu.memory_space<semaphore_mem>>) {add = true}
      %add3A_711 = arith.constant 1 : i32
      %add3A_712 = arith.addi %add3A_694, %add3A_711 : i32
      %dma_start3A_713 = arith.constant 0 : i32
      %dma_start3A_714 = tpu.memref_slice %arg7[%add3A_712, %dma_start3A_713] : memref<80x128xi32, #tpu.memory_space<vmem>> -> memref<1x128xi32, #tpu.memory_space<vmem>>
      %dma_start3A_715 = tpu.memref_squeeze %dma_start3A_714 : memref<1x128xi32, #tpu.memory_space<vmem>> -> memref<128xi32, #tpu.memory_space<vmem>>
      %dma_start3A_716 = arith.constant 0 : i32
      %dma_start3A_717 = arith.constant 0 : i32
      %dma_start3A_718 = tpu.memref_slice %arg27[%dma_start3A_716, %dma_start3A_717] : memref<10240x16xf32, #tpu.memory_space<vmem_shared>> -> memref<10240x16xf32, #tpu.memory_space<vmem_shared>>
      tpu.enqueue_indirect_dma source(%arg17 : memref<128x16xf32, #tpu.memory_space<vmem>>) target(%dma_start3A_718 : memref<10240x16xf32, #tpu.memory_space<vmem_shared>>) offsets(%dma_start3A_715 : memref<128xi32, #tpu.memory_space<vmem>>) semaphore(%arg32 : memref<!tpu.dma_semaphore, #tpu.memory_space<semaphore_mem>>) {add = true}
      %add3A_719 = arith.constant 1 : i32
      %add3A_720 = arith.addi %add3A_694, %add3A_719 : i32
      %dma_start3A_721 = arith.constant 0 : i32
      %dma_start3A_722 = tpu.memref_slice %arg7[%add3A_720, %dma_start3A_721] : memref<80x128xi32, #tpu.memory_space<vmem>> -> memref<1x128xi32, #tpu.memory_space<vmem>>
      %dma_start3A_723 = tpu.memref_squeeze %dma_start3A_722 : memref<1x128xi32, #tpu.memory_space<vmem>> -> memref<128xi32, #tpu.memory_space<vmem>>
      %dma_start3A_724 = arith.constant 0 : i32
      %dma_start3A_725 = arith.constant 0 : i32
      %dma_start3A_726 = tpu.memref_slice %arg28[%dma_start3A_724, %dma_start3A_725] : memref<10240x16xf32, #tpu.memory_space<vmem_shared>> -> memref<10240x16xf32, #tpu.memory_space<vmem_shared>>
      tpu.enqueue_indirect_dma source(%arg25 : memref<128x16xf32, #tpu.memory_space<vmem>>) target(%dma_start3A_726 : memref<10240x16xf32, #tpu.memory_space<vmem_shared>>) offsets(%dma_start3A_723 : memref<128xi32, #tpu.memory_space<vmem>>) semaphore(%arg32 : memref<!tpu.dma_semaphore, #tpu.memory_space<semaphore_mem>>) {add = true}
      %add3A_727 = arith.constant 2 : i32
      %add3A_728 = arith.addi %add3A_694, %add3A_727 : i32
      %dma_start3A_729 = arith.constant 0 : i32
      %dma_start3A_730 = tpu.memref_slice %arg7[%add3A_728, %dma_start3A_729] : memref<80x128xi32, #tpu.memory_space<vmem>> -> memref<1x128xi32, #tpu.memory_space<vmem>>
      %dma_start3A_731 = tpu.memref_squeeze %dma_start3A_730 : memref<1x128xi32, #tpu.memory_space<vmem>> -> memref<128xi32, #tpu.memory_space<vmem>>
      %dma_start3A_732 = arith.constant 0 : i32
      %dma_start3A_733 = arith.constant 0 : i32
      %dma_start3A_734 = tpu.memref_slice %arg27[%dma_start3A_732, %dma_start3A_733] : memref<10240x16xf32, #tpu.memory_space<vmem_shared>> -> memref<10240x16xf32, #tpu.memory_space<vmem_shared>>
      tpu.enqueue_indirect_dma source(%arg18 : memref<128x16xf32, #tpu.memory_space<vmem>>) target(%dma_start3A_734 : memref<10240x16xf32, #tpu.memory_space<vmem_shared>>) offsets(%dma_start3A_731 : memref<128xi32, #tpu.memory_space<vmem>>) semaphore(%arg32 : memref<!tpu.dma_semaphore, #tpu.memory_space<semaphore_mem>>) {add = true}
      %add3A_735 = arith.constant 2 : i32
      %add3A_736 = arith.addi %add3A_694, %add3A_735 : i32
      %dma_start3A_737 = arith.constant 0 : i32
      %dma_start3A_738 = tpu.memref_slice %arg7[%add3A_736, %dma_start3A_737] : memref<80x128xi32, #tpu.memory_space<vmem>> -> memref<1x128xi32, #tpu.memory_space<vmem>>
      %dma_start3A_739 = tpu.memref_squeeze %dma_start3A_738 : memref<1x128xi32, #tpu.memory_space<vmem>> -> memref<128xi32, #tpu.memory_space<vmem>>
      %dma_start3A_740 = arith.constant 0 : i32
      %dma_start3A_741 = arith.constant 0 : i32
      %dma_start3A_742 = tpu.memref_slice %arg28[%dma_start3A_740, %dma_start3A_741] : memref<10240x16xf32, #tpu.memory_space<vmem_shared>> -> memref<10240x16xf32, #tpu.memory_space<vmem_shared>>
      tpu.enqueue_indirect_dma source(%arg25 : memref<128x16xf32, #tpu.memory_space<vmem>>) target(%dma_start3A_742 : memref<10240x16xf32, #tpu.memory_space<vmem_shared>>) offsets(%dma_start3A_739 : memref<128xi32, #tpu.memory_space<vmem>>) semaphore(%arg32 : memref<!tpu.dma_semaphore, #tpu.memory_space<semaphore_mem>>) {add = true}
      %add3A_743 = arith.constant 3 : i32
      %add3A_744 = arith.addi %add3A_694, %add3A_743 : i32
      %dma_start3A_745 = arith.constant 0 : i32
      %dma_start3A_746 = tpu.memref_slice %arg7[%add3A_744, %dma_start3A_745] : memref<80x128xi32, #tpu.memory_space<vmem>> -> memref<1x128xi32, #tpu.memory_space<vmem>>
      %dma_start3A_747 = tpu.memref_squeeze %dma_start3A_746 : memref<1x128xi32, #tpu.memory_space<vmem>> -> memref<128xi32, #tpu.memory_space<vmem>>
      %dma_start3A_748 = arith.constant 0 : i32
      %dma_start3A_749 = arith.constant 0 : i32
      %dma_start3A_750 = tpu.memref_slice %arg27[%dma_start3A_748, %dma_start3A_749] : memref<10240x16xf32, #tpu.memory_space<vmem_shared>> -> memref<10240x16xf32, #tpu.memory_space<vmem_shared>>
      tpu.enqueue_indirect_dma source(%arg19 : memref<128x16xf32, #tpu.memory_space<vmem>>) target(%dma_start3A_750 : memref<10240x16xf32, #tpu.memory_space<vmem_shared>>) offsets(%dma_start3A_747 : memref<128xi32, #tpu.memory_space<vmem>>) semaphore(%arg32 : memref<!tpu.dma_semaphore, #tpu.memory_space<semaphore_mem>>) {add = true}
      %add3A_751 = arith.constant 3 : i32
      %add3A_752 = arith.addi %add3A_694, %add3A_751 : i32
      %dma_start3A_753 = arith.constant 0 : i32
      %dma_start3A_754 = tpu.memref_slice %arg7[%add3A_752, %dma_start3A_753] : memref<80x128xi32, #tpu.memory_space<vmem>> -> memref<1x128xi32, #tpu.memory_space<vmem>>
      %dma_start3A_755 = tpu.memref_squeeze %dma_start3A_754 : memref<1x128xi32, #tpu.memory_space<vmem>> -> memref<128xi32, #tpu.memory_space<vmem>>
      %dma_start3A_756 = arith.constant 0 : i32
      %dma_start3A_757 = arith.constant 0 : i32
      %dma_start3A_758 = tpu.memref_slice %arg28[%dma_start3A_756, %dma_start3A_757] : memref<10240x16xf32, #tpu.memory_space<vmem_shared>> -> memref<10240x16xf32, #tpu.memory_space<vmem_shared>>
      tpu.enqueue_indirect_dma source(%arg25 : memref<128x16xf32, #tpu.memory_space<vmem>>) target(%dma_start3A_758 : memref<10240x16xf32, #tpu.memory_space<vmem_shared>>) offsets(%dma_start3A_755 : memref<128xi32, #tpu.memory_space<vmem>>) semaphore(%arg32 : memref<!tpu.dma_semaphore, #tpu.memory_space<semaphore_mem>>) {add = true}
      %add3A_759 = arith.constant 4 : i32
      %add3A_760 = arith.addi %add3A_694, %add3A_759 : i32
      %dma_start3A_761 = arith.constant 0 : i32
      %dma_start3A_762 = tpu.memref_slice %arg7[%add3A_760, %dma_start3A_761] : memref<80x128xi32, #tpu.memory_space<vmem>> -> memref<1x128xi32, #tpu.memory_space<vmem>>
      %dma_start3A_763 = tpu.memref_squeeze %dma_start3A_762 : memref<1x128xi32, #tpu.memory_space<vmem>> -> memref<128xi32, #tpu.memory_space<vmem>>
      %dma_start3A_764 = arith.constant 0 : i32
      %dma_start3A_765 = arith.constant 0 : i32
      %dma_start3A_766 = tpu.memref_slice %arg27[%dma_start3A_764, %dma_start3A_765] : memref<10240x16xf32, #tpu.memory_space<vmem_shared>> -> memref<10240x16xf32, #tpu.memory_space<vmem_shared>>
      tpu.enqueue_indirect_dma source(%arg20 : memref<128x16xf32, #tpu.memory_space<vmem>>) target(%dma_start3A_766 : memref<10240x16xf32, #tpu.memory_space<vmem_shared>>) offsets(%dma_start3A_763 : memref<128xi32, #tpu.memory_space<vmem>>) semaphore(%arg32 : memref<!tpu.dma_semaphore, #tpu.memory_space<semaphore_mem>>) {add = true}
      %add3A_767 = arith.constant 4 : i32
      %add3A_768 = arith.addi %add3A_694, %add3A_767 : i32
      %dma_start3A_769 = arith.constant 0 : i32
      %dma_start3A_770 = tpu.memref_slice %arg7[%add3A_768, %dma_start3A_769] : memref<80x128xi32, #tpu.memory_space<vmem>> -> memref<1x128xi32, #tpu.memory_space<vmem>>
      %dma_start3A_771 = tpu.memref_squeeze %dma_start3A_770 : memref<1x128xi32, #tpu.memory_space<vmem>> -> memref<128xi32, #tpu.memory_space<vmem>>
      %dma_start3A_772 = arith.constant 0 : i32
      %dma_start3A_773 = arith.constant 0 : i32
      %dma_start3A_774 = tpu.memref_slice %arg28[%dma_start3A_772, %dma_start3A_773] : memref<10240x16xf32, #tpu.memory_space<vmem_shared>> -> memref<10240x16xf32, #tpu.memory_space<vmem_shared>>
      tpu.enqueue_indirect_dma source(%arg25 : memref<128x16xf32, #tpu.memory_space<vmem>>) target(%dma_start3A_774 : memref<10240x16xf32, #tpu.memory_space<vmem_shared>>) offsets(%dma_start3A_771 : memref<128xi32, #tpu.memory_space<vmem>>) semaphore(%arg32 : memref<!tpu.dma_semaphore, #tpu.memory_space<semaphore_mem>>) {add = true}
      %add3A_775 = arith.constant 5 : i32
      %add3A_776 = arith.addi %add3A_694, %add3A_775 : i32
      %dma_start3A_777 = arith.constant 0 : i32
      %dma_start3A_778 = tpu.memref_slice %arg7[%add3A_776, %dma_start3A_777] : memref<80x128xi32, #tpu.memory_space<vmem>> -> memref<1x128xi32, #tpu.memory_space<vmem>>
      %dma_start3A_779 = tpu.memref_squeeze %dma_start3A_778 : memref<1x128xi32, #tpu.memory_space<vmem>> -> memref<128xi32, #tpu.memory_space<vmem>>
      %dma_start3A_780 = arith.constant 0 : i32
      %dma_start3A_781 = arith.constant 0 : i32
      %dma_start3A_782 = tpu.memref_slice %arg27[%dma_start3A_780, %dma_start3A_781] : memref<10240x16xf32, #tpu.memory_space<vmem_shared>> -> memref<10240x16xf32, #tpu.memory_space<vmem_shared>>
      tpu.enqueue_indirect_dma source(%arg21 : memref<128x16xf32, #tpu.memory_space<vmem>>) target(%dma_start3A_782 : memref<10240x16xf32, #tpu.memory_space<vmem_shared>>) offsets(%dma_start3A_779 : memref<128xi32, #tpu.memory_space<vmem>>) semaphore(%arg32 : memref<!tpu.dma_semaphore, #tpu.memory_space<semaphore_mem>>) {add = true}
      %add3A_783 = arith.constant 5 : i32
      %add3A_784 = arith.addi %add3A_694, %add3A_783 : i32
      %dma_start3A_785 = arith.constant 0 : i32
      %dma_start3A_786 = tpu.memref_slice %arg7[%add3A_784, %dma_start3A_785] : memref<80x128xi32, #tpu.memory_space<vmem>> -> memref<1x128xi32, #tpu.memory_space<vmem>>
      %dma_start3A_787 = tpu.memref_squeeze %dma_start3A_786 : memref<1x128xi32, #tpu.memory_space<vmem>> -> memref<128xi32, #tpu.memory_space<vmem>>
      %dma_start3A_788 = arith.constant 0 : i32
      %dma_start3A_789 = arith.constant 0 : i32
      %dma_start3A_790 = tpu.memref_slice %arg28[%dma_start3A_788, %dma_start3A_789] : memref<10240x16xf32, #tpu.memory_space<vmem_shared>> -> memref<10240x16xf32, #tpu.memory_space<vmem_shared>>
      tpu.enqueue_indirect_dma source(%arg25 : memref<128x16xf32, #tpu.memory_space<vmem>>) target(%dma_start3A_790 : memref<10240x16xf32, #tpu.memory_space<vmem_shared>>) offsets(%dma_start3A_787 : memref<128xi32, #tpu.memory_space<vmem>>) semaphore(%arg32 : memref<!tpu.dma_semaphore, #tpu.memory_space<semaphore_mem>>) {add = true}
      %add3A_791 = arith.constant 6 : i32
      %add3A_792 = arith.addi %add3A_694, %add3A_791 : i32
      %dma_start3A_793 = arith.constant 0 : i32
      %dma_start3A_794 = tpu.memref_slice %arg7[%add3A_792, %dma_start3A_793] : memref<80x128xi32, #tpu.memory_space<vmem>> -> memref<1x128xi32, #tpu.memory_space<vmem>>
      %dma_start3A_795 = tpu.memref_squeeze %dma_start3A_794 : memref<1x128xi32, #tpu.memory_space<vmem>> -> memref<128xi32, #tpu.memory_space<vmem>>
      %dma_start3A_796 = arith.constant 0 : i32
      %dma_start3A_797 = arith.constant 0 : i32
      %dma_start3A_798 = tpu.memref_slice %arg27[%dma_start3A_796, %dma_start3A_797] : memref<10240x16xf32, #tpu.memory_space<vmem_shared>> -> memref<10240x16xf32, #tpu.memory_space<vmem_shared>>
      tpu.enqueue_indirect_dma source(%arg22 : memref<128x16xf32, #tpu.memory_space<vmem>>) target(%dma_start3A_798 : memref<10240x16xf32, #tpu.memory_space<vmem_shared>>) offsets(%dma_start3A_795 : memref<128xi32, #tpu.memory_space<vmem>>) semaphore(%arg32 : memref<!tpu.dma_semaphore, #tpu.memory_space<semaphore_mem>>) {add = true}
      %add3A_799 = arith.constant 6 : i32
      %add3A_800 = arith.addi %add3A_694, %add3A_799 : i32
      %dma_start3A_801 = arith.constant 0 : i32
      %dma_start3A_802 = tpu.memref_slice %arg7[%add3A_800, %dma_start3A_801] : memref<80x128xi32, #tpu.memory_space<vmem>> -> memref<1x128xi32, #tpu.memory_space<vmem>>
      %dma_start3A_803 = tpu.memref_squeeze %dma_start3A_802 : memref<1x128xi32, #tpu.memory_space<vmem>> -> memref<128xi32, #tpu.memory_space<vmem>>
      %dma_start3A_804 = arith.constant 0 : i32
      %dma_start3A_805 = arith.constant 0 : i32
      %dma_start3A_806 = tpu.memref_slice %arg28[%dma_start3A_804, %dma_start3A_805] : memref<10240x16xf32, #tpu.memory_space<vmem_shared>> -> memref<10240x16xf32, #tpu.memory_space<vmem_shared>>
      tpu.enqueue_indirect_dma source(%arg25 : memref<128x16xf32, #tpu.memory_space<vmem>>) target(%dma_start3A_806 : memref<10240x16xf32, #tpu.memory_space<vmem_shared>>) offsets(%dma_start3A_803 : memref<128xi32, #tpu.memory_space<vmem>>) semaphore(%arg32 : memref<!tpu.dma_semaphore, #tpu.memory_space<semaphore_mem>>) {add = true}
      %add3A_807 = arith.constant 7 : i32
      %add3A_808 = arith.addi %add3A_694, %add3A_807 : i32
      %dma_start3A_809 = arith.constant 0 : i32
      %dma_start3A_810 = tpu.memref_slice %arg7[%add3A_808, %dma_start3A_809] : memref<80x128xi32, #tpu.memory_space<vmem>> -> memref<1x128xi32, #tpu.memory_space<vmem>>
      %dma_start3A_811 = tpu.memref_squeeze %dma_start3A_810 : memref<1x128xi32, #tpu.memory_space<vmem>> -> memref<128xi32, #tpu.memory_space<vmem>>
      %dma_start3A_812 = arith.constant 0 : i32
      %dma_start3A_813 = arith.constant 0 : i32
      %dma_start3A_814 = tpu.memref_slice %arg27[%dma_start3A_812, %dma_start3A_813] : memref<10240x16xf32, #tpu.memory_space<vmem_shared>> -> memref<10240x16xf32, #tpu.memory_space<vmem_shared>>
      tpu.enqueue_indirect_dma source(%arg23 : memref<128x16xf32, #tpu.memory_space<vmem>>) target(%dma_start3A_814 : memref<10240x16xf32, #tpu.memory_space<vmem_shared>>) offsets(%dma_start3A_811 : memref<128xi32, #tpu.memory_space<vmem>>) semaphore(%arg32 : memref<!tpu.dma_semaphore, #tpu.memory_space<semaphore_mem>>) {add = true}
      %add3A_815 = arith.constant 7 : i32
      %add3A_816 = arith.addi %add3A_694, %add3A_815 : i32
      %dma_start3A_817 = arith.constant 0 : i32
      %dma_start3A_818 = tpu.memref_slice %arg7[%add3A_816, %dma_start3A_817] : memref<80x128xi32, #tpu.memory_space<vmem>> -> memref<1x128xi32, #tpu.memory_space<vmem>>
      %dma_start3A_819 = tpu.memref_squeeze %dma_start3A_818 : memref<1x128xi32, #tpu.memory_space<vmem>> -> memref<128xi32, #tpu.memory_space<vmem>>
      %dma_start3A_820 = arith.constant 0 : i32
      %dma_start3A_821 = arith.constant 0 : i32
      %dma_start3A_822 = tpu.memref_slice %arg28[%dma_start3A_820, %dma_start3A_821] : memref<10240x16xf32, #tpu.memory_space<vmem_shared>> -> memref<10240x16xf32, #tpu.memory_space<vmem_shared>>
      tpu.enqueue_indirect_dma source(%arg25 : memref<128x16xf32, #tpu.memory_space<vmem>>) target(%dma_start3A_822 : memref<10240x16xf32, #tpu.memory_space<vmem_shared>>) offsets(%dma_start3A_819 : memref<128xi32, #tpu.memory_space<vmem>>) semaphore(%arg32 : memref<!tpu.dma_semaphore, #tpu.memory_space<semaphore_mem>>) {add = true}
    }
    %scan3A_124 = arith.constant 5 : i32
    %dma_wait3A_125 = arith.constant 0 : i32
    %dma_wait3A_126 = arith.constant 0 : i32
    %dma_wait3A_127 = tpu.memref_slice %arg7[%dma_wait3A_125, %dma_wait3A_126] : memref<80x128xi32, #tpu.memory_space<vmem>> -> memref<1x128xi32, #tpu.memory_space<vmem>>
    %dma_wait3A_128 = tpu.memref_squeeze %dma_wait3A_127 : memref<1x128xi32, #tpu.memory_space<vmem>> -> memref<128xi32, #tpu.memory_space<vmem>>
    %dma_wait3A_129 = arith.constant 0 : i32
    %dma_wait3A_130 = arith.constant 0 : i32
    %dma_wait3A_131 = tpu.memref_slice %arg27[%dma_wait3A_129, %dma_wait3A_130] : memref<10240x16xf32, #tpu.memory_space<vmem_shared>> -> memref<10240x16xf32, #tpu.memory_space<vmem_shared>>
    tpu.wait_indirect_dma semaphore(%arg32 : memref<!tpu.dma_semaphore, #tpu.memory_space<semaphore_mem>>) src(%arg16 : memref<128x16xf32, #tpu.memory_space<vmem>>) dst(%dma_wait3A_131 : memref<10240x16xf32, #tpu.memory_space<vmem_shared>>)
    %dma_wait3A_132 = arith.constant 0 : i32
    %dma_wait3A_133 = arith.constant 0 : i32
    %dma_wait3A_134 = tpu.memref_slice %arg7[%dma_wait3A_132, %dma_wait3A_133] : memref<80x128xi32, #tpu.memory_space<vmem>> -> memref<1x128xi32, #tpu.memory_space<vmem>>
    %dma_wait3A_135 = tpu.memref_squeeze %dma_wait3A_134 : memref<1x128xi32, #tpu.memory_space<vmem>> -> memref<128xi32, #tpu.memory_space<vmem>>
    %dma_wait3A_136 = arith.constant 0 : i32
    %dma_wait3A_137 = arith.constant 0 : i32
    %dma_wait3A_138 = tpu.memref_slice %arg28[%dma_wait3A_136, %dma_wait3A_137] : memref<10240x16xf32, #tpu.memory_space<vmem_shared>> -> memref<10240x16xf32, #tpu.memory_space<vmem_shared>>
    tpu.wait_indirect_dma semaphore(%arg32 : memref<!tpu.dma_semaphore, #tpu.memory_space<semaphore_mem>>) src(%arg25 : memref<128x16xf32, #tpu.memory_space<vmem>>) dst(%dma_wait3A_138 : memref<10240x16xf32, #tpu.memory_space<vmem_shared>>)
    %dma_wait3A_139 = arith.constant 0 : i32
    %dma_wait3A_140 = arith.constant 0 : i32
    %dma_wait3A_141 = tpu.memref_slice %arg7[%dma_wait3A_139, %dma_wait3A_140] : memref<80x128xi32, #tpu.memory_space<vmem>> -> memref<1x128xi32, #tpu.memory_space<vmem>>
    %dma_wait3A_142 = tpu.memref_squeeze %dma_wait3A_141 : memref<1x128xi32, #tpu.memory_space<vmem>> -> memref<128xi32, #tpu.memory_space<vmem>>
    %dma_wait3A_143 = arith.constant 0 : i32
    %dma_wait3A_144 = arith.constant 0 : i32
    %dma_wait3A_145 = tpu.memref_slice %arg27[%dma_wait3A_143, %dma_wait3A_144] : memref<10240x16xf32, #tpu.memory_space<vmem_shared>> -> memref<10240x16xf32, #tpu.memory_space<vmem_shared>>
    tpu.wait_indirect_dma semaphore(%arg32 : memref<!tpu.dma_semaphore, #tpu.memory_space<semaphore_mem>>) src(%arg17 : memref<128x16xf32, #tpu.memory_space<vmem>>) dst(%dma_wait3A_145 : memref<10240x16xf32, #tpu.memory_space<vmem_shared>>)
    %dma_wait3A_146 = arith.constant 0 : i32
    %dma_wait3A_147 = arith.constant 0 : i32
    %dma_wait3A_148 = tpu.memref_slice %arg7[%dma_wait3A_146, %dma_wait3A_147] : memref<80x128xi32, #tpu.memory_space<vmem>> -> memref<1x128xi32, #tpu.memory_space<vmem>>
    %dma_wait3A_149 = tpu.memref_squeeze %dma_wait3A_148 : memref<1x128xi32, #tpu.memory_space<vmem>> -> memref<128xi32, #tpu.memory_space<vmem>>
    %dma_wait3A_150 = arith.constant 0 : i32
    %dma_wait3A_151 = arith.constant 0 : i32
    %dma_wait3A_152 = tpu.memref_slice %arg28[%dma_wait3A_150, %dma_wait3A_151] : memref<10240x16xf32, #tpu.memory_space<vmem_shared>> -> memref<10240x16xf32, #tpu.memory_space<vmem_shared>>
    tpu.wait_indirect_dma semaphore(%arg32 : memref<!tpu.dma_semaphore, #tpu.memory_space<semaphore_mem>>) src(%arg25 : memref<128x16xf32, #tpu.memory_space<vmem>>) dst(%dma_wait3A_152 : memref<10240x16xf32, #tpu.memory_space<vmem_shared>>)
    %dma_wait3A_153 = arith.constant 0 : i32
    %dma_wait3A_154 = arith.constant 0 : i32
    %dma_wait3A_155 = tpu.memref_slice %arg7[%dma_wait3A_153, %dma_wait3A_154] : memref<80x128xi32, #tpu.memory_space<vmem>> -> memref<1x128xi32, #tpu.memory_space<vmem>>
    %dma_wait3A_156 = tpu.memref_squeeze %dma_wait3A_155 : memref<1x128xi32, #tpu.memory_space<vmem>> -> memref<128xi32, #tpu.memory_space<vmem>>
    %dma_wait3A_157 = arith.constant 0 : i32
    %dma_wait3A_158 = arith.constant 0 : i32
    %dma_wait3A_159 = tpu.memref_slice %arg27[%dma_wait3A_157, %dma_wait3A_158] : memref<10240x16xf32, #tpu.memory_space<vmem_shared>> -> memref<10240x16xf32, #tpu.memory_space<vmem_shared>>
    tpu.wait_indirect_dma semaphore(%arg32 : memref<!tpu.dma_semaphore, #tpu.memory_space<semaphore_mem>>) src(%arg18 : memref<128x16xf32, #tpu.memory_space<vmem>>) dst(%dma_wait3A_159 : memref<10240x16xf32, #tpu.memory_space<vmem_shared>>)
    %dma_wait3A_160 = arith.constant 0 : i32
    %dma_wait3A_161 = arith.constant 0 : i32
    %dma_wait3A_162 = tpu.memref_slice %arg7[%dma_wait3A_160, %dma_wait3A_161] : memref<80x128xi32, #tpu.memory_space<vmem>> -> memref<1x128xi32, #tpu.memory_space<vmem>>
    %dma_wait3A_163 = tpu.memref_squeeze %dma_wait3A_162 : memref<1x128xi32, #tpu.memory_space<vmem>> -> memref<128xi32, #tpu.memory_space<vmem>>
    %dma_wait3A_164 = arith.constant 0 : i32
    %dma_wait3A_165 = arith.constant 0 : i32
    %dma_wait3A_166 = tpu.memref_slice %arg28[%dma_wait3A_164, %dma_wait3A_165] : memref<10240x16xf32, #tpu.memory_space<vmem_shared>> -> memref<10240x16xf32, #tpu.memory_space<vmem_shared>>
    tpu.wait_indirect_dma semaphore(%arg32 : memref<!tpu.dma_semaphore, #tpu.memory_space<semaphore_mem>>) src(%arg25 : memref<128x16xf32, #tpu.memory_space<vmem>>) dst(%dma_wait3A_166 : memref<10240x16xf32, #tpu.memory_space<vmem_shared>>)
    %dma_wait3A_167 = arith.constant 0 : i32
    %dma_wait3A_168 = arith.constant 0 : i32
    %dma_wait3A_169 = tpu.memref_slice %arg7[%dma_wait3A_167, %dma_wait3A_168] : memref<80x128xi32, #tpu.memory_space<vmem>> -> memref<1x128xi32, #tpu.memory_space<vmem>>
    %dma_wait3A_170 = tpu.memref_squeeze %dma_wait3A_169 : memref<1x128xi32, #tpu.memory_space<vmem>> -> memref<128xi32, #tpu.memory_space<vmem>>
    %dma_wait3A_171 = arith.constant 0 : i32
    %dma_wait3A_172 = arith.constant 0 : i32
    %dma_wait3A_173 = tpu.memref_slice %arg27[%dma_wait3A_171, %dma_wait3A_172] : memref<10240x16xf32, #tpu.memory_space<vmem_shared>> -> memref<10240x16xf32, #tpu.memory_space<vmem_shared>>
    tpu.wait_indirect_dma semaphore(%arg32 : memref<!tpu.dma_semaphore, #tpu.memory_space<semaphore_mem>>) src(%arg19 : memref<128x16xf32, #tpu.memory_space<vmem>>) dst(%dma_wait3A_173 : memref<10240x16xf32, #tpu.memory_space<vmem_shared>>)
    %dma_wait3A_174 = arith.constant 0 : i32
    %dma_wait3A_175 = arith.constant 0 : i32
    %dma_wait3A_176 = tpu.memref_slice %arg7[%dma_wait3A_174, %dma_wait3A_175] : memref<80x128xi32, #tpu.memory_space<vmem>> -> memref<1x128xi32, #tpu.memory_space<vmem>>
    %dma_wait3A_177 = tpu.memref_squeeze %dma_wait3A_176 : memref<1x128xi32, #tpu.memory_space<vmem>> -> memref<128xi32, #tpu.memory_space<vmem>>
    %dma_wait3A_178 = arith.constant 0 : i32
    %dma_wait3A_179 = arith.constant 0 : i32
    %dma_wait3A_180 = tpu.memref_slice %arg28[%dma_wait3A_178, %dma_wait3A_179] : memref<10240x16xf32, #tpu.memory_space<vmem_shared>> -> memref<10240x16xf32, #tpu.memory_space<vmem_shared>>
    tpu.wait_indirect_dma semaphore(%arg32 : memref<!tpu.dma_semaphore, #tpu.memory_space<semaphore_mem>>) src(%arg25 : memref<128x16xf32, #tpu.memory_space<vmem>>) dst(%dma_wait3A_180 : memref<10240x16xf32, #tpu.memory_space<vmem_shared>>)
    %dma_wait3A_181 = arith.constant 0 : i32
    %dma_wait3A_182 = arith.constant 0 : i32
    %dma_wait3A_183 = tpu.memref_slice %arg7[%dma_wait3A_181, %dma_wait3A_182] : memref<80x128xi32, #tpu.memory_space<vmem>> -> memref<1x128xi32, #tpu.memory_space<vmem>>
    %dma_wait3A_184 = tpu.memref_squeeze %dma_wait3A_183 : memref<1x128xi32, #tpu.memory_space<vmem>> -> memref<128xi32, #tpu.memory_space<vmem>>
    %dma_wait3A_185 = arith.constant 0 : i32
    %dma_wait3A_186 = arith.constant 0 : i32
    %dma_wait3A_187 = tpu.memref_slice %arg27[%dma_wait3A_185, %dma_wait3A_186] : memref<10240x16xf32, #tpu.memory_space<vmem_shared>> -> memref<10240x16xf32, #tpu.memory_space<vmem_shared>>
    tpu.wait_indirect_dma semaphore(%arg32 : memref<!tpu.dma_semaphore, #tpu.memory_space<semaphore_mem>>) src(%arg20 : memref<128x16xf32, #tpu.memory_space<vmem>>) dst(%dma_wait3A_187 : memref<10240x16xf32, #tpu.memory_space<vmem_shared>>)
    %dma_wait3A_188 = arith.constant 0 : i32
    %dma_wait3A_189 = arith.constant 0 : i32
    %dma_wait3A_190 = tpu.memref_slice %arg7[%dma_wait3A_188, %dma_wait3A_189] : memref<80x128xi32, #tpu.memory_space<vmem>> -> memref<1x128xi32, #tpu.memory_space<vmem>>
    %dma_wait3A_191 = tpu.memref_squeeze %dma_wait3A_190 : memref<1x128xi32, #tpu.memory_space<vmem>> -> memref<128xi32, #tpu.memory_space<vmem>>
    %dma_wait3A_192 = arith.constant 0 : i32
    %dma_wait3A_193 = arith.constant 0 : i32
    %dma_wait3A_194 = tpu.memref_slice %arg28[%dma_wait3A_192, %dma_wait3A_193] : memref<10240x16xf32, #tpu.memory_space<vmem_shared>> -> memref<10240x16xf32, #tpu.memory_space<vmem_shared>>
    tpu.wait_indirect_dma semaphore(%arg32 : memref<!tpu.dma_semaphore, #tpu.memory_space<semaphore_mem>>) src(%arg25 : memref<128x16xf32, #tpu.memory_space<vmem>>) dst(%dma_wait3A_194 : memref<10240x16xf32, #tpu.memory_space<vmem_shared>>)
    %dma_wait3A_195 = arith.constant 0 : i32
    %dma_wait3A_196 = arith.constant 0 : i32
    %dma_wait3A_197 = tpu.memref_slice %arg7[%dma_wait3A_195, %dma_wait3A_196] : memref<80x128xi32, #tpu.memory_space<vmem>> -> memref<1x128xi32, #tpu.memory_space<vmem>>
    %dma_wait3A_198 = tpu.memref_squeeze %dma_wait3A_197 : memref<1x128xi32, #tpu.memory_space<vmem>> -> memref<128xi32, #tpu.memory_space<vmem>>
    %dma_wait3A_199 = arith.constant 0 : i32
    %dma_wait3A_200 = arith.constant 0 : i32
    %dma_wait3A_201 = tpu.memref_slice %arg27[%dma_wait3A_199, %dma_wait3A_200] : memref<10240x16xf32, #tpu.memory_space<vmem_shared>> -> memref<10240x16xf32, #tpu.memory_space<vmem_shared>>
    tpu.wait_indirect_dma semaphore(%arg32 : memref<!tpu.dma_semaphore, #tpu.memory_space<semaphore_mem>>) src(%arg21 : memref<128x16xf32, #tpu.memory_space<vmem>>) dst(%dma_wait3A_201 : memref<10240x16xf32, #tpu.memory_space<vmem_shared>>)
    %dma_wait3A_202 = arith.constant 0 : i32
    %dma_wait3A_203 = arith.constant 0 : i32
    %dma_wait3A_204 = tpu.memref_slice %arg7[%dma_wait3A_202, %dma_wait3A_203] : memref<80x128xi32, #tpu.memory_space<vmem>> -> memref<1x128xi32, #tpu.memory_space<vmem>>
    %dma_wait3A_205 = tpu.memref_squeeze %dma_wait3A_204 : memref<1x128xi32, #tpu.memory_space<vmem>> -> memref<128xi32, #tpu.memory_space<vmem>>
    %dma_wait3A_206 = arith.constant 0 : i32
    %dma_wait3A_207 = arith.constant 0 : i32
    %dma_wait3A_208 = tpu.memref_slice %arg28[%dma_wait3A_206, %dma_wait3A_207] : memref<10240x16xf32, #tpu.memory_space<vmem_shared>> -> memref<10240x16xf32, #tpu.memory_space<vmem_shared>>
    tpu.wait_indirect_dma semaphore(%arg32 : memref<!tpu.dma_semaphore, #tpu.memory_space<semaphore_mem>>) src(%arg25 : memref<128x16xf32, #tpu.memory_space<vmem>>) dst(%dma_wait3A_208 : memref<10240x16xf32, #tpu.memory_space<vmem_shared>>)
    %dma_wait3A_209 = arith.constant 0 : i32
    %dma_wait3A_210 = arith.constant 0 : i32
    %dma_wait3A_211 = tpu.memref_slice %arg7[%dma_wait3A_209, %dma_wait3A_210] : memref<80x128xi32, #tpu.memory_space<vmem>> -> memref<1x128xi32, #tpu.memory_space<vmem>>
    %dma_wait3A_212 = tpu.memref_squeeze %dma_wait3A_211 : memref<1x128xi32, #tpu.memory_space<vmem>> -> memref<128xi32, #tpu.memory_space<vmem>>
    %dma_wait3A_213 = arith.constant 0 : i32
    %dma_wait3A_214 = arith.constant 0 : i32
    %dma_wait3A_215 = tpu.memref_slice %arg27[%dma_wait3A_213, %dma_wait3A_214] : memref<10240x16xf32, #tpu.memory_space<vmem_shared>> -> memref<10240x16xf32, #tpu.memory_space<vmem_shared>>
    tpu.wait_indirect_dma semaphore(%arg32 : memref<!tpu.dma_semaphore, #tpu.memory_space<semaphore_mem>>) src(%arg22 : memref<128x16xf32, #tpu.memory_space<vmem>>) dst(%dma_wait3A_215 : memref<10240x16xf32, #tpu.memory_space<vmem_shared>>)
    %dma_wait3A_216 = arith.constant 0 : i32
    %dma_wait3A_217 = arith.constant 0 : i32
    %dma_wait3A_218 = tpu.memref_slice %arg7[%dma_wait3A_216, %dma_wait3A_217] : memref<80x128xi32, #tpu.memory_space<vmem>> -> memref<1x128xi32, #tpu.memory_space<vmem>>
    %dma_wait3A_219 = tpu.memref_squeeze %dma_wait3A_218 : memref<1x128xi32, #tpu.memory_space<vmem>> -> memref<128xi32, #tpu.memory_space<vmem>>
    %dma_wait3A_220 = arith.constant 0 : i32
    %dma_wait3A_221 = arith.constant 0 : i32
    %dma_wait3A_222 = tpu.memref_slice %arg28[%dma_wait3A_220, %dma_wait3A_221] : memref<10240x16xf32, #tpu.memory_space<vmem_shared>> -> memref<10240x16xf32, #tpu.memory_space<vmem_shared>>
    tpu.wait_indirect_dma semaphore(%arg32 : memref<!tpu.dma_semaphore, #tpu.memory_space<semaphore_mem>>) src(%arg25 : memref<128x16xf32, #tpu.memory_space<vmem>>) dst(%dma_wait3A_222 : memref<10240x16xf32, #tpu.memory_space<vmem_shared>>)
    %dma_wait3A_223 = arith.constant 0 : i32
    %dma_wait3A_224 = arith.constant 0 : i32
    %dma_wait3A_225 = tpu.memref_slice %arg7[%dma_wait3A_223, %dma_wait3A_224] : memref<80x128xi32, #tpu.memory_space<vmem>> -> memref<1x128xi32, #tpu.memory_space<vmem>>
    %dma_wait3A_226 = tpu.memref_squeeze %dma_wait3A_225 : memref<1x128xi32, #tpu.memory_space<vmem>> -> memref<128xi32, #tpu.memory_space<vmem>>
    %dma_wait3A_227 = arith.constant 0 : i32
    %dma_wait3A_228 = arith.constant 0 : i32
    %dma_wait3A_229 = tpu.memref_slice %arg27[%dma_wait3A_227, %dma_wait3A_228] : memref<10240x16xf32, #tpu.memory_space<vmem_shared>> -> memref<10240x16xf32, #tpu.memory_space<vmem_shared>>
    tpu.wait_indirect_dma semaphore(%arg32 : memref<!tpu.dma_semaphore, #tpu.memory_space<semaphore_mem>>) src(%arg23 : memref<128x16xf32, #tpu.memory_space<vmem>>) dst(%dma_wait3A_229 : memref<10240x16xf32, #tpu.memory_space<vmem_shared>>)
    %dma_wait3A_230 = arith.constant 0 : i32
    %dma_wait3A_231 = arith.constant 0 : i32
    %dma_wait3A_232 = tpu.memref_slice %arg7[%dma_wait3A_230, %dma_wait3A_231] : memref<80x128xi32, #tpu.memory_space<vmem>> -> memref<1x128xi32, #tpu.memory_space<vmem>>
    %dma_wait3A_233 = tpu.memref_squeeze %dma_wait3A_232 : memref<1x128xi32, #tpu.memory_space<vmem>> -> memref<128xi32, #tpu.memory_space<vmem>>
    %dma_wait3A_234 = arith.constant 0 : i32
    %dma_wait3A_235 = arith.constant 0 : i32
    %dma_wait3A_236 = tpu.memref_slice %arg28[%dma_wait3A_234, %dma_wait3A_235] : memref<10240x16xf32, #tpu.memory_space<vmem_shared>> -> memref<10240x16xf32, #tpu.memory_space<vmem_shared>>
    tpu.wait_indirect_dma semaphore(%arg32 : memref<!tpu.dma_semaphore, #tpu.memory_space<semaphore_mem>>) src(%arg25 : memref<128x16xf32, #tpu.memory_space<vmem>>) dst(%dma_wait3A_236 : memref<10240x16xf32, #tpu.memory_space<vmem_shared>>)
    %barrier3A_237 = arith.constant 0 : index
    tpu.barrier barrier_id(%barrier3A_237)
    %mul3A_238 = arith.constant 640 : i32
    %mul3A_239 = arith.muli %arg1, %mul3A_238 : i32
    %mul3A_240 = arith.constant 640 : i32
    %mul3A_241 = arith.muli %arg1, %mul3A_240 : i32
    %dma_start3A_242 = arith.constant 0 : i32
    %dma_start3A_243 = tpu.memref_slice %arg4[%arg0, %mul3A_241, %dma_start3A_242] : memref<2x10240x16xf32, #tpu.memory_space<hbm>> -> memref<1x640x16xf32, #tpu.memory_space<hbm>>
    %dma_start3A_244 = tpu.memref_squeeze %dma_start3A_243 : memref<1x640x16xf32, #tpu.memory_space<hbm>> -> memref<640x16xf32, #tpu.memory_space<hbm>>
    %dma_start3A_245 = arith.constant 0 : i32
    %dma_start3A_246 = tpu.memref_slice %arg27[%mul3A_239, %dma_start3A_245] : memref<10240x16xf32, #tpu.memory_space<vmem_shared>> -> memref<640x16xf32, #tpu.memory_space<vmem_shared>>
    tpu.enqueue_dma source(%dma_start3A_246 : memref<640x16xf32, #tpu.memory_space<vmem_shared>>) target(%dma_start3A_244 : memref<640x16xf32, #tpu.memory_space<hbm>>) target_semaphore(%arg29 : memref<!tpu.dma_semaphore, #tpu.memory_space<semaphore_mem>>)
    %mul3A_247 = arith.constant 640 : i32
    %mul3A_248 = arith.muli %arg1, %mul3A_247 : i32
    %mul3A_249 = arith.constant 640 : i32
    %mul3A_250 = arith.muli %arg1, %mul3A_249 : i32
    %dma_start3A_251 = arith.constant 0 : i32
    %dma_start3A_252 = tpu.memref_slice %arg5[%arg0, %mul3A_250, %dma_start3A_251] : memref<2x10240x16xf32, #tpu.memory_space<hbm>> -> memref<1x640x16xf32, #tpu.memory_space<hbm>>
    %dma_start3A_253 = tpu.memref_squeeze %dma_start3A_252 : memref<1x640x16xf32, #tpu.memory_space<hbm>> -> memref<640x16xf32, #tpu.memory_space<hbm>>
    %dma_start3A_254 = arith.constant 0 : i32
    %dma_start3A_255 = tpu.memref_slice %arg28[%mul3A_248, %dma_start3A_254] : memref<10240x16xf32, #tpu.memory_space<vmem_shared>> -> memref<640x16xf32, #tpu.memory_space<vmem_shared>>
    tpu.enqueue_dma source(%dma_start3A_255 : memref<640x16xf32, #tpu.memory_space<vmem_shared>>) target(%dma_start3A_253 : memref<640x16xf32, #tpu.memory_space<hbm>>) target_semaphore(%arg30 : memref<!tpu.dma_semaphore, #tpu.memory_space<semaphore_mem>>)
    %dma_wait3A_256 = arith.constant 0 : i32
    %dma_wait3A_257 = tpu.memref_slice %arg5[%arg0, %mul3A_250, %dma_wait3A_256] : memref<2x10240x16xf32, #tpu.memory_space<hbm>> -> memref<1x640x16xf32, #tpu.memory_space<hbm>>
    %dma_wait3A_258 = tpu.memref_squeeze %dma_wait3A_257 : memref<1x640x16xf32, #tpu.memory_space<hbm>> -> memref<640x16xf32, #tpu.memory_space<hbm>>
    %dma_wait3A_259 = arith.constant 0 : i32
    %dma_wait3A_260 = tpu.memref_slice %arg28[%mul3A_248, %dma_wait3A_259] : memref<10240x16xf32, #tpu.memory_space<vmem_shared>> -> memref<640x16xf32, #tpu.memory_space<vmem_shared>>
    tpu.wait_dma2 semaphore(%arg30 : memref<!tpu.dma_semaphore, #tpu.memory_space<semaphore_mem>>) src(%dma_wait3A_260 : memref<640x16xf32, #tpu.memory_space<vmem_shared>>) dst(%dma_wait3A_258 : memref<640x16xf32, #tpu.memory_space<hbm>>)
    %dma_wait3A_261 = arith.constant 0 : i32
    %dma_wait3A_262 = tpu.memref_slice %arg4[%arg0, %mul3A_241, %dma_wait3A_261] : memref<2x10240x16xf32, #tpu.memory_space<hbm>> -> memref<1x640x16xf32, #tpu.memory_space<hbm>>
    %dma_wait3A_263 = tpu.memref_squeeze %dma_wait3A_262 : memref<1x640x16xf32, #tpu.memory_space<hbm>> -> memref<640x16xf32, #tpu.memory_space<hbm>>
    %dma_wait3A_264 = arith.constant 0 : i32
    %dma_wait3A_265 = tpu.memref_slice %arg27[%mul3A_239, %dma_wait3A_264] : memref<10240x16xf32, #tpu.memory_space<vmem_shared>> -> memref<640x16xf32, #tpu.memory_space<vmem_shared>>
    tpu.wait_dma2 semaphore(%arg29 : memref<!tpu.dma_semaphore, #tpu.memory_space<semaphore_mem>>) src(%dma_wait3A_265 : memref<640x16xf32, #tpu.memory_space<vmem_shared>>) dst(%dma_wait3A_263 : memref<640x16xf32, #tpu.memory_space<hbm>>)
    return
  }
}

module attributes {stable_mosaic.version = 14 : i64} {
  func.func @_tc_a_body(%arg0: i32, %arg1: memref<1250x1024xf32, #tpu.memory_space<vmem>>, %arg2: memref<1024x256xf32, #tpu.memory_space<vmem>>, %arg3: memref<1250x128xf32, #tpu.memory_space<vmem>>, %arg4: memref<1250x128xf32, #tpu.memory_space<vmem>>) attributes {dimension_semantics = [#tpu.dimension_semantics<arbitrary>], iteration_bounds = array<i64: 1>, scalar_prefetch = 0 : i64, scratch_operands = 0 : i64, tpu.core_type = #tpu.core_type<tc>, window_params = [{pipeline_mode = #tpu.pipeline_mode<synchronous>, transform_indices = @transform_0, window_bounds = array<i64: 1250, 1024>}, {pipeline_mode = #tpu.pipeline_mode<synchronous>, transform_indices = @transform_1, window_bounds = array<i64: 1024, 256>}, {pipeline_mode = #tpu.pipeline_mode<synchronous>, transform_indices = @transform_2, window_bounds = array<i64: 1250, 128>}, {pipeline_mode = #tpu.pipeline_mode<synchronous>, transform_indices = @transform_3, window_bounds = array<i64: 1250, 128>}]} {
    %get3A = arith.constant 0 : index
    %get3A_0 = arith.constant 0 : index
    %get3A_1 = vector.load %arg1[%get3A, %get3A_0] : memref<1250x1024xf32, #tpu.memory_space<vmem>>, vector<1250x1024xf32>
    %get3A_2 = arith.constant 0 : index
    %get3A_3 = arith.constant 0 : index
    %get3A_4 = vector.load %arg2[%get3A_2, %get3A_3] : memref<1024x256xf32, #tpu.memory_space<vmem>>, vector<1024x256xf32>
    %dot_general3A = arith.constant dense<0.000000e+00> : vector<1250x256xf32>
    %dot_general3A_5 = tpu.matmul %get3A_1, %get3A_4, %dot_general3A {dimension_numbers = #tpu.dot_dimension_numbers<[1], [0], [0], [1], [0, 0, 1, 1], [], []>, transpose_lhs_hint = false} : vector<1250x1024xf32>, vector<1024x256xf32>, vector<1250x256xf32> -> vector<1250x256xf32>
    %slice3A = vector.extract_strided_slice %dot_general3A_5 {offsets = [0, 0], sizes = [1250, 128], strides = [1, 1]} : vector<1250x256xf32> to vector<1250x128xf32>
    %swap3A = arith.constant 0 : index
    %swap3A_6 = arith.constant 0 : index
    %swap3A_7 = vector.load %arg3[%swap3A, %swap3A_6] : memref<1250x128xf32, #tpu.memory_space<vmem>>, vector<1250x128xf32>
    tpu.vector_store %arg3[%swap3A, %swap3A_6], %slice3A {strides = array<i32>} : memref<1250x128xf32, #tpu.memory_space<vmem>>, vector<1250x128xf32>,
    %slice3A_8 = vector.extract_strided_slice %dot_general3A_5 {offsets = [0, 128], sizes = [1250, 128], strides = [1, 1]} : vector<1250x256xf32> to vector<1250x128xf32>
    %swap3A_9 = arith.constant 0 : index
    %swap3A_10 = arith.constant 0 : index
    %swap3A_11 = vector.load %arg4[%swap3A_9, %swap3A_10] : memref<1250x128xf32, #tpu.memory_space<vmem>>, vector<1250x128xf32>
    tpu.vector_store %arg4[%swap3A_9, %swap3A_10], %slice3A_8 {strides = array<i32>} : memref<1250x128xf32, #tpu.memory_space<vmem>>, vector<1250x128xf32>,
    return
  }
  func.func @transform_0(%arg0: i32) -> (i32, i32) {
    %c0_i32 = arith.constant 0 : i32
    %c0_i32_0 = arith.constant 0 : i32
    %c0_i32_1 = arith.constant 0 : i32
    return %c0_i32, %c0_i32_0 : i32, i32
  }
  func.func @transform_1(%arg0: i32) -> (i32, i32) {
    %c0_i32 = arith.constant 0 : i32
    %c0_i32_0 = arith.constant 0 : i32
    %c0_i32_1 = arith.constant 0 : i32
    return %c0_i32, %c0_i32_0 : i32, i32
  }
  func.func @transform_2(%arg0: i32) -> (i32, i32) {
    %c0_i32 = arith.constant 0 : i32
    %c0_i32_0 = arith.constant 0 : i32
    %c0_i32_1 = arith.constant 0 : i32
    return %c0_i32, %c0_i32_0 : i32, i32
  }
  func.func @transform_3(%arg0: i32) -> (i32, i32) {
    %c0_i32 = arith.constant 0 : i32
    %c0_i32_0 = arith.constant 0 : i32
    %c0_i32_1 = arith.constant 0 : i32
    return %c0_i32, %c0_i32_0 : i32, i32
  }
}

module attributes {stable_mosaic.version = 14 : i64} {
  func.func @_tc_b_body(%arg0: i32, %arg1: memref<2x1280x128xf32, #tpu.memory_space<vmem>>, %arg2: memref<2x1280x128xf32, #tpu.memory_space<vmem>>, %arg3: memref<1250x128xf32, #tpu.memory_space<vmem>>, %arg4: memref<128x128xf32, #tpu.memory_space<vmem>>, %arg5: memref<128x128xf32, #tpu.memory_space<vmem>>, %arg6: memref<1x128xf32, #tpu.memory_space<vmem>>, %arg7: memref<1x128xf32, #tpu.memory_space<vmem>>, %arg8: memref<1x128xf32, #tpu.memory_space<vmem>>, %arg9: memref<1250x128xf32, #tpu.memory_space<vmem>>, %arg10: memref<1250x128xf32, #tpu.memory_space<vmem>>) attributes {dimension_semantics = [#tpu.dimension_semantics<arbitrary>], iteration_bounds = array<i64: 1>, scalar_prefetch = 0 : i64, scratch_operands = 0 : i64, tpu.core_type = #tpu.core_type<tc>, window_params = [{pipeline_mode = #tpu.pipeline_mode<synchronous>, transform_indices = @transform_0, window_bounds = array<i64: 2, 1280, 128>}, {pipeline_mode = #tpu.pipeline_mode<synchronous>, transform_indices = @transform_1, window_bounds = array<i64: 2, 1280, 128>}, {pipeline_mode = #tpu.pipeline_mode<synchronous>, transform_indices = @transform_2, window_bounds = array<i64: 1250, 128>}, {pipeline_mode = #tpu.pipeline_mode<synchronous>, transform_indices = @transform_3, window_bounds = array<i64: 128, 128>}, {pipeline_mode = #tpu.pipeline_mode<synchronous>, transform_indices = @transform_4, window_bounds = array<i64: 128, 128>}, {pipeline_mode = #tpu.pipeline_mode<synchronous>, transform_indices = @transform_5, window_bounds = array<i64: 1, 128>}, {pipeline_mode = #tpu.pipeline_mode<synchronous>, transform_indices = @transform_6, window_bounds = array<i64: 1, 128>}, {pipeline_mode = #tpu.pipeline_mode<synchronous>, transform_indices = @transform_7, window_bounds = array<i64: 1, 128>}, {pipeline_mode = #tpu.pipeline_mode<synchronous>, transform_indices = @transform_8, window_bounds = array<i64: 1250, 128>}, {pipeline_mode = #tpu.pipeline_mode<synchronous>, transform_indices = @transform_9, window_bounds = array<i64: 1250, 128>}]} {
    %get3A = arith.constant 0 : index
    %get3A_0 = arith.constant 0 : index
    %get3A_1 = arith.constant 0 : index
    %get3A_2 = vector.load %arg1[%get3A, %get3A_0, %get3A_1] : memref<2x1280x128xf32, #tpu.memory_space<vmem>>, vector<1x1250x128xf32>
    %get3A_3 = vector.shape_cast %get3A_2 : vector<1x1250x128xf32> to vector<1250x128xf32>
    %get3A_4 = arith.constant 1 : index
    %get3A_5 = arith.constant 0 : index
    %get3A_6 = arith.constant 0 : index
    %get3A_7 = vector.load %arg1[%get3A_4, %get3A_5, %get3A_6] : memref<2x1280x128xf32, #tpu.memory_space<vmem>>, vector<1x1250x128xf32>
    %get3A_8 = vector.shape_cast %get3A_7 : vector<1x1250x128xf32> to vector<1250x128xf32>
    %add3A = arith.addf %get3A_3, %get3A_8 : vector<1250x128xf32>
    %get3A_9 = arith.constant 0 : index
    %get3A_10 = arith.constant 0 : index
    %get3A_11 = arith.constant 0 : index
    %get3A_12 = vector.load %arg2[%get3A_9, %get3A_10, %get3A_11] : memref<2x1280x128xf32, #tpu.memory_space<vmem>>, vector<1x1250x128xf32>
    %get3A_13 = vector.shape_cast %get3A_12 : vector<1x1250x128xf32> to vector<1250x128xf32>
    %get3A_14 = arith.constant 1 : index
    %get3A_15 = arith.constant 0 : index
    %get3A_16 = arith.constant 0 : index
    %get3A_17 = vector.load %arg2[%get3A_14, %get3A_15, %get3A_16] : memref<2x1280x128xf32, #tpu.memory_space<vmem>>, vector<1x1250x128xf32>
    %get3A_18 = vector.shape_cast %get3A_17 : vector<1x1250x128xf32> to vector<1250x128xf32>
    %add3A_19 = arith.addf %get3A_13, %get3A_18 : vector<1250x128xf32>
    %max3A = arith.constant 1.000000e+00 : f32
    %max3A_20 = vector.broadcast %max3A : f32 to vector<1250x128xf32>
    %max3A_21 = arith.maximumf %add3A_19, %max3A_20 : vector<1250x128xf32>
    %div3A = arith.constant 1.000000e+00 : f32
    %div3A_22 = vector.broadcast %div3A : f32 to vector<1250x128xf32>
    %div3A_23 = arith.divf %div3A_22, %max3A_21 : vector<1250x128xf32>
    %mul3A = arith.mulf %add3A, %div3A_23 : vector<1250x128xf32>
    %get3A_24 = arith.constant 0 : index
    %get3A_25 = arith.constant 0 : index
    %get3A_26 = vector.load %arg3[%get3A_24, %get3A_25] : memref<1250x128xf32, #tpu.memory_space<vmem>>, vector<1250x128xf32>
    %add3A_27 = arith.addf %mul3A, %get3A_26 : vector<1250x128xf32>
    %get3A_28 = arith.constant 0 : index
    %get3A_29 = arith.constant 0 : index
    %get3A_30 = vector.load %arg6[%get3A_28, %get3A_29] : memref<1x128xf32, #tpu.memory_space<vmem>>, vector<1x128xf32>
    %add3A_31 = vector.broadcast %get3A_30 : vector<1x128xf32> to vector<1250x128xf32>
    %add3A_32 = arith.addf %add3A_27, %add3A_31 : vector<1250x128xf32>
    %gt3A = arith.constant 0.000000e+00 : f32
    %gt3A_33 = vector.broadcast %gt3A : f32 to vector<1250x128xf32>
    %gt3A_34 = arith.cmpf ogt, %add3A_32, %gt3A_33 : vector<1250x128xf32>
    %gt3A_35 = arith.constant 0.000000e+00 : f32
    %gt3A_36 = vector.broadcast %gt3A_35 : f32 to vector<1250x128xf32>
    %gt3A_37 = arith.cmpf ogt, %add3A_32, %gt3A_36 : vector<1250x128xf32>
    %jit3A = arith.constant 0.000000e+00 : f32
    %broadcast_in_dim3A = vector.broadcast %jit3A : f32 to vector<1250x128xf32>
    %select_n3A = arith.select %gt3A_37, %broadcast_in_dim3A, %add3A_32 : vector<1250x128xi1>, vector<1250x128xf32>
    %exp3A = math.exp %select_n3A : vector<1250x128xf32>
    %sub3A = arith.constant 1.000000e+00 : f32
    %sub3A_38 = vector.broadcast %sub3A : f32 to vector<1250x128xf32>
    %sub3A_39 = arith.subf %exp3A, %sub3A_38 : vector<1250x128xf32>
    %select_n3A_40 = arith.select %gt3A_34, %add3A_32, %sub3A_39 : vector<1250x128xi1>, vector<1250x128xf32>
    %get3A_41 = arith.constant 0 : index
    %get3A_42 = arith.constant 0 : index
    %get3A_43 = vector.load %arg4[%get3A_41, %get3A_42] : memref<128x128xf32, #tpu.memory_space<vmem>>, vector<128x128xf32>
    %dot_general3A = arith.constant dense<0.000000e+00> : vector<1250x128xf32>
    %dot_general3A_44 = tpu.matmul %select_n3A_40, %get3A_43, %dot_general3A {dimension_numbers = #tpu.dot_dimension_numbers<[1], [0], [0], [1], [0, 0, 1, 1], [], []>, transpose_lhs_hint = false} : vector<1250x128xf32>, vector<128x128xf32>, vector<1250x128xf32> -> vector<1250x128xf32>
    %swap3A = arith.constant 0 : index
    %swap3A_45 = arith.constant 0 : index
    %swap3A_46 = vector.load %arg9[%swap3A, %swap3A_45] : memref<1250x128xf32, #tpu.memory_space<vmem>>, vector<1250x128xf32>
    tpu.vector_store %arg9[%swap3A, %swap3A_45], %dot_general3A_44 {strides = array<i32>} : memref<1250x128xf32, #tpu.memory_space<vmem>>, vector<1250x128xf32>,
    %get3A_47 = arith.constant 0 : index
    %get3A_48 = arith.constant 0 : index
    %get3A_49 = vector.load %arg5[%get3A_47, %get3A_48] : memref<128x128xf32, #tpu.memory_space<vmem>>, vector<128x128xf32>
    %dot_general3A_50 = arith.constant dense<0.000000e+00> : vector<1250x128xf32>
    %dot_general3A_51 = tpu.matmul %select_n3A_40, %get3A_49, %dot_general3A_50 {dimension_numbers = #tpu.dot_dimension_numbers<[1], [0], [0], [1], [0, 0, 1, 1], [], []>, transpose_lhs_hint = false} : vector<1250x128xf32>, vector<128x128xf32>, vector<1250x128xf32> -> vector<1250x128xf32>
    %get3A_52 = arith.constant 0 : index
    %get3A_53 = arith.constant 0 : index
    %get3A_54 = vector.load %arg7[%get3A_52, %get3A_53] : memref<1x128xf32, #tpu.memory_space<vmem>>, vector<1x128xf32>
    %add3A_55 = vector.broadcast %get3A_54 : vector<1x128xf32> to vector<1250x128xf32>
    %add3A_56 = arith.addf %dot_general3A_51, %add3A_55 : vector<1250x128xf32>
    %get3A_57 = arith.constant 0 : index
    %get3A_58 = arith.constant 0 : index
    %get3A_59 = vector.load %arg8[%get3A_57, %get3A_58] : memref<1x128xf32, #tpu.memory_space<vmem>>, vector<1x128xf32>
    %mul3A_60 = vector.broadcast %get3A_59 : vector<1x128xf32> to vector<1250x128xf32>
    %mul3A_61 = arith.mulf %div3A_23, %mul3A_60 : vector<1250x128xf32>
    %add3A_62 = arith.addf %add3A_56, %mul3A_61 : vector<1250x128xf32>
    %swap3A_63 = arith.constant 0 : index
    %swap3A_64 = arith.constant 0 : index
    %swap3A_65 = vector.load %arg10[%swap3A_63, %swap3A_64] : memref<1250x128xf32, #tpu.memory_space<vmem>>, vector<1250x128xf32>
    tpu.vector_store %arg10[%swap3A_63, %swap3A_64], %add3A_62 {strides = array<i32>} : memref<1250x128xf32, #tpu.memory_space<vmem>>, vector<1250x128xf32>,
    return
  }
  func.func @transform_0(%arg0: i32) -> (i32, i32, i32) {
    %c0_i32 = arith.constant 0 : i32
    %c0_i32_0 = arith.constant 0 : i32
    %c0_i32_1 = arith.constant 0 : i32
    %c0_i32_2 = arith.constant 0 : i32
    return %c0_i32, %c0_i32_0, %c0_i32_1 : i32, i32, i32
  }
  func.func @transform_1(%arg0: i32) -> (i32, i32, i32) {
    %c0_i32 = arith.constant 0 : i32
    %c0_i32_0 = arith.constant 0 : i32
    %c0_i32_1 = arith.constant 0 : i32
    %c0_i32_2 = arith.constant 0 : i32
    return %c0_i32, %c0_i32_0, %c0_i32_1 : i32, i32, i32
  }
  func.func @transform_2(%arg0: i32) -> (i32, i32) {
    %c0_i32 = arith.constant 0 : i32
    %c0_i32_0 = arith.constant 0 : i32
    %c0_i32_1 = arith.constant 0 : i32
    return %c0_i32, %c0_i32_0 : i32, i32
  }
  func.func @transform_3(%arg0: i32) -> (i32, i32) {
    %c0_i32 = arith.constant 0 : i32
    %c0_i32_0 = arith.constant 0 : i32
    %c0_i32_1 = arith.constant 0 : i32
    return %c0_i32, %c0_i32_0 : i32, i32
  }
  func.func @transform_4(%arg0: i32) -> (i32, i32) {
    %c0_i32 = arith.constant 0 : i32
    %c0_i32_0 = arith.constant 0 : i32
    %c0_i32_1 = arith.constant 0 : i32
    return %c0_i32, %c0_i32_0 : i32, i32
  }
  func.func @transform_5(%arg0: i32) -> (i32, i32) {
    %c0_i32 = arith.constant 0 : i32
    %c0_i32_0 = arith.constant 0 : i32
    %c0_i32_1 = arith.constant 0 : i32
    return %c0_i32, %c0_i32_0 : i32, i32
  }
  func.func @transform_6(%arg0: i32) -> (i32, i32) {
    %c0_i32 = arith.constant 0 : i32
    %c0_i32_0 = arith.constant 0 : i32
    %c0_i32_1 = arith.constant 0 : i32
    return %c0_i32, %c0_i32_0 : i32, i32
  }
  func.func @transform_7(%arg0: i32) -> (i32, i32) {
    %c0_i32 = arith.constant 0 : i32
    %c0_i32_0 = arith.constant 0 : i32
    %c0_i32_1 = arith.constant 0 : i32
    return %c0_i32, %c0_i32_0 : i32, i32
  }
  func.func @transform_8(%arg0: i32) -> (i32, i32) {
    %c0_i32 = arith.constant 0 : i32
    %c0_i32_0 = arith.constant 0 : i32
    %c0_i32_1 = arith.constant 0 : i32
    return %c0_i32, %c0_i32_0 : i32, i32
  }
  func.func @transform_9(%arg0: i32) -> (i32, i32) {
    %c0_i32 = arith.constant 0 : i32
    %c0_i32_0 = arith.constant 0 : i32
    %c0_i32_1 = arith.constant 0 : i32
    return %c0_i32, %c0_i32_0 : i32, i32
  }
}

module attributes {stable_mosaic.version = 14 : i64} {
  func.func @_tc_c_body(%arg0: i32, %arg1: memref<2x1280x128xf32, #tpu.memory_space<vmem>>, %arg2: memref<1250x128xf32, #tpu.memory_space<vmem>>, %arg3: memref<1250x128xf32, #tpu.memory_space<vmem>>) attributes {dimension_semantics = [#tpu.dimension_semantics<arbitrary>], iteration_bounds = array<i64: 1>, scalar_prefetch = 0 : i64, scratch_operands = 0 : i64, tpu.core_type = #tpu.core_type<tc>, window_params = [{pipeline_mode = #tpu.pipeline_mode<synchronous>, transform_indices = @transform_0, window_bounds = array<i64: 2, 1280, 128>}, {pipeline_mode = #tpu.pipeline_mode<synchronous>, transform_indices = @transform_1, window_bounds = array<i64: 1250, 128>}, {pipeline_mode = #tpu.pipeline_mode<synchronous>, transform_indices = @transform_2, window_bounds = array<i64: 1250, 128>}]} {
    %get3A = arith.constant 0 : index
    %get3A_0 = arith.constant 0 : index
    %get3A_1 = arith.constant 0 : index
    %get3A_2 = vector.load %arg1[%get3A, %get3A_0, %get3A_1] : memref<2x1280x128xf32, #tpu.memory_space<vmem>>, vector<1x1250x128xf32>
    %get3A_3 = vector.shape_cast %get3A_2 : vector<1x1250x128xf32> to vector<1250x128xf32>
    %get3A_4 = arith.constant 1 : index
    %get3A_5 = arith.constant 0 : index
    %get3A_6 = arith.constant 0 : index
    %get3A_7 = vector.load %arg1[%get3A_4, %get3A_5, %get3A_6] : memref<2x1280x128xf32, #tpu.memory_space<vmem>>, vector<1x1250x128xf32>
    %get3A_8 = vector.shape_cast %get3A_7 : vector<1x1250x128xf32> to vector<1250x128xf32>
    %add3A = arith.addf %get3A_3, %get3A_8 : vector<1250x128xf32>
    %get3A_9 = arith.constant 0 : index
    %get3A_10 = arith.constant 0 : index
    %get3A_11 = vector.load %arg2[%get3A_9, %get3A_10] : memref<1250x128xf32, #tpu.memory_space<vmem>>, vector<1250x128xf32>
    %iota3A = tpu.iota {dimensions = array<i32: 0>} : vector<128x128xi32>
    %iota3A_12 = tpu.iota {dimensions = array<i32: 1>} : vector<128x128xi32>
    %jit3A = arith.constant 16 : i32
    %div3A = vector.broadcast %jit3A : i32 to vector<128x128xi32>
    %div3A_13 = arith.divsi %iota3A, %div3A : vector<128x128xi32>
    %sign3A = arith.constant 0 : i32
    %sign3A_14 = vector.broadcast %sign3A : i32 to vector<128x128xi32>
    %sign3A_15 = arith.cmpi sgt, %iota3A, %sign3A_14 : vector<128x128xi32>
    %sign3A_16 = arith.extui %sign3A_15 : vector<128x128xi1> to vector<128x128xi32>
    %sign3A_17 = arith.constant 0 : i32
    %sign3A_18 = vector.broadcast %sign3A_17 : i32 to vector<128x128xi32>
    %sign3A_19 = arith.cmpi slt, %iota3A, %sign3A_18 : vector<128x128xi32>
    %sign3A_20 = arith.extui %sign3A_19 : vector<128x128xi1> to vector<128x128xi32>
    %sign3A_21 = arith.subi %sign3A_16, %sign3A_20 : vector<128x128xi32>
    %sign3A_22 = arith.constant 0 : i32
    %sign3A_23 = arith.cmpi sgt, %jit3A, %sign3A_22 : i32
    %sign3A_24 = arith.extui %sign3A_23 : i1 to i32
    %sign3A_25 = arith.constant 0 : i32
    %sign3A_26 = arith.cmpi slt, %jit3A, %sign3A_25 : i32
    %sign3A_27 = arith.extui %sign3A_26 : i1 to i32
    %sign3A_28 = arith.subi %sign3A_24, %sign3A_27 : i32
    %ne3A = vector.broadcast %sign3A_28 : i32 to vector<128x128xi32>
    %ne3A_29 = arith.cmpi ne, %sign3A_21, %ne3A : vector<128x128xi32>
    %rem3A = vector.broadcast %jit3A : i32 to vector<128x128xi32>
    %rem3A_30 = arith.remsi %iota3A, %rem3A : vector<128x128xi32>
    %ne3A_31 = arith.constant 0 : i32
    %ne3A_32 = vector.broadcast %ne3A_31 : i32 to vector<128x128xi32>
    %ne3A_33 = arith.cmpi ne, %rem3A_30, %ne3A_32 : vector<128x128xi32>
    %and3A = arith.andi %ne3A_29, %ne3A_33 : vector<128x128xi1>
    %sub3A = arith.constant 1 : i32
    %sub3A_34 = vector.broadcast %sub3A : i32 to vector<128x128xi32>
    %sub3A_35 = arith.subi %div3A_13, %sub3A_34 : vector<128x128xi32>
    %select_n3A = arith.select %and3A, %sub3A_35, %div3A_13 : vector<128x128xi1>, vector<128x128xi32>
    %jit3A_36 = arith.constant 16 : i32
    %div3A_37 = vector.broadcast %jit3A_36 : i32 to vector<128x128xi32>
    %div3A_38 = arith.divsi %iota3A_12, %div3A_37 : vector<128x128xi32>
    %sign3A_39 = arith.constant 0 : i32
    %sign3A_40 = vector.broadcast %sign3A_39 : i32 to vector<128x128xi32>
    %sign3A_41 = arith.cmpi sgt, %iota3A_12, %sign3A_40 : vector<128x128xi32>
    %sign3A_42 = arith.extui %sign3A_41 : vector<128x128xi1> to vector<128x128xi32>
    %sign3A_43 = arith.constant 0 : i32
    %sign3A_44 = vector.broadcast %sign3A_43 : i32 to vector<128x128xi32>
    %sign3A_45 = arith.cmpi slt, %iota3A_12, %sign3A_44 : vector<128x128xi32>
    %sign3A_46 = arith.extui %sign3A_45 : vector<128x128xi1> to vector<128x128xi32>
    %sign3A_47 = arith.subi %sign3A_42, %sign3A_46 : vector<128x128xi32>
    %sign3A_48 = arith.constant 0 : i32
    %sign3A_49 = arith.cmpi sgt, %jit3A_36, %sign3A_48 : i32
    %sign3A_50 = arith.extui %sign3A_49 : i1 to i32
    %sign3A_51 = arith.constant 0 : i32
    %sign3A_52 = arith.cmpi slt, %jit3A_36, %sign3A_51 : i32
    %sign3A_53 = arith.extui %sign3A_52 : i1 to i32
    %sign3A_54 = arith.subi %sign3A_50, %sign3A_53 : i32
    %ne3A_55 = vector.broadcast %sign3A_54 : i32 to vector<128x128xi32>
    %ne3A_56 = arith.cmpi ne, %sign3A_47, %ne3A_55 : vector<128x128xi32>
    %rem3A_57 = vector.broadcast %jit3A_36 : i32 to vector<128x128xi32>
    %rem3A_58 = arith.remsi %iota3A_12, %rem3A_57 : vector<128x128xi32>
    %ne3A_59 = arith.constant 0 : i32
    %ne3A_60 = vector.broadcast %ne3A_59 : i32 to vector<128x128xi32>
    %ne3A_61 = arith.cmpi ne, %rem3A_58, %ne3A_60 : vector<128x128xi32>
    %and3A_62 = arith.andi %ne3A_56, %ne3A_61 : vector<128x128xi1>
    %sub3A_63 = arith.constant 1 : i32
    %sub3A_64 = vector.broadcast %sub3A_63 : i32 to vector<128x128xi32>
    %sub3A_65 = arith.subi %div3A_38, %sub3A_64 : vector<128x128xi32>
    %select_n3A_66 = arith.select %and3A_62, %sub3A_65, %div3A_38 : vector<128x128xi1>, vector<128x128xi32>
    %eq3A = arith.cmpi eq, %select_n3A, %select_n3A_66 : vector<128x128xi32>
    %jit3A_67 = arith.constant 16 : i32
    %eq3A_68 = arith.constant 0 : i32
    %eq3A_69 = arith.cmpi eq, %jit3A_67, %eq3A_68 : i32
    %jit3A_70 = arith.constant 1 : i32
    %select_n3A_71 = arith.select %eq3A_69, %jit3A_70, %jit3A_67 : i32
    %rem3A_72 = vector.broadcast %select_n3A_71 : i32 to vector<128x128xi32>
    %rem3A_73 = arith.remsi %iota3A, %rem3A_72 : vector<128x128xi32>
    %ne3A_74 = arith.constant 0 : i32
    %ne3A_75 = vector.broadcast %ne3A_74 : i32 to vector<128x128xi32>
    %ne3A_76 = arith.cmpi ne, %rem3A_73, %ne3A_75 : vector<128x128xi32>
    %lt3A = arith.constant 0 : i32
    %lt3A_77 = vector.broadcast %lt3A : i32 to vector<128x128xi32>
    %lt3A_78 = arith.cmpi slt, %rem3A_73, %lt3A_77 : vector<128x128xi32>
    %lt3A_79 = arith.constant 0 : i32
    %lt3A_80 = arith.cmpi slt, %select_n3A_71, %lt3A_79 : i32
    %ne3A_81 = vector.broadcast %lt3A_80 : i1 to vector<128x128xi1>
    %ne3A_82 = vector.broadcast %ne3A_81 : vector<128x128xi1> to vector<128x128xi1>
    %ne3A_83 = arith.xori %lt3A_78, %ne3A_82 : vector<128x128xi1>
    %and3A_84 = arith.andi %ne3A_83, %ne3A_76 : vector<128x128xi1>
    %add3A_85 = vector.broadcast %select_n3A_71 : i32 to vector<128x128xi32>
    %add3A_86 = arith.addi %rem3A_73, %add3A_85 : vector<128x128xi32>
    %select_n3A_87 = arith.select %and3A_84, %add3A_86, %rem3A_73 : vector<128x128xi1>, vector<128x128xi32>
    %eq3A_88 = arith.constant 10 : i32
    %eq3A_89 = vector.broadcast %eq3A_88 : i32 to vector<128x128xi32>
    %eq3A_90 = arith.cmpi eq, %select_n3A_87, %eq3A_89 : vector<128x128xi32>
    %and3A_91 = arith.andi %eq3A, %eq3A_90 : vector<128x128xi1>
    %jit3A_92 = arith.constant 16 : i32
    %eq3A_93 = arith.constant 0 : i32
    %eq3A_94 = arith.cmpi eq, %jit3A_92, %eq3A_93 : i32
    %jit3A_95 = arith.constant 1 : i32
    %select_n3A_96 = arith.select %eq3A_94, %jit3A_95, %jit3A_92 : i32
    %rem3A_97 = vector.broadcast %select_n3A_96 : i32 to vector<128x128xi32>
    %rem3A_98 = arith.remsi %iota3A_12, %rem3A_97 : vector<128x128xi32>
    %ne3A_99 = arith.constant 0 : i32
    %ne3A_100 = vector.broadcast %ne3A_99 : i32 to vector<128x128xi32>
    %ne3A_101 = arith.cmpi ne, %rem3A_98, %ne3A_100 : vector<128x128xi32>
    %lt3A_102 = arith.constant 0 : i32
    %lt3A_103 = vector.broadcast %lt3A_102 : i32 to vector<128x128xi32>
    %lt3A_104 = arith.cmpi slt, %rem3A_98, %lt3A_103 : vector<128x128xi32>
    %lt3A_105 = arith.constant 0 : i32
    %lt3A_106 = arith.cmpi slt, %select_n3A_96, %lt3A_105 : i32
    %ne3A_107 = vector.broadcast %lt3A_106 : i1 to vector<128x128xi1>
    %ne3A_108 = vector.broadcast %ne3A_107 : vector<128x128xi1> to vector<128x128xi1>
    %ne3A_109 = arith.xori %lt3A_104, %ne3A_108 : vector<128x128xi1>
    %and3A_110 = arith.andi %ne3A_109, %ne3A_101 : vector<128x128xi1>
    %add3A_111 = vector.broadcast %select_n3A_96 : i32 to vector<128x128xi32>
    %add3A_112 = arith.addi %rem3A_98, %add3A_111 : vector<128x128xi32>
    %select_n3A_113 = arith.select %and3A_110, %add3A_112, %rem3A_98 : vector<128x128xi1>, vector<128x128xi32>
    %lt3A_114 = arith.constant 10 : i32
    %lt3A_115 = vector.broadcast %lt3A_114 : i32 to vector<128x128xi32>
    %lt3A_116 = arith.cmpi slt, %select_n3A_113, %lt3A_115 : vector<128x128xi32>
    %and3A_117 = arith.andi %and3A_91, %lt3A_116 : vector<128x128xi1>
    %convert_element_type3A = arith.extui %and3A_117 : vector<128x128xi1> to vector<128x128xi32>
    %convert_element_type3A_118 = arith.sitofp %convert_element_type3A : vector<128x128xi32> to vector<128x128xf32>
    %dot_general3A = arith.constant dense<0.000000e+00> : vector<1250x128xf32>
    %dot_general3A_119 = tpu.matmul %get3A_11, %convert_element_type3A_118, %dot_general3A {dimension_numbers = #tpu.dot_dimension_numbers<[1], [0], [0], [1], [0, 0, 1, 1], [], []>, transpose_lhs_hint = false} : vector<1250x128xf32>, vector<128x128xf32>, vector<1250x128xf32> -> vector<1250x128xf32>
    %iota3A_120 = tpu.iota {dimensions = array<i32: 1>} : vector<1250x128xi32>
    %jit3A_121 = arith.constant 16 : i32
    %eq3A_122 = arith.constant 0 : i32
    %eq3A_123 = arith.cmpi eq, %jit3A_121, %eq3A_122 : i32
    %jit3A_124 = arith.constant 1 : i32
    %select_n3A_125 = arith.select %eq3A_123, %jit3A_124, %jit3A_121 : i32
    %rem3A_126 = vector.broadcast %select_n3A_125 : i32 to vector<1250x128xi32>
    %rem3A_127 = arith.remsi %iota3A_120, %rem3A_126 : vector<1250x128xi32>
    %ne3A_128 = arith.constant 0 : i32
    %ne3A_129 = vector.broadcast %ne3A_128 : i32 to vector<1250x128xi32>
    %ne3A_130 = arith.cmpi ne, %rem3A_127, %ne3A_129 : vector<1250x128xi32>
    %lt3A_131 = arith.constant 0 : i32
    %lt3A_132 = vector.broadcast %lt3A_131 : i32 to vector<1250x128xi32>
    %lt3A_133 = arith.cmpi slt, %rem3A_127, %lt3A_132 : vector<1250x128xi32>
    %lt3A_134 = arith.constant 0 : i32
    %lt3A_135 = arith.cmpi slt, %select_n3A_125, %lt3A_134 : i32
    %ne3A_136 = vector.broadcast %lt3A_135 : i1 to vector<1250x128xi1>
    %ne3A_137 = vector.broadcast %ne3A_136 : vector<1250x128xi1> to vector<1250x128xi1>
    %ne3A_138 = arith.xori %lt3A_133, %ne3A_137 : vector<1250x128xi1>
    %and3A_139 = arith.andi %ne3A_138, %ne3A_130 : vector<1250x128xi1>
    %add3A_140 = vector.broadcast %select_n3A_125 : i32 to vector<1250x128xi32>
    %add3A_141 = arith.addi %rem3A_127, %add3A_140 : vector<1250x128xi32>
    %select_n3A_142 = arith.select %and3A_139, %add3A_141, %rem3A_127 : vector<1250x128xi1>, vector<1250x128xi32>
    %lt3A_143 = arith.constant 10 : i32
    %lt3A_144 = vector.broadcast %lt3A_143 : i32 to vector<1250x128xi32>
    %lt3A_145 = arith.cmpi slt, %select_n3A_142, %lt3A_144 : vector<1250x128xi32>
    %mul3A = arith.mulf %add3A, %dot_general3A_119 : vector<1250x128xf32>
    %add3A_146 = arith.addf %mul3A, %get3A_11 : vector<1250x128xf32>
    %jit3A_147 = arith.constant -1.000000e+30 : f32
    %broadcast_in_dim3A = vector.broadcast %jit3A_147 : f32 to vector<1250x128xf32>
    %select_n3A_148 = arith.select %lt3A_145, %add3A_146, %broadcast_in_dim3A : vector<1250x128xi1>, vector<1250x128xf32>
    %jit3A_149 = arith.constant 16 : i32
    %eq3A_150 = arith.constant 0 : i32
    %eq3A_151 = arith.cmpi eq, %jit3A_149, %eq3A_150 : i32
    %jit3A_152 = arith.constant 1 : i32
    %select_n3A_153 = arith.select %eq3A_151, %jit3A_152, %jit3A_149 : i32
    %rem3A_154 = vector.broadcast %select_n3A_153 : i32 to vector<128x128xi32>
    %rem3A_155 = arith.remsi %iota3A_12, %rem3A_154 : vector<128x128xi32>
    %ne3A_156 = arith.constant 0 : i32
    %ne3A_157 = vector.broadcast %ne3A_156 : i32 to vector<128x128xi32>
    %ne3A_158 = arith.cmpi ne, %rem3A_155, %ne3A_157 : vector<128x128xi32>
    %lt3A_159 = arith.constant 0 : i32
    %lt3A_160 = vector.broadcast %lt3A_159 : i32 to vector<128x128xi32>
    %lt3A_161 = arith.cmpi slt, %rem3A_155, %lt3A_160 : vector<128x128xi32>
    %lt3A_162 = arith.constant 0 : i32
    %lt3A_163 = arith.cmpi slt, %select_n3A_153, %lt3A_162 : i32
    %ne3A_164 = vector.broadcast %lt3A_163 : i1 to vector<128x128xi1>
    %ne3A_165 = vector.broadcast %ne3A_164 : vector<128x128xi1> to vector<128x128xi1>
    %ne3A_166 = arith.xori %lt3A_161, %ne3A_165 : vector<128x128xi1>
    %and3A_167 = arith.andi %ne3A_166, %ne3A_158 : vector<128x128xi1>
    %add3A_168 = vector.broadcast %select_n3A_153 : i32 to vector<128x128xi32>
    %add3A_169 = arith.addi %rem3A_155, %add3A_168 : vector<128x128xi32>
    %select_n3A_170 = arith.select %and3A_167, %add3A_169, %rem3A_155 : vector<128x128xi1>, vector<128x128xi32>
    %add3A_171 = arith.constant 1 : i32
    %add3A_172 = vector.broadcast %add3A_171 : i32 to vector<128x128xi32>
    %add3A_173 = arith.addi %iota3A, %add3A_172 : vector<128x128xi32>
    %jit3A_174 = arith.constant 16 : i32
    %eq3A_175 = arith.constant 0 : i32
    %eq3A_176 = arith.cmpi eq, %jit3A_174, %eq3A_175 : i32
    %jit3A_177 = arith.constant 1 : i32
    %select_n3A_178 = arith.select %eq3A_176, %jit3A_177, %jit3A_174 : i32
    %rem3A_179 = vector.broadcast %select_n3A_178 : i32 to vector<128x128xi32>
    %rem3A_180 = arith.remsi %add3A_173, %rem3A_179 : vector<128x128xi32>
    %ne3A_181 = arith.constant 0 : i32
    %ne3A_182 = vector.broadcast %ne3A_181 : i32 to vector<128x128xi32>
    %ne3A_183 = arith.cmpi ne, %rem3A_180, %ne3A_182 : vector<128x128xi32>
    %lt3A_184 = arith.constant 0 : i32
    %lt3A_185 = vector.broadcast %lt3A_184 : i32 to vector<128x128xi32>
    %lt3A_186 = arith.cmpi slt, %rem3A_180, %lt3A_185 : vector<128x128xi32>
    %lt3A_187 = arith.constant 0 : i32
    %lt3A_188 = arith.cmpi slt, %select_n3A_178, %lt3A_187 : i32
    %ne3A_189 = vector.broadcast %lt3A_188 : i1 to vector<128x128xi1>
    %ne3A_190 = vector.broadcast %ne3A_189 : vector<128x128xi1> to vector<128x128xi1>
    %ne3A_191 = arith.xori %lt3A_186, %ne3A_190 : vector<128x128xi1>
    %and3A_192 = arith.andi %ne3A_191, %ne3A_183 : vector<128x128xi1>
    %add3A_193 = vector.broadcast %select_n3A_178 : i32 to vector<128x128xi32>
    %add3A_194 = arith.addi %rem3A_180, %add3A_193 : vector<128x128xi32>
    %select_n3A_195 = arith.select %and3A_192, %add3A_194, %rem3A_180 : vector<128x128xi1>, vector<128x128xi32>
    %eq3A_196 = arith.cmpi eq, %select_n3A_170, %select_n3A_195 : vector<128x128xi32>
    %and3A_197 = arith.andi %eq3A, %eq3A_196 : vector<128x128xi1>
    %convert_element_type3A_198 = arith.extui %and3A_197 : vector<128x128xi1> to vector<128x128xi32>
    %convert_element_type3A_199 = arith.sitofp %convert_element_type3A_198 : vector<128x128xi32> to vector<128x128xf32>
    %dot_general3A_200 = arith.constant dense<0.000000e+00> : vector<1250x128xf32>
    %dot_general3A_201 = tpu.matmul %select_n3A_148, %convert_element_type3A_199, %dot_general3A_200 {dimension_numbers = #tpu.dot_dimension_numbers<[1], [0], [0], [1], [0, 0, 1, 1], [], []>, transpose_lhs_hint = false} : vector<1250x128xf32>, vector<128x128xf32>, vector<1250x128xf32> -> vector<1250x128xf32>
    %max3A = arith.maximumf %select_n3A_148, %dot_general3A_201 : vector<1250x128xf32>
    %jit3A_202 = arith.constant 16 : i32
    %eq3A_203 = arith.constant 0 : i32
    %eq3A_204 = arith.cmpi eq, %jit3A_202, %eq3A_203 : i32
    %jit3A_205 = arith.constant 1 : i32
    %select_n3A_206 = arith.select %eq3A_204, %jit3A_205, %jit3A_202 : i32
    %rem3A_207 = vector.broadcast %select_n3A_206 : i32 to vector<128x128xi32>
    %rem3A_208 = arith.remsi %iota3A_12, %rem3A_207 : vector<128x128xi32>
    %ne3A_209 = arith.constant 0 : i32
    %ne3A_210 = vector.broadcast %ne3A_209 : i32 to vector<128x128xi32>
    %ne3A_211 = arith.cmpi ne, %rem3A_208, %ne3A_210 : vector<128x128xi32>
    %lt3A_212 = arith.constant 0 : i32
    %lt3A_213 = vector.broadcast %lt3A_212 : i32 to vector<128x128xi32>
    %lt3A_214 = arith.cmpi slt, %rem3A_208, %lt3A_213 : vector<128x128xi32>
    %lt3A_215 = arith.constant 0 : i32
    %lt3A_216 = arith.cmpi slt, %select_n3A_206, %lt3A_215 : i32
    %ne3A_217 = vector.broadcast %lt3A_216 : i1 to vector<128x128xi1>
    %ne3A_218 = vector.broadcast %ne3A_217 : vector<128x128xi1> to vector<128x128xi1>
    %ne3A_219 = arith.xori %lt3A_214, %ne3A_218 : vector<128x128xi1>
    %and3A_220 = arith.andi %ne3A_219, %ne3A_211 : vector<128x128xi1>
    %add3A_221 = vector.broadcast %select_n3A_206 : i32 to vector<128x128xi32>
    %add3A_222 = arith.addi %rem3A_208, %add3A_221 : vector<128x128xi32>
    %select_n3A_223 = arith.select %and3A_220, %add3A_222, %rem3A_208 : vector<128x128xi1>, vector<128x128xi32>
    %add3A_224 = arith.constant 2 : i32
    %add3A_225 = vector.broadcast %add3A_224 : i32 to vector<128x128xi32>
    %add3A_226 = arith.addi %iota3A, %add3A_225 : vector<128x128xi32>
    %jit3A_227 = arith.constant 16 : i32
    %eq3A_228 = arith.constant 0 : i32
    %eq3A_229 = arith.cmpi eq, %jit3A_227, %eq3A_228 : i32
    %jit3A_230 = arith.constant 1 : i32
    %select_n3A_231 = arith.select %eq3A_229, %jit3A_230, %jit3A_227 : i32
    %rem3A_232 = vector.broadcast %select_n3A_231 : i32 to vector<128x128xi32>
    %rem3A_233 = arith.remsi %add3A_226, %rem3A_232 : vector<128x128xi32>
    %ne3A_234 = arith.constant 0 : i32
    %ne3A_235 = vector.broadcast %ne3A_234 : i32 to vector<128x128xi32>
    %ne3A_236 = arith.cmpi ne, %rem3A_233, %ne3A_235 : vector<128x128xi32>
    %lt3A_237 = arith.constant 0 : i32
    %lt3A_238 = vector.broadcast %lt3A_237 : i32 to vector<128x128xi32>
    %lt3A_239 = arith.cmpi slt, %rem3A_233, %lt3A_238 : vector<128x128xi32>
    %lt3A_240 = arith.constant 0 : i32
    %lt3A_241 = arith.cmpi slt, %select_n3A_231, %lt3A_240 : i32
    %ne3A_242 = vector.broadcast %lt3A_241 : i1 to vector<128x128xi1>
    %ne3A_243 = vector.broadcast %ne3A_242 : vector<128x128xi1> to vector<128x128xi1>
    %ne3A_244 = arith.xori %lt3A_239, %ne3A_243 : vector<128x128xi1>
    %and3A_245 = arith.andi %ne3A_244, %ne3A_236 : vector<128x128xi1>
    %add3A_246 = vector.broadcast %select_n3A_231 : i32 to vector<128x128xi32>
    %add3A_247 = arith.addi %rem3A_233, %add3A_246 : vector<128x128xi32>
    %select_n3A_248 = arith.select %and3A_245, %add3A_247, %rem3A_233 : vector<128x128xi1>, vector<128x128xi32>
    %eq3A_249 = arith.cmpi eq, %select_n3A_223, %select_n3A_248 : vector<128x128xi32>
    %and3A_250 = arith.andi %eq3A, %eq3A_249 : vector<128x128xi1>
    %convert_element_type3A_251 = arith.extui %and3A_250 : vector<128x128xi1> to vector<128x128xi32>
    %convert_element_type3A_252 = arith.sitofp %convert_element_type3A_251 : vector<128x128xi32> to vector<128x128xf32>
    %dot_general3A_253 = arith.constant dense<0.000000e+00> : vector<1250x128xf32>
    %dot_general3A_254 = tpu.matmul %max3A, %convert_element_type3A_252, %dot_general3A_253 {dimension_numbers = #tpu.dot_dimension_numbers<[1], [0], [0], [1], [0, 0, 1, 1], [], []>, transpose_lhs_hint = false} : vector<1250x128xf32>, vector<128x128xf32>, vector<1250x128xf32> -> vector<1250x128xf32>
    %max3A_255 = arith.maximumf %max3A, %dot_general3A_254 : vector<1250x128xf32>
    %jit3A_256 = arith.constant 16 : i32
    %eq3A_257 = arith.constant 0 : i32
    %eq3A_258 = arith.cmpi eq, %jit3A_256, %eq3A_257 : i32
    %jit3A_259 = arith.constant 1 : i32
    %select_n3A_260 = arith.select %eq3A_258, %jit3A_259, %jit3A_256 : i32
    %rem3A_261 = vector.broadcast %select_n3A_260 : i32 to vector<128x128xi32>
    %rem3A_262 = arith.remsi %iota3A_12, %rem3A_261 : vector<128x128xi32>
    %ne3A_263 = arith.constant 0 : i32
    %ne3A_264 = vector.broadcast %ne3A_263 : i32 to vector<128x128xi32>
    %ne3A_265 = arith.cmpi ne, %rem3A_262, %ne3A_264 : vector<128x128xi32>
    %lt3A_266 = arith.constant 0 : i32
    %lt3A_267 = vector.broadcast %lt3A_266 : i32 to vector<128x128xi32>
    %lt3A_268 = arith.cmpi slt, %rem3A_262, %lt3A_267 : vector<128x128xi32>
    %lt3A_269 = arith.constant 0 : i32
    %lt3A_270 = arith.cmpi slt, %select_n3A_260, %lt3A_269 : i32
    %ne3A_271 = vector.broadcast %lt3A_270 : i1 to vector<128x128xi1>
    %ne3A_272 = vector.broadcast %ne3A_271 : vector<128x128xi1> to vector<128x128xi1>
    %ne3A_273 = arith.xori %lt3A_268, %ne3A_272 : vector<128x128xi1>
    %and3A_274 = arith.andi %ne3A_273, %ne3A_265 : vector<128x128xi1>
    %add3A_275 = vector.broadcast %select_n3A_260 : i32 to vector<128x128xi32>
    %add3A_276 = arith.addi %rem3A_262, %add3A_275 : vector<128x128xi32>
    %select_n3A_277 = arith.select %and3A_274, %add3A_276, %rem3A_262 : vector<128x128xi1>, vector<128x128xi32>
    %add3A_278 = arith.constant 4 : i32
    %add3A_279 = vector.broadcast %add3A_278 : i32 to vector<128x128xi32>
    %add3A_280 = arith.addi %iota3A, %add3A_279 : vector<128x128xi32>
    %jit3A_281 = arith.constant 16 : i32
    %eq3A_282 = arith.constant 0 : i32
    %eq3A_283 = arith.cmpi eq, %jit3A_281, %eq3A_282 : i32
    %jit3A_284 = arith.constant 1 : i32
    %select_n3A_285 = arith.select %eq3A_283, %jit3A_284, %jit3A_281 : i32
    %rem3A_286 = vector.broadcast %select_n3A_285 : i32 to vector<128x128xi32>
    %rem3A_287 = arith.remsi %add3A_280, %rem3A_286 : vector<128x128xi32>
    %ne3A_288 = arith.constant 0 : i32
    %ne3A_289 = vector.broadcast %ne3A_288 : i32 to vector<128x128xi32>
    %ne3A_290 = arith.cmpi ne, %rem3A_287, %ne3A_289 : vector<128x128xi32>
    %lt3A_291 = arith.constant 0 : i32
    %lt3A_292 = vector.broadcast %lt3A_291 : i32 to vector<128x128xi32>
    %lt3A_293 = arith.cmpi slt, %rem3A_287, %lt3A_292 : vector<128x128xi32>
    %lt3A_294 = arith.constant 0 : i32
    %lt3A_295 = arith.cmpi slt, %select_n3A_285, %lt3A_294 : i32
    %ne3A_296 = vector.broadcast %lt3A_295 : i1 to vector<128x128xi1>
    %ne3A_297 = vector.broadcast %ne3A_296 : vector<128x128xi1> to vector<128x128xi1>
    %ne3A_298 = arith.xori %lt3A_293, %ne3A_297 : vector<128x128xi1>
    %and3A_299 = arith.andi %ne3A_298, %ne3A_290 : vector<128x128xi1>
    %add3A_300 = vector.broadcast %select_n3A_285 : i32 to vector<128x128xi32>
    %add3A_301 = arith.addi %rem3A_287, %add3A_300 : vector<128x128xi32>
    %select_n3A_302 = arith.select %and3A_299, %add3A_301, %rem3A_287 : vector<128x128xi1>, vector<128x128xi32>
    %eq3A_303 = arith.cmpi eq, %select_n3A_277, %select_n3A_302 : vector<128x128xi32>
    %and3A_304 = arith.andi %eq3A, %eq3A_303 : vector<128x128xi1>
    %convert_element_type3A_305 = arith.extui %and3A_304 : vector<128x128xi1> to vector<128x128xi32>
    %convert_element_type3A_306 = arith.sitofp %convert_element_type3A_305 : vector<128x128xi32> to vector<128x128xf32>
    %dot_general3A_307 = arith.constant dense<0.000000e+00> : vector<1250x128xf32>
    %dot_general3A_308 = tpu.matmul %max3A_255, %convert_element_type3A_306, %dot_general3A_307 {dimension_numbers = #tpu.dot_dimension_numbers<[1], [0], [0], [1], [0, 0, 1, 1], [], []>, transpose_lhs_hint = false} : vector<1250x128xf32>, vector<128x128xf32>, vector<1250x128xf32> -> vector<1250x128xf32>
    %max3A_309 = arith.maximumf %max3A_255, %dot_general3A_308 : vector<1250x128xf32>
    %jit3A_310 = arith.constant 16 : i32
    %eq3A_311 = arith.constant 0 : i32
    %eq3A_312 = arith.cmpi eq, %jit3A_310, %eq3A_311 : i32
    %jit3A_313 = arith.constant 1 : i32
    %select_n3A_314 = arith.select %eq3A_312, %jit3A_313, %jit3A_310 : i32
    %rem3A_315 = vector.broadcast %select_n3A_314 : i32 to vector<128x128xi32>
    %rem3A_316 = arith.remsi %iota3A_12, %rem3A_315 : vector<128x128xi32>
    %ne3A_317 = arith.constant 0 : i32
    %ne3A_318 = vector.broadcast %ne3A_317 : i32 to vector<128x128xi32>
    %ne3A_319 = arith.cmpi ne, %rem3A_316, %ne3A_318 : vector<128x128xi32>
    %lt3A_320 = arith.constant 0 : i32
    %lt3A_321 = vector.broadcast %lt3A_320 : i32 to vector<128x128xi32>
    %lt3A_322 = arith.cmpi slt, %rem3A_316, %lt3A_321 : vector<128x128xi32>
    %lt3A_323 = arith.constant 0 : i32
    %lt3A_324 = arith.cmpi slt, %select_n3A_314, %lt3A_323 : i32
    %ne3A_325 = vector.broadcast %lt3A_324 : i1 to vector<128x128xi1>
    %ne3A_326 = vector.broadcast %ne3A_325 : vector<128x128xi1> to vector<128x128xi1>
    %ne3A_327 = arith.xori %lt3A_322, %ne3A_326 : vector<128x128xi1>
    %and3A_328 = arith.andi %ne3A_327, %ne3A_319 : vector<128x128xi1>
    %add3A_329 = vector.broadcast %select_n3A_314 : i32 to vector<128x128xi32>
    %add3A_330 = arith.addi %rem3A_316, %add3A_329 : vector<128x128xi32>
    %select_n3A_331 = arith.select %and3A_328, %add3A_330, %rem3A_316 : vector<128x128xi1>, vector<128x128xi32>
    %add3A_332 = arith.constant 8 : i32
    %add3A_333 = vector.broadcast %add3A_332 : i32 to vector<128x128xi32>
    %add3A_334 = arith.addi %iota3A, %add3A_333 : vector<128x128xi32>
    %jit3A_335 = arith.constant 16 : i32
    %eq3A_336 = arith.constant 0 : i32
    %eq3A_337 = arith.cmpi eq, %jit3A_335, %eq3A_336 : i32
    %jit3A_338 = arith.constant 1 : i32
    %select_n3A_339 = arith.select %eq3A_337, %jit3A_338, %jit3A_335 : i32
    %rem3A_340 = vector.broadcast %select_n3A_339 : i32 to vector<128x128xi32>
    %rem3A_341 = arith.remsi %add3A_334, %rem3A_340 : vector<128x128xi32>
    %ne3A_342 = arith.constant 0 : i32
    %ne3A_343 = vector.broadcast %ne3A_342 : i32 to vector<128x128xi32>
    %ne3A_344 = arith.cmpi ne, %rem3A_341, %ne3A_343 : vector<128x128xi32>
    %lt3A_345 = arith.constant 0 : i32
    %lt3A_346 = vector.broadcast %lt3A_345 : i32 to vector<128x128xi32>
    %lt3A_347 = arith.cmpi slt, %rem3A_341, %lt3A_346 : vector<128x128xi32>
    %lt3A_348 = arith.constant 0 : i32
    %lt3A_349 = arith.cmpi slt, %select_n3A_339, %lt3A_348 : i32
    %ne3A_350 = vector.broadcast %lt3A_349 : i1 to vector<128x128xi1>
    %ne3A_351 = vector.broadcast %ne3A_350 : vector<128x128xi1> to vector<128x128xi1>
    %ne3A_352 = arith.xori %lt3A_347, %ne3A_351 : vector<128x128xi1>
    %and3A_353 = arith.andi %ne3A_352, %ne3A_344 : vector<128x128xi1>
    %add3A_354 = vector.broadcast %select_n3A_339 : i32 to vector<128x128xi32>
    %add3A_355 = arith.addi %rem3A_341, %add3A_354 : vector<128x128xi32>
    %select_n3A_356 = arith.select %and3A_353, %add3A_355, %rem3A_341 : vector<128x128xi1>, vector<128x128xi32>
    %eq3A_357 = arith.cmpi eq, %select_n3A_331, %select_n3A_356 : vector<128x128xi32>
    %and3A_358 = arith.andi %eq3A, %eq3A_357 : vector<128x128xi1>
    %convert_element_type3A_359 = arith.extui %and3A_358 : vector<128x128xi1> to vector<128x128xi32>
    %convert_element_type3A_360 = arith.sitofp %convert_element_type3A_359 : vector<128x128xi32> to vector<128x128xf32>
    %dot_general3A_361 = arith.constant dense<0.000000e+00> : vector<1250x128xf32>
    %dot_general3A_362 = tpu.matmul %max3A_309, %convert_element_type3A_360, %dot_general3A_361 {dimension_numbers = #tpu.dot_dimension_numbers<[1], [0], [0], [1], [0, 0, 1, 1], [], []>, transpose_lhs_hint = false} : vector<1250x128xf32>, vector<128x128xf32>, vector<1250x128xf32> -> vector<1250x128xf32>
    %max3A_363 = arith.maximumf %max3A_309, %dot_general3A_362 : vector<1250x128xf32>
    %sub3A_364 = arith.subf %select_n3A_148, %max3A_363 : vector<1250x128xf32>
    %exp3A = math.exp %sub3A_364 : vector<1250x128xf32>
    %convert_element_type3A_365 = arith.extui %eq3A : vector<128x128xi1> to vector<128x128xi32>
    %convert_element_type3A_366 = arith.sitofp %convert_element_type3A_365 : vector<128x128xi32> to vector<128x128xf32>
    %dot_general3A_367 = arith.constant dense<0.000000e+00> : vector<1250x128xf32>
    %dot_general3A_368 = tpu.matmul %exp3A, %convert_element_type3A_366, %dot_general3A_367 {dimension_numbers = #tpu.dot_dimension_numbers<[1], [0], [0], [1], [0, 0, 1, 1], [], []>, transpose_lhs_hint = false} : vector<1250x128xf32>, vector<128x128xf32>, vector<1250x128xf32> -> vector<1250x128xf32>
    %log3A = math.log %dot_general3A_368 : vector<1250x128xf32>
    %sub3A_369 = arith.subf %sub3A_364, %log3A : vector<1250x128xf32>
    %swap3A = arith.constant 0 : index
    %swap3A_370 = arith.constant 0 : index
    %swap3A_371 = vector.load %arg3[%swap3A, %swap3A_370] : memref<1250x128xf32, #tpu.memory_space<vmem>>, vector<1250x128xf32>
    tpu.vector_store %arg3[%swap3A, %swap3A_370], %sub3A_369 {strides = array<i32>} : memref<1250x128xf32, #tpu.memory_space<vmem>>, vector<1250x128xf32>,
    return
  }
  func.func @transform_0(%arg0: i32) -> (i32, i32, i32) {
    %c0_i32 = arith.constant 0 : i32
    %c0_i32_0 = arith.constant 0 : i32
    %c0_i32_1 = arith.constant 0 : i32
    %c0_i32_2 = arith.constant 0 : i32
    return %c0_i32, %c0_i32_0, %c0_i32_1 : i32, i32, i32
  }
  func.func @transform_1(%arg0: i32) -> (i32, i32) {
    %c0_i32 = arith.constant 0 : i32
    %c0_i32_0 = arith.constant 0 : i32
    %c0_i32_1 = arith.constant 0 : i32
    return %c0_i32, %c0_i32_0 : i32, i32
  }
  func.func @transform_2(%arg0: i32) -> (i32, i32) {
    %c0_i32 = arith.constant 0 : i32
    %c0_i32_0 = arith.constant 0 : i32
    %c0_i32_1 = arith.constant 0 : i32
    return %c0_i32, %c0_i32_0 : i32, i32
  }
}

</mosaic_0001>

<sc_bundles>
// kernel: kernel.10.cloned.1.call-start
scs
__scs_entry_jumppad:
0x0: {  	(pc) =	sbr.rel $0x88, $3  }
0x1: {  	(tag) =	ssettag $0x0;
	lr =	simm.s32 $0x1  }
0x2: {  	[smem:$0x3F99] =	sst lr;
	_ =	strace $0xD0000000  }
0x3: {  	_ = 	snop  }
0x4: {  	_ = 	snop  }
0x5: {  	_ = 	snop  }
0x6: {  	_ = 	snop  }
0x7: {  	_ = 	snop  }
__scs_overlays_trampoline_lowered:
0x8: {  	[smem:$0x3FA8] =	sst s0  }
0x9: {  	[smem:$0x3FA9] =	sst s1  }
0xa: {  	[smem:$0x3FAA] =	sst s2  }
0xb: {  	[smem:$0x3FAB] =	sst s3  }
0xc: {  	[smem:$0x3FAC] =	sst s4  }
0xd: {  	[smem:$0x3FAD] =	sst s5  }
0xe: {  	[smem:$0x3FAE] =	sst s6  }
0xf: {  	[smem:$0x3FAF] =	sst s7  }
0x10: {  	[smem:$0x3FB0] =	sst s8  }
0x11: {  	[smem:$0x3FB1] =	sst s9;
	s0 =	simm.s32 @!p0 $0x0  }
0x12: {  	s1 =	sld [smem:$0x3F97];
	s0 =	simm.s32 @p0 $0x1  }
0x13: {  	[smem:$0x3FB2] =	sst s0;
	s0 =	simm.s32 @!p1 $0x0  }
0x14: {  	s2 =	sld [smem:$0x3F96];
	s0 =	simm.s32 @p1 $0x1  }
0x15: {  	[smem:$0x3FB3] =	sst s0;
	s0 =	simm.s32 @!p2 $0x0  }
0x16: {  	s3 =	sld [smem:$0x3FDB];
	s0 =	simm.s32 @p2 $0x1  }
0x17: {  	s4 =	simm.s32 $0x1BF5;
	[smem:$0x3FB5] =	sst s0  }
0x18: {  	s0 =	sld [smem:$0x3F98];
	_ =	swait.ge [sflag:s4], $0x0  }
0x19: {  	s7 =	sld [smem:$0x3F99]  }
0x1a: {  	s8 =	sadd.s32 $0xFFFFE003, lr  }
0x1b: {  	s9 =	sadd.s32 $0xFFFFFEF7, lr;
	s5 =	simm.s32 $0xFFFFFFFF;
	p2 =	slt.u32 s8, $0xFFFFF086  }
0x1c: {  	p1 =	slt.u32 s9, $0xF7A;
	s5 =	simm.s32 @!p2 $0x0  }
0x1d: {  	s5 =	simm.s32 @p1 $0x1;
	p0 =	seq.s32 s7, s2  }
0x1e: {  	s7 =	smul.u32 @!p0 $0xF7A, s2;
	p2 =	seq.s32 @!p0 s5, $0x0  }
0x1f: {  	s9 =	smul.u32 $0xF7A, s1;
	s8 =	simm.s32 @!p0 $0x1BF5;
	p2 =	por !p2, p0  }
0x20: {  	[sflag:s8] =	ssyncset.s32 @!p0 $0xFFFFF086;
	s6 =	sadd.s32 @!p0 s3, s7;
	s7 =	simm.s32 @!p0 $0x108  }
0x21: {  	s3 =	sadd.s32 s3, s9;
	s6 =	sadd.s32 @!p0 $0x88, s6;
	s7 =	simm.s32 @p2 $0x1082  }
0x22: {  	[simem:s7], [sflag:s8] =	dma.local @!p0 [hbm:s6], $0xF7A  }
0x23: {  	s9 =	sor.u32 $0xD0000000, s2;
	s6 =	simm.s32 $0x108;
	_ =	swait.ge @!p0 [sflag:s8], $0x0  }
0x24: {  	s3 =	sadd.s32 $0x88, s3;
	s6 =	simm.s32 @!p1 $0x1082;
	[sflag:s4] =	ssyncset.s32 $0xFFFFF086  }
0x25: {  	[simem:s6], [sflag:s4] =	dma.local [hbm:s3], $0xF7A  }
0x26: {  	[smem:$0x3F99] =	sst s1;
	(tag) =	ssettag s2;
	_ =	strace s9  }
0x27: {  	s1 =	sld [smem:$0x3FA9]  }
0x28: {  	s2 =	sld [smem:$0x3FAA]  }
0x29: {  	s4 =	sld [smem:$0x3FAC]  }
0x2a: {  	p0 =	seq.s32 s5, $0x0;
	s5 =	sld [smem:$0x3FAD]  }
0x2b: {  	s6 =	sld [smem:$0x3FAE]  }
0x2c: {  	s7 =	sld [smem:$0x3FAF]  }
0x2d: {  	s3 =	simm.s32 $0x108;
	s8 =	sld [smem:$0x3FB0]  }
0x2e: {  	s3 =	simm.s32 @!p0 $0x1082;
	s9 =	sld [smem:$0x3FB1]  }
0x2f: {  	lr =	sadd.s32 s0, s3;
	s0 =	sld [smem:$0x3FA8]  }
0x30: {  	s3 =	sld [smem:$0x3FAB]  }
0x31: {  	[smem:$0x3FB4] =	sst s10  }
0x32: {  	s10 =	sld [smem:$0x3FB2];
	_ =	sdelay $0x3  }
0x33: {  	p0 =	seq.s32 s10, $0x1;
	s10 =	sld [smem:$0x3FB4];
	_ =	sdelay $0x3  }
0x34: {  	[smem:$0x3FB4] =	sst s10  }
0x35: {  	s10 =	sld [smem:$0x3FB3];
	_ =	sdelay $0x3  }
0x36: {  	p1 =	seq.s32 s10, $0x1;
	s10 =	sld [smem:$0x3FB4];
	_ =	sdelay $0x3  }
0x37: {  	[smem:$0x3FB4] =	sst s10  }
0x38: {  	s10 =	sld [smem:$0x3FB5]  }
0x39: {  	_ = 	snop;
	(pc) =	sbr.ind lr, $3  }
0x3a: {  	_ = 	snop  }
0x3b: {  	_ = 	snop  }
0x3c: {  	p2 =	seq.s32 s10, $0x1;
	s10 =	sld [smem:$0x3FB4]  }
0x3d: {  	_ =	shalt  }
0x3e: {  	_ =	shalt  }
0x3f: {  	_ =	shalt  }
0x40: {  	_ =	shalt  }
0x41: {  	_ =	shalt  }
0x42: {  	_ =	shalt  }
0x43: {  	_ =	shalt  }
0x44: {  	_ =	shalt  }
0x45: {  	_ =	shalt  }
0x46: {  	_ =	shalt  }
0x47: {  	_ =	shalt  }
0x48: {  	_ =	shalt  }
0x49: {  	_ =	shalt  }
0x4a: {  	_ =	shalt  }
0x4b: {  	_ =	shalt  }
0x4c: {  	_ =	shalt  }
0x4d: {  	_ =	shalt  }
0x4e: {  	_ =	shalt  }
0x4f: {  	_ =	shalt  }
0x50: {  	_ =	shalt  }
0x51: {  	_ =	shalt  }
0x52: {  	_ =	shalt  }
0x53: {  	_ =	shalt  }
0x54: {  	_ =	shalt  }
0x55: {  	_ =	shalt  }
0x56: {  	_ =	shalt  }
0x57: {  	_ =	shalt  }
0x58: {  	_ =	shalt  }
0x59: {  	_ =	shalt  }
0x5a: {  	_ =	shalt  }
0x5b: {  	_ =	shalt  }
0x5c: {  	_ =	shalt  }
0x5d: {  	_ =	shalt  }
0x5e: {  	_ =	shalt  }
0x5f: {  	_ =	shalt  }
0x60: {  	_ =	shalt  }
0x61: {  	_ =	shalt  }
0x62: {  	_ =	shalt  }
0x63: {  	_ =	shalt  }
0x64: {  	_ =	shalt  }
0x65: {  	_ =	shalt  }
0x66: {  	_ =	shalt  }
0x67: {  	_ =	shalt  }
0x68: {  	_ =	shalt  }
0x69: {  	_ =	shalt  }
0x6a: {  	_ =	shalt  }
0x6b: {  	_ =	shalt  }
0x6c: {  	_ =	shalt  }
0x6d: {  	_ =	shalt  }
0x6e: {  	_ =	shalt  }
0x6f: {  	_ =	shalt  }
0x70: {  	_ =	shalt  }
0x71: {  	_ =	shalt  }
0x72: {  	_ =	shalt  }
0x73: {  	_ =	shalt  }
0x74: {  	_ =	shalt  }
0x75: {  	_ =	shalt  }
0x76: {  	_ =	shalt  }
0x77: {  	_ =	shalt  }
0x78: {  	_ =	shalt  }
0x79: {  	_ =	shalt  }
0x7a: {  	_ =	shalt  }
0x7b: {  	_ =	shalt  }
0x7c: {  	_ =	shalt  }
0x7d: {  	_ =	shalt  }
0x7e: {  	_ =	shalt  }
0x7f: {  	_ =	shalt  }
0x80: {  	_ =	shalt  }
0x81: {  	_ =	shalt  }
0x82: {  	_ =	shalt  }
0x83: {  	_ =	shalt  }
0x84: {  	_ =	shalt  }
0x85: {  	_ =	shalt  }
0x86: {  	_ =	shalt  }
0x87: {  	_ =	shalt  }
.Lfunc_end0:
.L_simem_size_0:
called_computation.1_lowered:
.L_overlay_start_0:
0x88: {  	s2 =	sld [smem:$0x3FD9]  }
0x89: {  	s3 =	sld [smem:$0x3FFE];
	_ =	sdelay $0x1  }
0x8a: {  	s1 =	srdreg.scid  }
0x8b: {  	s0 =	sand.u32 $0x1, s1  }
0x8c: {  	s17 =	sshll.u32 s0, $0xA;
	s2 =	sadd.s32 s3, s2  }
0x8d: {  	s2 =	sadd.s32 s2, s17  }
0x8e: {  	[smem:$0x3FC0] =	sst s2  }
0x8f: {  	_ = 	snop  }
0x90: {  	s2 =	sld [smem:$0x3FD0];
	(tm) =	ssettm $0x1  }
0x91: {  	s18 =	sld [smem:$0x3FFB];
	_ =	sdelay $0x3  }
0x92: {  	_ =	strace s18  }
0x93: {  	s3 =	sld [smem:$0x3FFC];
	_ =	sdelay $0x3  }
0x94: {  	_ =	strace s3  }
0x95: {  	s3 =	sld [smem:$0x3FFD];
	_ =	sdelay $0x3  }
0x96: {  	_ =	strace s3  }
0x97: {  	_ =	strace $0x8FFFFFFF  }
0x98: {  	s19 =	sld [smem:$0x3FDB];
	_ =	sdelay $0x1  }
0x99: {  	s4 =	simm.s32 $_scs_section_size  }
0x9a: {  	s5 =	simm.s32 $_size__tile_overlayer_lowered;
	s6 =	simm.s32 $_tile_overlayer_lowered  }
0x9b: {  	s22 =	simm.s32 $0x1BFF;
	s21 =	sshll.u32 s6, $0x1;
	s3 =	sadd.s32 s4, s19  }
0x9c: {  	s7 =	simm.s32 $0x0;
	s20 =	sshll.u32 s5, $0x1;
	s5 =	sadd.s32 s21, s3  }
0x9d: {  	[timem:s7], [sflag:s22] =	dma.local [hbm:s5], s20  }
0x9e: {  	_ =	swait.ge [sflag:s22], s20  }
0x9f: {  	s4 =	ssub.s32 $0x0, s20;
	[sflag:s22] =	ssyncset.done $0x0  }
0xa0: {  	[sflag:s22] =	ssyncadd.s32 s4;
	_ =	sdelay $0x1  }
0xa1: {  	s23 =	simm.s32 $0x1B8B  }
0xa2: {  	_ =	swait.ge [sflag:s23], $0x1  }
0xa3: {  	[sflag:s23] =	ssyncset.done $0x0  }
0xa4: {  	s25 =	simm.s32 $0x1B8E;
	s24 =	sld [smem:$0x3FFE];
	[sflag:s23] =	ssyncadd.s32 $0xFFFFFFFF  }
0xa5: {  	s26 =	simm.s32 $execute0_lowered;
	[smem:$0x3FD2] =	sst s25  }
0xa6: {  	s5 =	sshll.u32 s26, $0x1;
	_ =	strace $0x80000049;
	[dreg:$0x1] =	wrdreg $0xFFFFFFFF  }
0xa7: {  	s28 =	simm.s32 $_size_execute0_lowered;
	s3 =	sadd.s32 s3, s5;
	[dreg:$0x0] =	wrdreg $0x0  }
0xa8: {  	s5 =	sshll.u32 s28, $0x1;
	[dreg:$0x2] =	wrdreg s3  }
0xa9: {  	[dreg:$0x3] =	wrdreg s5  }
0xaa: {  	[dreg:$0x4] =	wrdreg $0xC0  }
0xab: {  	_ =	task [dreg:s7], $0x5FFFF  }
0xac: {  	[dreg:$0x1] =	wrdreg $0xFFFFFFFF  }
0xad: {  	[dreg:$0x0] =	wrdreg $0x60  }
0xae: {  	[dreg:$0x2] =	wrdreg s24  }
0xaf: {  	[dreg:$0x3] =	wrdreg s2  }
0xb0: {  	[dreg:$0x4] =	wrdreg $0xF8000  }
0xb1: {  	[dreg:$0x5] =	wrdreg $0x11F200  }
0xb2: {  	[dreg:$0x6] =	wrdreg $0x9  }
0xb3: {  	_ =	task.clear_ibuf [dreg:s7], $0x7FFFF;
	_ =	strace $0x90000049  }
0xb4: {  	s29 =	simm.s32 $0x9;
	_ =	strace $0x8000004B  }
0xb5: {  	_ =	swait.ge [sflag:s29], $0x1  }
0xb6: {  	[sflag:s29] =	ssyncadd.s32 $0xFFFFFFFF  }
0xb7: {  	_ =	strace $0x9000004B  }
0xb8: {  	_ =	sfence  }
0xb9: {  	s30 =	sld [smem:$0x0];
	_ =	sdelay $0x2  }
0xba: {  	s31 =	sshll.u32 s1, $0xD;
	s1 =	sshrl.u32 s1, $0x2  }
0xbb: {  	s3 =	sand.u32 $0x4000, s31;
	s1 =	sadd.s32 s1, s30  }
0xbc: {  	s0 =	sor.u32 s3, s0;
	s1 =	sshll.u32 s1, $0x11  }
0xbd: {  	s0 =	sor.u32 s1, s0  }
0xbe: {  	s0 =	sadd.s32 $0x8F2B, s0  }
0xbf: {  	[sflag:s0] =	ssyncadd.remote.s32 $0x1  }
0xc0: {  	_ =	sfence.sel $0xFFFF  }
0xc1: {  	[dreg:$0x0] =	wrdreg $0xFFFFFFFF;
	(pc) =	sbr.abs _section_cstart, $3  }
0xc2: {  	[dreg:$0x1] =	wrdreg $0xFFFFFFFF  }
0xc3: {  	_ =	task.clear_ibuf [dreg:s7], $0x2FFFF;
	_ =	strace $0x9FFFFFFF  }
0xc4: {  	(tm) =	ssettm $0x7FFFFFFF  }
0xc5: {  	_ =	shalt  }
tec
execute0_lowered:
.L_overlay_start_1:
0x0: {  	(tag) =	ssettag $0x1  }
0x1: {  	s0 =	rddreg [dreg:$0x0]  }
0x2: {  	s1 =	rddreg [dreg:$0x1]  }
0x3: {  	s2 =	rddreg [dreg:$0x2]  }
0x4: {  	s3 =	rddreg [dreg:$0x3]  }
0x5: {  	s4 =	srdreg.scid;
	s12 =	stileid.u32;
	s6 =	simm.s32 $0x0  }
0x6: {  	s17 =	simm.s32 $0x1;
	s18 =	simm.s32 $0x2;
	s19 =	simm.s32 $0x3  }
0x7: {  	s29 =	simm.s32 $0x7000;
	s31 =	simm.s32 $0x7800;
	s15 =	simm.s32 $0x8800  }
0x8: {  	s28 =	simm.s32 $0xA000;
	s30 =	simm.s32 $0xA800;
	s13 =	simm.s32 $0xB800  }
0x9: {  	s4 =	sand.u32 $0x1, s4;
	s5 =	smul.u32 $0x2800, s12;
	[smem:$0x7FF] =	sst s6  }
0xa: {  	s8 =	sadd.s32 $0x2A00, s0;
	s11 =	smul.u32 $0x2710, s12;
	s24 =	sshll.u32 s12, $0x6  }
0xb: {  	s20 =	smul.u32 $0x28000, s4;
	s7 =	sshll.u32 s4, $0x4;
	_ =	strace $0x8000004A  }
0xc: {  	s4 =	ssub.s32 $0x2, s4;
	[dreg:$0x8] =	wrdreg s24;
	s7 =	sor.u32 s12, s7  }
0xd: {  	s10 =	sshrl.u32 s4, $0x1;
	s22 =	sshrl.u32 s11, $0x3;
	s9 =	smul.u32 $0x2800, s7  }
0xe: {  	s23 =	sadd.s32 s11, s2;
	s6 =	sadd.s32 s5, s20;
	s7 =	smul.u32 $0x500, s7  }
0xf: {  	s4 =	ssub.s32 s4, s10;
	s1 =	sadd.s32 s1, s22;
	s10 =	sadd.s32 s5, s3  }
0x10: {  	s26 =	sshrl.u32 s23, $0x3;
	s20 =	simm.s32 $0x80;
	s22 =	simm.s32 $0x5800  }
0x11: {  	s23 =	simm.s32 $0x9000;
	s5 =	simm.s32 $0xC800;
	s6 =	sshrl.u32 s6, $0x3  }
0x12: {  	[dreg:$0x7] =	wrdreg s1;
	s1 =	sor.u32 $0x1C03, s24;
	s25 =	smax.u32 s4, $0x1  }
0x13: {  	[dreg:$0xd] =	wrdreg s26;
	s24 =	simm.s32 $0x6000;
	s26 =	simm.s32 $0x6800  }
0x14: {  	s4 =	simm.s32 $0xC000;
	[dreg:$0xa] =	wrdreg s10;
	s9 =	sshrl.u32 s9, $0x3  }
0x15: {  	s0 =	sadd.s32 s6, s0;
	s7 =	sadd.s32 s8, s7;
	[dreg:$0x9] =	wrdreg s1  }
0x16: {  	[dreg:$0xc] =	wrdreg s25;
	s1 =	simm.s32 $0x8000;
	s25 =	simm.s32 $0x9800  }
0x17: {  	s21 =	sadd.s32 s8, s9;
	[dreg:$0x5] =	wrdreg s7;
	s0 =	sadd.s32 $0x16A00, s0  }
0x18: {  	s7 =	simm.s32 $0x0;
	s6 =	sadd.s32 $0xA000, s21;
	[dreg:$0xb] =	wrdreg s0  }
0x19: {  	v0 =	vimm.f32 $0.0e+00;
	s21 =	simm.s32 $0x5000;
	s0 =	simm.s32 $0xB000;
	[dreg:$0x6] =	wrdreg s6  }
.LBB2_1:
0x1a: {  	[dreg:$0xe] =	wrdreg s7  }
0x1b: {  	s9 =	rddreg [dreg:$0x5]  }
0x1c: {  	s11 =	rddreg [dreg:$0x6]  }
0x1d: {  	s6 =	simm.s32 $0x0;
	s12 =	rddreg [dreg:$0x7]  }
0x1e: {  	[tilespmem:s6], [sflag:$0x1] =	stream.linear.gather [hbm4b:s9+s6], $0x2800, $0x38;
	[tilespmem:$0x14720] =	vst v63  }
0x1f: {  	s8 =	simm.s32 $0x2800;
	s14 =	rddreg [dreg:$0x9]  }
0x20: {  	[tilespmem:s8], [sflag:$0x2] =	stream.linear.gather [hbm4b:s11+s6], $0x2800, $0x38;
	[tilespmem:$0x14720] =	vst v63  }
0x21: {  	s16 =	rddreg [dreg:$0xd];
	s9 =	simm.s32 $0x200;
	s8 =	simm.s32 $0x0  }
0x22: {  	[spmem:s16], [sflag:s14] =	dma.local [hbm:s12], $0x4E2  }
.LBB2_2:
0x23: {  	p0 =	sne.s32 s9, $0x9E00;
	[tilespmem:s8+$0xD070] =	vst v0  }
0x24: {  	[tilespmem:s8+$0xD000] =	vst v0  }
0x25: {  	[tilespmem:s8+$0xD010] =	vst v0  }
.Ltmp0:
0x26: {  	[tilespmem:s8+$0xD020] =	vst v0;
	(pc) =	sbr.rel @p0 .LBB2_2-.Ltmp0, $4  }
0x27: {  	[tilespmem:s8+$0xD030] =	vst v0  }
0x28: {  	[tilespmem:s8+$0xD040] =	vst v0  }
0x29: {  	[tilespmem:s8+$0xD050] =	vst v0  }
0x2a: {  	[tilespmem:s8+$0xD060] =	vst v0;
	s8 =	sshra.s32 s9, $0x2;
	s9 =	sadd.s32 $0x200, s9  }
0x2b: {  	[tilespmem:s8+$0xD070] =	vst v0  }
0x2c: {  	[tilespmem:s8+$0xD000] =	vst v0  }
0x2d: {  	[tilespmem:s8+$0xD010] =	vst v0  }
0x2e: {  	[tilespmem:s8+$0xD020] =	vst v0  }
0x2f: {  	[tilespmem:s8+$0xD030] =	vst v0  }
0x30: {  	[tilespmem:s8+$0xD040] =	vst v0  }
0x31: {  	[tilespmem:s8+$0xD050] =	vst v0  }
0x32: {  	[tilespmem:s8+$0xD060] =	vst v0;
	s6 =	simm.s32 $0xD000;
	s16 =	simm.s32 $0x5  }
0x33: {  	[spmem:s10] =	stream.linear.scatter [tilespmem:s6], [sflag:$0x5], $0x2800, $0x38;
	[tilespmem:$0x14720] =	vst v63  }
0x34: {  	_ =	swait.ge [sflag:s16], $0x2800  }
0x35: {  	[sflag:s16] =	ssyncset.done $0x0  }
0x36: {  	[sflag:s16] =	ssyncadd.s32 $0xFFFFD800  }
0x37: {  	_ =	swait.ge [sflag:s17], $0x2800  }
0x38: {  	[sflag:s17] =	ssyncset.done $0x0  }
0x39: {  	[sflag:s17] =	ssyncadd.s32 $0xFFFFD800  }
0x3a: {  	_ =	swait.ge [sflag:s18], $0x2800  }
0x3b: {  	[sflag:s18] =	ssyncset.done $0x0  }
0x3c: {  	[sflag:s18] =	ssyncadd.s32 $0xFFFFD800  }
0x3d: {  	_ =	swait.ge [sflag:s19], $0x4E2  }
0x3e: {  	[sflag:s19] =	ssyncset.done $0x0  }
0x3f: {  	[sflag:s19] =	ssyncadd.s32 $0xFFFFFB1E  }
0x40: {  	s7 =	simm.s32 $0x0;
	[bflag:$0x0] =	sbarrier.arrive $0xFFFF  }
0x41: {  	[tilespmem:s21], [sflag:$0x1] =	stream.indirect.gather [spmem:s2], $0x10, s7, s20, $0xb8;
	[tilespmem:$0x14720] =	vst v63  }
0x42: {  	_ = 	snop  }
0x43: {  	[tilespmem:s22], [sflag:$0x1] =	stream.indirect.gather [spmem:s2], $0x10, s20, s20, $0xb8;
	[tilespmem:$0x14720] =	vst v63  }
0x44: {  	s9 =	simm.s32 $0x100  }
0x45: {  	[tilespmem:s24], [sflag:$0x1] =	stream.indirect.gather [spmem:s2], $0x10, s9, s20, $0xb8;
	[tilespmem:$0x14720] =	vst v63  }
0x46: {  	s10 =	simm.s32 $0x180  }
0x47: {  	[tilespmem:s26], [sflag:$0x1] =	stream.indirect.gather [spmem:s2], $0x10, s10, s20, $0xb8;
	[tilespmem:$0x14720] =	vst v63  }
0x48: {  	s11 =	simm.s32 $0x200  }
0x49: {  	[tilespmem:s29], [sflag:$0x1] =	stream.indirect.gather [spmem:s2], $0x10, s11, s20, $0xb8;
	[tilespmem:$0x14720] =	vst v63  }
0x4a: {  	s12 =	simm.s32 $0x280;
	p0 =	por $0x1, $0x1  }
0x4b: {  	[tilespmem:s31], [sflag:$0x1] =	stream.indirect.gather [spmem:s2], $0x10, s12, s20, $0xb8;
	[tilespmem:$0x14720] =	vst v63  }
0x4c: {  	s14 =	simm.s32 $0x300;
	p0 =	por p0, p0  }
0x4d: {  	[tilespmem:s1], [sflag:$0x1] =	stream.indirect.gather [spmem:s2], $0x10, s14, s20, $0xb8;
	[tilespmem:$0x14720] =	vst v63  }
0x4e: {  	s8 =	simm.s32 @!p0 $0x4;
	s16 =	simm.s32 $0x380  }
0x4f: {  	[tilespmem:s15], [sflag:$0x1] =	stream.indirect.gather [spmem:s2], $0x10, s16, s20, $0xb8;
	[tilespmem:$0x14720] =	vst v63  }
0x50: {  	_ =	swait.ge @!p0 [sflag:s8], $0x800  }
0x51: {  	[sflag:s8] =	ssyncset.done @!p0 $0x0  }
0x52: {  	[sflag:s8] =	ssyncadd.s32 @!p0 $0xFFFFF800  }
0x53: {  	_ =	swait.ge @!p0 [sflag:s8], $0x800  }
0x54: {  	[sflag:s8] =	ssyncset.done @!p0 $0x0  }
0x55: {  	[sflag:s8] =	ssyncadd.s32 @!p0 $0xFFFFF800  }
0x56: {  	_ =	swait.ge @!p0 [sflag:s8], $0x800  }
0x57: {  	[sflag:s8] =	ssyncset.done @!p0 $0x0  }
0x58: {  	[sflag:s8] =	ssyncadd.s32 @!p0 $0xFFFFF800  }
0x59: {  	_ =	swait.ge @!p0 [sflag:s8], $0x800  }
0x5a: {  	[sflag:s8] =	ssyncset.done @!p0 $0x0  }
0x5b: {  	[sflag:s8] =	ssyncadd.s32 @!p0 $0xFFFFF800  }
0x5c: {  	_ =	swait.ge @!p0 [sflag:s8], $0x800  }
0x5d: {  	[sflag:s8] =	ssyncset.done @!p0 $0x0  }
0x5e: {  	[sflag:s8] =	ssyncadd.s32 @!p0 $0xFFFFF800  }
0x5f: {  	_ =	swait.ge @!p0 [sflag:s8], $0x800  }
0x60: {  	[sflag:s8] =	ssyncset.done @!p0 $0x0  }
0x61: {  	[sflag:s8] =	ssyncadd.s32 @!p0 $0xFFFFF800  }
0x62: {  	_ =	swait.ge @!p0 [sflag:s8], $0x800  }
0x63: {  	[sflag:s8] =	ssyncset.done @!p0 $0x0  }
0x64: {  	[sflag:s8] =	ssyncadd.s32 @!p0 $0xFFFFF800  }
0x65: {  	_ =	swait.ge @!p0 [sflag:s8], $0x800  }
0x66: {  	[sflag:s8] =	ssyncset.done @!p0 $0x0  }
0x67: {  	s7 =	simm.s32 $0x400;
	[sflag:s8] =	ssyncadd.s32 @!p0 $0xFFFFF800  }
0x68: {  	[tilespmem:s23], [sflag:$0x2] =	stream.indirect.gather [spmem:s2], $0x10, s7, s20, $0xb8;
	[tilespmem:$0x14720] =	vst v63  }
0x69: {  	s9 =	simm.s32 $0x480  }
0x6a: {  	[tilespmem:s25], [sflag:$0x2] =	stream.indirect.gather [spmem:s2], $0x10, s9, s20, $0xb8;
	[tilespmem:$0x14720] =	vst v63  }
0x6b: {  	s10 =	simm.s32 $0x500  }
0x6c: {  	[tilespmem:s28], [sflag:$0x2] =	stream.indirect.gather [spmem:s2], $0x10, s10, s20, $0xb8;
	[tilespmem:$0x14720] =	vst v63  }
0x6d: {  	s11 =	simm.s32 $0x580  }
0x6e: {  	[tilespmem:s30], [sflag:$0x2] =	stream.indirect.gather [spmem:s2], $0x10, s11, s20, $0xb8;
	[tilespmem:$0x14720] =	vst v63  }
0x6f: {  	s12 =	simm.s32 $0x600  }
0x70: {  	[tilespmem:s0], [sflag:$0x2] =	stream.indirect.gather [spmem:s2], $0x10, s12, s20, $0xb8;
	[tilespmem:$0x14720] =	vst v63  }
0x71: {  	s14 =	simm.s32 $0x680  }
0x72: {  	[tilespmem:s13], [sflag:$0x2] =	stream.indirect.gather [spmem:s2], $0x10, s14, s20, $0xb8;
	[tilespmem:$0x14720] =	vst v63  }
0x73: {  	s16 =	simm.s32 $0x700  }
0x74: {  	[tilespmem:s4], [sflag:$0x2] =	stream.indirect.gather [spmem:s2], $0x10, s16, s20, $0xb8;
	[tilespmem:$0x14720] =	vst v63  }
0x75: {  	s6 =	simm.s32 $0x780  }
0x76: {  	[tilespmem:s5], [sflag:$0x2] =	stream.indirect.gather [spmem:s2], $0x10, s6, s20, $0xb8;
	[tilespmem:$0x14720] =	vst v63  }
0x77: {  	_ =	swait.ge [sflag:s17], $0x800  }
0x78: {  	[sflag:s17] =	ssyncset.done $0x0  }
0x79: {  	[sflag:s17] =	ssyncadd.s32 $0xFFFFF800  }
0x7a: {  	_ =	swait.ge [sflag:s17], $0x800  }
0x7b: {  	[sflag:s17] =	ssyncset.done $0x0  }
0x7c: {  	[sflag:s17] =	ssyncadd.s32 $0xFFFFF800  }
0x7d: {  	_ =	swait.ge [sflag:s17], $0x800  }
0x7e: {  	[sflag:s17] =	ssyncset.done $0x0  }
0x7f: {  	[sflag:s17] =	ssyncadd.s32 $0xFFFFF800  }
0x80: {  	_ =	swait.ge [sflag:s17], $0x800  }
0x81: {  	[sflag:s17] =	ssyncset.done $0x0  }
0x82: {  	[sflag:s17] =	ssyncadd.s32 $0xFFFFF800  }
0x83: {  	_ =	swait.ge [sflag:s17], $0x800  }
0x84: {  	[sflag:s17] =	ssyncset.done $0x0  }
0x85: {  	[sflag:s17] =	ssyncadd.s32 $0xFFFFF800  }
0x86: {  	_ =	swait.ge [sflag:s17], $0x800  }
0x87: {  	[sflag:s17] =	ssyncset.done $0x0  }
0x88: {  	[sflag:s17] =	ssyncadd.s32 $0xFFFFF800  }
0x89: {  	_ =	swait.ge [sflag:s17], $0x800  }
0x8a: {  	[sflag:s17] =	ssyncset.done $0x0  }
0x8b: {  	[sflag:s17] =	ssyncadd.s32 $0xFFFFF800  }
0x8c: {  	_ =	swait.ge [sflag:s17], $0x800  }
0x8d: {  	[sflag:s17] =	ssyncset.done $0x0  }
0x8e: {  	s7 =	simm.s32 $0x2800;
	[sflag:s17] =	ssyncadd.s32 $0xFFFFF800  }
0x8f: {  	[spmem:s3] =	stream.indirect.scatter.add.f32 [tilespmem:s21], [sflag:$0x3], $0x10, s7, s20, $0xb8;
	[tilespmem:$0x14720] =	vst v63  }
0x90: {  	s9 =	simm.s32 $0x2880  }
0x91: {  	[spmem:s3] =	stream.indirect.scatter.add.f32 [tilespmem:s22], [sflag:$0x3], $0x10, s9, s20, $0xb8;
	[tilespmem:$0x14720] =	vst v63  }
0x92: {  	s10 =	simm.s32 $0x2900  }
0x93: {  	[spmem:s3] =	stream.indirect.scatter.add.f32 [tilespmem:s24], [sflag:$0x3], $0x10, s10, s20, $0xb8;
	[tilespmem:$0x14720] =	vst v63  }
0x94: {  	s11 =	simm.s32 $0x2980  }
0x95: {  	[spmem:s3] =	stream.indirect.scatter.add.f32 [tilespmem:s26], [sflag:$0x3], $0x10, s11, s20, $0xb8;
	[tilespmem:$0x14720] =	vst v63  }
0x96: {  	s12 =	simm.s32 $0x2A00  }
0x97: {  	[spmem:s3] =	stream.indirect.scatter.add.f32 [tilespmem:s29], [sflag:$0x3], $0x10, s12, s20, $0xb8;
	[tilespmem:$0x14720] =	vst v63  }
0x98: {  	s14 =	simm.s32 $0x2A80  }
0x99: {  	[spmem:s3] =	stream.indirect.scatter.add.f32 [tilespmem:s31], [sflag:$0x3], $0x10, s14, s20, $0xb8;
	[tilespmem:$0x14720] =	vst v63  }
0x9a: {  	s16 =	simm.s32 $0x2B00  }
0x9b: {  	[spmem:s3] =	stream.indirect.scatter.add.f32 [tilespmem:s1], [sflag:$0x3], $0x10, s16, s20, $0xb8;
	[tilespmem:$0x14720] =	vst v63  }
0x9c: {  	s6 =	simm.s32 $0x2B80  }
0x9d: {  	[spmem:s3] =	stream.indirect.scatter.add.f32 [tilespmem:s15], [sflag:$0x3], $0x10, s6, s20, $0xb8;
	[tilespmem:$0x14720] =	vst v63  }
0x9e: {  	_ =	swait.ge [sflag:s19], $0x800  }
0x9f: {  	[sflag:s19] =	ssyncset.done $0x0  }
0xa0: {  	[sflag:s19] =	ssyncadd.s32 $0xFFFFF800  }
0xa1: {  	_ =	swait.ge [sflag:s19], $0x800  }
0xa2: {  	[sflag:s19] =	ssyncset.done $0x0  }
0xa3: {  	[sflag:s19] =	ssyncadd.s32 $0xFFFFF800  }
0xa4: {  	_ =	swait.ge [sflag:s19], $0x800  }
0xa5: {  	[sflag:s19] =	ssyncset.done $0x0  }
0xa6: {  	[sflag:s19] =	ssyncadd.s32 $0xFFFFF800  }
0xa7: {  	_ =	swait.ge [sflag:s19], $0x800  }
0xa8: {  	[sflag:s19] =	ssyncset.done $0x0  }
0xa9: {  	[sflag:s19] =	ssyncadd.s32 $0xFFFFF800  }
0xaa: {  	_ =	swait.ge [sflag:s19], $0x800  }
0xab: {  	[sflag:s19] =	ssyncset.done $0x0  }
0xac: {  	[sflag:s19] =	ssyncadd.s32 $0xFFFFF800  }
0xad: {  	_ =	swait.ge [sflag:s19], $0x800  }
0xae: {  	[sflag:s19] =	ssyncset.done $0x0  }
0xaf: {  	[sflag:s19] =	ssyncadd.s32 $0xFFFFF800  }
0xb0: {  	_ =	swait.ge [sflag:s19], $0x800  }
0xb1: {  	[sflag:s19] =	ssyncset.done $0x0  }
0xb2: {  	[sflag:s19] =	ssyncadd.s32 $0xFFFFF800  }
0xb3: {  	p0 =	por $0x0, $0x0;
	_ =	swait.ge [sflag:s19], $0x800  }
0xb4: {  	s8 =	simm.s32 @!p0 $0x80;
	[sflag:s19] =	ssyncset.done $0x0  }
0xb5: {  	s9 =	simm.s32 @!p0 $0x5000;
	s11 =	simm.s32 @!p0 $0x800;
	[sflag:s19] =	ssyncadd.s32 $0xFFFFF800  }
0xb6: {  	[tilespmem:s9], [sflag:$0x1] =	stream.indirect.gather @!p0 [spmem:s2], $0x10, s11, s8, $0xb8;
	[tilespmem:$0x14720] =	vst v63  }
0xb7: {  	s9 =	simm.s32 @!p0 $0x880;
	s11 =	simm.s32 @!p0 $0x5800  }
0xb8: {  	[tilespmem:s11], [sflag:$0x1] =	stream.indirect.gather @!p0 [spmem:s2], $0x10, s9, s8, $0xb8;
	[tilespmem:$0x14720] =	vst v63  }
0xb9: {  	s9 =	simm.s32 @!p0 $0x900;
	s11 =	simm.s32 @!p0 $0x6000  }
0xba: {  	[tilespmem:s11], [sflag:$0x1] =	stream.indirect.gather @!p0 [spmem:s2], $0x10, s9, s8, $0xb8;
	[tilespmem:$0x14720] =	vst v63  }
0xbb: {  	s9 =	simm.s32 @!p0 $0x980;
	s11 =	simm.s32 @!p0 $0x6800  }
0xbc: {  	[tilespmem:s11], [sflag:$0x1] =	stream.indirect.gather @!p0 [spmem:s2], $0x10, s9, s8, $0xb8;
	[tilespmem:$0x14720] =	vst v63  }
0xbd: {  	s9 =	simm.s32 @!p0 $0xA00;
	s11 =	simm.s32 @!p0 $0x7000  }
0xbe: {  	[tilespmem:s11], [sflag:$0x1] =	stream.indirect.gather @!p0 [spmem:s2], $0x10, s9, s8, $0xb8;
	[tilespmem:$0x14720] =	vst v63  }
0xbf: {  	s9 =	simm.s32 @!p0 $0xA80;
	s11 =	simm.s32 @!p0 $0x7800  }
0xc0: {  	[tilespmem:s11], [sflag:$0x1] =	stream.indirect.gather @!p0 [spmem:s2], $0x10, s9, s8, $0xb8;
	[tilespmem:$0x14720] =	vst v63  }
0xc1: {  	s9 =	simm.s32 @!p0 $0xB00;
	s11 =	simm.s32 @!p0 $0x8000  }
0xc2: {  	[tilespmem:s11], [sflag:$0x1] =	stream.indirect.gather @!p0 [spmem:s2], $0x10, s9, s8, $0xb8;
	[tilespmem:$0x14720] =	vst v63  }
0xc3: {  	s9 =	simm.s32 @!p0 $0xB80;
	s11 =	simm.s32 @!p0 $0x8800  }
0xc4: {  	[tilespmem:s11], [sflag:$0x1] =	stream.indirect.gather @!p0 [spmem:s2], $0x10, s9, s8, $0xb8;
	[tilespmem:$0x14720] =	vst v63  }
0xc5: {  	_ =	swait.ge [sflag:s18], $0x800  }
0xc6: {  	[sflag:s18] =	ssyncset.done $0x0  }
0xc7: {  	[sflag:s18] =	ssyncadd.s32 $0xFFFFF800  }
0xc8: {  	_ =	swait.ge [sflag:s18], $0x800  }
0xc9: {  	[sflag:s18] =	ssyncset.done $0x0  }
0xca: {  	[sflag:s18] =	ssyncadd.s32 $0xFFFFF800  }
0xcb: {  	_ =	swait.ge [sflag:s18], $0x800  }
0xcc: {  	[sflag:s18] =	ssyncset.done $0x0  }
0xcd: {  	[sflag:s18] =	ssyncadd.s32 $0xFFFFF800  }
0xce: {  	_ =	swait.ge [sflag:s18], $0x800  }
0xcf: {  	[sflag:s18] =	ssyncset.done $0x0  }
0xd0: {  	[sflag:s18] =	ssyncadd.s32 $0xFFFFF800  }
0xd1: {  	_ =	swait.ge [sflag:s18], $0x800  }
0xd2: {  	[sflag:s18] =	ssyncset.done $0x0  }
0xd3: {  	[sflag:s18] =	ssyncadd.s32 $0xFFFFF800  }
0xd4: {  	_ =	swait.ge [sflag:s18], $0x800  }
0xd5: {  	[sflag:s18] =	ssyncset.done $0x0  }
0xd6: {  	[sflag:s18] =	ssyncadd.s32 $0xFFFFF800  }
0xd7: {  	_ =	swait.ge [sflag:s18], $0x800  }
0xd8: {  	[sflag:s18] =	ssyncset.done $0x0  }
0xd9: {  	[sflag:s18] =	ssyncadd.s32 $0xFFFFF800  }
0xda: {  	_ =	swait.ge [sflag:s18], $0x800  }
0xdb: {  	[sflag:s18] =	ssyncset.done $0x0  }
0xdc: {  	s7 =	simm.s32 $0x2C00;
	[sflag:s18] =	ssyncadd.s32 $0xFFFFF800  }
0xdd: {  	[spmem:s3] =	stream.indirect.scatter.add.f32 [tilespmem:s23], [sflag:$0x4], $0x10, s7, s20, $0xb8;
	[tilespmem:$0x14720] =	vst v63  }
0xde: {  	s9 =	simm.s32 $0x2C80  }
0xdf: {  	[spmem:s3] =	stream.indirect.scatter.add.f32 [tilespmem:s25], [sflag:$0x4], $0x10, s9, s20, $0xb8;
	[tilespmem:$0x14720] =	vst v63  }
0xe0: {  	s10 =	simm.s32 $0x2D00  }
0xe1: {  	[spmem:s3] =	stream.indirect.scatter.add.f32 [tilespmem:s28], [sflag:$0x4], $0x10, s10, s20, $0xb8;
	[tilespmem:$0x14720] =	vst v63  }
0xe2: {  	s11 =	simm.s32 $0x2D80  }
0xe3: {  	[spmem:s3] =	stream.indirect.scatter.add.f32 [tilespmem:s30], [sflag:$0x4], $0x10, s11, s20, $0xb8;
	[tilespmem:$0x14720] =	vst v63  }
0xe4: {  	p6 =	por $0x0, $0x0;
	s12 =	simm.s32 $0x2E00  }
0xe5: {  	[spmem:s3] =	stream.indirect.scatter.add.f32 [tilespmem:s0], [sflag:$0x4], $0x10, s12, s20, $0xb8;
	[tilespmem:$0x14720] =	vst v63  }
0xe6: {  	s14 =	simm.s32 $0x2E80;
	s16 =	simm.s32 $0x2F00;
	p0 =	por p6, p6  }
0xe7: {  	[spmem:s3] =	stream.indirect.scatter.add.f32 [tilespmem:s13], [sflag:$0x4], $0x10, s14, s20, $0xb8;
	[tilespmem:$0x14720] =	vst v63  }
0xe8: {  	s9 =	simm.s32 $0x2000;
	s11 =	simm.s32 $0x4000;
	s12 =	simm.s32 $0x2F80  }
0xe9: {  	[spmem:s3] =	stream.indirect.scatter.add.f32 [tilespmem:s4], [sflag:$0x4], $0x10, s16, s20, $0xb8;
	[tilespmem:$0x14720] =	vst v63  }
.LBB2_4:
0xea: {  	p2 =	seq.s32 s11, $0x0  }
0xeb: {  	s16 =	simm.s32 @!p0 $0x4;
	s8 =	smov.u32 s11;
	s11 =	sadd.s32 $0x2000, s11  }
0xec: {  	[spmem:s3] =	stream.indirect.scatter.add.f32 [tilespmem:s5], [sflag:$0x4], $0x10, s12, s20, $0xb8;
	[tilespmem:$0x14720] =	vst v63  }
0xed: {  	p1 =	sne.s32 s11, $0xA000;
	_ =	swait.ge @!p0 [sflag:s16], $0x800  }
0xee: {  	[sflag:s16] =	ssyncset.done @!p0 $0x0  }
0xef: {  	[sflag:s16] =	ssyncadd.s32 @!p0 $0xFFFFF800  }
0xf0: {  	_ =	swait.ge @!p0 [sflag:s16], $0x800  }
0xf1: {  	[sflag:s16] =	ssyncset.done @!p0 $0x0  }
0xf2: {  	[sflag:s16] =	ssyncadd.s32 @!p0 $0xFFFFF800  }
0xf3: {  	_ =	swait.ge @!p0 [sflag:s16], $0x800  }
0xf4: {  	[sflag:s16] =	ssyncset.done @!p0 $0x0  }
0xf5: {  	[sflag:s16] =	ssyncadd.s32 @!p0 $0xFFFFF800  }
0xf6: {  	_ =	swait.ge @!p0 [sflag:s16], $0x800  }
0xf7: {  	[sflag:s16] =	ssyncset.done @!p0 $0x0  }
0xf8: {  	[sflag:s16] =	ssyncadd.s32 @!p0 $0xFFFFF800  }
0xf9: {  	_ =	swait.ge @!p0 [sflag:s16], $0x800  }
0xfa: {  	[sflag:s16] =	ssyncset.done @!p0 $0x0  }
0xfb: {  	[sflag:s16] =	ssyncadd.s32 @!p0 $0xFFFFF800  }
0xfc: {  	_ =	swait.ge @!p0 [sflag:s16], $0x800  }
0xfd: {  	[sflag:s16] =	ssyncset.done @!p0 $0x0  }
0xfe: {  	[sflag:s16] =	ssyncadd.s32 @!p0 $0xFFFFF800  }
0xff: {  	_ =	swait.ge @!p0 [sflag:s16], $0x800  }
0x100: {  	[sflag:s16] =	ssyncset.done @!p0 $0x0  }
0x101: {  	[sflag:s16] =	ssyncadd.s32 @!p0 $0xFFFFF800  }
0x102: {  	_ =	swait.ge @!p0 [sflag:s16], $0x800  }
0x103: {  	s14 =	sshra.s32 s9, $0x2;
	[sflag:s16] =	ssyncset.done @!p0 $0x0  }
0x104: {  	s12 =	sadd.s32 $0x2F80, s14;
	[sflag:s16] =	ssyncadd.s32 @!p0 $0xFFFFF800;
	s16 =	sadd.s32 $0x400, s14  }
0x105: {  	[tilespmem:s23], [sflag:$0x2] =	stream.indirect.gather [spmem:s2], $0x10, s16, s20, $0xb8;
	[tilespmem:$0x14720] =	vst v63  }
0x106: {  	p0 =	por p2, p2;
	s16 =	sadd.s32 $0x480, s14  }
0x107: {  	[tilespmem:s25], [sflag:$0x2] =	stream.indirect.gather [spmem:s2], $0x10, s16, s20, $0xb8;
	[tilespmem:$0x14720] =	vst v63  }
0x108: {  	s16 =	sadd.s32 $0x500, s14  }
0x109: {  	[tilespmem:s28], [sflag:$0x2] =	stream.indirect.gather [spmem:s2], $0x10, s16, s20, $0xb8;
	[tilespmem:$0x14720] =	vst v63  }
0x10a: {  	s16 =	sadd.s32 $0x580, s14  }
0x10b: {  	[tilespmem:s30], [sflag:$0x2] =	stream.indirect.gather [spmem:s2], $0x10, s16, s20, $0xb8;
	[tilespmem:$0x14720] =	vst v63  }
0x10c: {  	s16 =	sadd.s32 $0x600, s14  }
0x10d: {  	[tilespmem:s0], [sflag:$0x2] =	stream.indirect.gather [spmem:s2], $0x10, s16, s20, $0xb8;
	[tilespmem:$0x14720] =	vst v63  }
0x10e: {  	s16 =	sadd.s32 $0x680, s14  }
0x10f: {  	[tilespmem:s13], [sflag:$0x2] =	stream.indirect.gather [spmem:s2], $0x10, s16, s20, $0xb8;
	[tilespmem:$0x14720] =	vst v63  }
0x110: {  	s16 =	sadd.s32 $0x700, s14  }
0x111: {  	[tilespmem:s4], [sflag:$0x2] =	stream.indirect.gather [spmem:s2], $0x10, s16, s20, $0xb8;
	[tilespmem:$0x14720] =	vst v63  }
0x112: {  	s16 =	sadd.s32 $0x780, s14  }
0x113: {  	[tilespmem:s5], [sflag:$0x2] =	stream.indirect.gather [spmem:s2], $0x10, s16, s20, $0xb8;
	[tilespmem:$0x14720] =	vst v63  }
0x114: {  	_ =	swait.ge [sflag:s17], $0x800  }
0x115: {  	[sflag:s17] =	ssyncset.done $0x0  }
0x116: {  	[sflag:s17] =	ssyncadd.s32 $0xFFFFF800  }
0x117: {  	_ =	swait.ge [sflag:s17], $0x800  }
0x118: {  	[sflag:s17] =	ssyncset.done $0x0  }
0x119: {  	[sflag:s17] =	ssyncadd.s32 $0xFFFFF800  }
0x11a: {  	_ =	swait.ge [sflag:s17], $0x800  }
0x11b: {  	[sflag:s17] =	ssyncset.done $0x0  }
0x11c: {  	[sflag:s17] =	ssyncadd.s32 $0xFFFFF800  }
0x11d: {  	_ =	swait.ge [sflag:s17], $0x800  }
0x11e: {  	[sflag:s17] =	ssyncset.done $0x0  }
0x11f: {  	[sflag:s17] =	ssyncadd.s32 $0xFFFFF800  }
0x120: {  	_ =	swait.ge [sflag:s17], $0x800  }
0x121: {  	[sflag:s17] =	ssyncset.done $0x0  }
0x122: {  	[sflag:s17] =	ssyncadd.s32 $0xFFFFF800  }
0x123: {  	_ =	swait.ge [sflag:s17], $0x800  }
0x124: {  	[sflag:s17] =	ssyncset.done $0x0  }
0x125: {  	[sflag:s17] =	ssyncadd.s32 $0xFFFFF800  }
0x126: {  	_ =	swait.ge [sflag:s17], $0x800  }
0x127: {  	[sflag:s17] =	ssyncset.done $0x0  }
0x128: {  	[sflag:s17] =	ssyncadd.s32 $0xFFFFF800  }
0x129: {  	_ =	swait.ge [sflag:s17], $0x800  }
0x12a: {  	[sflag:s17] =	ssyncset.done $0x0  }
0x12b: {  	s16 =	sadd.s32 $0x2800, s14;
	[sflag:s17] =	ssyncadd.s32 $0xFFFFF800  }
0x12c: {  	[spmem:s3] =	stream.indirect.scatter.add.f32 [tilespmem:s21], [sflag:$0x3], $0x10, s16, s20, $0xb8;
	[tilespmem:$0x14720] =	vst v63  }
0x12d: {  	s16 =	sadd.s32 $0x2880, s14  }
0x12e: {  	[spmem:s3] =	stream.indirect.scatter.add.f32 [tilespmem:s22], [sflag:$0x3], $0x10, s16, s20, $0xb8;
	[tilespmem:$0x14720] =	vst v63  }
0x12f: {  	s16 =	sadd.s32 $0x2900, s14  }
0x130: {  	[spmem:s3] =	stream.indirect.scatter.add.f32 [tilespmem:s24], [sflag:$0x3], $0x10, s16, s20, $0xb8;
	[tilespmem:$0x14720] =	vst v63  }
0x131: {  	s16 =	sadd.s32 $0x2980, s14  }
0x132: {  	[spmem:s3] =	stream.indirect.scatter.add.f32 [tilespmem:s26], [sflag:$0x3], $0x10, s16, s20, $0xb8;
	[tilespmem:$0x14720] =	vst v63  }
0x133: {  	s16 =	sadd.s32 $0x2A00, s14  }
0x134: {  	[spmem:s3] =	stream.indirect.scatter.add.f32 [tilespmem:s29], [sflag:$0x3], $0x10, s16, s20, $0xb8;
	[tilespmem:$0x14720] =	vst v63  }
0x135: {  	s16 =	sadd.s32 $0x2A80, s14  }
0x136: {  	[spmem:s3] =	stream.indirect.scatter.add.f32 [tilespmem:s31], [sflag:$0x3], $0x10, s16, s20, $0xb8;
	[tilespmem:$0x14720] =	vst v63  }
0x137: {  	s16 =	sadd.s32 $0x2B00, s14  }
0x138: {  	[spmem:s3] =	stream.indirect.scatter.add.f32 [tilespmem:s1], [sflag:$0x3], $0x10, s16, s20, $0xb8;
	[tilespmem:$0x14720] =	vst v63  }
0x139: {  	s16 =	sadd.s32 $0x2B80, s14  }
0x13a: {  	[spmem:s3] =	stream.indirect.scatter.add.f32 [tilespmem:s15], [sflag:$0x3], $0x10, s16, s20, $0xb8;
	[tilespmem:$0x14720] =	vst v63  }
0x13b: {  	_ =	swait.ge [sflag:s19], $0x800  }
0x13c: {  	[sflag:s19] =	ssyncset.done $0x0  }
0x13d: {  	[sflag:s19] =	ssyncadd.s32 $0xFFFFF800  }
0x13e: {  	_ =	swait.ge [sflag:s19], $0x800  }
0x13f: {  	[sflag:s19] =	ssyncset.done $0x0  }
0x140: {  	[sflag:s19] =	ssyncadd.s32 $0xFFFFF800  }
0x141: {  	_ =	swait.ge [sflag:s19], $0x800  }
0x142: {  	[sflag:s19] =	ssyncset.done $0x0  }
0x143: {  	[sflag:s19] =	ssyncadd.s32 $0xFFFFF800  }
0x144: {  	_ =	swait.ge [sflag:s19], $0x800  }
0x145: {  	[sflag:s19] =	ssyncset.done $0x0  }
0x146: {  	[sflag:s19] =	ssyncadd.s32 $0xFFFFF800  }
0x147: {  	_ =	swait.ge [sflag:s19], $0x800  }
0x148: {  	[sflag:s19] =	ssyncset.done $0x0  }
0x149: {  	[sflag:s19] =	ssyncadd.s32 $0xFFFFF800  }
0x14a: {  	_ =	swait.ge [sflag:s19], $0x800  }
0x14b: {  	[sflag:s19] =	ssyncset.done $0x0  }
0x14c: {  	[sflag:s19] =	ssyncadd.s32 $0xFFFFF800  }
0x14d: {  	_ =	swait.ge [sflag:s19], $0x800  }
0x14e: {  	[sflag:s19] =	ssyncset.done $0x0  }
0x14f: {  	[sflag:s19] =	ssyncadd.s32 $0xFFFFF800  }
0x150: {  	p2 =	seq.s32 s9, $0x8000;
	_ =	swait.ge [sflag:s19], $0x800  }
0x151: {  	s9 =	sshra.s32 @!p2 s9, $0x2;
	s16 =	simm.s32 @!p2 $0x80;
	[sflag:s19] =	ssyncset.done $0x0  }
0x152: {  	s10 =	simm.s32 @!p2 $0x5000;
	s7 =	sadd.s32 @!p2 $0x880, s9;
	[sflag:s19] =	ssyncadd.s32 $0xFFFFF800  }
0x153: {  	s6 =	sadd.s32 @!p2 $0x800, s9;
	s21 =	sadd.s32 @!p2 $0x900, s9;
	s22 =	sadd.s32 @!p2 $0x980, s9  }
0x154: {  	[tilespmem:s10], [sflag:$0x1] =	stream.indirect.gather @!p2 [spmem:s2], $0x10, s6, s16, $0xb8;
	[tilespmem:$0x14720] =	vst v63  }
0x155: {  	s24 =	sadd.s32 @!p2 $0xA80, s9;
	s6 =	simm.s32 @!p2 $0x5800;
	s10 =	sadd.s32 @!p2 $0xA00, s9  }
0x156: {  	[tilespmem:s6], [sflag:$0x1] =	stream.indirect.gather @!p2 [spmem:s2], $0x10, s7, s16, $0xb8;
	[tilespmem:$0x14720] =	vst v63  }
0x157: {  	s26 =	sadd.s32 @!p2 $0xB80, s9;
	s6 =	simm.s32 @!p2 $0x6000;
	s7 =	sadd.s32 @!p2 $0xB00, s9  }
0x158: {  	[tilespmem:s6], [sflag:$0x1] =	stream.indirect.gather @!p2 [spmem:s2], $0x10, s21, s16, $0xb8;
	[tilespmem:$0x14720] =	vst v63  }
0x159: {  	s21 =	simm.s32 $0x5000  }
0x15a: {  	s9 =	smov.u32 s8;
	s6 =	simm.s32 @!p2 $0x6800  }
0x15b: {  	[tilespmem:s6], [sflag:$0x1] =	stream.indirect.gather @!p2 [spmem:s2], $0x10, s22, s16, $0xb8;
	[tilespmem:$0x14720] =	vst v63  }
0x15c: {  	s22 =	simm.s32 $0x5800  }
0x15d: {  	s8 =	simm.s32 @!p2 $0x7800;
	s6 =	simm.s32 @!p2 $0x7000  }
0x15e: {  	[tilespmem:s6], [sflag:$0x1] =	stream.indirect.gather @!p2 [spmem:s2], $0x10, s10, s16, $0xb8;
	[tilespmem:$0x14720] =	vst v63  }
0x15f: {  	s6 =	simm.s32 @!p2 $0x8000  }
0x160: {  	[tilespmem:s8], [sflag:$0x1] =	stream.indirect.gather @!p2 [spmem:s2], $0x10, s24, s16, $0xb8;
	[tilespmem:$0x14720] =	vst v63  }
0x161: {  	s24 =	simm.s32 $0x6000  }
0x162: {  	s8 =	simm.s32 @!p2 $0x8800  }
0x163: {  	[tilespmem:s6], [sflag:$0x1] =	stream.indirect.gather @!p2 [spmem:s2], $0x10, s7, s16, $0xb8;
	[tilespmem:$0x14720] =	vst v63  }
0x164: {  	_ = 	snop  }
0x165: {  	[tilespmem:s8], [sflag:$0x1] =	stream.indirect.gather @!p2 [spmem:s2], $0x10, s26, s16, $0xb8;
	[tilespmem:$0x14720] =	vst v63  }
0x166: {  	s26 =	simm.s32 $0x6800  }
0x167: {  	_ =	swait.ge [sflag:s18], $0x800  }
0x168: {  	[sflag:s18] =	ssyncset.done $0x0  }
0x169: {  	[sflag:s18] =	ssyncadd.s32 $0xFFFFF800  }
0x16a: {  	_ =	swait.ge [sflag:s18], $0x800  }
0x16b: {  	[sflag:s18] =	ssyncset.done $0x0  }
0x16c: {  	[sflag:s18] =	ssyncadd.s32 $0xFFFFF800  }
0x16d: {  	_ =	swait.ge [sflag:s18], $0x800  }
0x16e: {  	[sflag:s18] =	ssyncset.done $0x0  }
0x16f: {  	[sflag:s18] =	ssyncadd.s32 $0xFFFFF800  }
0x170: {  	_ =	swait.ge [sflag:s18], $0x800  }
0x171: {  	[sflag:s18] =	ssyncset.done $0x0  }
0x172: {  	[sflag:s18] =	ssyncadd.s32 $0xFFFFF800  }
0x173: {  	_ =	swait.ge [sflag:s18], $0x800  }
0x174: {  	[sflag:s18] =	ssyncset.done $0x0  }
0x175: {  	[sflag:s18] =	ssyncadd.s32 $0xFFFFF800  }
0x176: {  	_ =	swait.ge [sflag:s18], $0x800  }
0x177: {  	[sflag:s18] =	ssyncset.done $0x0  }
0x178: {  	[sflag:s18] =	ssyncadd.s32 $0xFFFFF800  }
0x179: {  	_ =	swait.ge [sflag:s18], $0x800  }
0x17a: {  	[sflag:s18] =	ssyncset.done $0x0  }
0x17b: {  	[sflag:s18] =	ssyncadd.s32 $0xFFFFF800  }
0x17c: {  	_ =	swait.ge [sflag:s18], $0x800  }
0x17d: {  	s6 =	sadd.s32 $0x2C00, s14;
	[sflag:s18] =	ssyncset.done $0x0  }
0x17e: {  	[sflag:s18] =	ssyncadd.s32 $0xFFFFF800  }
0x17f: {  	[spmem:s3] =	stream.indirect.scatter.add.f32 [tilespmem:s23], [sflag:$0x4], $0x10, s6, s20, $0xb8;
	[tilespmem:$0x14720] =	vst v63  }
0x180: {  	s7 =	sadd.s32 $0x2D00, s14;
	s6 =	sadd.s32 $0x2C80, s14  }
0x181: {  	[spmem:s3] =	stream.indirect.scatter.add.f32 [tilespmem:s25], [sflag:$0x4], $0x10, s6, s20, $0xb8;
	[tilespmem:$0x14720] =	vst v63  }
0x182: {  	_ = 	snop  }
0x183: {  	[spmem:s3] =	stream.indirect.scatter.add.f32 [tilespmem:s28], [sflag:$0x4], $0x10, s7, s20, $0xb8;
	[tilespmem:$0x14720] =	vst v63  }
0x184: {  	s6 =	sadd.s32 $0x2D80, s14  }
0x185: {  	[spmem:s3] =	stream.indirect.scatter.add.f32 [tilespmem:s30], [sflag:$0x4], $0x10, s6, s20, $0xb8;
	[tilespmem:$0x14720] =	vst v63  }
0x186: {  	s6 =	sadd.s32 $0x2E00, s14  }
0x187: {  	[spmem:s3] =	stream.indirect.scatter.add.f32 [tilespmem:s0], [sflag:$0x4], $0x10, s6, s20, $0xb8;
	[tilespmem:$0x14720] =	vst v63  }
.Ltmp1:
0x188: {  	_ = 	snop;
	(pc) =	sbr.rel @p1 .LBB2_4-.Ltmp1, $4  }
0x189: {  	s6 =	sadd.s32 $0x2E80, s14  }
0x18a: {  	[spmem:s3] =	stream.indirect.scatter.add.f32 [tilespmem:s13], [sflag:$0x4], $0x10, s6, s20, $0xb8;
	[tilespmem:$0x14720] =	vst v63  }
0x18b: {  	s6 =	sadd.s32 $0x2F00, s14  }
0x18c: {  	[spmem:s3] =	stream.indirect.scatter.add.f32 [tilespmem:s4], [sflag:$0x4], $0x10, s6, s20, $0xb8;
	[tilespmem:$0x14720] =	vst v63  }
0x18d: {  	s6 =	simm.s32 @!p0 $0x4  }
0x18e: {  	[spmem:s3] =	stream.indirect.scatter.add.f32 [tilespmem:s5], [sflag:$0x4], $0x10, s12, s20, $0xb8;
	[tilespmem:$0x14720] =	vst v63  }
0x18f: {  	_ =	swait.ge @!p0 [sflag:s6], $0x800  }
0x190: {  	[sflag:s6] =	ssyncset.done @!p0 $0x0  }
0x191: {  	[sflag:s6] =	ssyncadd.s32 @!p0 $0xFFFFF800  }
0x192: {  	_ =	swait.ge @!p0 [sflag:s6], $0x800  }
0x193: {  	[sflag:s6] =	ssyncset.done @!p0 $0x0  }
0x194: {  	[sflag:s6] =	ssyncadd.s32 @!p0 $0xFFFFF800  }
0x195: {  	_ =	swait.ge @!p0 [sflag:s6], $0x800  }
0x196: {  	[sflag:s6] =	ssyncset.done @!p0 $0x0  }
0x197: {  	[sflag:s6] =	ssyncadd.s32 @!p0 $0xFFFFF800  }
0x198: {  	_ =	swait.ge @!p0 [sflag:s6], $0x800  }
0x199: {  	[sflag:s6] =	ssyncset.done @!p0 $0x0  }
0x19a: {  	[sflag:s6] =	ssyncadd.s32 @!p0 $0xFFFFF800  }
0x19b: {  	_ =	swait.ge @!p0 [sflag:s6], $0x800  }
0x19c: {  	[sflag:s6] =	ssyncset.done @!p0 $0x0  }
0x19d: {  	[sflag:s6] =	ssyncadd.s32 @!p0 $0xFFFFF800  }
0x19e: {  	_ =	swait.ge @!p0 [sflag:s6], $0x800  }
0x19f: {  	[sflag:s6] =	ssyncset.done @!p0 $0x0  }
0x1a0: {  	[sflag:s6] =	ssyncadd.s32 @!p0 $0xFFFFF800  }
0x1a1: {  	_ =	swait.ge @!p0 [sflag:s6], $0x800  }
0x1a2: {  	[sflag:s6] =	ssyncset.done @!p0 $0x0  }
0x1a3: {  	[sflag:s6] =	ssyncadd.s32 @!p0 $0xFFFFF800  }
0x1a4: {  	_ =	swait.ge @!p0 [sflag:s6], $0x800  }
0x1a5: {  	s8 =	sshra.s32 s9, $0x2;
	[sflag:s6] =	ssyncset.done @!p0 $0x0  }
0x1a6: {  	s12 =	sadd.s32 $0x400, s8;
	[sflag:s6] =	ssyncadd.s32 @!p0 $0xFFFFF800  }
0x1a7: {  	[tilespmem:s23], [sflag:$0x2] =	stream.indirect.gather [spmem:s2], $0x10, s12, s20, $0xb8;
	[tilespmem:$0x14720] =	vst v63  }
0x1a8: {  	s14 =	sadd.s32 $0x480, s8  }
0x1a9: {  	[tilespmem:s25], [sflag:$0x2] =	stream.indirect.gather [spmem:s2], $0x10, s14, s20, $0xb8;
	[tilespmem:$0x14720] =	vst v63  }
0x1aa: {  	s16 =	sadd.s32 $0x500, s8  }
0x1ab: {  	[tilespmem:s28], [sflag:$0x2] =	stream.indirect.gather [spmem:s2], $0x10, s16, s20, $0xb8;
	[tilespmem:$0x14720] =	vst v63  }
0x1ac: {  	s7 =	sadd.s32 $0x580, s8  }
0x1ad: {  	[tilespmem:s30], [sflag:$0x2] =	stream.indirect.gather [spmem:s2], $0x10, s7, s20, $0xb8;
	[tilespmem:$0x14720] =	vst v63  }
0x1ae: {  	s10 =	sadd.s32 $0x600, s8  }
0x1af: {  	[tilespmem:s0], [sflag:$0x2] =	stream.indirect.gather [spmem:s2], $0x10, s10, s20, $0xb8;
	[tilespmem:$0x14720] =	vst v63  }
0x1b0: {  	s11 =	sadd.s32 $0x680, s8  }
0x1b1: {  	[tilespmem:s13], [sflag:$0x2] =	stream.indirect.gather [spmem:s2], $0x10, s11, s20, $0xb8;
	[tilespmem:$0x14720] =	vst v63  }
0x1b2: {  	s12 =	sadd.s32 $0x700, s8  }
0x1b3: {  	[tilespmem:s4], [sflag:$0x2] =	stream.indirect.gather [spmem:s2], $0x10, s12, s20, $0xb8;
	[tilespmem:$0x14720] =	vst v63  }
0x1b4: {  	s14 =	sadd.s32 $0x780, s8  }
0x1b5: {  	[tilespmem:s5], [sflag:$0x2] =	stream.indirect.gather [spmem:s2], $0x10, s14, s20, $0xb8;
	[tilespmem:$0x14720] =	vst v63  }
0x1b6: {  	_ =	swait.ge [sflag:s17], $0x800  }
0x1b7: {  	[sflag:s17] =	ssyncset.done $0x0  }
0x1b8: {  	[sflag:s17] =	ssyncadd.s32 $0xFFFFF800  }
0x1b9: {  	_ =	swait.ge [sflag:s17], $0x800  }
0x1ba: {  	[sflag:s17] =	ssyncset.done $0x0  }
0x1bb: {  	[sflag:s17] =	ssyncadd.s32 $0xFFFFF800  }
0x1bc: {  	_ =	swait.ge [sflag:s17], $0x800  }
0x1bd: {  	[sflag:s17] =	ssyncset.done $0x0  }
0x1be: {  	[sflag:s17] =	ssyncadd.s32 $0xFFFFF800  }
0x1bf: {  	_ =	swait.ge [sflag:s17], $0x800  }
0x1c0: {  	[sflag:s17] =	ssyncset.done $0x0  }
0x1c1: {  	[sflag:s17] =	ssyncadd.s32 $0xFFFFF800  }
0x1c2: {  	_ =	swait.ge [sflag:s17], $0x800  }
0x1c3: {  	[sflag:s17] =	ssyncset.done $0x0  }
0x1c4: {  	[sflag:s17] =	ssyncadd.s32 $0xFFFFF800  }
0x1c5: {  	_ =	swait.ge [sflag:s17], $0x800  }
0x1c6: {  	[sflag:s17] =	ssyncset.done $0x0  }
0x1c7: {  	[sflag:s17] =	ssyncadd.s32 $0xFFFFF800  }
0x1c8: {  	_ =	swait.ge [sflag:s17], $0x800  }
0x1c9: {  	[sflag:s17] =	ssyncset.done $0x0  }
0x1ca: {  	[sflag:s17] =	ssyncadd.s32 $0xFFFFF800  }
0x1cb: {  	_ =	swait.ge [sflag:s17], $0x800  }
0x1cc: {  	[sflag:s17] =	ssyncset.done $0x0  }
0x1cd: {  	s16 =	sadd.s32 $0x2800, s8;
	[sflag:s17] =	ssyncadd.s32 $0xFFFFF800  }
0x1ce: {  	[spmem:s3] =	stream.indirect.scatter.add.f32 [tilespmem:s21], [sflag:$0x3], $0x10, s16, s20, $0xb8;
	[tilespmem:$0x14720] =	vst v63  }
0x1cf: {  	s7 =	sadd.s32 $0x2880, s8  }
0x1d0: {  	[spmem:s3] =	stream.indirect.scatter.add.f32 [tilespmem:s22], [sflag:$0x3], $0x10, s7, s20, $0xb8;
	[tilespmem:$0x14720] =	vst v63  }
0x1d1: {  	s10 =	sadd.s32 $0x2900, s8  }
0x1d2: {  	[spmem:s3] =	stream.indirect.scatter.add.f32 [tilespmem:s24], [sflag:$0x3], $0x10, s10, s20, $0xb8;
	[tilespmem:$0x14720] =	vst v63  }
0x1d3: {  	s11 =	sadd.s32 $0x2980, s8  }
0x1d4: {  	[spmem:s3] =	stream.indirect.scatter.add.f32 [tilespmem:s26], [sflag:$0x3], $0x10, s11, s20, $0xb8;
	[tilespmem:$0x14720] =	vst v63  }
0x1d5: {  	s12 =	sadd.s32 $0x2A00, s8  }
0x1d6: {  	[spmem:s3] =	stream.indirect.scatter.add.f32 [tilespmem:s29], [sflag:$0x3], $0x10, s12, s20, $0xb8;
	[tilespmem:$0x14720] =	vst v63  }
0x1d7: {  	s14 =	sadd.s32 $0x2A80, s8  }
0x1d8: {  	[spmem:s3] =	stream.indirect.scatter.add.f32 [tilespmem:s31], [sflag:$0x3], $0x10, s14, s20, $0xb8;
	[tilespmem:$0x14720] =	vst v63  }
0x1d9: {  	s16 =	sadd.s32 $0x2B00, s8  }
0x1da: {  	[spmem:s3] =	stream.indirect.scatter.add.f32 [tilespmem:s1], [sflag:$0x3], $0x10, s16, s20, $0xb8;
	[tilespmem:$0x14720] =	vst v63  }
0x1db: {  	s7 =	sadd.s32 $0x2B80, s8  }
0x1dc: {  	[spmem:s3] =	stream.indirect.scatter.add.f32 [tilespmem:s15], [sflag:$0x3], $0x10, s7, s20, $0xb8;
	[tilespmem:$0x14720] =	vst v63  }
0x1dd: {  	_ =	swait.ge [sflag:s19], $0x800  }
0x1de: {  	[sflag:s19] =	ssyncset.done $0x0  }
0x1df: {  	[sflag:s19] =	ssyncadd.s32 $0xFFFFF800  }
0x1e0: {  	_ =	swait.ge [sflag:s19], $0x800  }
0x1e1: {  	[sflag:s19] =	ssyncset.done $0x0  }
0x1e2: {  	[sflag:s19] =	ssyncadd.s32 $0xFFFFF800  }
0x1e3: {  	_ =	swait.ge [sflag:s19], $0x800  }
0x1e4: {  	[sflag:s19] =	ssyncset.done $0x0  }
0x1e5: {  	[sflag:s19] =	ssyncadd.s32 $0xFFFFF800  }
0x1e6: {  	_ =	swait.ge [sflag:s19], $0x800  }
0x1e7: {  	[sflag:s19] =	ssyncset.done $0x0  }
0x1e8: {  	[sflag:s19] =	ssyncadd.s32 $0xFFFFF800  }
0x1e9: {  	_ =	swait.ge [sflag:s19], $0x800  }
0x1ea: {  	[sflag:s19] =	ssyncset.done $0x0  }
0x1eb: {  	[sflag:s19] =	ssyncadd.s32 $0xFFFFF800  }
0x1ec: {  	_ =	swait.ge [sflag:s19], $0x800  }
0x1ed: {  	[sflag:s19] =	ssyncset.done $0x0  }
0x1ee: {  	[sflag:s19] =	ssyncadd.s32 $0xFFFFF800  }
0x1ef: {  	_ =	swait.ge [sflag:s19], $0x800  }
0x1f0: {  	[sflag:s19] =	ssyncset.done $0x0  }
0x1f1: {  	[sflag:s19] =	ssyncadd.s32 $0xFFFFF800  }
0x1f2: {  	p0 =	seq.s32 s9, $0x8000;
	_ =	swait.ge [sflag:s19], $0x800  }
0x1f3: {  	s6 =	sshra.s32 @!p0 s9, $0x2;
	s9 =	simm.s32 @!p0 $0x5000;
	[sflag:s19] =	ssyncset.done $0x0  }
0x1f4: {  	s10 =	sadd.s32 @!p0 $0x800, s6;
	s7 =	simm.s32 @!p0 $0x80;
	[sflag:s19] =	ssyncadd.s32 $0xFFFFF800  }
0x1f5: {  	[tilespmem:s9], [sflag:$0x1] =	stream.indirect.gather @!p0 [spmem:s2], $0x10, s10, s7, $0xb8;
	[tilespmem:$0x14720] =	vst v63  }
0x1f6: {  	s9 =	sadd.s32 @!p0 $0x880, s6;
	s10 =	simm.s32 @!p0 $0x5800  }
0x1f7: {  	[tilespmem:s10], [sflag:$0x1] =	stream.indirect.gather @!p0 [spmem:s2], $0x10, s9, s7, $0xb8;
	[tilespmem:$0x14720] =	vst v63  }
0x1f8: {  	s9 =	sadd.s32 @!p0 $0x900, s6;
	s10 =	simm.s32 @!p0 $0x6000  }
0x1f9: {  	[tilespmem:s10], [sflag:$0x1] =	stream.indirect.gather @!p0 [spmem:s2], $0x10, s9, s7, $0xb8;
	[tilespmem:$0x14720] =	vst v63  }
0x1fa: {  	s9 =	sadd.s32 @!p0 $0x980, s6;
	s10 =	simm.s32 @!p0 $0x6800  }
0x1fb: {  	[tilespmem:s10], [sflag:$0x1] =	stream.indirect.gather @!p0 [spmem:s2], $0x10, s9, s7, $0xb8;
	[tilespmem:$0x14720] =	vst v63  }
0x1fc: {  	s9 =	sadd.s32 @!p0 $0xA00, s6;
	s10 =	simm.s32 @!p0 $0x7000  }
0x1fd: {  	[tilespmem:s10], [sflag:$0x1] =	stream.indirect.gather @!p0 [spmem:s2], $0x10, s9, s7, $0xb8;
	[tilespmem:$0x14720] =	vst v63  }
0x1fe: {  	s9 =	sadd.s32 @!p0 $0xA80, s6;
	s10 =	simm.s32 @!p0 $0x7800  }
0x1ff: {  	[tilespmem:s10], [sflag:$0x1] =	stream.indirect.gather @!p0 [spmem:s2], $0x10, s9, s7, $0xb8;
	[tilespmem:$0x14720] =	vst v63  }
0x200: {  	s9 =	sadd.s32 @!p0 $0xB00, s6;
	s10 =	simm.s32 @!p0 $0x8000  }
0x201: {  	[tilespmem:s10], [sflag:$0x1] =	stream.indirect.gather @!p0 [spmem:s2], $0x10, s9, s7, $0xb8;
	[tilespmem:$0x14720] =	vst v63  }
0x202: {  	s6 =	sadd.s32 @!p0 $0xB80, s6;
	s9 =	simm.s32 @!p0 $0x8800  }
0x203: {  	[tilespmem:s9], [sflag:$0x1] =	stream.indirect.gather @!p0 [spmem:s2], $0x10, s6, s7, $0xb8;
	[tilespmem:$0x14720] =	vst v63  }
0x204: {  	_ =	swait.ge [sflag:s18], $0x800  }
0x205: {  	[sflag:s18] =	ssyncset.done $0x0  }
0x206: {  	[sflag:s18] =	ssyncadd.s32 $0xFFFFF800  }
0x207: {  	_ =	swait.ge [sflag:s18], $0x800  }
0x208: {  	[sflag:s18] =	ssyncset.done $0x0  }
0x209: {  	[sflag:s18] =	ssyncadd.s32 $0xFFFFF800  }
0x20a: {  	_ =	swait.ge [sflag:s18], $0x800  }
0x20b: {  	[sflag:s18] =	ssyncset.done $0x0  }
0x20c: {  	[sflag:s18] =	ssyncadd.s32 $0xFFFFF800  }
0x20d: {  	_ =	swait.ge [sflag:s18], $0x800  }
0x20e: {  	[sflag:s18] =	ssyncset.done $0x0  }
0x20f: {  	[sflag:s18] =	ssyncadd.s32 $0xFFFFF800  }
0x210: {  	_ =	swait.ge [sflag:s18], $0x800  }
0x211: {  	[sflag:s18] =	ssyncset.done $0x0  }
0x212: {  	[sflag:s18] =	ssyncadd.s32 $0xFFFFF800  }
0x213: {  	_ =	swait.ge [sflag:s18], $0x800  }
0x214: {  	[sflag:s18] =	ssyncset.done $0x0  }
0x215: {  	[sflag:s18] =	ssyncadd.s32 $0xFFFFF800  }
0x216: {  	_ =	swait.ge [sflag:s18], $0x800  }
0x217: {  	[sflag:s18] =	ssyncset.done $0x0  }
0x218: {  	[sflag:s18] =	ssyncadd.s32 $0xFFFFF800  }
0x219: {  	_ =	swait.ge [sflag:s18], $0x800  }
0x21a: {  	[sflag:s18] =	ssyncset.done $0x0  }
0x21b: {  	s9 =	sadd.s32 $0x2C00, s8;
	[sflag:s18] =	ssyncadd.s32 $0xFFFFF800  }
0x21c: {  	[spmem:s3] =	stream.indirect.scatter.add.f32 [tilespmem:s23], [sflag:$0x4], $0x10, s9, s20, $0xb8;
	[tilespmem:$0x14720] =	vst v63  }
0x21d: {  	s10 =	sadd.s32 $0x2C80, s8  }
0x21e: {  	[spmem:s3] =	stream.indirect.scatter.add.f32 [tilespmem:s25], [sflag:$0x4], $0x10, s10, s20, $0xb8;
	[tilespmem:$0x14720] =	vst v63  }
0x21f: {  	s11 =	sadd.s32 $0x2D00, s8  }
0x220: {  	[spmem:s3] =	stream.indirect.scatter.add.f32 [tilespmem:s28], [sflag:$0x4], $0x10, s11, s20, $0xb8;
	[tilespmem:$0x14720] =	vst v63  }
0x221: {  	s12 =	sadd.s32 $0x2D80, s8  }
0x222: {  	[spmem:s3] =	stream.indirect.scatter.add.f32 [tilespmem:s30], [sflag:$0x4], $0x10, s12, s20, $0xb8;
	[tilespmem:$0x14720] =	vst v63  }
0x223: {  	s14 =	sadd.s32 $0x2E00, s8  }
0x224: {  	[spmem:s3] =	stream.indirect.scatter.add.f32 [tilespmem:s0], [sflag:$0x4], $0x10, s14, s20, $0xb8;
	[tilespmem:$0x14720] =	vst v63  }
0x225: {  	s16 =	sadd.s32 $0x2E80, s8  }
0x226: {  	[spmem:s3] =	stream.indirect.scatter.add.f32 [tilespmem:s13], [sflag:$0x4], $0x10, s16, s20, $0xb8;
	[tilespmem:$0x14720] =	vst v63  }
0x227: {  	s7 =	sadd.s32 $0x2F00, s8  }
0x228: {  	[spmem:s3] =	stream.indirect.scatter.add.f32 [tilespmem:s4], [sflag:$0x4], $0x10, s7, s20, $0xb8;
	[tilespmem:$0x14720] =	vst v63  }
0x229: {  	s8 =	sadd.s32 $0x2F80, s8;
	s9 =	simm.s32 $0x4  }
0x22a: {  	[spmem:s3] =	stream.indirect.scatter.add.f32 [tilespmem:s5], [sflag:$0x4], $0x10, s8, s20, $0xb8;
	[tilespmem:$0x14720] =	vst v63  }
0x22b: {  	_ =	swait.ge [sflag:s9], $0x800  }
0x22c: {  	[sflag:s9] =	ssyncset.done $0x0  }
0x22d: {  	[sflag:s9] =	ssyncadd.s32 $0xFFFFF800  }
0x22e: {  	_ =	swait.ge [sflag:s9], $0x800  }
0x22f: {  	[sflag:s9] =	ssyncset.done $0x0  }
0x230: {  	[sflag:s9] =	ssyncadd.s32 $0xFFFFF800  }
0x231: {  	_ =	swait.ge [sflag:s9], $0x800  }
0x232: {  	[sflag:s9] =	ssyncset.done $0x0  }
0x233: {  	[sflag:s9] =	ssyncadd.s32 $0xFFFFF800  }
0x234: {  	_ =	swait.ge [sflag:s9], $0x800  }
0x235: {  	[sflag:s9] =	ssyncset.done $0x0  }
0x236: {  	[sflag:s9] =	ssyncadd.s32 $0xFFFFF800  }
0x237: {  	_ =	swait.ge [sflag:s9], $0x800  }
0x238: {  	[sflag:s9] =	ssyncset.done $0x0  }
0x239: {  	[sflag:s9] =	ssyncadd.s32 $0xFFFFF800  }
0x23a: {  	_ =	swait.ge [sflag:s9], $0x800  }
0x23b: {  	[sflag:s9] =	ssyncset.done $0x0  }
0x23c: {  	[sflag:s9] =	ssyncadd.s32 $0xFFFFF800  }
0x23d: {  	_ =	swait.ge [sflag:s9], $0x800  }
0x23e: {  	[sflag:s9] =	ssyncset.done $0x0  }
0x23f: {  	[sflag:s9] =	ssyncadd.s32 $0xFFFFF800  }
0x240: {  	_ =	swait.ge [sflag:s9], $0x800  }
0x241: {  	[sflag:s9] =	ssyncset.done $0x0  }
0x242: {  	[sflag:s9] =	ssyncadd.s32 $0xFFFFF800  }
0x243: {  	[bflag:$0x0] =	sbarrier.arrive $0xFFFF  }
0x244: {  	s10 =	rddreg [dreg:$0x8]  }
0x245: {  	s6 =	sor.u32 $0x1C01, s10;
	s10 =	rddreg [dreg:$0xa]  }
0x246: {  	s12 =	rddreg [dreg:$0xb];
	s11 =	sshrl.u32 s10, $0x3  }
0x247: {  	[hbm:s12], [sflag:s6] =	dma.local [spmem:s11], $0x500  }
0x248: {  	_ =	swait.ge [sflag:s17], $0x500  }
0x249: {  	s14 =	rddreg [dreg:$0xe]  }
0x24a: {  	s16 =	rddreg [dreg:$0xc];
	s7 =	sadd.s32 $0x1, s14  }
0x24b: {  	p0 =	sne.s32 s7, s16  }
.Ltmp2:
0x24c: {  	_ = 	snop;
	(pc) =	sbr.rel @p0 .LBB2_1-.Ltmp2, $3  }
0x24d: {  	_ =	sdelay $0x1  }
0x24e: {  	[sflag:s17] =	ssyncset.done $0x0  }
0x24f: {  	[sflag:s17] =	ssyncadd.s32 $0xFFFFFB00  }
0x250: {  	_ =	sfence.sel $0x180000  }
0x251: {  	[bflag:$0x0] =	sbarrier.arrive $0xFFFF  }
0x252: {  	_ =	strace $0x9000004A  }
0x253: {  	s0 =	stileid.u32;
	[bflag:$0x2] =	sbarrier.arrive $0xFFFF  }
0x254: {  	p0 =	sne.s32 s0, $0x0;
	s0 =	rddreg [dreg:$0x4]  }
0x255: {  	s0 =	sadd.s32 @!p0 $0x100000, s0  }
0x256: {  	[sflag:s0] =	ssyncadd.tile.s32 @!p0 $0x1;
	_ =	shalt  }
.Lfunc_end2:
_tile_overlayer_lowered:
.L_overlay_start_2:
0x257: {  	(tag) =	ssettag $0x2  }
0x258: {  	s0 =	rddreg [dreg:$0x0];
	s2 =	stileid.u32  }
0x259: {  	s1 =	rddreg [dreg:$0x1];
	p0 =	sne.s32 s2, $0x0  }
0x25a: {  	s3 =	rddreg [dreg:$0x2];
	[bflag:$0x3] =	sbarrier.arrive $0xFFFF;
	s2 =	simm.s32 @!p0 $0x1C05  }
0x25b: {  	[timem:s3], [sflag:s2] =	dma.local @!p0 [hbm:s0], s1  }
0x25c: {  	s0 =	simm.s32 @!p0 $0x5  }
0x25d: {  	_ =	swait.ge @!p0 [sflag:s0], s1  }
0x25e: {  	s1 =	ssub.s32 @!p0 $0x0, s1;
	[sflag:s0] =	ssyncset.done @!p0 $0x0  }
0x25f: {  	[sflag:s0] =	ssyncadd.s32 @!p0 s1  }
0x260: {  	[bflag:$0x3] =	sbarrier.arrive $0xFFFF  }
0x261: {  	_ =	shalt  }

// kernel: kernel.7.cloned.1.call-start
scs
__scs_entry_jumppad:
0x0: {  	(pc) =	sbr.rel $0x88, $3  }
0x1: {  	(tag) =	ssettag $0x0;
	lr =	simm.s32 $0x1  }
0x2: {  	[smem:$0x3F99] =	sst lr;
	_ =	strace $0xD0000000  }
0x3: {  	_ = 	snop  }
0x4: {  	_ = 	snop  }
0x5: {  	_ = 	snop  }
0x6: {  	_ = 	snop  }
0x7: {  	_ = 	snop  }
__scs_overlays_trampoline_lowered:
0x8: {  	[smem:$0x3FA8] =	sst s0  }
0x9: {  	[smem:$0x3FA9] =	sst s1  }
0xa: {  	[smem:$0x3FAA] =	sst s2  }
0xb: {  	[smem:$0x3FAB] =	sst s3  }
0xc: {  	[smem:$0x3FAC] =	sst s4  }
0xd: {  	[smem:$0x3FAD] =	sst s5  }
0xe: {  	[smem:$0x3FAE] =	sst s6  }
0xf: {  	[smem:$0x3FAF] =	sst s7  }
0x10: {  	[smem:$0x3FB0] =	sst s8  }
0x11: {  	[smem:$0x3FB1] =	sst s9;
	s0 =	simm.s32 @!p0 $0x0  }
0x12: {  	s1 =	sld [smem:$0x3F97];
	s0 =	simm.s32 @p0 $0x1  }
0x13: {  	[smem:$0x3FB2] =	sst s0;
	s0 =	simm.s32 @!p1 $0x0  }
0x14: {  	s2 =	sld [smem:$0x3F96];
	s0 =	simm.s32 @p1 $0x1  }
0x15: {  	[smem:$0x3FB3] =	sst s0;
	s0 =	simm.s32 @!p2 $0x0  }
0x16: {  	s3 =	sld [smem:$0x3FDB];
	s0 =	simm.s32 @p2 $0x1  }
0x17: {  	s4 =	simm.s32 $0x1BF5;
	[smem:$0x3FB5] =	sst s0  }
0x18: {  	s0 =	sld [smem:$0x3F98];
	_ =	swait.ge [sflag:s4], $0x0  }
0x19: {  	s7 =	sld [smem:$0x3F99]  }
0x1a: {  	s8 =	sadd.s32 $0xFFFFE003, lr  }
0x1b: {  	s9 =	sadd.s32 $0xFFFFFEF7, lr;
	s5 =	simm.s32 $0xFFFFFFFF;
	p2 =	slt.u32 s8, $0xFFFFF086  }
0x1c: {  	p1 =	slt.u32 s9, $0xF7A;
	s5 =	simm.s32 @!p2 $0x0  }
0x1d: {  	s5 =	simm.s32 @p1 $0x1;
	p0 =	seq.s32 s7, s2  }
0x1e: {  	s7 =	smul.u32 @!p0 $0xF7A, s2;
	p2 =	seq.s32 @!p0 s5, $0x0  }
0x1f: {  	s9 =	smul.u32 $0xF7A, s1;
	s8 =	simm.s32 @!p0 $0x1BF5;
	p2 =	por !p2, p0  }
0x20: {  	[sflag:s8] =	ssyncset.s32 @!p0 $0xFFFFF086;
	s6 =	sadd.s32 @!p0 s3, s7;
	s7 =	simm.s32 @!p0 $0x108  }
0x21: {  	s3 =	sadd.s32 s3, s9;
	s6 =	sadd.s32 @!p0 $0x88, s6;
	s7 =	simm.s32 @p2 $0x1082  }
0x22: {  	[simem:s7], [sflag:s8] =	dma.local @!p0 [hbm:s6], $0xF7A  }
0x23: {  	s9 =	sor.u32 $0xD0000000, s2;
	s6 =	simm.s32 $0x108;
	_ =	swait.ge @!p0 [sflag:s8], $0x0  }
0x24: {  	s3 =	sadd.s32 $0x88, s3;
	s6 =	simm.s32 @!p1 $0x1082;
	[sflag:s4] =	ssyncset.s32 $0xFFFFF086  }
0x25: {  	[simem:s6], [sflag:s4] =	dma.local [hbm:s3], $0xF7A  }
0x26: {  	[smem:$0x3F99] =	sst s1;
	(tag) =	ssettag s2;
	_ =	strace s9  }
0x27: {  	s1 =	sld [smem:$0x3FA9]  }
0x28: {  	s2 =	sld [smem:$0x3FAA]  }
0x29: {  	s4 =	sld [smem:$0x3FAC]  }
0x2a: {  	p0 =	seq.s32 s5, $0x0;
	s5 =	sld [smem:$0x3FAD]  }
0x2b: {  	s6 =	sld [smem:$0x3FAE]  }
0x2c: {  	s7 =	sld [smem:$0x3FAF]  }
0x2d: {  	s3 =	simm.s32 $0x108;
	s8 =	sld [smem:$0x3FB0]  }
0x2e: {  	s3 =	simm.s32 @!p0 $0x1082;
	s9 =	sld [smem:$0x3FB1]  }
0x2f: {  	lr =	sadd.s32 s0, s3;
	s0 =	sld [smem:$0x3FA8]  }
0x30: {  	s3 =	sld [smem:$0x3FAB]  }
0x31: {  	[smem:$0x3FB4] =	sst s10  }
0x32: {  	s10 =	sld [smem:$0x3FB2];
	_ =	sdelay $0x3  }
0x33: {  	p0 =	seq.s32 s10, $0x1;
	s10 =	sld [smem:$0x3FB4];
	_ =	sdelay $0x3  }
0x34: {  	[smem:$0x3FB4] =	sst s10  }
0x35: {  	s10 =	sld [smem:$0x3FB3];
	_ =	sdelay $0x3  }
0x36: {  	p1 =	seq.s32 s10, $0x1;
	s10 =	sld [smem:$0x3FB4];
	_ =	sdelay $0x3  }
0x37: {  	[smem:$0x3FB4] =	sst s10  }
0x38: {  	s10 =	sld [smem:$0x3FB5]  }
0x39: {  	_ = 	snop;
	(pc) =	sbr.ind lr, $3  }
0x3a: {  	_ = 	snop  }
0x3b: {  	_ = 	snop  }
0x3c: {  	p2 =	seq.s32 s10, $0x1;
	s10 =	sld [smem:$0x3FB4]  }
0x3d: {  	_ =	shalt  }
0x3e: {  	_ =	shalt  }
0x3f: {  	_ =	shalt  }
0x40: {  	_ =	shalt  }
0x41: {  	_ =	shalt  }
0x42: {  	_ =	shalt  }
0x43: {  	_ =	shalt  }
0x44: {  	_ =	shalt  }
0x45: {  	_ =	shalt  }
0x46: {  	_ =	shalt  }
0x47: {  	_ =	shalt  }
0x48: {  	_ =	shalt  }
0x49: {  	_ =	shalt  }
0x4a: {  	_ =	shalt  }
0x4b: {  	_ =	shalt  }
0x4c: {  	_ =	shalt  }
0x4d: {  	_ =	shalt  }
0x4e: {  	_ =	shalt  }
0x4f: {  	_ =	shalt  }
0x50: {  	_ =	shalt  }
0x51: {  	_ =	shalt  }
0x52: {  	_ =	shalt  }
0x53: {  	_ =	shalt  }
0x54: {  	_ =	shalt  }
0x55: {  	_ =	shalt  }
0x56: {  	_ =	shalt  }
0x57: {  	_ =	shalt  }
0x58: {  	_ =	shalt  }
0x59: {  	_ =	shalt  }
0x5a: {  	_ =	shalt  }
0x5b: {  	_ =	shalt  }
0x5c: {  	_ =	shalt  }
0x5d: {  	_ =	shalt  }
0x5e: {  	_ =	shalt  }
0x5f: {  	_ =	shalt  }
0x60: {  	_ =	shalt  }
0x61: {  	_ =	shalt  }
0x62: {  	_ =	shalt  }
0x63: {  	_ =	shalt  }
0x64: {  	_ =	shalt  }
0x65: {  	_ =	shalt  }
0x66: {  	_ =	shalt  }
0x67: {  	_ =	shalt  }
0x68: {  	_ =	shalt  }
0x69: {  	_ =	shalt  }
0x6a: {  	_ =	shalt  }
0x6b: {  	_ =	shalt  }
0x6c: {  	_ =	shalt  }
0x6d: {  	_ =	shalt  }
0x6e: {  	_ =	shalt  }
0x6f: {  	_ =	shalt  }
0x70: {  	_ =	shalt  }
0x71: {  	_ =	shalt  }
0x72: {  	_ =	shalt  }
0x73: {  	_ =	shalt  }
0x74: {  	_ =	shalt  }
0x75: {  	_ =	shalt  }
0x76: {  	_ =	shalt  }
0x77: {  	_ =	shalt  }
0x78: {  	_ =	shalt  }
0x79: {  	_ =	shalt  }
0x7a: {  	_ =	shalt  }
0x7b: {  	_ =	shalt  }
0x7c: {  	_ =	shalt  }
0x7d: {  	_ =	shalt  }
0x7e: {  	_ =	shalt  }
0x7f: {  	_ =	shalt  }
0x80: {  	_ =	shalt  }
0x81: {  	_ =	shalt  }
0x82: {  	_ =	shalt  }
0x83: {  	_ =	shalt  }
0x84: {  	_ =	shalt  }
0x85: {  	_ =	shalt  }
0x86: {  	_ =	shalt  }
0x87: {  	_ =	shalt  }
.Lfunc_end0:
.L_simem_size_0:
called_computation_lowered:
.L_overlay_start_0:
0x88: {  	s2 =	sld [smem:$0x3FD9]  }
0x89: {  	s3 =	sld [smem:$0x3FFE];
	_ =	sdelay $0x1  }
0x8a: {  	s1 =	srdreg.scid  }
0x8b: {  	s0 =	sand.u32 $0x1, s1  }
0x8c: {  	s17 =	sshll.u32 s0, $0xA;
	s2 =	sadd.s32 s3, s2  }
0x8d: {  	s2 =	sadd.s32 s2, s17  }
0x8e: {  	[smem:$0x3FC0] =	sst s2  }
0x8f: {  	_ = 	snop  }
0x90: {  	s2 =	sld [smem:$0x3FD0];
	(tm) =	ssettm $0x1  }
0x91: {  	s18 =	sld [smem:$0x3FFB];
	_ =	sdelay $0x3  }
0x92: {  	_ =	strace s18  }
0x93: {  	s3 =	sld [smem:$0x3FFC];
	_ =	sdelay $0x3  }
0x94: {  	_ =	strace s3  }
0x95: {  	s3 =	sld [smem:$0x3FFD];
	_ =	sdelay $0x3  }
0x96: {  	_ =	strace s3  }
0x97: {  	_ =	strace $0x8FFFFFFF  }
0x98: {  	s19 =	sld [smem:$0x3FDB];
	_ =	sdelay $0x1  }
0x99: {  	s4 =	simm.s32 $_scs_section_size  }
0x9a: {  	s5 =	simm.s32 $_size__tile_overlayer_lowered;
	s6 =	simm.s32 $_tile_overlayer_lowered  }
0x9b: {  	s22 =	simm.s32 $0x1BFF;
	s21 =	sshll.u32 s6, $0x1;
	s3 =	sadd.s32 s4, s19  }
0x9c: {  	s7 =	simm.s32 $0x0;
	s20 =	sshll.u32 s5, $0x1;
	s5 =	sadd.s32 s21, s3  }
0x9d: {  	[timem:s7], [sflag:s22] =	dma.local [hbm:s5], s20  }
0x9e: {  	_ =	swait.ge [sflag:s22], s20  }
0x9f: {  	s4 =	ssub.s32 $0x0, s20;
	[sflag:s22] =	ssyncset.done $0x0  }
0xa0: {  	[sflag:s22] =	ssyncadd.s32 s4;
	_ =	sdelay $0x1  }
0xa1: {  	s23 =	simm.s32 $0x1B8B  }
0xa2: {  	_ =	swait.ge [sflag:s23], $0x1  }
0xa3: {  	[sflag:s23] =	ssyncset.done $0x0  }
0xa4: {  	s25 =	simm.s32 $0x1B8E;
	s24 =	sld [smem:$0x3FFE];
	[sflag:s23] =	ssyncadd.s32 $0xFFFFFFFF  }
0xa5: {  	s26 =	simm.s32 $execute0_lowered;
	[smem:$0x3FD2] =	sst s25  }
0xa6: {  	s5 =	sshll.u32 s26, $0x1;
	_ =	strace $0x80000046;
	[dreg:$0x1] =	wrdreg $0xFFFFFFFF  }
0xa7: {  	s28 =	simm.s32 $_size_execute0_lowered;
	s3 =	sadd.s32 s3, s5;
	[dreg:$0x0] =	wrdreg $0x0  }
0xa8: {  	s5 =	sshll.u32 s28, $0x1;
	[dreg:$0x2] =	wrdreg s3  }
0xa9: {  	[dreg:$0x3] =	wrdreg s5  }
0xaa: {  	[dreg:$0x4] =	wrdreg $0xC0  }
0xab: {  	_ =	task [dreg:s7], $0x5FFFF  }
0xac: {  	[dreg:$0x1] =	wrdreg $0xFFFFFFFF  }
0xad: {  	[dreg:$0x0] =	wrdreg $0x60  }
0xae: {  	[dreg:$0x2] =	wrdreg s24  }
0xaf: {  	[dreg:$0x3] =	wrdreg s2  }
0xb0: {  	[dreg:$0x4] =	wrdreg $0x100000  }
0xb1: {  	[dreg:$0x5] =	wrdreg $0x127200  }
0xb2: {  	[dreg:$0x6] =	wrdreg $0x14F200  }
0xb3: {  	[dreg:$0x7] =	wrdreg $0x9  }
0xb4: {  	_ =	task.clear_ibuf [dreg:s7], $0x8FFFF;
	_ =	strace $0x90000046  }
0xb5: {  	s29 =	simm.s32 $0x9;
	_ =	strace $0x80000048  }
0xb6: {  	_ =	swait.ge [sflag:s29], $0x1  }
0xb7: {  	[sflag:s29] =	ssyncadd.s32 $0xFFFFFFFF  }
0xb8: {  	_ =	strace $0x90000048  }
0xb9: {  	_ =	sfence  }
0xba: {  	s30 =	sld [smem:$0x0];
	_ =	sdelay $0x2  }
0xbb: {  	s31 =	sshll.u32 s1, $0xD;
	s1 =	sshrl.u32 s1, $0x2  }
0xbc: {  	s3 =	sand.u32 $0x4000, s31;
	s1 =	sadd.s32 s1, s30  }
0xbd: {  	s0 =	sor.u32 s3, s0;
	s1 =	sshll.u32 s1, $0x11  }
0xbe: {  	s0 =	sor.u32 s1, s0  }
0xbf: {  	s0 =	sadd.s32 $0x8F2B, s0  }
0xc0: {  	[sflag:s0] =	ssyncadd.remote.s32 $0x1  }
0xc1: {  	_ =	sfence.sel $0xFFFF  }
0xc2: {  	[dreg:$0x0] =	wrdreg $0xFFFFFFFF;
	(pc) =	sbr.abs _section_cstart, $3  }
0xc3: {  	[dreg:$0x1] =	wrdreg $0xFFFFFFFF  }
0xc4: {  	_ =	task.clear_ibuf [dreg:s7], $0x2FFFF;
	_ =	strace $0x9FFFFFFF  }
0xc5: {  	(tm) =	ssettm $0x7FFFFFFF  }
tec
execute0_lowered:
.L_overlay_start_1:
0x0: {  	(tag) =	ssettag $0x1  }
0x1: {  	s0 =	rddreg [dreg:$0x0]  }
0x2: {  	s2 =	rddreg [dreg:$0x1]  }
0x3: {  	s1 =	rddreg [dreg:$0x2]  }
0x4: {  	s3 =	rddreg [dreg:$0x3]  }
0x5: {  	s4 =	rddreg [dreg:$0x4]  }
0x6: {  	s5 =	srdreg.scid;
	s13 =	stileid.u32  }
0x7: {  	s7 =	simm.s32 $0x0;
	s15 =	simm.s32 $0x5000;
	s28 =	simm.s32 $0x6800  }
0x8: {  	s30 =	simm.s32 $0x7000;
	s16 =	simm.s32 $0x7800;
	s29 =	simm.s32 $0x8000  }
0x9: {  	s31 =	simm.s32 $0x9800;
	s18 =	simm.s32 $0xA800;
	s6 =	smul.u32 $0x2800, s13  }
0xa: {  	s5 =	sand.u32 $0x1, s5;
	[smem:$0x7FF] =	sst s7;
	s12 =	smul.u32 $0x2710, s13  }
0xb: {  	s9 =	sadd.s32 $0x2A00, s0;
	s23 =	sshll.u32 s13, $0x6;
	s19 =	smul.u32 $0x28000, s5  }
0xc: {  	s8 =	sshll.u32 s5, $0x4;
	_ =	strace $0x80000047;
	s5 =	ssub.s32 $0x2, s5  }
0xd: {  	[dreg:$0x9] =	wrdreg s23;
	s8 =	sor.u32 s13, s8;
	s11 =	sshrl.u32 s5, $0x1  }
0xe: {  	s21 =	sshrl.u32 s12, $0x3;
	s22 =	sadd.s32 s12, s1;
	s12 =	sadd.s32 s6, s3  }
0xf: {  	s14 =	sadd.s32 s6, s4;
	s13 =	simm.s32 $0xF800;
	s10 =	smul.u32 $0x2800, s8  }
0x10: {  	s7 =	sadd.s32 s6, s19;
	s8 =	smul.u32 $0x500, s8;
	s5 =	ssub.s32 s5, s11  }
0x11: {  	s2 =	sadd.s32 s2, s21;
	s26 =	sshrl.u32 s22, $0x3;
	[dreg:$0xb] =	wrdreg s12  }
0x12: {  	s21 =	simm.s32 $0x2;
	s22 =	simm.s32 $0x3;
	[dreg:$0xc] =	wrdreg s14  }
0x13: {  	s6 =	simm.s32 $0xB000;
	s7 =	sshrl.u32 s7, $0x3;
	[dreg:$0x8] =	wrdreg s2  }
0x14: {  	s2 =	sor.u32 $0x1C03, s23;
	s25 =	smax.u32 s5, $0x1;
	[dreg:$0x10] =	wrdreg s26  }
0x15: {  	s23 =	simm.s32 $0x80;
	s26 =	simm.s32 $0x9000;
	s5 =	simm.s32 $0xA000  }
0x16: {  	s10 =	sshrl.u32 s10, $0x3;
	s0 =	sadd.s32 s7, s0;
	[dreg:$0xa] =	wrdreg s2  }
0x17: {  	s8 =	sadd.s32 s9, s8;
	[dreg:$0xf] =	wrdreg s25;
	s25 =	simm.s32 $0x6000  }
0x18: {  	s2 =	simm.s32 $0x8800;
	s20 =	sadd.s32 s9, s10;
	[dreg:$0x6] =	wrdreg s8  }
0x19: {  	s24 =	sadd.s32 $0x16A00, s0;
	s0 =	sadd.s32 $0x20A00, s0;
	s8 =	simm.s32 $0xC000  }
0x1a: {  	s10 =	simm.s32 $0xC800;
	s9 =	simm.s32 $0x0;
	[dreg:$0xd] =	wrdreg s24  }
0x1b: {  	s7 =	sadd.s32 $0xA000, s20;
	[dreg:$0xe] =	wrdreg s0;
	s20 =	simm.s32 $0x1  }
0x1c: {  	v0 =	vimm.f32 $0.0e+00;
	v1 =	vimm.f32 $1.000000000e+00;
	s24 =	simm.s32 $0x5800;
	[dreg:$0x7] =	wrdreg s7;
	s7 =	simm.s32 $0xB800  }
.LBB2_1:
0x1d: {  	[dreg:$0x11] =	wrdreg s9  }
0x1e: {  	s17 =	rddreg [dreg:$0x6]  }
0x1f: {  	s0 =	simm.s32 $0x0;
	s19 =	rddreg [dreg:$0x7]  }
0x20: {  	[tilespmem:s0], [sflag:$0x1] =	stream.linear.gather [hbm4b:s17+s0], $0x2800, $0x38;
	[tilespmem:$0x17720] =	vst v63  }
0x21: {  	s11 =	simm.s32 $0x2800;
	s17 =	rddreg [dreg:$0xa]  }
0x22: {  	[tilespmem:s11], [sflag:$0x2] =	stream.linear.gather [hbm4b:s19+s0], $0x2800, $0x38;
	[tilespmem:$0x17720] =	vst v63  }
0x23: {  	s11 =	rddreg [dreg:$0x8]  }
0x24: {  	s19 =	rddreg [dreg:$0x10]  }
0x25: {  	[spmem:s19], [sflag:s17] =	dma.local [hbm:s11], $0x4E2  }
0x26: {  	s9 =	simm.s32 $0x0;
	s11 =	simm.s32 $0x200  }
.LBB2_2:
0x27: {  	p0 =	sne.s32 s11, $0x9E00;
	[tilespmem:s9+$0xD070] =	vst v0  }
0x28: {  	[tilespmem:s9+$0xD000] =	vst v0  }
0x29: {  	[tilespmem:s9+$0xD010] =	vst v0  }
.Ltmp0:
0x2a: {  	[tilespmem:s9+$0xD020] =	vst v0;
	(pc) =	sbr.rel @p0 .LBB2_2-.Ltmp0, $4  }
0x2b: {  	[tilespmem:s9+$0xD030] =	vst v0  }
0x2c: {  	[tilespmem:s9+$0xD040] =	vst v0  }
0x2d: {  	[tilespmem:s9+$0xD050] =	vst v0  }
0x2e: {  	[tilespmem:s9+$0xD060] =	vst v0;
	s9 =	sshra.s32 s11, $0x2;
	s11 =	sadd.s32 $0x200, s11  }
0x2f: {  	[tilespmem:s9+$0xD070] =	vst v0  }
0x30: {  	[tilespmem:s9+$0xD000] =	vst v0  }
0x31: {  	[tilespmem:s9+$0xD010] =	vst v0  }
0x32: {  	[tilespmem:s9+$0xD020] =	vst v0  }
0x33: {  	[tilespmem:s9+$0xD030] =	vst v0  }
0x34: {  	[tilespmem:s9+$0xD040] =	vst v0  }
0x35: {  	[tilespmem:s9+$0xD050] =	vst v0  }
0x36: {  	[tilespmem:s9+$0xD060] =	vst v0;
	s9 =	simm.s32 $0x0;
	s11 =	simm.s32 $0x200  }
.LBB2_4:
0x37: {  	p0 =	sne.s32 s11, $0x1E00;
	[tilespmem:s9+$0xF870] =	vst v1  }
0x38: {  	[tilespmem:s9+$0xF800] =	vst v1  }
0x39: {  	[tilespmem:s9+$0xF810] =	vst v1  }
.Ltmp1:
0x3a: {  	[tilespmem:s9+$0xF820] =	vst v1;
	(pc) =	sbr.rel @p0 .LBB2_4-.Ltmp1, $4  }
0x3b: {  	[tilespmem:s9+$0xF830] =	vst v1  }
0x3c: {  	[tilespmem:s9+$0xF840] =	vst v1  }
0x3d: {  	[tilespmem:s9+$0xF850] =	vst v1  }
0x3e: {  	[tilespmem:s9+$0xF860] =	vst v1;
	s9 =	sshra.s32 s11, $0x2;
	s11 =	sadd.s32 $0x200, s11  }
0x3f: {  	[tilespmem:s9+$0xF870] =	vst v1  }
0x40: {  	[tilespmem:s9+$0xF800] =	vst v1  }
0x41: {  	[tilespmem:s9+$0xF810] =	vst v1  }
0x42: {  	[tilespmem:s9+$0xF820] =	vst v1  }
0x43: {  	[tilespmem:s9+$0xF830] =	vst v1  }
0x44: {  	[tilespmem:s9+$0xF840] =	vst v1  }
0x45: {  	[tilespmem:s9+$0xF850] =	vst v1  }
0x46: {  	[tilespmem:s9+$0xF860] =	vst v1;
	s0 =	simm.s32 $0xD000;
	s19 =	simm.s32 $0x5  }
0x47: {  	[spmem:s12] =	stream.linear.scatter [tilespmem:s0], [sflag:$0x5], $0x2800, $0x38;
	[tilespmem:$0x17720] =	vst v63  }
0x48: {  	_ =	swait.ge [sflag:s19], $0x2800  }
0x49: {  	[sflag:s19] =	ssyncset.done $0x0  }
0x4a: {  	[sflag:s19] =	ssyncadd.s32 $0xFFFFD800  }
0x4b: {  	[spmem:s14] =	stream.linear.scatter [tilespmem:s0], [sflag:$0x5], $0x2800, $0x38;
	[tilespmem:$0x17720] =	vst v63  }
0x4c: {  	_ =	swait.ge [sflag:s19], $0x2800  }
0x4d: {  	[sflag:s19] =	ssyncset.done $0x0  }
0x4e: {  	[sflag:s19] =	ssyncadd.s32 $0xFFFFD800  }
0x4f: {  	_ =	swait.ge [sflag:s20], $0x2800  }
0x50: {  	[sflag:s20] =	ssyncset.done $0x0  }
0x51: {  	[sflag:s20] =	ssyncadd.s32 $0xFFFFD800  }
0x52: {  	_ =	swait.ge [sflag:s21], $0x2800  }
0x53: {  	[sflag:s21] =	ssyncset.done $0x0  }
0x54: {  	[sflag:s21] =	ssyncadd.s32 $0xFFFFD800  }
0x55: {  	_ =	swait.ge [sflag:s22], $0x4E2  }
0x56: {  	[sflag:s22] =	ssyncset.done $0x0  }
0x57: {  	[sflag:s22] =	ssyncadd.s32 $0xFFFFFB1E  }
0x58: {  	s0 =	simm.s32 $0x0;
	[bflag:$0x0] =	sbarrier.arrive $0xFFFF  }
0x59: {  	[tilespmem:s15], [sflag:$0x1] =	stream.indirect.gather [spmem:s1], $0x10, s0, s23, $0xb8;
	[tilespmem:$0x17720] =	vst v63  }
0x5a: {  	_ = 	snop  }
0x5b: {  	[tilespmem:s24], [sflag:$0x1] =	stream.indirect.gather [spmem:s1], $0x10, s23, s23, $0xb8;
	[tilespmem:$0x17720] =	vst v63  }
0x5c: {  	s11 =	simm.s32 $0x100  }
0x5d: {  	[tilespmem:s25], [sflag:$0x1] =	stream.indirect.gather [spmem:s1], $0x10, s11, s23, $0xb8;
	[tilespmem:$0x17720] =	vst v63  }
0x5e: {  	s12 =	simm.s32 $0x180  }
0x5f: {  	[tilespmem:s28], [sflag:$0x1] =	stream.indirect.gather [spmem:s1], $0x10, s12, s23, $0xb8;
	[tilespmem:$0x17720] =	vst v63  }
0x60: {  	s14 =	simm.s32 $0x200  }
0x61: {  	[tilespmem:s30], [sflag:$0x1] =	stream.indirect.gather [spmem:s1], $0x10, s14, s23, $0xb8;
	[tilespmem:$0x17720] =	vst v63  }
0x62: {  	s17 =	simm.s32 $0x280  }
0x63: {  	[tilespmem:s16], [sflag:$0x1] =	stream.indirect.gather [spmem:s1], $0x10, s17, s23, $0xb8;
	[tilespmem:$0x17720] =	vst v63  }
0x64: {  	p0 =	por $0x1, $0x1;
	s19 =	simm.s32 $0x300  }
0x65: {  	[tilespmem:s29], [sflag:$0x1] =	stream.indirect.gather [spmem:s1], $0x10, s19, s23, $0xb8;
	[tilespmem:$0x17720] =	vst v63  }
0x66: {  	s9 =	simm.s32 $0x380;
	p0 =	por p0, p0  }
0x67: {  	[tilespmem:s2], [sflag:$0x1] =	stream.indirect.gather [spmem:s1], $0x10, s9, s23, $0xb8;
	[tilespmem:$0x17720] =	vst v63  }
0x68: {  	s9 =	simm.s32 @!p0 $0x4  }
0x69: {  	_ =	swait.ge @!p0 [sflag:s9], $0x800  }
0x6a: {  	[sflag:s9] =	ssyncset.done @!p0 $0x0  }
0x6b: {  	[sflag:s9] =	ssyncadd.s32 @!p0 $0xFFFFF800  }
0x6c: {  	_ =	swait.ge @!p0 [sflag:s9], $0x800  }
0x6d: {  	[sflag:s9] =	ssyncset.done @!p0 $0x0  }
0x6e: {  	[sflag:s9] =	ssyncadd.s32 @!p0 $0xFFFFF800  }
0x6f: {  	_ =	swait.ge @!p0 [sflag:s9], $0x800  }
0x70: {  	[sflag:s9] =	ssyncset.done @!p0 $0x0  }
0x71: {  	[sflag:s9] =	ssyncadd.s32 @!p0 $0xFFFFF800  }
0x72: {  	_ =	swait.ge @!p0 [sflag:s9], $0x800  }
0x73: {  	[sflag:s9] =	ssyncset.done @!p0 $0x0  }
0x74: {  	[sflag:s9] =	ssyncadd.s32 @!p0 $0xFFFFF800  }
0x75: {  	_ =	swait.ge @!p0 [sflag:s9], $0x800  }
0x76: {  	[sflag:s9] =	ssyncset.done @!p0 $0x0  }
0x77: {  	[sflag:s9] =	ssyncadd.s32 @!p0 $0xFFFFF800  }
0x78: {  	_ =	swait.ge @!p0 [sflag:s9], $0x800  }
0x79: {  	[sflag:s9] =	ssyncset.done @!p0 $0x0  }
0x7a: {  	[sflag:s9] =	ssyncadd.s32 @!p0 $0xFFFFF800  }
0x7b: {  	_ =	swait.ge @!p0 [sflag:s9], $0x800  }
0x7c: {  	[sflag:s9] =	ssyncset.done @!p0 $0x0  }
0x7d: {  	[sflag:s9] =	ssyncadd.s32 @!p0 $0xFFFFF800  }
0x7e: {  	_ =	swait.ge @!p0 [sflag:s9], $0x800  }
0x7f: {  	[sflag:s9] =	ssyncset.done @!p0 $0x0  }
0x80: {  	[sflag:s9] =	ssyncadd.s32 @!p0 $0xFFFFF800  }
0x81: {  	_ =	swait.ge @!p0 [sflag:s9], $0x800  }
0x82: {  	[sflag:s9] =	ssyncset.done @!p0 $0x0  }
0x83: {  	[sflag:s9] =	ssyncadd.s32 @!p0 $0xFFFFF800  }
0x84: {  	_ =	swait.ge @!p0 [sflag:s9], $0x800  }
0x85: {  	[sflag:s9] =	ssyncset.done @!p0 $0x0  }
0x86: {  	[sflag:s9] =	ssyncadd.s32 @!p0 $0xFFFFF800  }
0x87: {  	_ =	swait.ge @!p0 [sflag:s9], $0x800  }
0x88: {  	[sflag:s9] =	ssyncset.done @!p0 $0x0  }
0x89: {  	[sflag:s9] =	ssyncadd.s32 @!p0 $0xFFFFF800  }
0x8a: {  	_ =	swait.ge @!p0 [sflag:s9], $0x800  }
0x8b: {  	[sflag:s9] =	ssyncset.done @!p0 $0x0  }
0x8c: {  	[sflag:s9] =	ssyncadd.s32 @!p0 $0xFFFFF800  }
0x8d: {  	_ =	swait.ge @!p0 [sflag:s9], $0x800  }
0x8e: {  	[sflag:s9] =	ssyncset.done @!p0 $0x0  }
0x8f: {  	[sflag:s9] =	ssyncadd.s32 @!p0 $0xFFFFF800  }
0x90: {  	_ =	swait.ge @!p0 [sflag:s9], $0x800  }
0x91: {  	[sflag:s9] =	ssyncset.done @!p0 $0x0  }
0x92: {  	[sflag:s9] =	ssyncadd.s32 @!p0 $0xFFFFF800  }
0x93: {  	_ =	swait.ge @!p0 [sflag:s9], $0x800  }
0x94: {  	[sflag:s9] =	ssyncset.done @!p0 $0x0  }
0x95: {  	[sflag:s9] =	ssyncadd.s32 @!p0 $0xFFFFF800  }
0x96: {  	_ =	swait.ge @!p0 [sflag:s9], $0x800  }
0x97: {  	[sflag:s9] =	ssyncset.done @!p0 $0x0  }
0x98: {  	s11 =	simm.s32 $0x400;
	[sflag:s9] =	ssyncadd.s32 @!p0 $0xFFFFF800  }
0x99: {  	[tilespmem:s26], [sflag:$0x2] =	stream.indirect.gather [spmem:s1], $0x10, s11, s23, $0xb8;
	[tilespmem:$0x17720] =	vst v63  }
0x9a: {  	s12 =	simm.s32 $0x480  }
0x9b: {  	[tilespmem:s31], [sflag:$0x2] =	stream.indirect.gather [spmem:s1], $0x10, s12, s23, $0xb8;
	[tilespmem:$0x17720] =	vst v63  }
0x9c: {  	s14 =	simm.s32 $0x500  }
0x9d: {  	[tilespmem:s5], [sflag:$0x2] =	stream.indirect.gather [spmem:s1], $0x10, s14, s23, $0xb8;
	[tilespmem:$0x17720] =	vst v63  }
0x9e: {  	s17 =	simm.s32 $0x580  }
0x9f: {  	[tilespmem:s18], [sflag:$0x2] =	stream.indirect.gather [spmem:s1], $0x10, s17, s23, $0xb8;
	[tilespmem:$0x17720] =	vst v63  }
0xa0: {  	s19 =	simm.s32 $0x600  }
0xa1: {  	[tilespmem:s6], [sflag:$0x2] =	stream.indirect.gather [spmem:s1], $0x10, s19, s23, $0xb8;
	[tilespmem:$0x17720] =	vst v63  }
0xa2: {  	s0 =	simm.s32 $0x680  }
0xa3: {  	[tilespmem:s7], [sflag:$0x2] =	stream.indirect.gather [spmem:s1], $0x10, s0, s23, $0xb8;
	[tilespmem:$0x17720] =	vst v63  }
0xa4: {  	s11 =	simm.s32 $0x700  }
0xa5: {  	[tilespmem:s8], [sflag:$0x2] =	stream.indirect.gather [spmem:s1], $0x10, s11, s23, $0xb8;
	[tilespmem:$0x17720] =	vst v63  }
0xa6: {  	s12 =	simm.s32 $0x780  }
0xa7: {  	[tilespmem:s10], [sflag:$0x2] =	stream.indirect.gather [spmem:s1], $0x10, s12, s23, $0xb8;
	[tilespmem:$0x17720] =	vst v63  }
0xa8: {  	_ =	swait.ge [sflag:s20], $0x800  }
0xa9: {  	[sflag:s20] =	ssyncset.done $0x0  }
0xaa: {  	[sflag:s20] =	ssyncadd.s32 $0xFFFFF800  }
0xab: {  	_ =	swait.ge [sflag:s20], $0x800  }
0xac: {  	[sflag:s20] =	ssyncset.done $0x0  }
0xad: {  	[sflag:s20] =	ssyncadd.s32 $0xFFFFF800  }
0xae: {  	_ =	swait.ge [sflag:s20], $0x800  }
0xaf: {  	[sflag:s20] =	ssyncset.done $0x0  }
0xb0: {  	[sflag:s20] =	ssyncadd.s32 $0xFFFFF800  }
0xb1: {  	_ =	swait.ge [sflag:s20], $0x800  }
0xb2: {  	[sflag:s20] =	ssyncset.done $0x0  }
0xb3: {  	[sflag:s20] =	ssyncadd.s32 $0xFFFFF800  }
0xb4: {  	_ =	swait.ge [sflag:s20], $0x800  }
0xb5: {  	[sflag:s20] =	ssyncset.done $0x0  }
0xb6: {  	[sflag:s20] =	ssyncadd.s32 $0xFFFFF800  }
0xb7: {  	_ =	swait.ge [sflag:s20], $0x800  }
0xb8: {  	[sflag:s20] =	ssyncset.done $0x0  }
0xb9: {  	[sflag:s20] =	ssyncadd.s32 $0xFFFFF800  }
0xba: {  	_ =	swait.ge [sflag:s20], $0x800  }
0xbb: {  	[sflag:s20] =	ssyncset.done $0x0  }
0xbc: {  	[sflag:s20] =	ssyncadd.s32 $0xFFFFF800  }
0xbd: {  	_ =	swait.ge [sflag:s20], $0x800  }
0xbe: {  	[sflag:s20] =	ssyncset.done $0x0  }
0xbf: {  	s14 =	simm.s32 $0x2800;
	[sflag:s20] =	ssyncadd.s32 $0xFFFFF800  }
0xc0: {  	[spmem:s3] =	stream.indirect.scatter.add.f32 [tilespmem:s15], [sflag:$0x3], $0x10, s14, s23, $0xb8;
	[tilespmem:$0x17720] =	vst v63  }
0xc1: {  	_ = 	snop  }
0xc2: {  	[spmem:s4] =	stream.indirect.scatter.add.f32 [tilespmem:s13], [sflag:$0x3], $0x10, s14, s23, $0xb8;
	[tilespmem:$0x17720] =	vst v63  }
0xc3: {  	s17 =	simm.s32 $0x2880  }
0xc4: {  	[spmem:s3] =	stream.indirect.scatter.add.f32 [tilespmem:s24], [sflag:$0x3], $0x10, s17, s23, $0xb8;
	[tilespmem:$0x17720] =	vst v63  }
0xc5: {  	_ = 	snop  }
0xc6: {  	[spmem:s4] =	stream.indirect.scatter.add.f32 [tilespmem:s13], [sflag:$0x3], $0x10, s17, s23, $0xb8;
	[tilespmem:$0x17720] =	vst v63  }
0xc7: {  	s19 =	simm.s32 $0x2900  }
0xc8: {  	[spmem:s3] =	stream.indirect.scatter.add.f32 [tilespmem:s25], [sflag:$0x3], $0x10, s19, s23, $0xb8;
	[tilespmem:$0x17720] =	vst v63  }
0xc9: {  	_ = 	snop  }
0xca: {  	[spmem:s4] =	stream.indirect.scatter.add.f32 [tilespmem:s13], [sflag:$0x3], $0x10, s19, s23, $0xb8;
	[tilespmem:$0x17720] =	vst v63  }
0xcb: {  	s0 =	simm.s32 $0x2980  }
0xcc: {  	[spmem:s3] =	stream.indirect.scatter.add.f32 [tilespmem:s28], [sflag:$0x3], $0x10, s0, s23, $0xb8;
	[tilespmem:$0x17720] =	vst v63  }
0xcd: {  	_ = 	snop  }
0xce: {  	[spmem:s4] =	stream.indirect.scatter.add.f32 [tilespmem:s13], [sflag:$0x3], $0x10, s0, s23, $0xb8;
	[tilespmem:$0x17720] =	vst v63  }
0xcf: {  	s11 =	simm.s32 $0x2A00  }
0xd0: {  	[spmem:s3] =	stream.indirect.scatter.add.f32 [tilespmem:s30], [sflag:$0x3], $0x10, s11, s23, $0xb8;
	[tilespmem:$0x17720] =	vst v63  }
0xd1: {  	_ = 	snop  }
0xd2: {  	[spmem:s4] =	stream.indirect.scatter.add.f32 [tilespmem:s13], [sflag:$0x3], $0x10, s11, s23, $0xb8;
	[tilespmem:$0x17720] =	vst v63  }
0xd3: {  	s12 =	simm.s32 $0x2A80  }
0xd4: {  	[spmem:s3] =	stream.indirect.scatter.add.f32 [tilespmem:s16], [sflag:$0x3], $0x10, s12, s23, $0xb8;
	[tilespmem:$0x17720] =	vst v63  }
0xd5: {  	_ = 	snop  }
0xd6: {  	[spmem:s4] =	stream.indirect.scatter.add.f32 [tilespmem:s13], [sflag:$0x3], $0x10, s12, s23, $0xb8;
	[tilespmem:$0x17720] =	vst v63  }
0xd7: {  	s14 =	simm.s32 $0x2B00  }
0xd8: {  	[spmem:s3] =	stream.indirect.scatter.add.f32 [tilespmem:s29], [sflag:$0x3], $0x10, s14, s23, $0xb8;
	[tilespmem:$0x17720] =	vst v63  }
0xd9: {  	_ = 	snop  }
0xda: {  	[spmem:s4] =	stream.indirect.scatter.add.f32 [tilespmem:s13], [sflag:$0x3], $0x10, s14, s23, $0xb8;
	[tilespmem:$0x17720] =	vst v63  }
0xdb: {  	s17 =	simm.s32 $0x2B80  }
0xdc: {  	[spmem:s3] =	stream.indirect.scatter.add.f32 [tilespmem:s2], [sflag:$0x3], $0x10, s17, s23, $0xb8;
	[tilespmem:$0x17720] =	vst v63  }
0xdd: {  	_ = 	snop  }
0xde: {  	[spmem:s4] =	stream.indirect.scatter.add.f32 [tilespmem:s13], [sflag:$0x3], $0x10, s17, s23, $0xb8;
	[tilespmem:$0x17720] =	vst v63  }
0xdf: {  	_ =	swait.ge [sflag:s22], $0x800  }
0xe0: {  	[sflag:s22] =	ssyncset.done $0x0  }
0xe1: {  	[sflag:s22] =	ssyncadd.s32 $0xFFFFF800  }
0xe2: {  	_ =	swait.ge [sflag:s22], $0x800  }
0xe3: {  	[sflag:s22] =	ssyncset.done $0x0  }
0xe4: {  	[sflag:s22] =	ssyncadd.s32 $0xFFFFF800  }
0xe5: {  	_ =	swait.ge [sflag:s22], $0x800  }
0xe6: {  	[sflag:s22] =	ssyncset.done $0x0  }
0xe7: {  	[sflag:s22] =	ssyncadd.s32 $0xFFFFF800  }
0xe8: {  	_ =	swait.ge [sflag:s22], $0x800  }
0xe9: {  	[sflag:s22] =	ssyncset.done $0x0  }
0xea: {  	[sflag:s22] =	ssyncadd.s32 $0xFFFFF800  }
0xeb: {  	_ =	swait.ge [sflag:s22], $0x800  }
0xec: {  	[sflag:s22] =	ssyncset.done $0x0  }
0xed: {  	[sflag:s22] =	ssyncadd.s32 $0xFFFFF800  }
0xee: {  	_ =	swait.ge [sflag:s22], $0x800  }
0xef: {  	[sflag:s22] =	ssyncset.done $0x0  }
0xf0: {  	[sflag:s22] =	ssyncadd.s32 $0xFFFFF800  }
0xf1: {  	_ =	swait.ge [sflag:s22], $0x800  }
0xf2: {  	[sflag:s22] =	ssyncset.done $0x0  }
0xf3: {  	[sflag:s22] =	ssyncadd.s32 $0xFFFFF800  }
0xf4: {  	_ =	swait.ge [sflag:s22], $0x800  }
0xf5: {  	[sflag:s22] =	ssyncset.done $0x0  }
0xf6: {  	[sflag:s22] =	ssyncadd.s32 $0xFFFFF800  }
0xf7: {  	_ =	swait.ge [sflag:s22], $0x800  }
0xf8: {  	[sflag:s22] =	ssyncset.done $0x0  }
0xf9: {  	[sflag:s22] =	ssyncadd.s32 $0xFFFFF800  }
0xfa: {  	_ =	swait.ge [sflag:s22], $0x800  }
0xfb: {  	[sflag:s22] =	ssyncset.done $0x0  }
0xfc: {  	[sflag:s22] =	ssyncadd.s32 $0xFFFFF800  }
0xfd: {  	_ =	swait.ge [sflag:s22], $0x800  }
0xfe: {  	[sflag:s22] =	ssyncset.done $0x0  }
0xff: {  	[sflag:s22] =	ssyncadd.s32 $0xFFFFF800  }
0x100: {  	_ =	swait.ge [sflag:s22], $0x800  }
0x101: {  	[sflag:s22] =	ssyncset.done $0x0  }
0x102: {  	[sflag:s22] =	ssyncadd.s32 $0xFFFFF800  }
0x103: {  	_ =	swait.ge [sflag:s22], $0x800  }
0x104: {  	[sflag:s22] =	ssyncset.done $0x0  }
0x105: {  	[sflag:s22] =	ssyncadd.s32 $0xFFFFF800  }
0x106: {  	_ =	swait.ge [sflag:s22], $0x800  }
0x107: {  	[sflag:s22] =	ssyncset.done $0x0  }
0x108: {  	[sflag:s22] =	ssyncadd.s32 $0xFFFFF800  }
0x109: {  	_ =	swait.ge [sflag:s22], $0x800  }
0x10a: {  	[sflag:s22] =	ssyncset.done $0x0  }
0x10b: {  	[sflag:s22] =	ssyncadd.s32 $0xFFFFF800  }
0x10c: {  	p0 =	por $0x0, $0x0;
	_ =	swait.ge [sflag:s22], $0x800  }
0x10d: {  	s9 =	simm.s32 @!p0 $0x80;
	[sflag:s22] =	ssyncset.done $0x0  }
0x10e: {  	s11 =	simm.s32 @!p0 $0x5000;
	s12 =	simm.s32 @!p0 $0x800;
	[sflag:s22] =	ssyncadd.s32 $0xFFFFF800  }
0x10f: {  	[tilespmem:s11], [sflag:$0x1] =	stream.indirect.gather @!p0 [spmem:s1], $0x10, s12, s9, $0xb8;
	[tilespmem:$0x17720] =	vst v63  }
0x110: {  	s11 =	simm.s32 @!p0 $0x880;
	s12 =	simm.s32 @!p0 $0x5800  }
0x111: {  	[tilespmem:s12], [sflag:$0x1] =	stream.indirect.gather @!p0 [spmem:s1], $0x10, s11, s9, $0xb8;
	[tilespmem:$0x17720] =	vst v63  }
0x112: {  	s11 =	simm.s32 @!p0 $0x900;
	s12 =	simm.s32 @!p0 $0x6000  }
0x113: {  	[tilespmem:s12], [sflag:$0x1] =	stream.indirect.gather @!p0 [spmem:s1], $0x10, s11, s9, $0xb8;
	[tilespmem:$0x17720] =	vst v63  }
0x114: {  	s11 =	simm.s32 @!p0 $0x980;
	s12 =	simm.s32 @!p0 $0x6800  }
0x115: {  	[tilespmem:s12], [sflag:$0x1] =	stream.indirect.gather @!p0 [spmem:s1], $0x10, s11, s9, $0xb8;
	[tilespmem:$0x17720] =	vst v63  }
0x116: {  	s11 =	simm.s32 @!p0 $0xA00;
	s12 =	simm.s32 @!p0 $0x7000  }
0x117: {  	[tilespmem:s12], [sflag:$0x1] =	stream.indirect.gather @!p0 [spmem:s1], $0x10, s11, s9, $0xb8;
	[tilespmem:$0x17720] =	vst v63  }
0x118: {  	s11 =	simm.s32 @!p0 $0xA80;
	s12 =	simm.s32 @!p0 $0x7800  }
0x119: {  	[tilespmem:s12], [sflag:$0x1] =	stream.indirect.gather @!p0 [spmem:s1], $0x10, s11, s9, $0xb8;
	[tilespmem:$0x17720] =	vst v63  }
0x11a: {  	s11 =	simm.s32 @!p0 $0xB00;
	s12 =	simm.s32 @!p0 $0x8000  }
0x11b: {  	[tilespmem:s12], [sflag:$0x1] =	stream.indirect.gather @!p0 [spmem:s1], $0x10, s11, s9, $0xb8;
	[tilespmem:$0x17720] =	vst v63  }
0x11c: {  	s11 =	simm.s32 @!p0 $0xB80;
	s12 =	simm.s32 @!p0 $0x8800  }
0x11d: {  	[tilespmem:s12], [sflag:$0x1] =	stream.indirect.gather @!p0 [spmem:s1], $0x10, s11, s9, $0xb8;
	[tilespmem:$0x17720] =	vst v63  }
0x11e: {  	_ =	swait.ge [sflag:s21], $0x800  }
0x11f: {  	[sflag:s21] =	ssyncset.done $0x0  }
0x120: {  	[sflag:s21] =	ssyncadd.s32 $0xFFFFF800  }
0x121: {  	_ =	swait.ge [sflag:s21], $0x800  }
0x122: {  	[sflag:s21] =	ssyncset.done $0x0  }
0x123: {  	[sflag:s21] =	ssyncadd.s32 $0xFFFFF800  }
0x124: {  	_ =	swait.ge [sflag:s21], $0x800  }
0x125: {  	[sflag:s21] =	ssyncset.done $0x0  }
0x126: {  	[sflag:s21] =	ssyncadd.s32 $0xFFFFF800  }
0x127: {  	_ =	swait.ge [sflag:s21], $0x800  }
0x128: {  	[sflag:s21] =	ssyncset.done $0x0  }
0x129: {  	[sflag:s21] =	ssyncadd.s32 $0xFFFFF800  }
0x12a: {  	_ =	swait.ge [sflag:s21], $0x800  }
0x12b: {  	[sflag:s21] =	ssyncset.done $0x0  }
0x12c: {  	[sflag:s21] =	ssyncadd.s32 $0xFFFFF800  }
0x12d: {  	_ =	swait.ge [sflag:s21], $0x800  }
0x12e: {  	[sflag:s21] =	ssyncset.done $0x0  }
0x12f: {  	[sflag:s21] =	ssyncadd.s32 $0xFFFFF800  }
0x130: {  	_ =	swait.ge [sflag:s21], $0x800  }
0x131: {  	[sflag:s21] =	ssyncset.done $0x0  }
0x132: {  	[sflag:s21] =	ssyncadd.s32 $0xFFFFF800  }
0x133: {  	_ =	swait.ge [sflag:s21], $0x800  }
0x134: {  	[sflag:s21] =	ssyncset.done $0x0  }
0x135: {  	s19 =	simm.s32 $0x2C00;
	[sflag:s21] =	ssyncadd.s32 $0xFFFFF800  }
0x136: {  	[spmem:s3] =	stream.indirect.scatter.add.f32 [tilespmem:s26], [sflag:$0x4], $0x10, s19, s23, $0xb8;
	[tilespmem:$0x17720] =	vst v63  }
0x137: {  	_ = 	snop  }
0x138: {  	[spmem:s4] =	stream.indirect.scatter.add.f32 [tilespmem:s13], [sflag:$0x4], $0x10, s19, s23, $0xb8;
	[tilespmem:$0x17720] =	vst v63  }
0x139: {  	s0 =	simm.s32 $0x2C80  }
0x13a: {  	[spmem:s3] =	stream.indirect.scatter.add.f32 [tilespmem:s31], [sflag:$0x4], $0x10, s0, s23, $0xb8;
	[tilespmem:$0x17720] =	vst v63  }
0x13b: {  	_ = 	snop  }
0x13c: {  	[spmem:s4] =	stream.indirect.scatter.add.f32 [tilespmem:s13], [sflag:$0x4], $0x10, s0, s23, $0xb8;
	[tilespmem:$0x17720] =	vst v63  }
0x13d: {  	s11 =	simm.s32 $0x2D00  }
0x13e: {  	[spmem:s3] =	stream.indirect.scatter.add.f32 [tilespmem:s5], [sflag:$0x4], $0x10, s11, s23, $0xb8;
	[tilespmem:$0x17720] =	vst v63  }
0x13f: {  	_ = 	snop  }
0x140: {  	[spmem:s4] =	stream.indirect.scatter.add.f32 [tilespmem:s13], [sflag:$0x4], $0x10, s11, s23, $0xb8;
	[tilespmem:$0x17720] =	vst v63  }
0x141: {  	s12 =	simm.s32 $0x2D80  }
0x142: {  	[spmem:s3] =	stream.indirect.scatter.add.f32 [tilespmem:s18], [sflag:$0x4], $0x10, s12, s23, $0xb8;
	[tilespmem:$0x17720] =	vst v63  }
0x143: {  	_ = 	snop  }
0x144: {  	[spmem:s4] =	stream.indirect.scatter.add.f32 [tilespmem:s13], [sflag:$0x4], $0x10, s12, s23, $0xb8;
	[tilespmem:$0x17720] =	vst v63  }
0x145: {  	s14 =	simm.s32 $0x2E00  }
0x146: {  	[spmem:s3] =	stream.indirect.scatter.add.f32 [tilespmem:s6], [sflag:$0x4], $0x10, s14, s23, $0xb8;
	[tilespmem:$0x17720] =	vst v63  }
0x147: {  	_ = 	snop  }
0x148: {  	[spmem:s4] =	stream.indirect.scatter.add.f32 [tilespmem:s13], [sflag:$0x4], $0x10, s14, s23, $0xb8;
	[tilespmem:$0x17720] =	vst v63  }
0x149: {  	s17 =	simm.s32 $0x2E80  }
0x14a: {  	[spmem:s3] =	stream.indirect.scatter.add.f32 [tilespmem:s7], [sflag:$0x4], $0x10, s17, s23, $0xb8;
	[tilespmem:$0x17720] =	vst v63  }
0x14b: {  	_ = 	snop  }
0x14c: {  	[spmem:s4] =	stream.indirect.scatter.add.f32 [tilespmem:s13], [sflag:$0x4], $0x10, s17, s23, $0xb8;
	[tilespmem:$0x17720] =	vst v63  }
0x14d: {  	p6 =	por $0x0, $0x0;
	s19 =	simm.s32 $0x2F00  }
0x14e: {  	[spmem:s3] =	stream.indirect.scatter.add.f32 [tilespmem:s8], [sflag:$0x4], $0x10, s19, s23, $0xb8;
	[tilespmem:$0x17720] =	vst v63  }
0x14f: {  	p0 =	por p6, p6  }
0x150: {  	[spmem:s4] =	stream.indirect.scatter.add.f32 [tilespmem:s13], [sflag:$0x4], $0x10, s19, s23, $0xb8;
	[tilespmem:$0x17720] =	vst v63  }
0x151: {  	s11 =	simm.s32 $0x4000;
	s12 =	simm.s32 $0x2F80;
	s17 =	simm.s32 $0x2000  }
0x152: {  	[spmem:s3] =	stream.indirect.scatter.add.f32 [tilespmem:s10], [sflag:$0x4], $0x10, s12, s23, $0xb8;
	[tilespmem:$0x17720] =	vst v63  }
.LBB2_6:
0x153: {  	p2 =	seq.s32 s11, $0x0  }
0x154: {  	s19 =	simm.s32 @!p0 $0x4;
	s9 =	smov.u32 s11;
	s11 =	sadd.s32 $0x2000, s11  }
0x155: {  	[spmem:s4] =	stream.indirect.scatter.add.f32 [tilespmem:s13], [sflag:$0x4], $0x10, s12, s23, $0xb8;
	[tilespmem:$0x17720] =	vst v63  }
0x156: {  	p1 =	sne.s32 s11, $0xA000;
	_ =	swait.ge @!p0 [sflag:s19], $0x800  }
0x157: {  	[sflag:s19] =	ssyncset.done @!p0 $0x0  }
0x158: {  	[sflag:s19] =	ssyncadd.s32 @!p0 $0xFFFFF800  }
0x159: {  	_ =	swait.ge @!p0 [sflag:s19], $0x800  }
0x15a: {  	[sflag:s19] =	ssyncset.done @!p0 $0x0  }
0x15b: {  	[sflag:s19] =	ssyncadd.s32 @!p0 $0xFFFFF800  }
0x15c: {  	_ =	swait.ge @!p0 [sflag:s19], $0x800  }
0x15d: {  	[sflag:s19] =	ssyncset.done @!p0 $0x0  }
0x15e: {  	[sflag:s19] =	ssyncadd.s32 @!p0 $0xFFFFF800  }
0x15f: {  	_ =	swait.ge @!p0 [sflag:s19], $0x800  }
0x160: {  	[sflag:s19] =	ssyncset.done @!p0 $0x0  }
0x161: {  	[sflag:s19] =	ssyncadd.s32 @!p0 $0xFFFFF800  }
0x162: {  	_ =	swait.ge @!p0 [sflag:s19], $0x800  }
0x163: {  	[sflag:s19] =	ssyncset.done @!p0 $0x0  }
0x164: {  	[sflag:s19] =	ssyncadd.s32 @!p0 $0xFFFFF800  }
0x165: {  	_ =	swait.ge @!p0 [sflag:s19], $0x800  }
0x166: {  	[sflag:s19] =	ssyncset.done @!p0 $0x0  }
0x167: {  	[sflag:s19] =	ssyncadd.s32 @!p0 $0xFFFFF800  }
0x168: {  	_ =	swait.ge @!p0 [sflag:s19], $0x800  }
0x169: {  	[sflag:s19] =	ssyncset.done @!p0 $0x0  }
0x16a: {  	[sflag:s19] =	ssyncadd.s32 @!p0 $0xFFFFF800  }
0x16b: {  	_ =	swait.ge @!p0 [sflag:s19], $0x800  }
0x16c: {  	[sflag:s19] =	ssyncset.done @!p0 $0x0  }
0x16d: {  	[sflag:s19] =	ssyncadd.s32 @!p0 $0xFFFFF800  }
0x16e: {  	_ =	swait.ge @!p0 [sflag:s19], $0x800  }
0x16f: {  	[sflag:s19] =	ssyncset.done @!p0 $0x0  }
0x170: {  	[sflag:s19] =	ssyncadd.s32 @!p0 $0xFFFFF800  }
0x171: {  	_ =	swait.ge @!p0 [sflag:s19], $0x800  }
0x172: {  	[sflag:s19] =	ssyncset.done @!p0 $0x0  }
0x173: {  	[sflag:s19] =	ssyncadd.s32 @!p0 $0xFFFFF800  }
0x174: {  	_ =	swait.ge @!p0 [sflag:s19], $0x800  }
0x175: {  	[sflag:s19] =	ssyncset.done @!p0 $0x0  }
0x176: {  	[sflag:s19] =	ssyncadd.s32 @!p0 $0xFFFFF800  }
0x177: {  	_ =	swait.ge @!p0 [sflag:s19], $0x800  }
0x178: {  	[sflag:s19] =	ssyncset.done @!p0 $0x0  }
0x179: {  	[sflag:s19] =	ssyncadd.s32 @!p0 $0xFFFFF800  }
0x17a: {  	_ =	swait.ge @!p0 [sflag:s19], $0x800  }
0x17b: {  	[sflag:s19] =	ssyncset.done @!p0 $0x0  }
0x17c: {  	[sflag:s19] =	ssyncadd.s32 @!p0 $0xFFFFF800  }
0x17d: {  	_ =	swait.ge @!p0 [sflag:s19], $0x800  }
0x17e: {  	[sflag:s19] =	ssyncset.done @!p0 $0x0  }
0x17f: {  	[sflag:s19] =	ssyncadd.s32 @!p0 $0xFFFFF800  }
0x180: {  	_ =	swait.ge @!p0 [sflag:s19], $0x800  }
0x181: {  	[sflag:s19] =	ssyncset.done @!p0 $0x0  }
0x182: {  	[sflag:s19] =	ssyncadd.s32 @!p0 $0xFFFFF800  }
0x183: {  	_ =	swait.ge @!p0 [sflag:s19], $0x800  }
0x184: {  	s12 =	sshra.s32 s17, $0x2;
	[sflag:s19] =	ssyncset.done @!p0 $0x0  }
0x185: {  	[sflag:s19] =	ssyncadd.s32 @!p0 $0xFFFFF800;
	s19 =	sadd.s32 $0x400, s12;
	p0 =	por p2, p2  }
0x186: {  	[tilespmem:s26], [sflag:$0x2] =	stream.indirect.gather [spmem:s1], $0x10, s19, s23, $0xb8;
	[tilespmem:$0x17720] =	vst v63  }
0x187: {  	s19 =	sadd.s32 $0x480, s12  }
0x188: {  	[tilespmem:s31], [sflag:$0x2] =	stream.indirect.gather [spmem:s1], $0x10, s19, s23, $0xb8;
	[tilespmem:$0x17720] =	vst v63  }
0x189: {  	s19 =	sadd.s32 $0x500, s12  }
0x18a: {  	[tilespmem:s5], [sflag:$0x2] =	stream.indirect.gather [spmem:s1], $0x10, s19, s23, $0xb8;
	[tilespmem:$0x17720] =	vst v63  }
0x18b: {  	s19 =	sadd.s32 $0x580, s12  }
0x18c: {  	[tilespmem:s18], [sflag:$0x2] =	stream.indirect.gather [spmem:s1], $0x10, s19, s23, $0xb8;
	[tilespmem:$0x17720] =	vst v63  }
0x18d: {  	s19 =	sadd.s32 $0x600, s12  }
0x18e: {  	[tilespmem:s6], [sflag:$0x2] =	stream.indirect.gather [spmem:s1], $0x10, s19, s23, $0xb8;
	[tilespmem:$0x17720] =	vst v63  }
0x18f: {  	s19 =	sadd.s32 $0x680, s12  }
0x190: {  	[tilespmem:s7], [sflag:$0x2] =	stream.indirect.gather [spmem:s1], $0x10, s19, s23, $0xb8;
	[tilespmem:$0x17720] =	vst v63  }
0x191: {  	s19 =	sadd.s32 $0x700, s12  }
0x192: {  	[tilespmem:s8], [sflag:$0x2] =	stream.indirect.gather [spmem:s1], $0x10, s19, s23, $0xb8;
	[tilespmem:$0x17720] =	vst v63  }
0x193: {  	s19 =	sadd.s32 $0x780, s12  }
0x194: {  	[tilespmem:s10], [sflag:$0x2] =	stream.indirect.gather [spmem:s1], $0x10, s19, s23, $0xb8;
	[tilespmem:$0x17720] =	vst v63  }
0x195: {  	_ =	swait.ge [sflag:s20], $0x800  }
0x196: {  	[sflag:s20] =	ssyncset.done $0x0  }
0x197: {  	[sflag:s20] =	ssyncadd.s32 $0xFFFFF800  }
0x198: {  	_ =	swait.ge [sflag:s20], $0x800  }
0x199: {  	[sflag:s20] =	ssyncset.done $0x0  }
0x19a: {  	[sflag:s20] =	ssyncadd.s32 $0xFFFFF800  }
0x19b: {  	_ =	swait.ge [sflag:s20], $0x800  }
0x19c: {  	[sflag:s20] =	ssyncset.done $0x0  }
0x19d: {  	[sflag:s20] =	ssyncadd.s32 $0xFFFFF800  }
0x19e: {  	_ =	swait.ge [sflag:s20], $0x800  }
0x19f: {  	[sflag:s20] =	ssyncset.done $0x0  }
0x1a0: {  	[sflag:s20] =	ssyncadd.s32 $0xFFFFF800  }
0x1a1: {  	_ =	swait.ge [sflag:s20], $0x800  }
0x1a2: {  	[sflag:s20] =	ssyncset.done $0x0  }
0x1a3: {  	[sflag:s20] =	ssyncadd.s32 $0xFFFFF800  }
0x1a4: {  	_ =	swait.ge [sflag:s20], $0x800  }
0x1a5: {  	[sflag:s20] =	ssyncset.done $0x0  }
0x1a6: {  	[sflag:s20] =	ssyncadd.s32 $0xFFFFF800  }
0x1a7: {  	_ =	swait.ge [sflag:s20], $0x800  }
0x1a8: {  	[sflag:s20] =	ssyncset.done $0x0  }
0x1a9: {  	[sflag:s20] =	ssyncadd.s32 $0xFFFFF800  }
0x1aa: {  	_ =	swait.ge [sflag:s20], $0x800  }
0x1ab: {  	[sflag:s20] =	ssyncset.done $0x0  }
0x1ac: {  	s19 =	sadd.s32 $0x2800, s12;
	[sflag:s20] =	ssyncadd.s32 $0xFFFFF800  }
0x1ad: {  	[spmem:s3] =	stream.indirect.scatter.add.f32 [tilespmem:s15], [sflag:$0x3], $0x10, s19, s23, $0xb8;
	[tilespmem:$0x17720] =	vst v63  }
0x1ae: {  	_ = 	snop  }
0x1af: {  	[spmem:s4] =	stream.indirect.scatter.add.f32 [tilespmem:s13], [sflag:$0x3], $0x10, s19, s23, $0xb8;
	[tilespmem:$0x17720] =	vst v63  }
0x1b0: {  	s19 =	sadd.s32 $0x2880, s12  }
0x1b1: {  	[spmem:s3] =	stream.indirect.scatter.add.f32 [tilespmem:s24], [sflag:$0x3], $0x10, s19, s23, $0xb8;
	[tilespmem:$0x17720] =	vst v63  }
0x1b2: {  	_ = 	snop  }
0x1b3: {  	[spmem:s4] =	stream.indirect.scatter.add.f32 [tilespmem:s13], [sflag:$0x3], $0x10, s19, s23, $0xb8;
	[tilespmem:$0x17720] =	vst v63  }
0x1b4: {  	s19 =	sadd.s32 $0x2900, s12  }
0x1b5: {  	[spmem:s3] =	stream.indirect.scatter.add.f32 [tilespmem:s25], [sflag:$0x3], $0x10, s19, s23, $0xb8;
	[tilespmem:$0x17720] =	vst v63  }
0x1b6: {  	_ = 	snop  }
0x1b7: {  	[spmem:s4] =	stream.indirect.scatter.add.f32 [tilespmem:s13], [sflag:$0x3], $0x10, s19, s23, $0xb8;
	[tilespmem:$0x17720] =	vst v63  }
0x1b8: {  	s19 =	sadd.s32 $0x2980, s12  }
0x1b9: {  	[spmem:s3] =	stream.indirect.scatter.add.f32 [tilespmem:s28], [sflag:$0x3], $0x10, s19, s23, $0xb8;
	[tilespmem:$0x17720] =	vst v63  }
0x1ba: {  	_ = 	snop  }
0x1bb: {  	[spmem:s4] =	stream.indirect.scatter.add.f32 [tilespmem:s13], [sflag:$0x3], $0x10, s19, s23, $0xb8;
	[tilespmem:$0x17720] =	vst v63  }
0x1bc: {  	s19 =	sadd.s32 $0x2A00, s12  }
0x1bd: {  	[spmem:s3] =	stream.indirect.scatter.add.f32 [tilespmem:s30], [sflag:$0x3], $0x10, s19, s23, $0xb8;
	[tilespmem:$0x17720] =	vst v63  }
0x1be: {  	_ = 	snop  }
0x1bf: {  	[spmem:s4] =	stream.indirect.scatter.add.f32 [tilespmem:s13], [sflag:$0x3], $0x10, s19, s23, $0xb8;
	[tilespmem:$0x17720] =	vst v63  }
0x1c0: {  	s19 =	sadd.s32 $0x2A80, s12  }
0x1c1: {  	[spmem:s3] =	stream.indirect.scatter.add.f32 [tilespmem:s16], [sflag:$0x3], $0x10, s19, s23, $0xb8;
	[tilespmem:$0x17720] =	vst v63  }
0x1c2: {  	_ = 	snop  }
0x1c3: {  	[spmem:s4] =	stream.indirect.scatter.add.f32 [tilespmem:s13], [sflag:$0x3], $0x10, s19, s23, $0xb8;
	[tilespmem:$0x17720] =	vst v63  }
0x1c4: {  	s19 =	sadd.s32 $0x2B00, s12  }
0x1c5: {  	[spmem:s3] =	stream.indirect.scatter.add.f32 [tilespmem:s29], [sflag:$0x3], $0x10, s19, s23, $0xb8;
	[tilespmem:$0x17720] =	vst v63  }
0x1c6: {  	_ = 	snop  }
0x1c7: {  	[spmem:s4] =	stream.indirect.scatter.add.f32 [tilespmem:s13], [sflag:$0x3], $0x10, s19, s23, $0xb8;
	[tilespmem:$0x17720] =	vst v63  }
0x1c8: {  	s19 =	sadd.s32 $0x2B80, s12  }
0x1c9: {  	[spmem:s3] =	stream.indirect.scatter.add.f32 [tilespmem:s2], [sflag:$0x3], $0x10, s19, s23, $0xb8;
	[tilespmem:$0x17720] =	vst v63  }
0x1ca: {  	_ = 	snop  }
0x1cb: {  	[spmem:s4] =	stream.indirect.scatter.add.f32 [tilespmem:s13], [sflag:$0x3], $0x10, s19, s23, $0xb8;
	[tilespmem:$0x17720] =	vst v63  }
0x1cc: {  	_ =	swait.ge [sflag:s22], $0x800  }
0x1cd: {  	[sflag:s22] =	ssyncset.done $0x0  }
0x1ce: {  	[sflag:s22] =	ssyncadd.s32 $0xFFFFF800  }
0x1cf: {  	_ =	swait.ge [sflag:s22], $0x800  }
0x1d0: {  	[sflag:s22] =	ssyncset.done $0x0  }
0x1d1: {  	[sflag:s22] =	ssyncadd.s32 $0xFFFFF800  }
0x1d2: {  	_ =	swait.ge [sflag:s22], $0x800  }
0x1d3: {  	[sflag:s22] =	ssyncset.done $0x0  }
0x1d4: {  	[sflag:s22] =	ssyncadd.s32 $0xFFFFF800  }
0x1d5: {  	_ =	swait.ge [sflag:s22], $0x800  }
0x1d6: {  	[sflag:s22] =	ssyncset.done $0x0  }
0x1d7: {  	[sflag:s22] =	ssyncadd.s32 $0xFFFFF800  }
0x1d8: {  	_ =	swait.ge [sflag:s22], $0x800  }
0x1d9: {  	[sflag:s22] =	ssyncset.done $0x0  }
0x1da: {  	[sflag:s22] =	ssyncadd.s32 $0xFFFFF800  }
0x1db: {  	_ =	swait.ge [sflag:s22], $0x800  }
0x1dc: {  	[sflag:s22] =	ssyncset.done $0x0  }
0x1dd: {  	[sflag:s22] =	ssyncadd.s32 $0xFFFFF800  }
0x1de: {  	_ =	swait.ge [sflag:s22], $0x800  }
0x1df: {  	[sflag:s22] =	ssyncset.done $0x0  }
0x1e0: {  	[sflag:s22] =	ssyncadd.s32 $0xFFFFF800  }
0x1e1: {  	_ =	swait.ge [sflag:s22], $0x800  }
0x1e2: {  	[sflag:s22] =	ssyncset.done $0x0  }
0x1e3: {  	[sflag:s22] =	ssyncadd.s32 $0xFFFFF800  }
0x1e4: {  	_ =	swait.ge [sflag:s22], $0x800  }
0x1e5: {  	[sflag:s22] =	ssyncset.done $0x0  }
0x1e6: {  	[sflag:s22] =	ssyncadd.s32 $0xFFFFF800  }
0x1e7: {  	_ =	swait.ge [sflag:s22], $0x800  }
0x1e8: {  	[sflag:s22] =	ssyncset.done $0x0  }
0x1e9: {  	[sflag:s22] =	ssyncadd.s32 $0xFFFFF800  }
0x1ea: {  	_ =	swait.ge [sflag:s22], $0x800  }
0x1eb: {  	[sflag:s22] =	ssyncset.done $0x0  }
0x1ec: {  	[sflag:s22] =	ssyncadd.s32 $0xFFFFF800  }
0x1ed: {  	_ =	swait.ge [sflag:s22], $0x800  }
0x1ee: {  	[sflag:s22] =	ssyncset.done $0x0  }
0x1ef: {  	[sflag:s22] =	ssyncadd.s32 $0xFFFFF800  }
0x1f0: {  	_ =	swait.ge [sflag:s22], $0x800  }
0x1f1: {  	[sflag:s22] =	ssyncset.done $0x0  }
0x1f2: {  	[sflag:s22] =	ssyncadd.s32 $0xFFFFF800  }
0x1f3: {  	_ =	swait.ge [sflag:s22], $0x800  }
0x1f4: {  	[sflag:s22] =	ssyncset.done $0x0  }
0x1f5: {  	[sflag:s22] =	ssyncadd.s32 $0xFFFFF800  }
0x1f6: {  	_ =	swait.ge [sflag:s22], $0x800  }
0x1f7: {  	[sflag:s22] =	ssyncset.done $0x0  }
0x1f8: {  	[sflag:s22] =	ssyncadd.s32 $0xFFFFF800  }
0x1f9: {  	p2 =	seq.s32 s17, $0x8000;
	_ =	swait.ge [sflag:s22], $0x800  }
0x1fa: {  	s17 =	sshra.s32 @!p2 s17, $0x2;
	s19 =	simm.s32 @!p2 $0x80;
	[sflag:s22] =	ssyncset.done $0x0  }
0x1fb: {  	s14 =	sadd.s32 @!p2 $0x880, s17;
	s15 =	simm.s32 @!p2 $0x5000;
	[sflag:s22] =	ssyncadd.s32 $0xFFFFF800  }
0x1fc: {  	s24 =	sadd.s32 @!p2 $0x800, s17;
	s25 =	sadd.s32 @!p2 $0x900, s17;
	s28 =	sadd.s32 @!p2 $0x980, s17  }
0x1fd: {  	[tilespmem:s15], [sflag:$0x1] =	stream.indirect.gather @!p2 [spmem:s1], $0x10, s24, s19, $0xb8;
	[tilespmem:$0x17720] =	vst v63  }
0x1fe: {  	s30 =	sadd.s32 @!p2 $0xA80, s17;
	s15 =	simm.s32 @!p2 $0x5800;
	s24 =	sadd.s32 @!p2 $0xA00, s17  }
0x1ff: {  	[tilespmem:s15], [sflag:$0x1] =	stream.indirect.gather @!p2 [spmem:s1], $0x10, s14, s19, $0xb8;
	[tilespmem:$0x17720] =	vst v63  }
0x200: {  	s0 =	sadd.s32 @!p2 $0xB80, s17;
	s14 =	simm.s32 @!p2 $0x6000;
	s15 =	sadd.s32 @!p2 $0xB00, s17  }
0x201: {  	[tilespmem:s14], [sflag:$0x1] =	stream.indirect.gather @!p2 [spmem:s1], $0x10, s25, s19, $0xb8;
	[tilespmem:$0x17720] =	vst v63  }
0x202: {  	s25 =	simm.s32 $0x6000  }
0x203: {  	s17 =	smov.u32 s9;
	s14 =	simm.s32 @!p2 $0x6800  }
0x204: {  	[tilespmem:s14], [sflag:$0x1] =	stream.indirect.gather @!p2 [spmem:s1], $0x10, s28, s19, $0xb8;
	[tilespmem:$0x17720] =	vst v63  }
0x205: {  	s28 =	simm.s32 $0x6800  }
0x206: {  	s9 =	simm.s32 @!p2 $0x7000;
	s14 =	simm.s32 @!p2 $0x7800  }
0x207: {  	[tilespmem:s9], [sflag:$0x1] =	stream.indirect.gather @!p2 [spmem:s1], $0x10, s24, s19, $0xb8;
	[tilespmem:$0x17720] =	vst v63  }
0x208: {  	s24 =	simm.s32 $0x5800  }
0x209: {  	s9 =	simm.s32 @!p2 $0x8000  }
0x20a: {  	[tilespmem:s14], [sflag:$0x1] =	stream.indirect.gather @!p2 [spmem:s1], $0x10, s30, s19, $0xb8;
	[tilespmem:$0x17720] =	vst v63  }
0x20b: {  	s30 =	simm.s32 $0x7000  }
0x20c: {  	s14 =	simm.s32 @!p2 $0x8800  }
0x20d: {  	[tilespmem:s9], [sflag:$0x1] =	stream.indirect.gather @!p2 [spmem:s1], $0x10, s15, s19, $0xb8;
	[tilespmem:$0x17720] =	vst v63  }
0x20e: {  	s15 =	simm.s32 $0x5000;
	_ =	sdelay $0x1  }
0x20f: {  	[tilespmem:s14], [sflag:$0x1] =	stream.indirect.gather @!p2 [spmem:s1], $0x10, s0, s19, $0xb8;
	[tilespmem:$0x17720] =	vst v63  }
0x210: {  	_ =	swait.ge [sflag:s21], $0x800  }
0x211: {  	[sflag:s21] =	ssyncset.done $0x0  }
0x212: {  	[sflag:s21] =	ssyncadd.s32 $0xFFFFF800  }
0x213: {  	_ =	swait.ge [sflag:s21], $0x800  }
0x214: {  	[sflag:s21] =	ssyncset.done $0x0  }
0x215: {  	[sflag:s21] =	ssyncadd.s32 $0xFFFFF800  }
0x216: {  	_ =	swait.ge [sflag:s21], $0x800  }
0x217: {  	[sflag:s21] =	ssyncset.done $0x0  }
0x218: {  	[sflag:s21] =	ssyncadd.s32 $0xFFFFF800  }
0x219: {  	_ =	swait.ge [sflag:s21], $0x800  }
0x21a: {  	[sflag:s21] =	ssyncset.done $0x0  }
0x21b: {  	[sflag:s21] =	ssyncadd.s32 $0xFFFFF800  }
0x21c: {  	_ =	swait.ge [sflag:s21], $0x800  }
0x21d: {  	[sflag:s21] =	ssyncset.done $0x0  }
0x21e: {  	[sflag:s21] =	ssyncadd.s32 $0xFFFFF800  }
0x21f: {  	_ =	swait.ge [sflag:s21], $0x800  }
0x220: {  	[sflag:s21] =	ssyncset.done $0x0  }
0x221: {  	[sflag:s21] =	ssyncadd.s32 $0xFFFFF800  }
0x222: {  	_ =	swait.ge [sflag:s21], $0x800  }
0x223: {  	[sflag:s21] =	ssyncset.done $0x0  }
0x224: {  	[sflag:s21] =	ssyncadd.s32 $0xFFFFF800  }
0x225: {  	_ =	swait.ge [sflag:s21], $0x800  }
0x226: {  	s0 =	sadd.s32 $0x2C00, s12;
	[sflag:s21] =	ssyncset.done $0x0  }
0x227: {  	[sflag:s21] =	ssyncadd.s32 $0xFFFFF800  }
0x228: {  	[spmem:s3] =	stream.indirect.scatter.add.f32 [tilespmem:s26], [sflag:$0x4], $0x10, s0, s23, $0xb8;
	[tilespmem:$0x17720] =	vst v63  }
0x229: {  	_ = 	snop  }
0x22a: {  	[spmem:s4] =	stream.indirect.scatter.add.f32 [tilespmem:s13], [sflag:$0x4], $0x10, s0, s23, $0xb8;
	[tilespmem:$0x17720] =	vst v63  }
0x22b: {  	s0 =	sadd.s32 $0x2C80, s12  }
0x22c: {  	[spmem:s3] =	stream.indirect.scatter.add.f32 [tilespmem:s31], [sflag:$0x4], $0x10, s0, s23, $0xb8;
	[tilespmem:$0x17720] =	vst v63  }
0x22d: {  	s9 =	sadd.s32 $0x2D00, s12  }
0x22e: {  	[spmem:s4] =	stream.indirect.scatter.add.f32 [tilespmem:s13], [sflag:$0x4], $0x10, s0, s23, $0xb8;
	[tilespmem:$0x17720] =	vst v63  }
0x22f: {  	_ = 	snop  }
0x230: {  	[spmem:s3] =	stream.indirect.scatter.add.f32 [tilespmem:s5], [sflag:$0x4], $0x10, s9, s23, $0xb8;
	[tilespmem:$0x17720] =	vst v63  }
0x231: {  	_ = 	snop  }
0x232: {  	[spmem:s4] =	stream.indirect.scatter.add.f32 [tilespmem:s13], [sflag:$0x4], $0x10, s9, s23, $0xb8;
	[tilespmem:$0x17720] =	vst v63  }
0x233: {  	s0 =	sadd.s32 $0x2D80, s12  }
0x234: {  	[spmem:s3] =	stream.indirect.scatter.add.f32 [tilespmem:s18], [sflag:$0x4], $0x10, s0, s23, $0xb8;
	[tilespmem:$0x17720] =	vst v63  }
0x235: {  	_ = 	snop  }
0x236: {  	[spmem:s4] =	stream.indirect.scatter.add.f32 [tilespmem:s13], [sflag:$0x4], $0x10, s0, s23, $0xb8;
	[tilespmem:$0x17720] =	vst v63  }
0x237: {  	s0 =	sadd.s32 $0x2E00, s12  }
0x238: {  	[spmem:s3] =	stream.indirect.scatter.add.f32 [tilespmem:s6], [sflag:$0x4], $0x10, s0, s23, $0xb8;
	[tilespmem:$0x17720] =	vst v63  }
0x239: {  	_ = 	snop  }
0x23a: {  	[spmem:s4] =	stream.indirect.scatter.add.f32 [tilespmem:s13], [sflag:$0x4], $0x10, s0, s23, $0xb8;
	[tilespmem:$0x17720] =	vst v63  }
0x23b: {  	s0 =	sadd.s32 $0x2E80, s12  }
0x23c: {  	[spmem:s3] =	stream.indirect.scatter.add.f32 [tilespmem:s7], [sflag:$0x4], $0x10, s0, s23, $0xb8;
	[tilespmem:$0x17720] =	vst v63  }
0x23d: {  	_ = 	snop  }
0x23e: {  	[spmem:s4] =	stream.indirect.scatter.add.f32 [tilespmem:s13], [sflag:$0x4], $0x10, s0, s23, $0xb8;
	[tilespmem:$0x17720] =	vst v63  }
0x23f: {  	s0 =	sadd.s32 $0x2F00, s12  }
0x240: {  	[spmem:s3] =	stream.indirect.scatter.add.f32 [tilespmem:s8], [sflag:$0x4], $0x10, s0, s23, $0xb8;
	[tilespmem:$0x17720] =	vst v63  }
.Ltmp2:
0x241: {  	_ = 	snop;
	(pc) =	sbr.rel @p1 .LBB2_6-.Ltmp2, $4  }
0x242: {  	_ = 	snop  }
0x243: {  	[spmem:s4] =	stream.indirect.scatter.add.f32 [tilespmem:s13], [sflag:$0x4], $0x10, s0, s23, $0xb8;
	[tilespmem:$0x17720] =	vst v63  }
0x244: {  	s12 =	sadd.s32 $0x2F80, s12  }
0x245: {  	[spmem:s3] =	stream.indirect.scatter.add.f32 [tilespmem:s10], [sflag:$0x4], $0x10, s12, s23, $0xb8;
	[tilespmem:$0x17720] =	vst v63  }
0x246: {  	s0 =	simm.s32 @!p0 $0x4  }
0x247: {  	[spmem:s4] =	stream.indirect.scatter.add.f32 [tilespmem:s13], [sflag:$0x4], $0x10, s12, s23, $0xb8;
	[tilespmem:$0x17720] =	vst v63  }
0x248: {  	_ =	swait.ge @!p0 [sflag:s0], $0x800  }
0x249: {  	[sflag:s0] =	ssyncset.done @!p0 $0x0  }
0x24a: {  	[sflag:s0] =	ssyncadd.s32 @!p0 $0xFFFFF800  }
0x24b: {  	_ =	swait.ge @!p0 [sflag:s0], $0x800  }
0x24c: {  	[sflag:s0] =	ssyncset.done @!p0 $0x0  }
0x24d: {  	[sflag:s0] =	ssyncadd.s32 @!p0 $0xFFFFF800  }
0x24e: {  	_ =	swait.ge @!p0 [sflag:s0], $0x800  }
0x24f: {  	[sflag:s0] =	ssyncset.done @!p0 $0x0  }
0x250: {  	[sflag:s0] =	ssyncadd.s32 @!p0 $0xFFFFF800  }
0x251: {  	_ =	swait.ge @!p0 [sflag:s0], $0x800  }
0x252: {  	[sflag:s0] =	ssyncset.done @!p0 $0x0  }
0x253: {  	[sflag:s0] =	ssyncadd.s32 @!p0 $0xFFFFF800  }
0x254: {  	_ =	swait.ge @!p0 [sflag:s0], $0x800  }
0x255: {  	[sflag:s0] =	ssyncset.done @!p0 $0x0  }
0x256: {  	[sflag:s0] =	ssyncadd.s32 @!p0 $0xFFFFF800  }
0x257: {  	_ =	swait.ge @!p0 [sflag:s0], $0x800  }
0x258: {  	[sflag:s0] =	ssyncset.done @!p0 $0x0  }
0x259: {  	[sflag:s0] =	ssyncadd.s32 @!p0 $0xFFFFF800  }
0x25a: {  	_ =	swait.ge @!p0 [sflag:s0], $0x800  }
0x25b: {  	[sflag:s0] =	ssyncset.done @!p0 $0x0  }
0x25c: {  	[sflag:s0] =	ssyncadd.s32 @!p0 $0xFFFFF800  }
0x25d: {  	_ =	swait.ge @!p0 [sflag:s0], $0x800  }
0x25e: {  	[sflag:s0] =	ssyncset.done @!p0 $0x0  }
0x25f: {  	[sflag:s0] =	ssyncadd.s32 @!p0 $0xFFFFF800  }
0x260: {  	_ =	swait.ge @!p0 [sflag:s0], $0x800  }
0x261: {  	[sflag:s0] =	ssyncset.done @!p0 $0x0  }
0x262: {  	[sflag:s0] =	ssyncadd.s32 @!p0 $0xFFFFF800  }
0x263: {  	_ =	swait.ge @!p0 [sflag:s0], $0x800  }
0x264: {  	[sflag:s0] =	ssyncset.done @!p0 $0x0  }
0x265: {  	[sflag:s0] =	ssyncadd.s32 @!p0 $0xFFFFF800  }
0x266: {  	_ =	swait.ge @!p0 [sflag:s0], $0x800  }
0x267: {  	[sflag:s0] =	ssyncset.done @!p0 $0x0  }
0x268: {  	[sflag:s0] =	ssyncadd.s32 @!p0 $0xFFFFF800  }
0x269: {  	_ =	swait.ge @!p0 [sflag:s0], $0x800  }
0x26a: {  	[sflag:s0] =	ssyncset.done @!p0 $0x0  }
0x26b: {  	[sflag:s0] =	ssyncadd.s32 @!p0 $0xFFFFF800  }
0x26c: {  	_ =	swait.ge @!p0 [sflag:s0], $0x800  }
0x26d: {  	[sflag:s0] =	ssyncset.done @!p0 $0x0  }
0x26e: {  	[sflag:s0] =	ssyncadd.s32 @!p0 $0xFFFFF800  }
0x26f: {  	_ =	swait.ge @!p0 [sflag:s0], $0x800  }
0x270: {  	[sflag:s0] =	ssyncset.done @!p0 $0x0  }
0x271: {  	[sflag:s0] =	ssyncadd.s32 @!p0 $0xFFFFF800  }
0x272: {  	_ =	swait.ge @!p0 [sflag:s0], $0x800  }
0x273: {  	[sflag:s0] =	ssyncset.done @!p0 $0x0  }
0x274: {  	[sflag:s0] =	ssyncadd.s32 @!p0 $0xFFFFF800  }
0x275: {  	_ =	swait.ge @!p0 [sflag:s0], $0x800  }
0x276: {  	s9 =	sshra.s32 s17, $0x2;
	[sflag:s0] =	ssyncset.done @!p0 $0x0  }
0x277: {  	s19 =	sadd.s32 $0x400, s9;
	[sflag:s0] =	ssyncadd.s32 @!p0 $0xFFFFF800  }
0x278: {  	[tilespmem:s26], [sflag:$0x2] =	stream.indirect.gather [spmem:s1], $0x10, s19, s23, $0xb8;
	[tilespmem:$0x17720] =	vst v63  }
0x279: {  	s11 =	sadd.s32 $0x480, s9  }
0x27a: {  	[tilespmem:s31], [sflag:$0x2] =	stream.indirect.gather [spmem:s1], $0x10, s11, s23, $0xb8;
	[tilespmem:$0x17720] =	vst v63  }
0x27b: {  	s12 =	sadd.s32 $0x500, s9  }
0x27c: {  	[tilespmem:s5], [sflag:$0x2] =	stream.indirect.gather [spmem:s1], $0x10, s12, s23, $0xb8;
	[tilespmem:$0x17720] =	vst v63  }
0x27d: {  	s14 =	sadd.s32 $0x580, s9  }
0x27e: {  	[tilespmem:s18], [sflag:$0x2] =	stream.indirect.gather [spmem:s1], $0x10, s14, s23, $0xb8;
	[tilespmem:$0x17720] =	vst v63  }
0x27f: {  	s19 =	sadd.s32 $0x600, s9  }
0x280: {  	[tilespmem:s6], [sflag:$0x2] =	stream.indirect.gather [spmem:s1], $0x10, s19, s23, $0xb8;
	[tilespmem:$0x17720] =	vst v63  }
0x281: {  	s11 =	sadd.s32 $0x680, s9  }
0x282: {  	[tilespmem:s7], [sflag:$0x2] =	stream.indirect.gather [spmem:s1], $0x10, s11, s23, $0xb8;
	[tilespmem:$0x17720] =	vst v63  }
0x283: {  	s12 =	sadd.s32 $0x700, s9  }
0x284: {  	[tilespmem:s8], [sflag:$0x2] =	stream.indirect.gather [spmem:s1], $0x10, s12, s23, $0xb8;
	[tilespmem:$0x17720] =	vst v63  }
0x285: {  	s14 =	sadd.s32 $0x780, s9  }
0x286: {  	[tilespmem:s10], [sflag:$0x2] =	stream.indirect.gather [spmem:s1], $0x10, s14, s23, $0xb8;
	[tilespmem:$0x17720] =	vst v63  }
0x287: {  	_ =	swait.ge [sflag:s20], $0x800  }
0x288: {  	[sflag:s20] =	ssyncset.done $0x0  }
0x289: {  	[sflag:s20] =	ssyncadd.s32 $0xFFFFF800  }
0x28a: {  	_ =	swait.ge [sflag:s20], $0x800  }
0x28b: {  	[sflag:s20] =	ssyncset.done $0x0  }
0x28c: {  	[sflag:s20] =	ssyncadd.s32 $0xFFFFF800  }
0x28d: {  	_ =	swait.ge [sflag:s20], $0x800  }
0x28e: {  	[sflag:s20] =	ssyncset.done $0x0  }
0x28f: {  	[sflag:s20] =	ssyncadd.s32 $0xFFFFF800  }
0x290: {  	_ =	swait.ge [sflag:s20], $0x800  }
0x291: {  	[sflag:s20] =	ssyncset.done $0x0  }
0x292: {  	[sflag:s20] =	ssyncadd.s32 $0xFFFFF800  }
0x293: {  	_ =	swait.ge [sflag:s20], $0x800  }
0x294: {  	[sflag:s20] =	ssyncset.done $0x0  }
0x295: {  	[sflag:s20] =	ssyncadd.s32 $0xFFFFF800  }
0x296: {  	_ =	swait.ge [sflag:s20], $0x800  }
0x297: {  	[sflag:s20] =	ssyncset.done $0x0  }
0x298: {  	[sflag:s20] =	ssyncadd.s32 $0xFFFFF800  }
0x299: {  	_ =	swait.ge [sflag:s20], $0x800  }
0x29a: {  	[sflag:s20] =	ssyncset.done $0x0  }
0x29b: {  	[sflag:s20] =	ssyncadd.s32 $0xFFFFF800  }
0x29c: {  	_ =	swait.ge [sflag:s20], $0x800  }
0x29d: {  	[sflag:s20] =	ssyncset.done $0x0  }
0x29e: {  	s19 =	sadd.s32 $0x2800, s9;
	[sflag:s20] =	ssyncadd.s32 $0xFFFFF800  }
0x29f: {  	[spmem:s3] =	stream.indirect.scatter.add.f32 [tilespmem:s15], [sflag:$0x3], $0x10, s19, s23, $0xb8;
	[tilespmem:$0x17720] =	vst v63  }
0x2a0: {  	_ = 	snop  }
0x2a1: {  	[spmem:s4] =	stream.indirect.scatter.add.f32 [tilespmem:s13], [sflag:$0x3], $0x10, s19, s23, $0xb8;
	[tilespmem:$0x17720] =	vst v63  }
0x2a2: {  	s11 =	sadd.s32 $0x2880, s9  }
0x2a3: {  	[spmem:s3] =	stream.indirect.scatter.add.f32 [tilespmem:s24], [sflag:$0x3], $0x10, s11, s23, $0xb8;
	[tilespmem:$0x17720] =	vst v63  }
0x2a4: {  	_ = 	snop  }
0x2a5: {  	[spmem:s4] =	stream.indirect.scatter.add.f32 [tilespmem:s13], [sflag:$0x3], $0x10, s11, s23, $0xb8;
	[tilespmem:$0x17720] =	vst v63  }
0x2a6: {  	s12 =	sadd.s32 $0x2900, s9  }
0x2a7: {  	[spmem:s3] =	stream.indirect.scatter.add.f32 [tilespmem:s25], [sflag:$0x3], $0x10, s12, s23, $0xb8;
	[tilespmem:$0x17720] =	vst v63  }
0x2a8: {  	_ = 	snop  }
0x2a9: {  	[spmem:s4] =	stream.indirect.scatter.add.f32 [tilespmem:s13], [sflag:$0x3], $0x10, s12, s23, $0xb8;
	[tilespmem:$0x17720] =	vst v63  }
0x2aa: {  	s14 =	sadd.s32 $0x2980, s9  }
0x2ab: {  	[spmem:s3] =	stream.indirect.scatter.add.f32 [tilespmem:s28], [sflag:$0x3], $0x10, s14, s23, $0xb8;
	[tilespmem:$0x17720] =	vst v63  }
0x2ac: {  	_ = 	snop  }
0x2ad: {  	[spmem:s4] =	stream.indirect.scatter.add.f32 [tilespmem:s13], [sflag:$0x3], $0x10, s14, s23, $0xb8;
	[tilespmem:$0x17720] =	vst v63  }
0x2ae: {  	s19 =	sadd.s32 $0x2A00, s9  }
0x2af: {  	[spmem:s3] =	stream.indirect.scatter.add.f32 [tilespmem:s30], [sflag:$0x3], $0x10, s19, s23, $0xb8;
	[tilespmem:$0x17720] =	vst v63  }
0x2b0: {  	_ = 	snop  }
0x2b1: {  	[spmem:s4] =	stream.indirect.scatter.add.f32 [tilespmem:s13], [sflag:$0x3], $0x10, s19, s23, $0xb8;
	[tilespmem:$0x17720] =	vst v63  }
0x2b2: {  	s11 =	sadd.s32 $0x2A80, s9  }
0x2b3: {  	[spmem:s3] =	stream.indirect.scatter.add.f32 [tilespmem:s16], [sflag:$0x3], $0x10, s11, s23, $0xb8;
	[tilespmem:$0x17720] =	vst v63  }
0x2b4: {  	_ = 	snop  }
0x2b5: {  	[spmem:s4] =	stream.indirect.scatter.add.f32 [tilespmem:s13], [sflag:$0x3], $0x10, s11, s23, $0xb8;
	[tilespmem:$0x17720] =	vst v63  }
0x2b6: {  	s12 =	sadd.s32 $0x2B00, s9  }
0x2b7: {  	[spmem:s3] =	stream.indirect.scatter.add.f32 [tilespmem:s29], [sflag:$0x3], $0x10, s12, s23, $0xb8;
	[tilespmem:$0x17720] =	vst v63  }
0x2b8: {  	_ = 	snop  }
0x2b9: {  	[spmem:s4] =	stream.indirect.scatter.add.f32 [tilespmem:s13], [sflag:$0x3], $0x10, s12, s23, $0xb8;
	[tilespmem:$0x17720] =	vst v63  }
0x2ba: {  	s14 =	sadd.s32 $0x2B80, s9  }
0x2bb: {  	[spmem:s3] =	stream.indirect.scatter.add.f32 [tilespmem:s2], [sflag:$0x3], $0x10, s14, s23, $0xb8;
	[tilespmem:$0x17720] =	vst v63  }
0x2bc: {  	_ = 	snop  }
0x2bd: {  	[spmem:s4] =	stream.indirect.scatter.add.f32 [tilespmem:s13], [sflag:$0x3], $0x10, s14, s23, $0xb8;
	[tilespmem:$0x17720] =	vst v63  }
0x2be: {  	_ =	swait.ge [sflag:s22], $0x800  }
0x2bf: {  	[sflag:s22] =	ssyncset.done $0x0  }
0x2c0: {  	[sflag:s22] =	ssyncadd.s32 $0xFFFFF800  }
0x2c1: {  	_ =	swait.ge [sflag:s22], $0x800  }
0x2c2: {  	[sflag:s22] =	ssyncset.done $0x0  }
0x2c3: {  	[sflag:s22] =	ssyncadd.s32 $0xFFFFF800  }
0x2c4: {  	_ =	swait.ge [sflag:s22], $0x800  }
0x2c5: {  	[sflag:s22] =	ssyncset.done $0x0  }
0x2c6: {  	[sflag:s22] =	ssyncadd.s32 $0xFFFFF800  }
0x2c7: {  	_ =	swait.ge [sflag:s22], $0x800  }
0x2c8: {  	[sflag:s22] =	ssyncset.done $0x0  }
0x2c9: {  	[sflag:s22] =	ssyncadd.s32 $0xFFFFF800  }
0x2ca: {  	_ =	swait.ge [sflag:s22], $0x800  }
0x2cb: {  	[sflag:s22] =	ssyncset.done $0x0  }
0x2cc: {  	[sflag:s22] =	ssyncadd.s32 $0xFFFFF800  }
0x2cd: {  	_ =	swait.ge [sflag:s22], $0x800  }
0x2ce: {  	[sflag:s22] =	ssyncset.done $0x0  }
0x2cf: {  	[sflag:s22] =	ssyncadd.s32 $0xFFFFF800  }
0x2d0: {  	_ =	swait.ge [sflag:s22], $0x800  }
0x2d1: {  	[sflag:s22] =	ssyncset.done $0x0  }
0x2d2: {  	[sflag:s22] =	ssyncadd.s32 $0xFFFFF800  }
0x2d3: {  	_ =	swait.ge [sflag:s22], $0x800  }
0x2d4: {  	[sflag:s22] =	ssyncset.done $0x0  }
0x2d5: {  	[sflag:s22] =	ssyncadd.s32 $0xFFFFF800  }
0x2d6: {  	_ =	swait.ge [sflag:s22], $0x800  }
0x2d7: {  	[sflag:s22] =	ssyncset.done $0x0  }
0x2d8: {  	[sflag:s22] =	ssyncadd.s32 $0xFFFFF800  }
0x2d9: {  	_ =	swait.ge [sflag:s22], $0x800  }
0x2da: {  	[sflag:s22] =	ssyncset.done $0x0  }
0x2db: {  	[sflag:s22] =	ssyncadd.s32 $0xFFFFF800  }
0x2dc: {  	_ =	swait.ge [sflag:s22], $0x800  }
0x2dd: {  	[sflag:s22] =	ssyncset.done $0x0  }
0x2de: {  	[sflag:s22] =	ssyncadd.s32 $0xFFFFF800  }
0x2df: {  	_ =	swait.ge [sflag:s22], $0x800  }
0x2e0: {  	[sflag:s22] =	ssyncset.done $0x0  }
0x2e1: {  	[sflag:s22] =	ssyncadd.s32 $0xFFFFF800  }
0x2e2: {  	_ =	swait.ge [sflag:s22], $0x800  }
0x2e3: {  	[sflag:s22] =	ssyncset.done $0x0  }
0x2e4: {  	[sflag:s22] =	ssyncadd.s32 $0xFFFFF800  }
0x2e5: {  	_ =	swait.ge [sflag:s22], $0x800  }
0x2e6: {  	[sflag:s22] =	ssyncset.done $0x0  }
0x2e7: {  	[sflag:s22] =	ssyncadd.s32 $0xFFFFF800  }
0x2e8: {  	_ =	swait.ge [sflag:s22], $0x800  }
0x2e9: {  	[sflag:s22] =	ssyncset.done $0x0  }
0x2ea: {  	[sflag:s22] =	ssyncadd.s32 $0xFFFFF800  }
0x2eb: {  	p0 =	seq.s32 s17, $0x8000;
	_ =	swait.ge [sflag:s22], $0x800  }
0x2ec: {  	s0 =	sshra.s32 @!p0 s17, $0x2;
	s11 =	simm.s32 @!p0 $0x80;
	[sflag:s22] =	ssyncset.done $0x0  }
0x2ed: {  	s12 =	simm.s32 @!p0 $0x5000;
	s14 =	sadd.s32 @!p0 $0x800, s0;
	[sflag:s22] =	ssyncadd.s32 $0xFFFFF800  }
0x2ee: {  	[tilespmem:s12], [sflag:$0x1] =	stream.indirect.gather @!p0 [spmem:s1], $0x10, s14, s11, $0xb8;
	[tilespmem:$0x17720] =	vst v63  }
0x2ef: {  	s12 =	sadd.s32 @!p0 $0x880, s0;
	s14 =	simm.s32 @!p0 $0x5800  }
0x2f0: {  	[tilespmem:s14], [sflag:$0x1] =	stream.indirect.gather @!p0 [spmem:s1], $0x10, s12, s11, $0xb8;
	[tilespmem:$0x17720] =	vst v63  }
0x2f1: {  	s12 =	sadd.s32 @!p0 $0x900, s0;
	s14 =	simm.s32 @!p0 $0x6000  }
0x2f2: {  	[tilespmem:s14], [sflag:$0x1] =	stream.indirect.gather @!p0 [spmem:s1], $0x10, s12, s11, $0xb8;
	[tilespmem:$0x17720] =	vst v63  }
0x2f3: {  	s12 =	sadd.s32 @!p0 $0x980, s0;
	s14 =	simm.s32 @!p0 $0x6800  }
0x2f4: {  	[tilespmem:s14], [sflag:$0x1] =	stream.indirect.gather @!p0 [spmem:s1], $0x10, s12, s11, $0xb8;
	[tilespmem:$0x17720] =	vst v63  }
0x2f5: {  	s12 =	sadd.s32 @!p0 $0xA00, s0;
	s14 =	simm.s32 @!p0 $0x7000  }
0x2f6: {  	[tilespmem:s14], [sflag:$0x1] =	stream.indirect.gather @!p0 [spmem:s1], $0x10, s12, s11, $0xb8;
	[tilespmem:$0x17720] =	vst v63  }
0x2f7: {  	s12 =	sadd.s32 @!p0 $0xA80, s0;
	s14 =	simm.s32 @!p0 $0x7800  }
0x2f8: {  	[tilespmem:s14], [sflag:$0x1] =	stream.indirect.gather @!p0 [spmem:s1], $0x10, s12, s11, $0xb8;
	[tilespmem:$0x17720] =	vst v63  }
0x2f9: {  	s12 =	sadd.s32 @!p0 $0xB00, s0;
	s14 =	simm.s32 @!p0 $0x8000  }
0x2fa: {  	[tilespmem:s14], [sflag:$0x1] =	stream.indirect.gather @!p0 [spmem:s1], $0x10, s12, s11, $0xb8;
	[tilespmem:$0x17720] =	vst v63  }
0x2fb: {  	s0 =	sadd.s32 @!p0 $0xB80, s0;
	s12 =	simm.s32 @!p0 $0x8800  }
0x2fc: {  	[tilespmem:s12], [sflag:$0x1] =	stream.indirect.gather @!p0 [spmem:s1], $0x10, s0, s11, $0xb8;
	[tilespmem:$0x17720] =	vst v63  }
0x2fd: {  	_ =	swait.ge [sflag:s21], $0x800  }
0x2fe: {  	[sflag:s21] =	ssyncset.done $0x0  }
0x2ff: {  	[sflag:s21] =	ssyncadd.s32 $0xFFFFF800  }
0x300: {  	_ =	swait.ge [sflag:s21], $0x800  }
0x301: {  	[sflag:s21] =	ssyncset.done $0x0  }
0x302: {  	[sflag:s21] =	ssyncadd.s32 $0xFFFFF800  }
0x303: {  	_ =	swait.ge [sflag:s21], $0x800  }
0x304: {  	[sflag:s21] =	ssyncset.done $0x0  }
0x305: {  	[sflag:s21] =	ssyncadd.s32 $0xFFFFF800  }
0x306: {  	_ =	swait.ge [sflag:s21], $0x800  }
0x307: {  	[sflag:s21] =	ssyncset.done $0x0  }
0x308: {  	[sflag:s21] =	ssyncadd.s32 $0xFFFFF800  }
0x309: {  	_ =	swait.ge [sflag:s21], $0x800  }
0x30a: {  	[sflag:s21] =	ssyncset.done $0x0  }
0x30b: {  	[sflag:s21] =	ssyncadd.s32 $0xFFFFF800  }
0x30c: {  	_ =	swait.ge [sflag:s21], $0x800  }
0x30d: {  	[sflag:s21] =	ssyncset.done $0x0  }
0x30e: {  	[sflag:s21] =	ssyncadd.s32 $0xFFFFF800  }
0x30f: {  	_ =	swait.ge [sflag:s21], $0x800  }
0x310: {  	[sflag:s21] =	ssyncset.done $0x0  }
0x311: {  	[sflag:s21] =	ssyncadd.s32 $0xFFFFF800  }
0x312: {  	_ =	swait.ge [sflag:s21], $0x800  }
0x313: {  	[sflag:s21] =	ssyncset.done $0x0  }
0x314: {  	s17 =	sadd.s32 $0x2C00, s9;
	[sflag:s21] =	ssyncadd.s32 $0xFFFFF800  }
0x315: {  	[spmem:s3] =	stream.indirect.scatter.add.f32 [tilespmem:s26], [sflag:$0x4], $0x10, s17, s23, $0xb8;
	[tilespmem:$0x17720] =	vst v63  }
0x316: {  	_ = 	snop  }
0x317: {  	[spmem:s4] =	stream.indirect.scatter.add.f32 [tilespmem:s13], [sflag:$0x4], $0x10, s17, s23, $0xb8;
	[tilespmem:$0x17720] =	vst v63  }
0x318: {  	s19 =	sadd.s32 $0x2C80, s9  }
0x319: {  	[spmem:s3] =	stream.indirect.scatter.add.f32 [tilespmem:s31], [sflag:$0x4], $0x10, s19, s23, $0xb8;
	[tilespmem:$0x17720] =	vst v63  }
0x31a: {  	_ = 	snop  }
0x31b: {  	[spmem:s4] =	stream.indirect.scatter.add.f32 [tilespmem:s13], [sflag:$0x4], $0x10, s19, s23, $0xb8;
	[tilespmem:$0x17720] =	vst v63  }
0x31c: {  	s11 =	sadd.s32 $0x2D00, s9  }
0x31d: {  	[spmem:s3] =	stream.indirect.scatter.add.f32 [tilespmem:s5], [sflag:$0x4], $0x10, s11, s23, $0xb8;
	[tilespmem:$0x17720] =	vst v63  }
0x31e: {  	_ = 	snop  }
0x31f: {  	[spmem:s4] =	stream.indirect.scatter.add.f32 [tilespmem:s13], [sflag:$0x4], $0x10, s11, s23, $0xb8;
	[tilespmem:$0x17720] =	vst v63  }
0x320: {  	s12 =	sadd.s32 $0x2D80, s9  }
0x321: {  	[spmem:s3] =	stream.indirect.scatter.add.f32 [tilespmem:s18], [sflag:$0x4], $0x10, s12, s23, $0xb8;
	[tilespmem:$0x17720] =	vst v63  }
0x322: {  	_ = 	snop  }
0x323: {  	[spmem:s4] =	stream.indirect.scatter.add.f32 [tilespmem:s13], [sflag:$0x4], $0x10, s12, s23, $0xb8;
	[tilespmem:$0x17720] =	vst v63  }
0x324: {  	s14 =	sadd.s32 $0x2E00, s9  }
0x325: {  	[spmem:s3] =	stream.indirect.scatter.add.f32 [tilespmem:s6], [sflag:$0x4], $0x10, s14, s23, $0xb8;
	[tilespmem:$0x17720] =	vst v63  }
0x326: {  	_ = 	snop  }
0x327: {  	[spmem:s4] =	stream.indirect.scatter.add.f32 [tilespmem:s13], [sflag:$0x4], $0x10, s14, s23, $0xb8;
	[tilespmem:$0x17720] =	vst v63  }
0x328: {  	s17 =	sadd.s32 $0x2E80, s9  }
0x329: {  	[spmem:s3] =	stream.indirect.scatter.add.f32 [tilespmem:s7], [sflag:$0x4], $0x10, s17, s23, $0xb8;
	[tilespmem:$0x17720] =	vst v63  }
0x32a: {  	_ = 	snop  }
0x32b: {  	[spmem:s4] =	stream.indirect.scatter.add.f32 [tilespmem:s13], [sflag:$0x4], $0x10, s17, s23, $0xb8;
	[tilespmem:$0x17720] =	vst v63  }
0x32c: {  	s19 =	sadd.s32 $0x2F00, s9  }
0x32d: {  	[spmem:s3] =	stream.indirect.scatter.add.f32 [tilespmem:s8], [sflag:$0x4], $0x10, s19, s23, $0xb8;
	[tilespmem:$0x17720] =	vst v63  }
0x32e: {  	_ = 	snop  }
0x32f: {  	[spmem:s4] =	stream.indirect.scatter.add.f32 [tilespmem:s13], [sflag:$0x4], $0x10, s19, s23, $0xb8;
	[tilespmem:$0x17720] =	vst v63  }
0x330: {  	s11 =	sadd.s32 $0x2F80, s9  }
0x331: {  	[spmem:s3] =	stream.indirect.scatter.add.f32 [tilespmem:s10], [sflag:$0x4], $0x10, s11, s23, $0xb8;
	[tilespmem:$0x17720] =	vst v63  }
0x332: {  	s12 =	simm.s32 $0x4  }
0x333: {  	[spmem:s4] =	stream.indirect.scatter.add.f32 [tilespmem:s13], [sflag:$0x4], $0x10, s11, s23, $0xb8;
	[tilespmem:$0x17720] =	vst v63  }
0x334: {  	_ =	swait.ge [sflag:s12], $0x800  }
0x335: {  	[sflag:s12] =	ssyncset.done $0x0  }
0x336: {  	[sflag:s12] =	ssyncadd.s32 $0xFFFFF800  }
0x337: {  	_ =	swait.ge [sflag:s12], $0x800  }
0x338: {  	[sflag:s12] =	ssyncset.done $0x0  }
0x339: {  	[sflag:s12] =	ssyncadd.s32 $0xFFFFF800  }
0x33a: {  	_ =	swait.ge [sflag:s12], $0x800  }
0x33b: {  	[sflag:s12] =	ssyncset.done $0x0  }
0x33c: {  	[sflag:s12] =	ssyncadd.s32 $0xFFFFF800  }
0x33d: {  	_ =	swait.ge [sflag:s12], $0x800  }
0x33e: {  	[sflag:s12] =	ssyncset.done $0x0  }
0x33f: {  	[sflag:s12] =	ssyncadd.s32 $0xFFFFF800  }
0x340: {  	_ =	swait.ge [sflag:s12], $0x800  }
0x341: {  	[sflag:s12] =	ssyncset.done $0x0  }
0x342: {  	[sflag:s12] =	ssyncadd.s32 $0xFFFFF800  }
0x343: {  	_ =	swait.ge [sflag:s12], $0x800  }
0x344: {  	[sflag:s12] =	ssyncset.done $0x0  }
0x345: {  	[sflag:s12] =	ssyncadd.s32 $0xFFFFF800  }
0x346: {  	_ =	swait.ge [sflag:s12], $0x800  }
0x347: {  	[sflag:s12] =	ssyncset.done $0x0  }
0x348: {  	[sflag:s12] =	ssyncadd.s32 $0xFFFFF800  }
0x349: {  	_ =	swait.ge [sflag:s12], $0x800  }
0x34a: {  	[sflag:s12] =	ssyncset.done $0x0  }
0x34b: {  	[sflag:s12] =	ssyncadd.s32 $0xFFFFF800  }
0x34c: {  	_ =	swait.ge [sflag:s12], $0x800  }
0x34d: {  	[sflag:s12] =	ssyncset.done $0x0  }
0x34e: {  	[sflag:s12] =	ssyncadd.s32 $0xFFFFF800  }
0x34f: {  	_ =	swait.ge [sflag:s12], $0x800  }
0x350: {  	[sflag:s12] =	ssyncset.done $0x0  }
0x351: {  	[sflag:s12] =	ssyncadd.s32 $0xFFFFF800  }
0x352: {  	_ =	swait.ge [sflag:s12], $0x800  }
0x353: {  	[sflag:s12] =	ssyncset.done $0x0  }
0x354: {  	[sflag:s12] =	ssyncadd.s32 $0xFFFFF800  }
0x355: {  	_ =	swait.ge [sflag:s12], $0x800  }
0x356: {  	[sflag:s12] =	ssyncset.done $0x0  }
0x357: {  	[sflag:s12] =	ssyncadd.s32 $0xFFFFF800  }
0x358: {  	_ =	swait.ge [sflag:s12], $0x800  }
0x359: {  	[sflag:s12] =	ssyncset.done $0x0  }
0x35a: {  	[sflag:s12] =	ssyncadd.s32 $0xFFFFF800  }
0x35b: {  	_ =	swait.ge [sflag:s12], $0x800  }
0x35c: {  	[sflag:s12] =	ssyncset.done $0x0  }
0x35d: {  	[sflag:s12] =	ssyncadd.s32 $0xFFFFF800  }
0x35e: {  	_ =	swait.ge [sflag:s12], $0x800  }
0x35f: {  	[sflag:s12] =	ssyncset.done $0x0  }
0x360: {  	[sflag:s12] =	ssyncadd.s32 $0xFFFFF800  }
0x361: {  	_ =	swait.ge [sflag:s12], $0x800  }
0x362: {  	[sflag:s12] =	ssyncset.done $0x0  }
0x363: {  	[sflag:s12] =	ssyncadd.s32 $0xFFFFF800  }
0x364: {  	[bflag:$0x0] =	sbarrier.arrive $0xFFFF  }
0x365: {  	s11 =	rddreg [dreg:$0x9]  }
0x366: {  	s12 =	rddreg [dreg:$0xb]  }
0x367: {  	s19 =	rddreg [dreg:$0xd];
	s14 =	sor.u32 $0x1C01, s11;
	s17 =	sshrl.u32 s12, $0x3  }
0x368: {  	[hbm:s19], [sflag:s14] =	dma.local [spmem:s17], $0x500  }
0x369: {  	s14 =	rddreg [dreg:$0xc]  }
0x36a: {  	s11 =	sor.u32 $0x1C02, s11;
	s19 =	rddreg [dreg:$0xe];
	s17 =	sshrl.u32 s14, $0x3  }
0x36b: {  	[hbm:s19], [sflag:s11] =	dma.local [spmem:s17], $0x500  }
0x36c: {  	_ =	swait.ge [sflag:s21], $0x500  }
0x36d: {  	[sflag:s21] =	ssyncset.done $0x0  }
0x36e: {  	[sflag:s21] =	ssyncadd.s32 $0xFFFFFB00  }
0x36f: {  	_ =	swait.ge [sflag:s20], $0x500  }
0x370: {  	s17 =	rddreg [dreg:$0x11]  }
0x371: {  	s19 =	rddreg [dreg:$0xf];
	s9 =	sadd.s32 $0x1, s17  }
0x372: {  	p0 =	sne.s32 s9, s19  }
.Ltmp3:
0x373: {  	_ = 	snop;
	(pc) =	sbr.rel @p0 .LBB2_1-.Ltmp3, $3  }
0x374: {  	_ =	sdelay $0x1  }
0x375: {  	[sflag:s20] =	ssyncset.done $0x0  }
0x376: {  	[sflag:s20] =	ssyncadd.s32 $0xFFFFFB00  }
0x377: {  	_ =	sfence.sel $0x180000  }
0x378: {  	[bflag:$0x0] =	sbarrier.arrive $0xFFFF  }
0x379: {  	_ =	strace $0x90000047  }
0x37a: {  	s0 =	stileid.u32;
	[bflag:$0x2] =	sbarrier.arrive $0xFFFF  }
0x37b: {  	p0 =	sne.s32 s0, $0x0;
	s0 =	rddreg [dreg:$0x5]  }
0x37c: {  	s0 =	sadd.s32 @!p0 $0x100000, s0  }
0x37d: {  	[sflag:s0] =	ssyncadd.tile.s32 @!p0 $0x1;
	_ =	shalt  }
.Lfunc_end2:
_tile_overlayer_lowered:
.L_overlay_start_2:
0x37e: {  	(tag) =	ssettag $0x2  }
0x37f: {  	s0 =	rddreg [dreg:$0x0];
	s2 =	stileid.u32  }
0x380: {  	s1 =	rddreg [dreg:$0x1];
	p0 =	sne.s32 s2, $0x0  }
0x381: {  	s3 =	rddreg [dreg:$0x2];
	[bflag:$0x3] =	sbarrier.arrive $0xFFFF;
	s2 =	simm.s32 @!p0 $0x1C05  }
0x382: {  	[timem:s3], [sflag:s2] =	dma.local @!p0 [hbm:s0], s1  }
0x383: {  	s0 =	simm.s32 @!p0 $0x5  }
0x384: {  	_ =	swait.ge @!p0 [sflag:s0], s1  }
0x385: {  	s1 =	ssub.s32 @!p0 $0x0, s1;
	[sflag:s0] =	ssyncset.done @!p0 $0x0  }
0x386: {  	[sflag:s0] =	ssyncadd.s32 @!p0 s1  }
0x387: {  	[bflag:$0x3] =	sbarrier.arrive $0xFFFF  }
0x388: {  	_ =	shalt  }

</sc_bundles>
